<compile_context>
chip_gen: v7x
topology: tpu7x:2x2x1
jax: 0.10.2.dev20260603
libtpu: 0.0.44.dev20260713+nightly
codegen_flags: <defaults>
</compile_context>

<pallas_src>
import functools

import jax
import jax.numpy as jnp
from jax import lax
from jax.experimental import pallas as pl
from jax.experimental.pallas import tpu as pltpu
from jax.experimental.pallas import tpu_sc as plsc

N = 4096 * 4096
COLS = 4096
NC, NS = 2, 16
NW = NC * NS
PER_W = N // NW
ROWS_W = 4096 // NW
ROWS_C = 4
CHUNK = ROWS_C * COLS
CHUNKS = ROWS_W // ROWS_C
VPR = COLS // 16
B1 = 65536
B2 = 32768

DECAY = 0.99
I_LO, FRAC_LO = 838860, 0.75
I_HI, FRAC_HI = 15938354, 0.25



def _keyify(u, mint, c31):
    m = lax.shift_right_arithmetic(u, c31)
    return lax.bitwise_xor(u, lax.bitwise_or(m, mint))


def _double_buffered_scan(x_hbm, base_row, buf0, buf1, sem0, sem1, process):
    def sl(ci):
        return pl.ds(base_row + ci * ROWS_C, ROWS_C)

    pltpu.async_copy(x_hbm.at[sl(0)], buf0, sem0)

    @pl.loop(0, CHUNKS, step=2)
    def _chunk(ci):
        pltpu.async_copy(x_hbm.at[sl(ci + 1)], buf1, sem1)
        pltpu.make_async_copy(x_hbm.at[sl(ci)], buf0, sem0).wait()
        process(buf0)

        @pl.when(ci + 2 < CHUNKS)
        def _():
            pltpu.async_copy(x_hbm.at[sl(ci + 2)], buf0, sem0)

        pltpu.make_async_copy(x_hbm.at[sl(ci + 1)], buf1, sem1).wait()
        process(buf1)


def _sc_pass1(x_hbm, out_hbm, buf0, buf1, hist, sem0, sem1):
    wid = lax.axis_index("s") * NC + lax.axis_index("c")
    zero16 = jnp.zeros((16,), jnp.int32)
    ones16 = jnp.ones((16,), jnp.int32)
    mint = jnp.full((16,), -(2**31), jnp.int32)
    c31 = jnp.full((16,), 31, jnp.int32)
    c16 = jnp.full((16,), 16, jnp.int32)

    @pl.loop(0, B1 // 16, unroll=8)
    def _zero(i):
        hist[pl.ds(i * 16, 16)] = zero16

    def process(buf):
        for r in range(ROWS_C):
            @pl.loop(0, VPR, unroll=8)
            def _vec(vi):
                u = buf[r, pl.ds(vi * 16, 16)]
                key = _keyify(u, mint, c31)
                b = lax.shift_right_logical(key, c16)
                plsc.addupdate_scatter(hist, [b], ones16)

    _double_buffered_scan(x_hbm, wid * ROWS_W, buf0, buf1, sem0, sem1, process)
    pltpu.sync_copy(hist, out_hbm.at[wid])


def _sc_pass2(x_hbm, meta_hbm, out_hbm, buf0, buf1, hist_a, hist_b, mv,
              sem0, sem1):
    wid = lax.axis_index("s") * NC + lax.axis_index("c")
    zero16 = jnp.zeros((16,), jnp.int32)
    ones16 = jnp.ones((16,), jnp.int32)
    mint = jnp.full((16,), -(2**31), jnp.int32)
    c31 = jnp.full((16,), 31, jnp.int32)
    c16 = jnp.full((16,), 16, jnp.int32)
    c2 = jnp.full((16,), 2, jnp.int32)
    m14 = jnp.full((16,), 0x3FFF, jnp.int32)
    sel = jnp.full((16,), 16384, jnp.int32)

    pltpu.sync_copy(meta_hbm, mv)
    p0lo = mv[pl.ds(0, 16)]
    p1lo = mv[pl.ds(16, 16)]
    p0hi = mv[pl.ds(32, 16)]
    p1hi = mv[pl.ds(48, 16)]

    @pl.loop(0, B2 // 16, unroll=8)
    def _zero(i):
        hist_a[pl.ds(i * 16, 16)] = zero16
        hist_b[pl.ds(i * 16, 16)] = zero16

    def process(buf):
        for r in range(ROWS_C):
            @pl.loop(0, VPR, unroll=8)
            def _vec(vi):
                u = buf[r, pl.ds(vi * 16, 16)]
                key = _keyify(u, mint, c31)
                pfx = lax.shift_right_logical(key, c16)
                low14 = lax.bitwise_and(lax.shift_right_logical(key, c2), m14)
                eq0 = pfx == p0lo
                eq1 = pfx == p1lo
                bn = jnp.where(eq1, lax.bitwise_or(low14, sel), low14)
                plsc.addupdate_scatter(hist_a, [bn], ones16,
                                       mask=lax.bitwise_or(eq0, eq1))
                eq0h = pfx == p0hi
                eq1h = pfx == p1hi
                bnh = jnp.where(eq1h, lax.bitwise_or(low14, sel), low14)
                plsc.addupdate_scatter(hist_b, [bnh], ones16,
                                       mask=lax.bitwise_or(eq0h, eq1h))

    _double_buffered_scan(x_hbm, wid * ROWS_W, buf0, buf1, sem0, sem1, process)
    pltpu.sync_copy(hist_a, out_hbm.at[wid, 0])
    pltpu.sync_copy(hist_b, out_hbm.at[wid, 1])


def _cumsum_2d(h):
    rows, cols = h.shape
    cs = h
    k = 1
    while k < cols:
        z = jnp.zeros((rows, k), h.dtype)
        cs = cs + jnp.concatenate([z, cs[:, :cols - k]], axis=1)
        k *= 2
    rt = cs[:, cols - 1:cols]
    rc = rt
    k = 1
    while k < rows:
        z = jnp.zeros((k, 1), h.dtype)
        rc = rc + jnp.concatenate([z, rc[:rows - k, :]], axis=0)
        k *= 2
    return cs + rc - rt


def _tc_prefix(h_ref, o_ref):
    hs = jnp.sum(h_ref[...], axis=0)
    cum = _cumsum_2d(hs)
    binid = (lax.broadcasted_iota(jnp.int32, (512, 128), 0) * 128
             + lax.broadcasted_iota(jnp.int32, (512, 128), 1))

    def find(i):
        p = jnp.sum((cum <= i).astype(jnp.int32))
        below = jnp.sum(jnp.where(binid == p, cum - hs, 0))
        return p, below

    p0lo, cb_lo = find(I_LO)
    p1lo, _ = find(I_LO + 1)
    p0hi, cb_hi = find(I_HI)
    p1hi, _ = find(I_HI + 1)
    vals = [p0lo, p1lo, p0hi, p1hi, I_LO - cb_lo, I_HI - cb_hi]
    lane = lax.broadcasted_iota(jnp.int32, (1, 128), 1)
    o = jnp.zeros((1, 128), jnp.int32)
    for k, v in enumerate(vals):
        o = jnp.where(lane == k, v, o)
    o_ref[...] = o


def _tc_final(h_ref, m_ref, lh_ref, o_ref):
    m = m_ref[...]
    lane = lax.broadcasted_iota(jnp.int32, (1, 128), 1)

    def ilane(k):
        return jnp.sum(jnp.where(lane == k, m, 0))

    lh = lh_ref[...]
    low = jnp.sum(jnp.where(lane == 0, lh, 0.0))
    high = jnp.sum(jnp.where(lane == 1, lh, 0.0))
    hsum = jnp.sum(h_ref[...], axis=0)

    def quantile(t, p0, p1, r, frac):
        cum = _cumsum_2d(hsum[t])

        def pick(rank):
            b = jnp.sum((cum <= rank).astype(jnp.int32))
            in_hi = lax.shift_right_logical(b, 14)
            low14 = lax.bitwise_and(b, 0x3FFF)
            pfx = jnp.where(in_hi == 1, p1, p0)
            key = lax.bitwise_or(lax.shift_left(pfx, 16),
                                 lax.shift_left(low14, 2))
            bits = jnp.where(key < 0, lax.bitwise_and(key, 0x7FFFFFFF),
                             lax.bitwise_not(key))
            return lax.bitcast_convert_type(bits, jnp.float32)

        fa = pick(r)
        fb = pick(r + 1)
        return fa + jnp.float32(frac) * (fb - fa)

    q_lo = quantile(0, ilane(0), ilane(1), ilane(4), FRAC_LO)
    q_hi = quantile(1, ilane(2), ilane(3), ilane(5), FRAC_HI)
    new_low = jnp.float32(DECAY) * low + jnp.float32(1.0 - DECAY) * q_lo
    new_high = jnp.float32(DECAY) * high + jnp.float32(1.0 - DECAY) * q_hi
    inv = jnp.maximum(jnp.float32(1.0), new_high - new_low)
    o = jnp.where(lane == 0, new_low, jnp.where(lane == 1, inv, 0.0))
    o_ref[...] = o.astype(jnp.float32)


@functools.cache
def _sc_kernels():
    mesh = plsc.VectorSubcoreMesh(core_axis_name="c", subcore_axis_name="s",
                                  num_cores=NC, num_subcores=NS)
    params = pltpu.CompilerParams(needs_layout_passes=False)
    pass1 = pl.kernel(
        _sc_pass1,
        out_type=jax.ShapeDtypeStruct((NW, B1), jnp.int32),
        name="sc_hist_pass1",
        mesh=mesh,
        compiler_params=params,
        scratch_types=[
            pltpu.VMEM((ROWS_C, COLS), jnp.int32),
            pltpu.VMEM((ROWS_C, COLS), jnp.int32),
            pltpu.VMEM((B1,), jnp.int32),
            pltpu.SemaphoreType.DMA,
            pltpu.SemaphoreType.DMA,
        ],
    )
    pass2 = pl.kernel(
        _sc_pass2,
        out_type=jax.ShapeDtypeStruct((NW, 2, B2), jnp.int32),
        name="sc_hist_pass2",
        mesh=mesh,
        compiler_params=params,
        scratch_types=[
            pltpu.VMEM((ROWS_C, COLS), jnp.int32),
            pltpu.VMEM((ROWS_C, COLS), jnp.int32),
            pltpu.VMEM((B2,), jnp.int32),
            pltpu.VMEM((B2,), jnp.int32),
            pltpu.VMEM((64,), jnp.int32),
            pltpu.SemaphoreType.DMA,
            pltpu.SemaphoreType.DMA,
        ],
    )
    return pass1, pass2


_prefix = pl.pallas_call(
    _tc_prefix,
    out_shape=jax.ShapeDtypeStruct((1, 128), jnp.int32),
)

_final = pl.pallas_call(
    _tc_final,
    out_shape=jax.ShapeDtypeStruct((1, 128), jnp.float32),
)


def kernel(x, low, high):
    x_i32 = lax.bitcast_convert_type(x, jnp.int32)
    _pass1, _pass2 = _sc_kernels()
    hist1 = _pass1(x_i32)
    meta = _prefix(hist1.reshape(NW, 512, 128))
    meta64 = jnp.repeat(meta[0, :4], 16)
    hist2 = _pass2(x_i32, meta64)
    lh = jnp.zeros((1, 128), jnp.float32).at[0, 0].set(low).at[0, 1].set(high)
    out = _final(hist2.reshape(NW, 2, 256, 128), meta, lh)
    return (out[0, 0], out[0, 1])

# --- scband reference (transcript-rebuilt; emitter-appended) ---
"""Pipeline reference for scband-moments-51754355917321 (READ-ONLY COPY).

The authoritative reference and input builder live on the scoring server;
editing this copy changes nothing except your own understanding.
"""

import jax, jax.numpy as jnp
import numpy as np

DECAY = 0.99
MAX_ = 1.0
P_LOW = 0.05
P_HIGH = 0.95


def setup_inputs(seed: int = 0) -> dict:
    key = jax.random.key(seed)
    x = jax.random.normal(key, (4096, 4096), dtype=jnp.float32)
    # module buffers (registered state), initialized to zeros as in __init__
    low = jnp.zeros((), dtype=jnp.float32)
    high = jnp.zeros((), dtype=jnp.float32)
    return {"x": x, "low": low, "high": high}


def reference(x, low, high):
    # torch: low_q = torch.quantile(x.detach(), p_low); high_q = torch.quantile(x.detach(), p_high)
    xd = jax.lax.stop_gradient(x)
    q_low = jnp.quantile(xd, P_LOW)
    q_high = jnp.quantile(xd, P_HIGH)
    # EMA buffer updates: self.low = decay*self.low + (1-decay)*low
    new_low = DECAY * low + (1.0 - DECAY) * q_low
    new_high = DECAY * high + (1.0 - DECAY) * q_high
    # invscale = max(1/max_, high - low)
    invscale = jnp.maximum(1.0 / MAX_, new_high - new_low)
    # outputs are detached in torch
    return (jax.lax.stop_gradient(new_low), jax.lax.stop_gradient(invscale))

if __name__ == "__main__":
    import jax
    _d = setup_inputs()
    print(jax.jit(kernel)(*tuple(_d.values())))

</pallas_src>

<mosaic_0001>
#map = affine_map<(d0, d1) -> (0, 0)>
#map1 = affine_map<(d0, d1) -> (0)>
#map2 = affine_map<(d0, d1) -> (0, 0, 0)>
module attributes {stable_mosaic.version = 14 : i64} {
  func.func @sc_hist_pass2(%arg0: i32, %arg1: i32, %arg2: memref<4096x4096xi32, #tpu.memory_space<hbm>>, %arg3: memref<64xi32, #tpu.memory_space<hbm>>, %arg4: memref<32x2x32768xi32, #tpu.memory_space<hbm>>, %arg5: memref<4x4096xi32, #tpu.memory_space<vmem>>, %arg6: memref<4x4096xi32, #tpu.memory_space<vmem>>, %arg7: memref<32768xi32, #tpu.memory_space<vmem>>, %arg8: memref<32768xi32, #tpu.memory_space<vmem>>, %arg9: memref<64xi32, #tpu.memory_space<vmem>>, %arg10: memref<!tpu.dma_semaphore, #tpu.memory_space<semaphore_mem>>, %arg11: memref<!tpu.dma_semaphore, #tpu.memory_space<semaphore_mem>>) attributes {dimension_semantics = [#tpu.dimension_semantics<core_parallel>, #tpu.dimension_semantics<subcore_parallel>], iteration_bounds = array<i64: 2, 16>, scalar_prefetch = 0 : i64, scratch_operands = 7 : i64, tpu.core_type = #tpu.core_type<sc_vector_subcore>, window_params = [{transform_indices = #map}, {transform_indices = #map1}, {transform_indices = #map2}]} {
    %mul3A = arith.constant 2 : i32
    %mul3A_0 = arith.muli %arg1, %mul3A : i32
    %add3A = arith.addi %mul3A_0, %arg0 : i32
    %broadcast_in_dim3A = arith.constant 0 : i32
    %broadcast_in_dim3A_1 = vector.broadcast %broadcast_in_dim3A : i32 to vector<16xi32>
    %broadcast_in_dim3A_2 = arith.constant 1 : i32
    %broadcast_in_dim3A_3 = vector.broadcast %broadcast_in_dim3A_2 : i32 to vector<16xi32>
    %broadcast_in_dim3A_4 = arith.constant -2147483648 : i32
    %broadcast_in_dim3A_5 = vector.broadcast %broadcast_in_dim3A_4 : i32 to vector<16xi32>
    %broadcast_in_dim3A_6 = arith.constant 31 : i32
    %broadcast_in_dim3A_7 = vector.broadcast %broadcast_in_dim3A_6 : i32 to vector<16xi32>
    %broadcast_in_dim3A_8 = arith.constant 16 : i32
    %broadcast_in_dim3A_9 = vector.broadcast %broadcast_in_dim3A_8 : i32 to vector<16xi32>
    %broadcast_in_dim3A_10 = arith.constant 2 : i32
    %broadcast_in_dim3A_11 = vector.broadcast %broadcast_in_dim3A_10 : i32 to vector<16xi32>
    %broadcast_in_dim3A_12 = arith.constant 16383 : i32
    %broadcast_in_dim3A_13 = vector.broadcast %broadcast_in_dim3A_12 : i32 to vector<16xi32>
    %broadcast_in_dim3A_14 = arith.constant 16384 : i32
    %broadcast_in_dim3A_15 = vector.broadcast %broadcast_in_dim3A_14 : i32 to vector<16xi32>
    "tpu.region"() ({
      %run_scoped3A_40 = tpu.sem_alloc : memref<!tpu.dma_semaphore, #tpu.memory_space<semaphore_mem>>
      tpu.enqueue_dma source(%arg3 : memref<64xi32, #tpu.memory_space<hbm>>) target(%arg9 : memref<64xi32, #tpu.memory_space<vmem>>) target_semaphore(%run_scoped3A_40 : memref<!tpu.dma_semaphore, #tpu.memory_space<semaphore_mem>>)
      tpu.wait_dma2 semaphore(%run_scoped3A_40 : memref<!tpu.dma_semaphore, #tpu.memory_space<semaphore_mem>>) src(%arg3 : memref<64xi32, #tpu.memory_space<hbm>>) dst(%arg9 : memref<64xi32, #tpu.memory_space<vmem>>)
      tpu.yield
    }) : () -> ()
    %get3A = arith.constant 0 : index
    %get3A_16 = tpu.vector_load %arg9[%get3A] {strides = array<i32>} : memref<64xi32, #tpu.memory_space<vmem>>, vector<16xi32>,
    %get3A_17 = arith.constant 16 : index
    %get3A_18 = tpu.vector_load %arg9[%get3A_17] {strides = array<i32>} : memref<64xi32, #tpu.memory_space<vmem>>, vector<16xi32>,
    %get3A_19 = arith.constant 32 : index
    %get3A_20 = tpu.vector_load %arg9[%get3A_19] {strides = array<i32>} : memref<64xi32, #tpu.memory_space<vmem>>, vector<16xi32>,
    %get3A_21 = arith.constant 48 : index
    %get3A_22 = tpu.vector_load %arg9[%get3A_21] {strides = array<i32>} : memref<64xi32, #tpu.memory_space<vmem>>, vector<16xi32>,
    %scan3A = arith.constant 0 : i32
    %scan3A_23 = arith.constant 2048 : i32
    %scan3A_24 = arith.addi %scan3A, %scan3A_23 : i32
    %scan3A_25 = arith.constant 8 : i32
    scf.for %scan3A_40 = %scan3A to %scan3A_24 step %scan3A_25  : i32 {
      %mul3A_41 = arith.constant 1 : i32
      %mul3A_42 = arith.muli %scan3A_40, %mul3A_41 : i32
      %add3A_43 = arith.constant 0 : i32
      %add3A_44 = arith.addi %add3A_43, %mul3A_42 : i32
      %mul3A_45 = arith.constant 16 : i32
      %mul3A_46 = arith.muli %add3A_44, %mul3A_45 : i32
      %swap3A = arith.index_cast %mul3A_46 : i32 to index
      %swap3A_47 = tpu.vector_load %arg7[%swap3A] {strides = array<i32>} : memref<32768xi32, #tpu.memory_space<vmem>>, vector<16xi32>,
      tpu.vector_store %arg7[%swap3A], %broadcast_in_dim3A_1 {strides = array<i32>} : memref<32768xi32, #tpu.memory_space<vmem>>, vector<16xi32>,
      %mul3A_48 = arith.constant 16 : i32
      %mul3A_49 = arith.muli %add3A_44, %mul3A_48 : i32
      %swap3A_50 = arith.index_cast %mul3A_49 : i32 to index
      %swap3A_51 = tpu.vector_load %arg8[%swap3A_50] {strides = array<i32>} : memref<32768xi32, #tpu.memory_space<vmem>>, vector<16xi32>,
      tpu.vector_store %arg8[%swap3A_50], %broadcast_in_dim3A_1 {strides = array<i32>} : memref<32768xi32, #tpu.memory_space<vmem>>, vector<16xi32>,
      %scan3A_52 = arith.constant 1 : i32
      %scan3A_53 = arith.addi %scan3A_40, %scan3A_52 : i32
      %mul3A_54 = arith.constant 1 : i32
      %mul3A_55 = arith.muli %scan3A_53, %mul3A_54 : i32
      %add3A_56 = arith.constant 0 : i32
      %add3A_57 = arith.addi %add3A_56, %mul3A_55 : i32
      %mul3A_58 = arith.constant 16 : i32
      %mul3A_59 = arith.muli %add3A_57, %mul3A_58 : i32
      %swap3A_60 = arith.index_cast %mul3A_59 : i32 to index
      %swap3A_61 = tpu.vector_load %arg7[%swap3A_60] {strides = array<i32>} : memref<32768xi32, #tpu.memory_space<vmem>>, vector<16xi32>,
      tpu.vector_store %arg7[%swap3A_60], %broadcast_in_dim3A_1 {strides = array<i32>} : memref<32768xi32, #tpu.memory_space<vmem>>, vector<16xi32>,
      %mul3A_62 = arith.constant 16 : i32
      %mul3A_63 = arith.muli %add3A_57, %mul3A_62 : i32
      %swap3A_64 = arith.index_cast %mul3A_63 : i32 to index
      %swap3A_65 = tpu.vector_load %arg8[%swap3A_64] {strides = array<i32>} : memref<32768xi32, #tpu.memory_space<vmem>>, vector<16xi32>,
      tpu.vector_store %arg8[%swap3A_64], %broadcast_in_dim3A_1 {strides = array<i32>} : memref<32768xi32, #tpu.memory_space<vmem>>, vector<16xi32>,
      %scan3A_66 = arith.constant 2 : i32
      %scan3A_67 = arith.addi %scan3A_40, %scan3A_66 : i32
      %mul3A_68 = arith.constant 1 : i32
      %mul3A_69 = arith.muli %scan3A_67, %mul3A_68 : i32
      %add3A_70 = arith.constant 0 : i32
      %add3A_71 = arith.addi %add3A_70, %mul3A_69 : i32
      %mul3A_72 = arith.constant 16 : i32
      %mul3A_73 = arith.muli %add3A_71, %mul3A_72 : i32
      %swap3A_74 = arith.index_cast %mul3A_73 : i32 to index
      %swap3A_75 = tpu.vector_load %arg7[%swap3A_74] {strides = array<i32>} : memref<32768xi32, #tpu.memory_space<vmem>>, vector<16xi32>,
      tpu.vector_store %arg7[%swap3A_74], %broadcast_in_dim3A_1 {strides = array<i32>} : memref<32768xi32, #tpu.memory_space<vmem>>, vector<16xi32>,
      %mul3A_76 = arith.constant 16 : i32
      %mul3A_77 = arith.muli %add3A_71, %mul3A_76 : i32
      %swap3A_78 = arith.index_cast %mul3A_77 : i32 to index
      %swap3A_79 = tpu.vector_load %arg8[%swap3A_78] {strides = array<i32>} : memref<32768xi32, #tpu.memory_space<vmem>>, vector<16xi32>,
      tpu.vector_store %arg8[%swap3A_78], %broadcast_in_dim3A_1 {strides = array<i32>} : memref<32768xi32, #tpu.memory_space<vmem>>, vector<16xi32>,
      %scan3A_80 = arith.constant 3 : i32
      %scan3A_81 = arith.addi %scan3A_40, %scan3A_80 : i32
      %mul3A_82 = arith.constant 1 : i32
      %mul3A_83 = arith.muli %scan3A_81, %mul3A_82 : i32
      %add3A_84 = arith.constant 0 : i32
      %add3A_85 = arith.addi %add3A_84, %mul3A_83 : i32
      %mul3A_86 = arith.constant 16 : i32
      %mul3A_87 = arith.muli %add3A_85, %mul3A_86 : i32
      %swap3A_88 = arith.index_cast %mul3A_87 : i32 to index
      %swap3A_89 = tpu.vector_load %arg7[%swap3A_88] {strides = array<i32>} : memref<32768xi32, #tpu.memory_space<vmem>>, vector<16xi32>,
      tpu.vector_store %arg7[%swap3A_88], %broadcast_in_dim3A_1 {strides = array<i32>} : memref<32768xi32, #tpu.memory_space<vmem>>, vector<16xi32>,
      %mul3A_90 = arith.constant 16 : i32
      %mul3A_91 = arith.muli %add3A_85, %mul3A_90 : i32
      %swap3A_92 = arith.index_cast %mul3A_91 : i32 to index
      %swap3A_93 = tpu.vector_load %arg8[%swap3A_92] {strides = array<i32>} : memref<32768xi32, #tpu.memory_space<vmem>>, vector<16xi32>,
      tpu.vector_store %arg8[%swap3A_92], %broadcast_in_dim3A_1 {strides = array<i32>} : memref<32768xi32, #tpu.memory_space<vmem>>, vector<16xi32>,
      %scan3A_94 = arith.constant 4 : i32
      %scan3A_95 = arith.addi %scan3A_40, %scan3A_94 : i32
      %mul3A_96 = arith.constant 1 : i32
      %mul3A_97 = arith.muli %scan3A_95, %mul3A_96 : i32
      %add3A_98 = arith.constant 0 : i32
      %add3A_99 = arith.addi %add3A_98, %mul3A_97 : i32
      %mul3A_100 = arith.constant 16 : i32
      %mul3A_101 = arith.muli %add3A_99, %mul3A_100 : i32
      %swap3A_102 = arith.index_cast %mul3A_101 : i32 to index
      %swap3A_103 = tpu.vector_load %arg7[%swap3A_102] {strides = array<i32>} : memref<32768xi32, #tpu.memory_space<vmem>>, vector<16xi32>,
      tpu.vector_store %arg7[%swap3A_102], %broadcast_in_dim3A_1 {strides = array<i32>} : memref<32768xi32, #tpu.memory_space<vmem>>, vector<16xi32>,
      %mul3A_104 = arith.constant 16 : i32
      %mul3A_105 = arith.muli %add3A_99, %mul3A_104 : i32
      %swap3A_106 = arith.index_cast %mul3A_105 : i32 to index
      %swap3A_107 = tpu.vector_load %arg8[%swap3A_106] {strides = array<i32>} : memref<32768xi32, #tpu.memory_space<vmem>>, vector<16xi32>,
      tpu.vector_store %arg8[%swap3A_106], %broadcast_in_dim3A_1 {strides = array<i32>} : memref<32768xi32, #tpu.memory_space<vmem>>, vector<16xi32>,
      %scan3A_108 = arith.constant 5 : i32
      %scan3A_109 = arith.addi %scan3A_40, %scan3A_108 : i32
      %mul3A_110 = arith.constant 1 : i32
      %mul3A_111 = arith.muli %scan3A_109, %mul3A_110 : i32
      %add3A_112 = arith.constant 0 : i32
      %add3A_113 = arith.addi %add3A_112, %mul3A_111 : i32
      %mul3A_114 = arith.constant 16 : i32
      %mul3A_115 = arith.muli %add3A_113, %mul3A_114 : i32
      %swap3A_116 = arith.index_cast %mul3A_115 : i32 to index
      %swap3A_117 = tpu.vector_load %arg7[%swap3A_116] {strides = array<i32>} : memref<32768xi32, #tpu.memory_space<vmem>>, vector<16xi32>,
      tpu.vector_store %arg7[%swap3A_116], %broadcast_in_dim3A_1 {strides = array<i32>} : memref<32768xi32, #tpu.memory_space<vmem>>, vector<16xi32>,
      %mul3A_118 = arith.constant 16 : i32
      %mul3A_119 = arith.muli %add3A_113, %mul3A_118 : i32
      %swap3A_120 = arith.index_cast %mul3A_119 : i32 to index
      %swap3A_121 = tpu.vector_load %arg8[%swap3A_120] {strides = array<i32>} : memref<32768xi32, #tpu.memory_space<vmem>>, vector<16xi32>,
      tpu.vector_store %arg8[%swap3A_120], %broadcast_in_dim3A_1 {strides = array<i32>} : memref<32768xi32, #tpu.memory_space<vmem>>, vector<16xi32>,
      %scan3A_122 = arith.constant 6 : i32
      %scan3A_123 = arith.addi %scan3A_40, %scan3A_122 : i32
      %mul3A_124 = arith.constant 1 : i32
      %mul3A_125 = arith.muli %scan3A_123, %mul3A_124 : i32
      %add3A_126 = arith.constant 0 : i32
      %add3A_127 = arith.addi %add3A_126, %mul3A_125 : i32
      %mul3A_128 = arith.constant 16 : i32
      %mul3A_129 = arith.muli %add3A_127, %mul3A_128 : i32
      %swap3A_130 = arith.index_cast %mul3A_129 : i32 to index
      %swap3A_131 = tpu.vector_load %arg7[%swap3A_130] {strides = array<i32>} : memref<32768xi32, #tpu.memory_space<vmem>>, vector<16xi32>,
      tpu.vector_store %arg7[%swap3A_130], %broadcast_in_dim3A_1 {strides = array<i32>} : memref<32768xi32, #tpu.memory_space<vmem>>, vector<16xi32>,
      %mul3A_132 = arith.constant 16 : i32
      %mul3A_133 = arith.muli %add3A_127, %mul3A_132 : i32
      %swap3A_134 = arith.index_cast %mul3A_133 : i32 to index
      %swap3A_135 = tpu.vector_load %arg8[%swap3A_134] {strides = array<i32>} : memref<32768xi32, #tpu.memory_space<vmem>>, vector<16xi32>,
      tpu.vector_store %arg8[%swap3A_134], %broadcast_in_dim3A_1 {strides = array<i32>} : memref<32768xi32, #tpu.memory_space<vmem>>, vector<16xi32>,
      %scan3A_136 = arith.constant 7 : i32
      %scan3A_137 = arith.addi %scan3A_40, %scan3A_136 : i32
      %mul3A_138 = arith.constant 1 : i32
      %mul3A_139 = arith.muli %scan3A_137, %mul3A_138 : i32
      %add3A_140 = arith.constant 0 : i32
      %add3A_141 = arith.addi %add3A_140, %mul3A_139 : i32
      %mul3A_142 = arith.constant 16 : i32
      %mul3A_143 = arith.muli %add3A_141, %mul3A_142 : i32
      %swap3A_144 = arith.index_cast %mul3A_143 : i32 to index
      %swap3A_145 = tpu.vector_load %arg7[%swap3A_144] {strides = array<i32>} : memref<32768xi32, #tpu.memory_space<vmem>>, vector<16xi32>,
      tpu.vector_store %arg7[%swap3A_144], %broadcast_in_dim3A_1 {strides = array<i32>} : memref<32768xi32, #tpu.memory_space<vmem>>, vector<16xi32>,
      %mul3A_146 = arith.constant 16 : i32
      %mul3A_147 = arith.muli %add3A_141, %mul3A_146 : i32
      %swap3A_148 = arith.index_cast %mul3A_147 : i32 to index
      %swap3A_149 = tpu.vector_load %arg8[%swap3A_148] {strides = array<i32>} : memref<32768xi32, #tpu.memory_space<vmem>>, vector<16xi32>,
      tpu.vector_store %arg8[%swap3A_148], %broadcast_in_dim3A_1 {strides = array<i32>} : memref<32768xi32, #tpu.memory_space<vmem>>, vector<16xi32>,
    }
    %scan3A_26 = arith.constant 2048 : i32
    %mul3A_27 = arith.constant 128 : i32
    %mul3A_28 = arith.muli %add3A, %mul3A_27 : i32
    %add3A_29 = arith.constant 0 : i32
    %add3A_30 = arith.addi %mul3A_28, %add3A_29 : i32
    %dma_start3A = arith.constant 0 : i32
    %dma_start3A_31 = tpu.memref_slice %arg2[%add3A_30, %dma_start3A] : memref<4096x4096xi32, #tpu.memory_space<hbm>> -> memref<4x4096xi32, #tpu.memory_space<hbm>>
    %dma_start3A_32 = arith.constant 0 : i32
    %dma_start3A_33 = tpu.memref_slice %arg2[%add3A_30, %dma_start3A_32] : memref<4096x4096xi32, #tpu.memory_space<hbm>> -> memref<4x4096xi32, #tpu.memory_space<hbm>>
    tpu.enqueue_dma source(%dma_start3A_33 : memref<4x4096xi32, #tpu.memory_space<hbm>>) target(%arg5 : memref<4x4096xi32, #tpu.memory_space<vmem>>) target_semaphore(%arg10 : memref<!tpu.dma_semaphore, #tpu.memory_space<semaphore_mem>>)
    %scan3A_34 = arith.constant 0 : i32
    %scan3A_35 = arith.constant 16 : i32
    %scan3A_36 = arith.addi %scan3A_34, %scan3A_35 : i32
    %scan3A_37 = arith.constant 1 : i32
    scf.for %scan3A_40 = %scan3A_34 to %scan3A_36 step %scan3A_37  : i32 {
      %mul3A_41 = arith.constant 2 : i32
      %mul3A_42 = arith.muli %scan3A_40, %mul3A_41 : i32
      %add3A_43 = arith.constant 0 : i32
      %add3A_44 = arith.addi %add3A_43, %mul3A_42 : i32
      %add3A_45 = arith.constant 1 : i32
      %add3A_46 = arith.addi %add3A_44, %add3A_45 : i32
      %mul3A_47 = arith.constant 4 : i32
      %mul3A_48 = arith.muli %add3A_46, %mul3A_47 : i32
      %add3A_49 = arith.addi %mul3A_28, %mul3A_48 : i32
      %dma_start3A_50 = arith.constant 0 : i32
      %dma_start3A_51 = tpu.memref_slice %arg2[%add3A_49, %dma_start3A_50] : memref<4096x4096xi32, #tpu.memory_space<hbm>> -> memref<4x4096xi32, #tpu.memory_space<hbm>>
      %dma_start3A_52 = arith.constant 0 : i32
      %dma_start3A_53 = tpu.memref_slice %arg2[%add3A_49, %dma_start3A_52] : memref<4096x4096xi32, #tpu.memory_space<hbm>> -> memref<4x4096xi32, #tpu.memory_space<hbm>>
      tpu.enqueue_dma source(%dma_start3A_53 : memref<4x4096xi32, #tpu.memory_space<hbm>>) target(%arg6 : memref<4x4096xi32, #tpu.memory_space<vmem>>) target_semaphore(%arg11 : memref<!tpu.dma_semaphore, #tpu.memory_space<semaphore_mem>>)
      %mul3A_54 = arith.constant 4 : i32
      %mul3A_55 = arith.muli %add3A_44, %mul3A_54 : i32
      %add3A_56 = arith.addi %mul3A_28, %mul3A_55 : i32
      %dma_wait3A = arith.constant 0 : i32
      %dma_wait3A_57 = tpu.memref_slice %arg2[%add3A_56, %dma_wait3A] : memref<4096x4096xi32, #tpu.memory_space<hbm>> -> memref<4x4096xi32, #tpu.memory_space<hbm>>
      %dma_wait3A_58 = arith.constant 0 : i32
      %dma_wait3A_59 = tpu.memref_slice %arg2[%add3A_56, %dma_wait3A_58] : memref<4096x4096xi32, #tpu.memory_space<hbm>> -> memref<4x4096xi32, #tpu.memory_space<hbm>>
      tpu.wait_dma2 semaphore(%arg10 : memref<!tpu.dma_semaphore, #tpu.memory_space<semaphore_mem>>) src(%dma_wait3A_59 : memref<4x4096xi32, #tpu.memory_space<hbm>>) dst(%arg5 : memref<4x4096xi32, #tpu.memory_space<vmem>>)
      %scan3A_60 = arith.constant 0 : i32
      %scan3A_61 = arith.constant 256 : i32
      %scan3A_62 = arith.addi %scan3A_60, %scan3A_61 : i32
      %scan3A_63 = arith.constant 8 : i32
      scf.for %scan3A_113 = %scan3A_60 to %scan3A_62 step %scan3A_63  : i32 {
        %mul3A_114 = arith.constant 1 : i32
        %mul3A_115 = arith.muli %scan3A_113, %mul3A_114 : i32
        %add3A_116 = arith.constant 0 : i32
        %add3A_117 = arith.addi %add3A_116, %mul3A_115 : i32
        %mul3A_118 = arith.constant 16 : i32
        %mul3A_119 = arith.muli %add3A_117, %mul3A_118 : i32
        %get3A_120 = arith.constant 0 : i32
        %get3A_121 = arith.index_cast %get3A_120 : i32 to index
        %get3A_122 = arith.index_cast %mul3A_119 : i32 to index
        %get3A_123 = tpu.vector_load %arg5[%get3A_121, %get3A_122] {strides = array<i32>} : memref<4x4096xi32, #tpu.memory_space<vmem>>, vector<16xi32>,
        %shift_right_arithmetic3A = arith.shrsi %get3A_123, %broadcast_in_dim3A_7 : vector<16xi32>
        %or3A = arith.ori %shift_right_arithmetic3A, %broadcast_in_dim3A_5 : vector<16xi32>
        %xor3A = arith.xori %get3A_123, %or3A : vector<16xi32>
        %shift_right_logical3A = arith.shrui %xor3A, %broadcast_in_dim3A_9 : vector<16xi32>
        %shift_right_logical3A_124 = arith.shrui %xor3A, %broadcast_in_dim3A_11 : vector<16xi32>
        %and3A = arith.andi %shift_right_logical3A_124, %broadcast_in_dim3A_13 : vector<16xi32>
        %eq3A = arith.cmpi eq, %shift_right_logical3A, %get3A_16 : vector<16xi32>
        %eq3A_125 = arith.cmpi eq, %shift_right_logical3A, %get3A_18 : vector<16xi32>
        %or3A_126 = arith.ori %and3A, %broadcast_in_dim3A_15 : vector<16xi32>
        %select_n3A = arith.select %eq3A_125, %or3A_126, %and3A : vector<16xi1>, vector<16xi32>
        %or3A_127 = arith.ori %eq3A, %eq3A_125 : vector<16xi1>
        tpu.vector_store_idx %arg7[%select_n3A], %broadcast_in_dim3A_3 masked %or3A_127 {add = true} : memref<32768xi32, #tpu.memory_space<vmem>>[vector<16xi32>], vector<16xi32>, vector<16xi1>
        %eq3A_128 = arith.cmpi eq, %shift_right_logical3A, %get3A_20 : vector<16xi32>
        %eq3A_129 = arith.cmpi eq, %shift_right_logical3A, %get3A_22 : vector<16xi32>
        %or3A_130 = arith.ori %and3A, %broadcast_in_dim3A_15 : vector<16xi32>
        %select_n3A_131 = arith.select %eq3A_129, %or3A_130, %and3A : vector<16xi1>, vector<16xi32>
        %or3A_132 = arith.ori %eq3A_128, %eq3A_129 : vector<16xi1>
        tpu.vector_store_idx %arg8[%select_n3A_131], %broadcast_in_dim3A_3 masked %or3A_132 {add = true} : memref<32768xi32, #tpu.memory_space<vmem>>[vector<16xi32>], vector<16xi32>, vector<16xi1>
        %scan3A_133 = arith.constant 1 : i32
        %scan3A_134 = arith.addi %scan3A_113, %scan3A_133 : i32
        %mul3A_135 = arith.constant 1 : i32
        %mul3A_136 = arith.muli %scan3A_134, %mul3A_135 : i32
        %add3A_137 = arith.constant 0 : i32
        %add3A_138 = arith.addi %add3A_137, %mul3A_136 : i32
        %mul3A_139 = arith.constant 16 : i32
        %mul3A_140 = arith.muli %add3A_138, %mul3A_139 : i32
        %get3A_141 = arith.constant 0 : i32
        %get3A_142 = arith.index_cast %get3A_141 : i32 to index
        %get3A_143 = arith.index_cast %mul3A_140 : i32 to index
        %get3A_144 = tpu.vector_load %arg5[%get3A_142, %get3A_143] {strides = array<i32>} : memref<4x4096xi32, #tpu.memory_space<vmem>>, vector<16xi32>,
        %shift_right_arithmetic3A_145 = arith.shrsi %get3A_144, %broadcast_in_dim3A_7 : vector<16xi32>
        %or3A_146 = arith.ori %shift_right_arithmetic3A_145, %broadcast_in_dim3A_5 : vector<16xi32>
        %xor3A_147 = arith.xori %get3A_144, %or3A_146 : vector<16xi32>
        %shift_right_logical3A_148 = arith.shrui %xor3A_147, %broadcast_in_dim3A_9 : vector<16xi32>
        %shift_right_logical3A_149 = arith.shrui %xor3A_147, %broadcast_in_dim3A_11 : vector<16xi32>
        %and3A_150 = arith.andi %shift_right_logical3A_149, %broadcast_in_dim3A_13 : vector<16xi32>
        %eq3A_151 = arith.cmpi eq, %shift_right_logical3A_148, %get3A_16 : vector<16xi32>
        %eq3A_152 = arith.cmpi eq, %shift_right_logical3A_148, %get3A_18 : vector<16xi32>
        %or3A_153 = arith.ori %and3A_150, %broadcast_in_dim3A_15 : vector<16xi32>
        %select_n3A_154 = arith.select %eq3A_152, %or3A_153, %and3A_150 : vector<16xi1>, vector<16xi32>
        %or3A_155 = arith.ori %eq3A_151, %eq3A_152 : vector<16xi1>
        tpu.vector_store_idx %arg7[%select_n3A_154], %broadcast_in_dim3A_3 masked %or3A_155 {add = true} : memref<32768xi32, #tpu.memory_space<vmem>>[vector<16xi32>], vector<16xi32>, vector<16xi1>
        %eq3A_156 = arith.cmpi eq, %shift_right_logical3A_148, %get3A_20 : vector<16xi32>
        %eq3A_157 = arith.cmpi eq, %shift_right_logical3A_148, %get3A_22 : vector<16xi32>
        %or3A_158 = arith.ori %and3A_150, %broadcast_in_dim3A_15 : vector<16xi32>
        %select_n3A_159 = arith.select %eq3A_157, %or3A_158, %and3A_150 : vector<16xi1>, vector<16xi32>
        %or3A_160 = arith.ori %eq3A_156, %eq3A_157 : vector<16xi1>
        tpu.vector_store_idx %arg8[%select_n3A_159], %broadcast_in_dim3A_3 masked %or3A_160 {add = true} : memref<32768xi32, #tpu.memory_space<vmem>>[vector<16xi32>], vector<16xi32>, vector<16xi1>
        %scan3A_161 = arith.constant 2 : i32
        %scan3A_162 = arith.addi %scan3A_113, %scan3A_161 : i32
        %mul3A_163 = arith.constant 1 : i32
        %mul3A_164 = arith.muli %scan3A_162, %mul3A_163 : i32
        %add3A_165 = arith.constant 0 : i32
        %add3A_166 = arith.addi %add3A_165, %mul3A_164 : i32
        %mul3A_167 = arith.constant 16 : i32
        %mul3A_168 = arith.muli %add3A_166, %mul3A_167 : i32
        %get3A_169 = arith.constant 0 : i32
        %get3A_170 = arith.index_cast %get3A_169 : i32 to index
        %get3A_171 = arith.index_cast %mul3A_168 : i32 to index
        %get3A_172 = tpu.vector_load %arg5[%get3A_170, %get3A_171] {strides = array<i32>} : memref<4x4096xi32, #tpu.memory_space<vmem>>, vector<16xi32>,
        %shift_right_arithmetic3A_173 = arith.shrsi %get3A_172, %broadcast_in_dim3A_7 : vector<16xi32>
        %or3A_174 = arith.ori %shift_right_arithmetic3A_173, %broadcast_in_dim3A_5 : vector<16xi32>
        %xor3A_175 = arith.xori %get3A_172, %or3A_174 : vector<16xi32>
        %shift_right_logical3A_176 = arith.shrui %xor3A_175, %broadcast_in_dim3A_9 : vector<16xi32>
        %shift_right_logical3A_177 = arith.shrui %xor3A_175, %broadcast_in_dim3A_11 : vector<16xi32>
        %and3A_178 = arith.andi %shift_right_logical3A_177, %broadcast_in_dim3A_13 : vector<16xi32>
        %eq3A_179 = arith.cmpi eq, %shift_right_logical3A_176, %get3A_16 : vector<16xi32>
        %eq3A_180 = arith.cmpi eq, %shift_right_logical3A_176, %get3A_18 : vector<16xi32>
        %or3A_181 = arith.ori %and3A_178, %broadcast_in_dim3A_15 : vector<16xi32>
        %select_n3A_182 = arith.select %eq3A_180, %or3A_181, %and3A_178 : vector<16xi1>, vector<16xi32>
        %or3A_183 = arith.ori %eq3A_179, %eq3A_180 : vector<16xi1>
        tpu.vector_store_idx %arg7[%select_n3A_182], %broadcast_in_dim3A_3 masked %or3A_183 {add = true} : memref<32768xi32, #tpu.memory_space<vmem>>[vector<16xi32>], vector<16xi32>, vector<16xi1>
        %eq3A_184 = arith.cmpi eq, %shift_right_logical3A_176, %get3A_20 : vector<16xi32>
        %eq3A_185 = arith.cmpi eq, %shift_right_logical3A_176, %get3A_22 : vector<16xi32>
        %or3A_186 = arith.ori %and3A_178, %broadcast_in_dim3A_15 : vector<16xi32>
        %select_n3A_187 = arith.select %eq3A_185, %or3A_186, %and3A_178 : vector<16xi1>, vector<16xi32>
        %or3A_188 = arith.ori %eq3A_184, %eq3A_185 : vector<16xi1>
        tpu.vector_store_idx %arg8[%select_n3A_187], %broadcast_in_dim3A_3 masked %or3A_188 {add = true} : memref<32768xi32, #tpu.memory_space<vmem>>[vector<16xi32>], vector<16xi32>, vector<16xi1>
        %scan3A_189 = arith.constant 3 : i32
        %scan3A_190 = arith.addi %scan3A_113, %scan3A_189 : i32
        %mul3A_191 = arith.constant 1 : i32
        %mul3A_192 = arith.muli %scan3A_190, %mul3A_191 : i32
        %add3A_193 = arith.constant 0 : i32
        %add3A_194 = arith.addi %add3A_193, %mul3A_192 : i32
        %mul3A_195 = arith.constant 16 : i32
        %mul3A_196 = arith.muli %add3A_194, %mul3A_195 : i32
        %get3A_197 = arith.constant 0 : i32
        %get3A_198 = arith.index_cast %get3A_197 : i32 to index
        %get3A_199 = arith.index_cast %mul3A_196 : i32 to index
        %get3A_200 = tpu.vector_load %arg5[%get3A_198, %get3A_199] {strides = array<i32>} : memref<4x4096xi32, #tpu.memory_space<vmem>>, vector<16xi32>,
        %shift_right_arithmetic3A_201 = arith.shrsi %get3A_200, %broadcast_in_dim3A_7 : vector<16xi32>
        %or3A_202 = arith.ori %shift_right_arithmetic3A_201, %broadcast_in_dim3A_5 : vector<16xi32>
        %xor3A_203 = arith.xori %get3A_200, %or3A_202 : vector<16xi32>
        %shift_right_logical3A_204 = arith.shrui %xor3A_203, %broadcast_in_dim3A_9 : vector<16xi32>
        %shift_right_logical3A_205 = arith.shrui %xor3A_203, %broadcast_in_dim3A_11 : vector<16xi32>
        %and3A_206 = arith.andi %shift_right_logical3A_205, %broadcast_in_dim3A_13 : vector<16xi32>
        %eq3A_207 = arith.cmpi eq, %shift_right_logical3A_204, %get3A_16 : vector<16xi32>
        %eq3A_208 = arith.cmpi eq, %shift_right_logical3A_204, %get3A_18 : vector<16xi32>
        %or3A_209 = arith.ori %and3A_206, %broadcast_in_dim3A_15 : vector<16xi32>
        %select_n3A_210 = arith.select %eq3A_208, %or3A_209, %and3A_206 : vector<16xi1>, vector<16xi32>
        %or3A_211 = arith.ori %eq3A_207, %eq3A_208 : vector<16xi1>
        tpu.vector_store_idx %arg7[%select_n3A_210], %broadcast_in_dim3A_3 masked %or3A_211 {add = true} : memref<32768xi32, #tpu.memory_space<vmem>>[vector<16xi32>], vector<16xi32>, vector<16xi1>
        %eq3A_212 = arith.cmpi eq, %shift_right_logical3A_204, %get3A_20 : vector<16xi32>
        %eq3A_213 = arith.cmpi eq, %shift_right_logical3A_204, %get3A_22 : vector<16xi32>
        %or3A_214 = arith.ori %and3A_206, %broadcast_in_dim3A_15 : vector<16xi32>
        %select_n3A_215 = arith.select %eq3A_213, %or3A_214, %and3A_206 : vector<16xi1>, vector<16xi32>
        %or3A_216 = arith.ori %eq3A_212, %eq3A_213 : vector<16xi1>
        tpu.vector_store_idx %arg8[%select_n3A_215], %broadcast_in_dim3A_3 masked %or3A_216 {add = true} : memref<32768xi32, #tpu.memory_space<vmem>>[vector<16xi32>], vector<16xi32>, vector<16xi1>
        %scan3A_217 = arith.constant 4 : i32
        %scan3A_218 = arith.addi %scan3A_113, %scan3A_217 : i32
        %mul3A_219 = arith.constant 1 : i32
        %mul3A_220 = arith.muli %scan3A_218, %mul3A_219 : i32
        %add3A_221 = arith.constant 0 : i32
        %add3A_222 = arith.addi %add3A_221, %mul3A_220 : i32
        %mul3A_223 = arith.constant 16 : i32
        %mul3A_224 = arith.muli %add3A_222, %mul3A_223 : i32
        %get3A_225 = arith.constant 0 : i32
        %get3A_226 = arith.index_cast %get3A_225 : i32 to index
        %get3A_227 = arith.index_cast %mul3A_224 : i32 to index
        %get3A_228 = tpu.vector_load %arg5[%get3A_226, %get3A_227] {strides = array<i32>} : memref<4x4096xi32, #tpu.memory_space<vmem>>, vector<16xi32>,
        %shift_right_arithmetic3A_229 = arith.shrsi %get3A_228, %broadcast_in_dim3A_7 : vector<16xi32>
        %or3A_230 = arith.ori %shift_right_arithmetic3A_229, %broadcast_in_dim3A_5 : vector<16xi32>
        %xor3A_231 = arith.xori %get3A_228, %or3A_230 : vector<16xi32>
        %shift_right_logical3A_232 = arith.shrui %xor3A_231, %broadcast_in_dim3A_9 : vector<16xi32>
        %shift_right_logical3A_233 = arith.shrui %xor3A_231, %broadcast_in_dim3A_11 : vector<16xi32>
        %and3A_234 = arith.andi %shift_right_logical3A_233, %broadcast_in_dim3A_13 : vector<16xi32>
        %eq3A_235 = arith.cmpi eq, %shift_right_logical3A_232, %get3A_16 : vector<16xi32>
        %eq3A_236 = arith.cmpi eq, %shift_right_logical3A_232, %get3A_18 : vector<16xi32>
        %or3A_237 = arith.ori %and3A_234, %broadcast_in_dim3A_15 : vector<16xi32>
        %select_n3A_238 = arith.select %eq3A_236, %or3A_237, %and3A_234 : vector<16xi1>, vector<16xi32>
        %or3A_239 = arith.ori %eq3A_235, %eq3A_236 : vector<16xi1>
        tpu.vector_store_idx %arg7[%select_n3A_238], %broadcast_in_dim3A_3 masked %or3A_239 {add = true} : memref<32768xi32, #tpu.memory_space<vmem>>[vector<16xi32>], vector<16xi32>, vector<16xi1>
        %eq3A_240 = arith.cmpi eq, %shift_right_logical3A_232, %get3A_20 : vector<16xi32>
        %eq3A_241 = arith.cmpi eq, %shift_right_logical3A_232, %get3A_22 : vector<16xi32>
        %or3A_242 = arith.ori %and3A_234, %broadcast_in_dim3A_15 : vector<16xi32>
        %select_n3A_243 = arith.select %eq3A_241, %or3A_242, %and3A_234 : vector<16xi1>, vector<16xi32>
        %or3A_244 = arith.ori %eq3A_240, %eq3A_241 : vector<16xi1>
        tpu.vector_store_idx %arg8[%select_n3A_243], %broadcast_in_dim3A_3 masked %or3A_244 {add = true} : memref<32768xi32, #tpu.memory_space<vmem>>[vector<16xi32>], vector<16xi32>, vector<16xi1>
        %scan3A_245 = arith.constant 5 : i32
        %scan3A_246 = arith.addi %scan3A_113, %scan3A_245 : i32
        %mul3A_247 = arith.constant 1 : i32
        %mul3A_248 = arith.muli %scan3A_246, %mul3A_247 : i32
        %add3A_249 = arith.constant 0 : i32
        %add3A_250 = arith.addi %add3A_249, %mul3A_248 : i32
        %mul3A_251 = arith.constant 16 : i32
        %mul3A_252 = arith.muli %add3A_250, %mul3A_251 : i32
        %get3A_253 = arith.constant 0 : i32
        %get3A_254 = arith.index_cast %get3A_253 : i32 to index
        %get3A_255 = arith.index_cast %mul3A_252 : i32 to index
        %get3A_256 = tpu.vector_load %arg5[%get3A_254, %get3A_255] {strides = array<i32>} : memref<4x4096xi32, #tpu.memory_space<vmem>>, vector<16xi32>,
        %shift_right_arithmetic3A_257 = arith.shrsi %get3A_256, %broadcast_in_dim3A_7 : vector<16xi32>
        %or3A_258 = arith.ori %shift_right_arithmetic3A_257, %broadcast_in_dim3A_5 : vector<16xi32>
        %xor3A_259 = arith.xori %get3A_256, %or3A_258 : vector<16xi32>
        %shift_right_logical3A_260 = arith.shrui %xor3A_259, %broadcast_in_dim3A_9 : vector<16xi32>
        %shift_right_logical3A_261 = arith.shrui %xor3A_259, %broadcast_in_dim3A_11 : vector<16xi32>
        %and3A_262 = arith.andi %shift_right_logical3A_261, %broadcast_in_dim3A_13 : vector<16xi32>
        %eq3A_263 = arith.cmpi eq, %shift_right_logical3A_260, %get3A_16 : vector<16xi32>
        %eq3A_264 = arith.cmpi eq, %shift_right_logical3A_260, %get3A_18 : vector<16xi32>
        %or3A_265 = arith.ori %and3A_262, %broadcast_in_dim3A_15 : vector<16xi32>
        %select_n3A_266 = arith.select %eq3A_264, %or3A_265, %and3A_262 : vector<16xi1>, vector<16xi32>
        %or3A_267 = arith.ori %eq3A_263, %eq3A_264 : vector<16xi1>
        tpu.vector_store_idx %arg7[%select_n3A_266], %broadcast_in_dim3A_3 masked %or3A_267 {add = true} : memref<32768xi32, #tpu.memory_space<vmem>>[vector<16xi32>], vector<16xi32>, vector<16xi1>
        %eq3A_268 = arith.cmpi eq, %shift_right_logical3A_260, %get3A_20 : vector<16xi32>
        %eq3A_269 = arith.cmpi eq, %shift_right_logical3A_260, %get3A_22 : vector<16xi32>
        %or3A_270 = arith.ori %and3A_262, %broadcast_in_dim3A_15 : vector<16xi32>
        %select_n3A_271 = arith.select %eq3A_269, %or3A_270, %and3A_262 : vector<16xi1>, vector<16xi32>
        %or3A_272 = arith.ori %eq3A_268, %eq3A_269 : vector<16xi1>
        tpu.vector_store_idx %arg8[%select_n3A_271], %broadcast_in_dim3A_3 masked %or3A_272 {add = true} : memref<32768xi32, #tpu.memory_space<vmem>>[vector<16xi32>], vector<16xi32>, vector<16xi1>
        %scan3A_273 = arith.constant 6 : i32
        %scan3A_274 = arith.addi %scan3A_113, %scan3A_273 : i32
        %mul3A_275 = arith.constant 1 : i32
        %mul3A_276 = arith.muli %scan3A_274, %mul3A_275 : i32
        %add3A_277 = arith.constant 0 : i32
        %add3A_278 = arith.addi %add3A_277, %mul3A_276 : i32
        %mul3A_279 = arith.constant 16 : i32
        %mul3A_280 = arith.muli %add3A_278, %mul3A_279 : i32
        %get3A_281 = arith.constant 0 : i32
        %get3A_282 = arith.index_cast %get3A_281 : i32 to index
        %get3A_283 = arith.index_cast %mul3A_280 : i32 to index
        %get3A_284 = tpu.vector_load %arg5[%get3A_282, %get3A_283] {strides = array<i32>} : memref<4x4096xi32, #tpu.memory_space<vmem>>, vector<16xi32>,
        %shift_right_arithmetic3A_285 = arith.shrsi %get3A_284, %broadcast_in_dim3A_7 : vector<16xi32>
        %or3A_286 = arith.ori %shift_right_arithmetic3A_285, %broadcast_in_dim3A_5 : vector<16xi32>
        %xor3A_287 = arith.xori %get3A_284, %or3A_286 : vector<16xi32>
        %shift_right_logical3A_288 = arith.shrui %xor3A_287, %broadcast_in_dim3A_9 : vector<16xi32>
        %shift_right_logical3A_289 = arith.shrui %xor3A_287, %broadcast_in_dim3A_11 : vector<16xi32>
        %and3A_290 = arith.andi %shift_right_logical3A_289, %broadcast_in_dim3A_13 : vector<16xi32>
        %eq3A_291 = arith.cmpi eq, %shift_right_logical3A_288, %get3A_16 : vector<16xi32>
        %eq3A_292 = arith.cmpi eq, %shift_right_logical3A_288, %get3A_18 : vector<16xi32>
        %or3A_293 = arith.ori %and3A_290, %broadcast_in_dim3A_15 : vector<16xi32>
        %select_n3A_294 = arith.select %eq3A_292, %or3A_293, %and3A_290 : vector<16xi1>, vector<16xi32>
        %or3A_295 = arith.ori %eq3A_291, %eq3A_292 : vector<16xi1>
        tpu.vector_store_idx %arg7[%select_n3A_294], %broadcast_in_dim3A_3 masked %or3A_295 {add = true} : memref<32768xi32, #tpu.memory_space<vmem>>[vector<16xi32>], vector<16xi32>, vector<16xi1>
        %eq3A_296 = arith.cmpi eq, %shift_right_logical3A_288, %get3A_20 : vector<16xi32>
        %eq3A_297 = arith.cmpi eq, %shift_right_logical3A_288, %get3A_22 : vector<16xi32>
        %or3A_298 = arith.ori %and3A_290, %broadcast_in_dim3A_15 : vector<16xi32>
        %select_n3A_299 = arith.select %eq3A_297, %or3A_298, %and3A_290 : vector<16xi1>, vector<16xi32>
        %or3A_300 = arith.ori %eq3A_296, %eq3A_297 : vector<16xi1>
        tpu.vector_store_idx %arg8[%select_n3A_299], %broadcast_in_dim3A_3 masked %or3A_300 {add = true} : memref<32768xi32, #tpu.memory_space<vmem>>[vector<16xi32>], vector<16xi32>, vector<16xi1>
        %scan3A_301 = arith.constant 7 : i32
        %scan3A_302 = arith.addi %scan3A_113, %scan3A_301 : i32
        %mul3A_303 = arith.constant 1 : i32
        %mul3A_304 = arith.muli %scan3A_302, %mul3A_303 : i32
        %add3A_305 = arith.constant 0 : i32
        %add3A_306 = arith.addi %add3A_305, %mul3A_304 : i32
        %mul3A_307 = arith.constant 16 : i32
        %mul3A_308 = arith.muli %add3A_306, %mul3A_307 : i32
        %get3A_309 = arith.constant 0 : i32
        %get3A_310 = arith.index_cast %get3A_309 : i32 to index
        %get3A_311 = arith.index_cast %mul3A_308 : i32 to index
        %get3A_312 = tpu.vector_load %arg5[%get3A_310, %get3A_311] {strides = array<i32>} : memref<4x4096xi32, #tpu.memory_space<vmem>>, vector<16xi32>,
        %shift_right_arithmetic3A_313 = arith.shrsi %get3A_312, %broadcast_in_dim3A_7 : vector<16xi32>
        %or3A_314 = arith.ori %shift_right_arithmetic3A_313, %broadcast_in_dim3A_5 : vector<16xi32>
        %xor3A_315 = arith.xori %get3A_312, %or3A_314 : vector<16xi32>
        %shift_right_logical3A_316 = arith.shrui %xor3A_315, %broadcast_in_dim3A_9 : vector<16xi32>
        %shift_right_logical3A_317 = arith.shrui %xor3A_315, %broadcast_in_dim3A_11 : vector<16xi32>
        %and3A_318 = arith.andi %shift_right_logical3A_317, %broadcast_in_dim3A_13 : vector<16xi32>
        %eq3A_319 = arith.cmpi eq, %shift_right_logical3A_316, %get3A_16 : vector<16xi32>
        %eq3A_320 = arith.cmpi eq, %shift_right_logical3A_316, %get3A_18 : vector<16xi32>
        %or3A_321 = arith.ori %and3A_318, %broadcast_in_dim3A_15 : vector<16xi32>
        %select_n3A_322 = arith.select %eq3A_320, %or3A_321, %and3A_318 : vector<16xi1>, vector<16xi32>
        %or3A_323 = arith.ori %eq3A_319, %eq3A_320 : vector<16xi1>
        tpu.vector_store_idx %arg7[%select_n3A_322], %broadcast_in_dim3A_3 masked %or3A_323 {add = true} : memref<32768xi32, #tpu.memory_space<vmem>>[vector<16xi32>], vector<16xi32>, vector<16xi1>
        %eq3A_324 = arith.cmpi eq, %shift_right_logical3A_316, %get3A_20 : vector<16xi32>
        %eq3A_325 = arith.cmpi eq, %shift_right_logical3A_316, %get3A_22 : vector<16xi32>
        %or3A_326 = arith.ori %and3A_318, %broadcast_in_dim3A_15 : vector<16xi32>
        %select_n3A_327 = arith.select %eq3A_325, %or3A_326, %and3A_318 : vector<16xi1>, vector<16xi32>
        %or3A_328 = arith.ori %eq3A_324, %eq3A_325 : vector<16xi1>
        tpu.vector_store_idx %arg8[%select_n3A_327], %broadcast_in_dim3A_3 masked %or3A_328 {add = true} : memref<32768xi32, #tpu.memory_space<vmem>>[vector<16xi32>], vector<16xi32>, vector<16xi1>
      }
      %scan3A_64 = arith.constant 256 : i32
      %scan3A_65 = arith.constant 0 : i32
      %scan3A_66 = arith.constant 256 : i32
      %scan3A_67 = arith.addi %scan3A_65, %scan3A_66 : i32
      %scan3A_68 = arith.constant 8 : i32
      scf.for %scan3A_113 = %scan3A_65 to %scan3A_67 step %scan3A_68  : i32 {
        %mul3A_114 = arith.constant 1 : i32
        %mul3A_115 = arith.muli %scan3A_113, %mul3A_114 : i32
        %add3A_116 = arith.constant 0 : i32
        %add3A_117 = arith.addi %add3A_116, %mul3A_115 : i32
        %mul3A_118 = arith.constant 16 : i32
        %mul3A_119 = arith.muli %add3A_117, %mul3A_118 : i32
        %get3A_120 = arith.constant 1 : i32
        %get3A_121 = arith.index_cast %get3A_120 : i32 to index
        %get3A_122 = arith.index_cast %mul3A_119 : i32 to index
        %get3A_123 = tpu.vector_load %arg5[%get3A_121, %get3A_122] {strides = array<i32>} : memref<4x4096xi32, #tpu.memory_space<vmem>>, vector<16xi32>,
        %shift_right_arithmetic3A = arith.shrsi %get3A_123, %broadcast_in_dim3A_7 : vector<16xi32>
        %or3A = arith.ori %shift_right_arithmetic3A, %broadcast_in_dim3A_5 : vector<16xi32>
        %xor3A = arith.xori %get3A_123, %or3A : vector<16xi32>
        %shift_right_logical3A = arith.shrui %xor3A, %broadcast_in_dim3A_9 : vector<16xi32>
        %shift_right_logical3A_124 = arith.shrui %xor3A, %broadcast_in_dim3A_11 : vector<16xi32>
        %and3A = arith.andi %shift_right_logical3A_124, %broadcast_in_dim3A_13 : vector<16xi32>
        %eq3A = arith.cmpi eq, %shift_right_logical3A, %get3A_16 : vector<16xi32>
        %eq3A_125 = arith.cmpi eq, %shift_right_logical3A, %get3A_18 : vector<16xi32>
        %or3A_126 = arith.ori %and3A, %broadcast_in_dim3A_15 : vector<16xi32>
        %select_n3A = arith.select %eq3A_125, %or3A_126, %and3A : vector<16xi1>, vector<16xi32>
        %or3A_127 = arith.ori %eq3A, %eq3A_125 : vector<16xi1>
        tpu.vector_store_idx %arg7[%select_n3A], %broadcast_in_dim3A_3 masked %or3A_127 {add = true} : memref<32768xi32, #tpu.memory_space<vmem>>[vector<16xi32>], vector<16xi32>, vector<16xi1>
        %eq3A_128 = arith.cmpi eq, %shift_right_logical3A, %get3A_20 : vector<16xi32>
        %eq3A_129 = arith.cmpi eq, %shift_right_logical3A, %get3A_22 : vector<16xi32>
        %or3A_130 = arith.ori %and3A, %broadcast_in_dim3A_15 : vector<16xi32>
        %select_n3A_131 = arith.select %eq3A_129, %or3A_130, %and3A : vector<16xi1>, vector<16xi32>
        %or3A_132 = arith.ori %eq3A_128, %eq3A_129 : vector<16xi1>
        tpu.vector_store_idx %arg8[%select_n3A_131], %broadcast_in_dim3A_3 masked %or3A_132 {add = true} : memref<32768xi32, #tpu.memory_space<vmem>>[vector<16xi32>], vector<16xi32>, vector<16xi1>
        %scan3A_133 = arith.constant 1 : i32
        %scan3A_134 = arith.addi %scan3A_113, %scan3A_133 : i32
        %mul3A_135 = arith.constant 1 : i32
        %mul3A_136 = arith.muli %scan3A_134, %mul3A_135 : i32
        %add3A_137 = arith.constant 0 : i32
        %add3A_138 = arith.addi %add3A_137, %mul3A_136 : i32
        %mul3A_139 = arith.constant 16 : i32
        %mul3A_140 = arith.muli %add3A_138, %mul3A_139 : i32
        %get3A_141 = arith.constant 1 : i32
        %get3A_142 = arith.index_cast %get3A_141 : i32 to index
        %get3A_143 = arith.index_cast %mul3A_140 : i32 to index
        %get3A_144 = tpu.vector_load %arg5[%get3A_142, %get3A_143] {strides = array<i32>} : memref<4x4096xi32, #tpu.memory_space<vmem>>, vector<16xi32>,
        %shift_right_arithmetic3A_145 = arith.shrsi %get3A_144, %broadcast_in_dim3A_7 : vector<16xi32>
        %or3A_146 = arith.ori %shift_right_arithmetic3A_145, %broadcast_in_dim3A_5 : vector<16xi32>
        %xor3A_147 = arith.xori %get3A_144, %or3A_146 : vector<16xi32>
        %shift_right_logical3A_148 = arith.shrui %xor3A_147, %broadcast_in_dim3A_9 : vector<16xi32>
        %shift_right_logical3A_149 = arith.shrui %xor3A_147, %broadcast_in_dim3A_11 : vector<16xi32>
        %and3A_150 = arith.andi %shift_right_logical3A_149, %broadcast_in_dim3A_13 : vector<16xi32>
        %eq3A_151 = arith.cmpi eq, %shift_right_logical3A_148, %get3A_16 : vector<16xi32>
        %eq3A_152 = arith.cmpi eq, %shift_right_logical3A_148, %get3A_18 : vector<16xi32>
        %or3A_153 = arith.ori %and3A_150, %broadcast_in_dim3A_15 : vector<16xi32>
        %select_n3A_154 = arith.select %eq3A_152, %or3A_153, %and3A_150 : vector<16xi1>, vector<16xi32>
        %or3A_155 = arith.ori %eq3A_151, %eq3A_152 : vector<16xi1>
        tpu.vector_store_idx %arg7[%select_n3A_154], %broadcast_in_dim3A_3 masked %or3A_155 {add = true} : memref<32768xi32, #tpu.memory_space<vmem>>[vector<16xi32>], vector<16xi32>, vector<16xi1>
        %eq3A_156 = arith.cmpi eq, %shift_right_logical3A_148, %get3A_20 : vector<16xi32>
        %eq3A_157 = arith.cmpi eq, %shift_right_logical3A_148, %get3A_22 : vector<16xi32>
        %or3A_158 = arith.ori %and3A_150, %broadcast_in_dim3A_15 : vector<16xi32>
        %select_n3A_159 = arith.select %eq3A_157, %or3A_158, %and3A_150 : vector<16xi1>, vector<16xi32>
        %or3A_160 = arith.ori %eq3A_156, %eq3A_157 : vector<16xi1>
        tpu.vector_store_idx %arg8[%select_n3A_159], %broadcast_in_dim3A_3 masked %or3A_160 {add = true} : memref<32768xi32, #tpu.memory_space<vmem>>[vector<16xi32>], vector<16xi32>, vector<16xi1>
        %scan3A_161 = arith.constant 2 : i32
        %scan3A_162 = arith.addi %scan3A_113, %scan3A_161 : i32
        %mul3A_163 = arith.constant 1 : i32
        %mul3A_164 = arith.muli %scan3A_162, %mul3A_163 : i32
        %add3A_165 = arith.constant 0 : i32
        %add3A_166 = arith.addi %add3A_165, %mul3A_164 : i32
        %mul3A_167 = arith.constant 16 : i32
        %mul3A_168 = arith.muli %add3A_166, %mul3A_167 : i32
        %get3A_169 = arith.constant 1 : i32
        %get3A_170 = arith.index_cast %get3A_169 : i32 to index
        %get3A_171 = arith.index_cast %mul3A_168 : i32 to index
        %get3A_172 = tpu.vector_load %arg5[%get3A_170, %get3A_171] {strides = array<i32>} : memref<4x4096xi32, #tpu.memory_space<vmem>>, vector<16xi32>,
        %shift_right_arithmetic3A_173 = arith.shrsi %get3A_172, %broadcast_in_dim3A_7 : vector<16xi32>
        %or3A_174 = arith.ori %shift_right_arithmetic3A_173, %broadcast_in_dim3A_5 : vector<16xi32>
        %xor3A_175 = arith.xori %get3A_172, %or3A_174 : vector<16xi32>
        %shift_right_logical3A_176 = arith.shrui %xor3A_175, %broadcast_in_dim3A_9 : vector<16xi32>
        %shift_right_logical3A_177 = arith.shrui %xor3A_175, %broadcast_in_dim3A_11 : vector<16xi32>
        %and3A_178 = arith.andi %shift_right_logical3A_177, %broadcast_in_dim3A_13 : vector<16xi32>
        %eq3A_179 = arith.cmpi eq, %shift_right_logical3A_176, %get3A_16 : vector<16xi32>
        %eq3A_180 = arith.cmpi eq, %shift_right_logical3A_176, %get3A_18 : vector<16xi32>
        %or3A_181 = arith.ori %and3A_178, %broadcast_in_dim3A_15 : vector<16xi32>
        %select_n3A_182 = arith.select %eq3A_180, %or3A_181, %and3A_178 : vector<16xi1>, vector<16xi32>
        %or3A_183 = arith.ori %eq3A_179, %eq3A_180 : vector<16xi1>
        tpu.vector_store_idx %arg7[%select_n3A_182], %broadcast_in_dim3A_3 masked %or3A_183 {add = true} : memref<32768xi32, #tpu.memory_space<vmem>>[vector<16xi32>], vector<16xi32>, vector<16xi1>
        %eq3A_184 = arith.cmpi eq, %shift_right_logical3A_176, %get3A_20 : vector<16xi32>
        %eq3A_185 = arith.cmpi eq, %shift_right_logical3A_176, %get3A_22 : vector<16xi32>
        %or3A_186 = arith.ori %and3A_178, %broadcast_in_dim3A_15 : vector<16xi32>
        %select_n3A_187 = arith.select %eq3A_185, %or3A_186, %and3A_178 : vector<16xi1>, vector<16xi32>
        %or3A_188 = arith.ori %eq3A_184, %eq3A_185 : vector<16xi1>
        tpu.vector_store_idx %arg8[%select_n3A_187], %broadcast_in_dim3A_3 masked %or3A_188 {add = true} : memref<32768xi32, #tpu.memory_space<vmem>>[vector<16xi32>], vector<16xi32>, vector<16xi1>
        %scan3A_189 = arith.constant 3 : i32
        %scan3A_190 = arith.addi %scan3A_113, %scan3A_189 : i32
        %mul3A_191 = arith.constant 1 : i32
        %mul3A_192 = arith.muli %scan3A_190, %mul3A_191 : i32
        %add3A_193 = arith.constant 0 : i32
        %add3A_194 = arith.addi %add3A_193, %mul3A_192 : i32
        %mul3A_195 = arith.constant 16 : i32
        %mul3A_196 = arith.muli %add3A_194, %mul3A_195 : i32
        %get3A_197 = arith.constant 1 : i32
        %get3A_198 = arith.index_cast %get3A_197 : i32 to index
        %get3A_199 = arith.index_cast %mul3A_196 : i32 to index
        %get3A_200 = tpu.vector_load %arg5[%get3A_198, %get3A_199] {strides = array<i32>} : memref<4x4096xi32, #tpu.memory_space<vmem>>, vector<16xi32>,
        %shift_right_arithmetic3A_201 = arith.shrsi %get3A_200, %broadcast_in_dim3A_7 : vector<16xi32>
        %or3A_202 = arith.ori %shift_right_arithmetic3A_201, %broadcast_in_dim3A_5 : vector<16xi32>
        %xor3A_203 = arith.xori %get3A_200, %or3A_202 : vector<16xi32>
        %shift_right_logical3A_204 = arith.shrui %xor3A_203, %broadcast_in_dim3A_9 : vector<16xi32>
        %shift_right_logical3A_205 = arith.shrui %xor3A_203, %broadcast_in_dim3A_11 : vector<16xi32>
        %and3A_206 = arith.andi %shift_right_logical3A_205, %broadcast_in_dim3A_13 : vector<16xi32>
        %eq3A_207 = arith.cmpi eq, %shift_right_logical3A_204, %get3A_16 : vector<16xi32>
        %eq3A_208 = arith.cmpi eq, %shift_right_logical3A_204, %get3A_18 : vector<16xi32>
        %or3A_209 = arith.ori %and3A_206, %broadcast_in_dim3A_15 : vector<16xi32>
        %select_n3A_210 = arith.select %eq3A_208, %or3A_209, %and3A_206 : vector<16xi1>, vector<16xi32>
        %or3A_211 = arith.ori %eq3A_207, %eq3A_208 : vector<16xi1>
        tpu.vector_store_idx %arg7[%select_n3A_210], %broadcast_in_dim3A_3 masked %or3A_211 {add = true} : memref<32768xi32, #tpu.memory_space<vmem>>[vector<16xi32>], vector<16xi32>, vector<16xi1>
        %eq3A_212 = arith.cmpi eq, %shift_right_logical3A_204, %get3A_20 : vector<16xi32>
        %eq3A_213 = arith.cmpi eq, %shift_right_logical3A_204, %get3A_22 : vector<16xi32>
        %or3A_214 = arith.ori %and3A_206, %broadcast_in_dim3A_15 : vector<16xi32>
        %select_n3A_215 = arith.select %eq3A_213, %or3A_214, %and3A_206 : vector<16xi1>, vector<16xi32>
        %or3A_216 = arith.ori %eq3A_212, %eq3A_213 : vector<16xi1>
        tpu.vector_store_idx %arg8[%select_n3A_215], %broadcast_in_dim3A_3 masked %or3A_216 {add = true} : memref<32768xi32, #tpu.memory_space<vmem>>[vector<16xi32>], vector<16xi32>, vector<16xi1>
        %scan3A_217 = arith.constant 4 : i32
        %scan3A_218 = arith.addi %scan3A_113, %scan3A_217 : i32
        %mul3A_219 = arith.constant 1 : i32
        %mul3A_220 = arith.muli %scan3A_218, %mul3A_219 : i32
        %add3A_221 = arith.constant 0 : i32
        %add3A_222 = arith.addi %add3A_221, %mul3A_220 : i32
        %mul3A_223 = arith.constant 16 : i32
        %mul3A_224 = arith.muli %add3A_222, %mul3A_223 : i32
        %get3A_225 = arith.constant 1 : i32
        %get3A_226 = arith.index_cast %get3A_225 : i32 to index
        %get3A_227 = arith.index_cast %mul3A_224 : i32 to index
        %get3A_228 = tpu.vector_load %arg5[%get3A_226, %get3A_227] {strides = array<i32>} : memref<4x4096xi32, #tpu.memory_space<vmem>>, vector<16xi32>,
        %shift_right_arithmetic3A_229 = arith.shrsi %get3A_228, %broadcast_in_dim3A_7 : vector<16xi32>
        %or3A_230 = arith.ori %shift_right_arithmetic3A_229, %broadcast_in_dim3A_5 : vector<16xi32>
        %xor3A_231 = arith.xori %get3A_228, %or3A_230 : vector<16xi32>
        %shift_right_logical3A_232 = arith.shrui %xor3A_231, %broadcast_in_dim3A_9 : vector<16xi32>
        %shift_right_logical3A_233 = arith.shrui %xor3A_231, %broadcast_in_dim3A_11 : vector<16xi32>
        %and3A_234 = arith.andi %shift_right_logical3A_233, %broadcast_in_dim3A_13 : vector<16xi32>
        %eq3A_235 = arith.cmpi eq, %shift_right_logical3A_232, %get3A_16 : vector<16xi32>
        %eq3A_236 = arith.cmpi eq, %shift_right_logical3A_232, %get3A_18 : vector<16xi32>
        %or3A_237 = arith.ori %and3A_234, %broadcast_in_dim3A_15 : vector<16xi32>
        %select_n3A_238 = arith.select %eq3A_236, %or3A_237, %and3A_234 : vector<16xi1>, vector<16xi32>
        %or3A_239 = arith.ori %eq3A_235, %eq3A_236 : vector<16xi1>
        tpu.vector_store_idx %arg7[%select_n3A_238], %broadcast_in_dim3A_3 masked %or3A_239 {add = true} : memref<32768xi32, #tpu.memory_space<vmem>>[vector<16xi32>], vector<16xi32>, vector<16xi1>
        %eq3A_240 = arith.cmpi eq, %shift_right_logical3A_232, %get3A_20 : vector<16xi32>
        %eq3A_241 = arith.cmpi eq, %shift_right_logical3A_232, %get3A_22 : vector<16xi32>
        %or3A_242 = arith.ori %and3A_234, %broadcast_in_dim3A_15 : vector<16xi32>
        %select_n3A_243 = arith.select %eq3A_241, %or3A_242, %and3A_234 : vector<16xi1>, vector<16xi32>
        %or3A_244 = arith.ori %eq3A_240, %eq3A_241 : vector<16xi1>
        tpu.vector_store_idx %arg8[%select_n3A_243], %broadcast_in_dim3A_3 masked %or3A_244 {add = true} : memref<32768xi32, #tpu.memory_space<vmem>>[vector<16xi32>], vector<16xi32>, vector<16xi1>
        %scan3A_245 = arith.constant 5 : i32
        %scan3A_246 = arith.addi %scan3A_113, %scan3A_245 : i32
        %mul3A_247 = arith.constant 1 : i32
        %mul3A_248 = arith.muli %scan3A_246, %mul3A_247 : i32
        %add3A_249 = arith.constant 0 : i32
        %add3A_250 = arith.addi %add3A_249, %mul3A_248 : i32
        %mul3A_251 = arith.constant 16 : i32
        %mul3A_252 = arith.muli %add3A_250, %mul3A_251 : i32
        %get3A_253 = arith.constant 1 : i32
        %get3A_254 = arith.index_cast %get3A_253 : i32 to index
        %get3A_255 = arith.index_cast %mul3A_252 : i32 to index
        %get3A_256 = tpu.vector_load %arg5[%get3A_254, %get3A_255] {strides = array<i32>} : memref<4x4096xi32, #tpu.memory_space<vmem>>, vector<16xi32>,
        %shift_right_arithmetic3A_257 = arith.shrsi %get3A_256, %broadcast_in_dim3A_7 : vector<16xi32>
        %or3A_258 = arith.ori %shift_right_arithmetic3A_257, %broadcast_in_dim3A_5 : vector<16xi32>
        %xor3A_259 = arith.xori %get3A_256, %or3A_258 : vector<16xi32>
        %shift_right_logical3A_260 = arith.shrui %xor3A_259, %broadcast_in_dim3A_9 : vector<16xi32>
        %shift_right_logical3A_261 = arith.shrui %xor3A_259, %broadcast_in_dim3A_11 : vector<16xi32>
        %and3A_262 = arith.andi %shift_right_logical3A_261, %broadcast_in_dim3A_13 : vector<16xi32>
        %eq3A_263 = arith.cmpi eq, %shift_right_logical3A_260, %get3A_16 : vector<16xi32>
        %eq3A_264 = arith.cmpi eq, %shift_right_logical3A_260, %get3A_18 : vector<16xi32>
        %or3A_265 = arith.ori %and3A_262, %broadcast_in_dim3A_15 : vector<16xi32>
        %select_n3A_266 = arith.select %eq3A_264, %or3A_265, %and3A_262 : vector<16xi1>, vector<16xi32>
        %or3A_267 = arith.ori %eq3A_263, %eq3A_264 : vector<16xi1>
        tpu.vector_store_idx %arg7[%select_n3A_266], %broadcast_in_dim3A_3 masked %or3A_267 {add = true} : memref<32768xi32, #tpu.memory_space<vmem>>[vector<16xi32>], vector<16xi32>, vector<16xi1>
        %eq3A_268 = arith.cmpi eq, %shift_right_logical3A_260, %get3A_20 : vector<16xi32>
        %eq3A_269 = arith.cmpi eq, %shift_right_logical3A_260, %get3A_22 : vector<16xi32>
        %or3A_270 = arith.ori %and3A_262, %broadcast_in_dim3A_15 : vector<16xi32>
        %select_n3A_271 = arith.select %eq3A_269, %or3A_270, %and3A_262 : vector<16xi1>, vector<16xi32>
        %or3A_272 = arith.ori %eq3A_268, %eq3A_269 : vector<16xi1>
        tpu.vector_store_idx %arg8[%select_n3A_271], %broadcast_in_dim3A_3 masked %or3A_272 {add = true} : memref<32768xi32, #tpu.memory_space<vmem>>[vector<16xi32>], vector<16xi32>, vector<16xi1>
        %scan3A_273 = arith.constant 6 : i32
        %scan3A_274 = arith.addi %scan3A_113, %scan3A_273 : i32
        %mul3A_275 = arith.constant 1 : i32
        %mul3A_276 = arith.muli %scan3A_274, %mul3A_275 : i32
        %add3A_277 = arith.constant 0 : i32
        %add3A_278 = arith.addi %add3A_277, %mul3A_276 : i32
        %mul3A_279 = arith.constant 16 : i32
        %mul3A_280 = arith.muli %add3A_278, %mul3A_279 : i32
        %get3A_281 = arith.constant 1 : i32
        %get3A_282 = arith.index_cast %get3A_281 : i32 to index
        %get3A_283 = arith.index_cast %mul3A_280 : i32 to index
        %get3A_284 = tpu.vector_load %arg5[%get3A_282, %get3A_283] {strides = array<i32>} : memref<4x4096xi32, #tpu.memory_space<vmem>>, vector<16xi32>,
        %shift_right_arithmetic3A_285 = arith.shrsi %get3A_284, %broadcast_in_dim3A_7 : vector<16xi32>
        %or3A_286 = arith.ori %shift_right_arithmetic3A_285, %broadcast_in_dim3A_5 : vector<16xi32>
        %xor3A_287 = arith.xori %get3A_284, %or3A_286 : vector<16xi32>
        %shift_right_logical3A_288 = arith.shrui %xor3A_287, %broadcast_in_dim3A_9 : vector<16xi32>
        %shift_right_logical3A_289 = arith.shrui %xor3A_287, %broadcast_in_dim3A_11 : vector<16xi32>
        %and3A_290 = arith.andi %shift_right_logical3A_289, %broadcast_in_dim3A_13 : vector<16xi32>
        %eq3A_291 = arith.cmpi eq, %shift_right_logical3A_288, %get3A_16 : vector<16xi32>
        %eq3A_292 = arith.cmpi eq, %shift_right_logical3A_288, %get3A_18 : vector<16xi32>
        %or3A_293 = arith.ori %and3A_290, %broadcast_in_dim3A_15 : vector<16xi32>
        %select_n3A_294 = arith.select %eq3A_292, %or3A_293, %and3A_290 : vector<16xi1>, vector<16xi32>
        %or3A_295 = arith.ori %eq3A_291, %eq3A_292 : vector<16xi1>
        tpu.vector_store_idx %arg7[%select_n3A_294], %broadcast_in_dim3A_3 masked %or3A_295 {add = true} : memref<32768xi32, #tpu.memory_space<vmem>>[vector<16xi32>], vector<16xi32>, vector<16xi1>
        %eq3A_296 = arith.cmpi eq, %shift_right_logical3A_288, %get3A_20 : vector<16xi32>
        %eq3A_297 = arith.cmpi eq, %shift_right_logical3A_288, %get3A_22 : vector<16xi32>
        %or3A_298 = arith.ori %and3A_290, %broadcast_in_dim3A_15 : vector<16xi32>
        %select_n3A_299 = arith.select %eq3A_297, %or3A_298, %and3A_290 : vector<16xi1>, vector<16xi32>
        %or3A_300 = arith.ori %eq3A_296, %eq3A_297 : vector<16xi1>
        tpu.vector_store_idx %arg8[%select_n3A_299], %broadcast_in_dim3A_3 masked %or3A_300 {add = true} : memref<32768xi32, #tpu.memory_space<vmem>>[vector<16xi32>], vector<16xi32>, vector<16xi1>
        %scan3A_301 = arith.constant 7 : i32
        %scan3A_302 = arith.addi %scan3A_113, %scan3A_301 : i32
        %mul3A_303 = arith.constant 1 : i32
        %mul3A_304 = arith.muli %scan3A_302, %mul3A_303 : i32
        %add3A_305 = arith.constant 0 : i32
        %add3A_306 = arith.addi %add3A_305, %mul3A_304 : i32
        %mul3A_307 = arith.constant 16 : i32
        %mul3A_308 = arith.muli %add3A_306, %mul3A_307 : i32
        %get3A_309 = arith.constant 1 : i32
        %get3A_310 = arith.index_cast %get3A_309 : i32 to index
        %get3A_311 = arith.index_cast %mul3A_308 : i32 to index
        %get3A_312 = tpu.vector_load %arg5[%get3A_310, %get3A_311] {strides = array<i32>} : memref<4x4096xi32, #tpu.memory_space<vmem>>, vector<16xi32>,
        %shift_right_arithmetic3A_313 = arith.shrsi %get3A_312, %broadcast_in_dim3A_7 : vector<16xi32>
        %or3A_314 = arith.ori %shift_right_arithmetic3A_313, %broadcast_in_dim3A_5 : vector<16xi32>
        %xor3A_315 = arith.xori %get3A_312, %or3A_314 : vector<16xi32>
        %shift_right_logical3A_316 = arith.shrui %xor3A_315, %broadcast_in_dim3A_9 : vector<16xi32>
        %shift_right_logical3A_317 = arith.shrui %xor3A_315, %broadcast_in_dim3A_11 : vector<16xi32>
        %and3A_318 = arith.andi %shift_right_logical3A_317, %broadcast_in_dim3A_13 : vector<16xi32>
        %eq3A_319 = arith.cmpi eq, %shift_right_logical3A_316, %get3A_16 : vector<16xi32>
        %eq3A_320 = arith.cmpi eq, %shift_right_logical3A_316, %get3A_18 : vector<16xi32>
        %or3A_321 = arith.ori %and3A_318, %broadcast_in_dim3A_15 : vector<16xi32>
        %select_n3A_322 = arith.select %eq3A_320, %or3A_321, %and3A_318 : vector<16xi1>, vector<16xi32>
        %or3A_323 = arith.ori %eq3A_319, %eq3A_320 : vector<16xi1>
        tpu.vector_store_idx %arg7[%select_n3A_322], %broadcast_in_dim3A_3 masked %or3A_323 {add = true} : memref<32768xi32, #tpu.memory_space<vmem>>[vector<16xi32>], vector<16xi32>, vector<16xi1>
        %eq3A_324 = arith.cmpi eq, %shift_right_logical3A_316, %get3A_20 : vector<16xi32>
        %eq3A_325 = arith.cmpi eq, %shift_right_logical3A_316, %get3A_22 : vector<16xi32>
        %or3A_326 = arith.ori %and3A_318, %broadcast_in_dim3A_15 : vector<16xi32>
        %select_n3A_327 = arith.select %eq3A_325, %or3A_326, %and3A_318 : vector<16xi1>, vector<16xi32>
        %or3A_328 = arith.ori %eq3A_324, %eq3A_325 : vector<16xi1>
        tpu.vector_store_idx %arg8[%select_n3A_327], %broadcast_in_dim3A_3 masked %or3A_328 {add = true} : memref<32768xi32, #tpu.memory_space<vmem>>[vector<16xi32>], vector<16xi32>, vector<16xi1>
      }
      %scan3A_69 = arith.constant 256 : i32
      %scan3A_70 = arith.constant 0 : i32
      %scan3A_71 = arith.constant 256 : i32
      %scan3A_72 = arith.addi %scan3A_70, %scan3A_71 : i32
      %scan3A_73 = arith.constant 8 : i32
      scf.for %scan3A_113 = %scan3A_70 to %scan3A_72 step %scan3A_73  : i32 {
        %mul3A_114 = arith.constant 1 : i32
        %mul3A_115 = arith.muli %scan3A_113, %mul3A_114 : i32
        %add3A_116 = arith.constant 0 : i32
        %add3A_117 = arith.addi %add3A_116, %mul3A_115 : i32
        %mul3A_118 = arith.constant 16 : i32
        %mul3A_119 = arith.muli %add3A_117, %mul3A_118 : i32
        %get3A_120 = arith.constant 2 : i32
        %get3A_121 = arith.index_cast %get3A_120 : i32 to index
        %get3A_122 = arith.index_cast %mul3A_119 : i32 to index
        %get3A_123 = tpu.vector_load %arg5[%get3A_121, %get3A_122] {strides = array<i32>} : memref<4x4096xi32, #tpu.memory_space<vmem>>, vector<16xi32>,
        %shift_right_arithmetic3A = arith.shrsi %get3A_123, %broadcast_in_dim3A_7 : vector<16xi32>
        %or3A = arith.ori %shift_right_arithmetic3A, %broadcast_in_dim3A_5 : vector<16xi32>
        %xor3A = arith.xori %get3A_123, %or3A : vector<16xi32>
        %shift_right_logical3A = arith.shrui %xor3A, %broadcast_in_dim3A_9 : vector<16xi32>
        %shift_right_logical3A_124 = arith.shrui %xor3A, %broadcast_in_dim3A_11 : vector<16xi32>
        %and3A = arith.andi %shift_right_logical3A_124, %broadcast_in_dim3A_13 : vector<16xi32>
        %eq3A = arith.cmpi eq, %shift_right_logical3A, %get3A_16 : vector<16xi32>
        %eq3A_125 = arith.cmpi eq, %shift_right_logical3A, %get3A_18 : vector<16xi32>
        %or3A_126 = arith.ori %and3A, %broadcast_in_dim3A_15 : vector<16xi32>
        %select_n3A = arith.select %eq3A_125, %or3A_126, %and3A : vector<16xi1>, vector<16xi32>
        %or3A_127 = arith.ori %eq3A, %eq3A_125 : vector<16xi1>
        tpu.vector_store_idx %arg7[%select_n3A], %broadcast_in_dim3A_3 masked %or3A_127 {add = true} : memref<32768xi32, #tpu.memory_space<vmem>>[vector<16xi32>], vector<16xi32>, vector<16xi1>
        %eq3A_128 = arith.cmpi eq, %shift_right_logical3A, %get3A_20 : vector<16xi32>
        %eq3A_129 = arith.cmpi eq, %shift_right_logical3A, %get3A_22 : vector<16xi32>
        %or3A_130 = arith.ori %and3A, %broadcast_in_dim3A_15 : vector<16xi32>
        %select_n3A_131 = arith.select %eq3A_129, %or3A_130, %and3A : vector<16xi1>, vector<16xi32>
        %or3A_132 = arith.ori %eq3A_128, %eq3A_129 : vector<16xi1>
        tpu.vector_store_idx %arg8[%select_n3A_131], %broadcast_in_dim3A_3 masked %or3A_132 {add = true} : memref<32768xi32, #tpu.memory_space<vmem>>[vector<16xi32>], vector<16xi32>, vector<16xi1>
        %scan3A_133 = arith.constant 1 : i32
        %scan3A_134 = arith.addi %scan3A_113, %scan3A_133 : i32
        %mul3A_135 = arith.constant 1 : i32
        %mul3A_136 = arith.muli %scan3A_134, %mul3A_135 : i32
        %add3A_137 = arith.constant 0 : i32
        %add3A_138 = arith.addi %add3A_137, %mul3A_136 : i32
        %mul3A_139 = arith.constant 16 : i32
        %mul3A_140 = arith.muli %add3A_138, %mul3A_139 : i32
        %get3A_141 = arith.constant 2 : i32
        %get3A_142 = arith.index_cast %get3A_141 : i32 to index
        %get3A_143 = arith.index_cast %mul3A_140 : i32 to index
        %get3A_144 = tpu.vector_load %arg5[%get3A_142, %get3A_143] {strides = array<i32>} : memref<4x4096xi32, #tpu.memory_space<vmem>>, vector<16xi32>,
        %shift_right_arithmetic3A_145 = arith.shrsi %get3A_144, %broadcast_in_dim3A_7 : vector<16xi32>
        %or3A_146 = arith.ori %shift_right_arithmetic3A_145, %broadcast_in_dim3A_5 : vector<16xi32>
        %xor3A_147 = arith.xori %get3A_144, %or3A_146 : vector<16xi32>
        %shift_right_logical3A_148 = arith.shrui %xor3A_147, %broadcast_in_dim3A_9 : vector<16xi32>
        %shift_right_logical3A_149 = arith.shrui %xor3A_147, %broadcast_in_dim3A_11 : vector<16xi32>
        %and3A_150 = arith.andi %shift_right_logical3A_149, %broadcast_in_dim3A_13 : vector<16xi32>
        %eq3A_151 = arith.cmpi eq, %shift_right_logical3A_148, %get3A_16 : vector<16xi32>
        %eq3A_152 = arith.cmpi eq, %shift_right_logical3A_148, %get3A_18 : vector<16xi32>
        %or3A_153 = arith.ori %and3A_150, %broadcast_in_dim3A_15 : vector<16xi32>
        %select_n3A_154 = arith.select %eq3A_152, %or3A_153, %and3A_150 : vector<16xi1>, vector<16xi32>
        %or3A_155 = arith.ori %eq3A_151, %eq3A_152 : vector<16xi1>
        tpu.vector_store_idx %arg7[%select_n3A_154], %broadcast_in_dim3A_3 masked %or3A_155 {add = true} : memref<32768xi32, #tpu.memory_space<vmem>>[vector<16xi32>], vector<16xi32>, vector<16xi1>
        %eq3A_156 = arith.cmpi eq, %shift_right_logical3A_148, %get3A_20 : vector<16xi32>
        %eq3A_157 = arith.cmpi eq, %shift_right_logical3A_148, %get3A_22 : vector<16xi32>
        %or3A_158 = arith.ori %and3A_150, %broadcast_in_dim3A_15 : vector<16xi32>
        %select_n3A_159 = arith.select %eq3A_157, %or3A_158, %and3A_150 : vector<16xi1>, vector<16xi32>
        %or3A_160 = arith.ori %eq3A_156, %eq3A_157 : vector<16xi1>
        tpu.vector_store_idx %arg8[%select_n3A_159], %broadcast_in_dim3A_3 masked %or3A_160 {add = true} : memref<32768xi32, #tpu.memory_space<vmem>>[vector<16xi32>], vector<16xi32>, vector<16xi1>
        %scan3A_161 = arith.constant 2 : i32
        %scan3A_162 = arith.addi %scan3A_113, %scan3A_161 : i32
        %mul3A_163 = arith.constant 1 : i32
        %mul3A_164 = arith.muli %scan3A_162, %mul3A_163 : i32
        %add3A_165 = arith.constant 0 : i32
        %add3A_166 = arith.addi %add3A_165, %mul3A_164 : i32
        %mul3A_167 = arith.constant 16 : i32
        %mul3A_168 = arith.muli %add3A_166, %mul3A_167 : i32
        %get3A_169 = arith.constant 2 : i32
        %get3A_170 = arith.index_cast %get3A_169 : i32 to index
        %get3A_171 = arith.index_cast %mul3A_168 : i32 to index
        %get3A_172 = tpu.vector_load %arg5[%get3A_170, %get3A_171] {strides = array<i32>} : memref<4x4096xi32, #tpu.memory_space<vmem>>, vector<16xi32>,
        %shift_right_arithmetic3A_173 = arith.shrsi %get3A_172, %broadcast_in_dim3A_7 : vector<16xi32>
        %or3A_174 = arith.ori %shift_right_arithmetic3A_173, %broadcast_in_dim3A_5 : vector<16xi32>
        %xor3A_175 = arith.xori %get3A_172, %or3A_174 : vector<16xi32>
        %shift_right_logical3A_176 = arith.shrui %xor3A_175, %broadcast_in_dim3A_9 : vector<16xi32>
        %shift_right_logical3A_177 = arith.shrui %xor3A_175, %broadcast_in_dim3A_11 : vector<16xi32>
        %and3A_178 = arith.andi %shift_right_logical3A_177, %broadcast_in_dim3A_13 : vector<16xi32>
        %eq3A_179 = arith.cmpi eq, %shift_right_logical3A_176, %get3A_16 : vector<16xi32>
        %eq3A_180 = arith.cmpi eq, %shift_right_logical3A_176, %get3A_18 : vector<16xi32>
        %or3A_181 = arith.ori %and3A_178, %broadcast_in_dim3A_15 : vector<16xi32>
        %select_n3A_182 = arith.select %eq3A_180, %or3A_181, %and3A_178 : vector<16xi1>, vector<16xi32>
        %or3A_183 = arith.ori %eq3A_179, %eq3A_180 : vector<16xi1>
        tpu.vector_store_idx %arg7[%select_n3A_182], %broadcast_in_dim3A_3 masked %or3A_183 {add = true} : memref<32768xi32, #tpu.memory_space<vmem>>[vector<16xi32>], vector<16xi32>, vector<16xi1>
        %eq3A_184 = arith.cmpi eq, %shift_right_logical3A_176, %get3A_20 : vector<16xi32>
        %eq3A_185 = arith.cmpi eq, %shift_right_logical3A_176, %get3A_22 : vector<16xi32>
        %or3A_186 = arith.ori %and3A_178, %broadcast_in_dim3A_15 : vector<16xi32>
        %select_n3A_187 = arith.select %eq3A_185, %or3A_186, %and3A_178 : vector<16xi1>, vector<16xi32>
        %or3A_188 = arith.ori %eq3A_184, %eq3A_185 : vector<16xi1>
        tpu.vector_store_idx %arg8[%select_n3A_187], %broadcast_in_dim3A_3 masked %or3A_188 {add = true} : memref<32768xi32, #tpu.memory_space<vmem>>[vector<16xi32>], vector<16xi32>, vector<16xi1>
        %scan3A_189 = arith.constant 3 : i32
        %scan3A_190 = arith.addi %scan3A_113, %scan3A_189 : i32
        %mul3A_191 = arith.constant 1 : i32
        %mul3A_192 = arith.muli %scan3A_190, %mul3A_191 : i32
        %add3A_193 = arith.constant 0 : i32
        %add3A_194 = arith.addi %add3A_193, %mul3A_192 : i32
        %mul3A_195 = arith.constant 16 : i32
        %mul3A_196 = arith.muli %add3A_194, %mul3A_195 : i32
        %get3A_197 = arith.constant 2 : i32
        %get3A_198 = arith.index_cast %get3A_197 : i32 to index
        %get3A_199 = arith.index_cast %mul3A_196 : i32 to index
        %get3A_200 = tpu.vector_load %arg5[%get3A_198, %get3A_199] {strides = array<i32>} : memref<4x4096xi32, #tpu.memory_space<vmem>>, vector<16xi32>,
        %shift_right_arithmetic3A_201 = arith.shrsi %get3A_200, %broadcast_in_dim3A_7 : vector<16xi32>
        %or3A_202 = arith.ori %shift_right_arithmetic3A_201, %broadcast_in_dim3A_5 : vector<16xi32>
        %xor3A_203 = arith.xori %get3A_200, %or3A_202 : vector<16xi32>
        %shift_right_logical3A_204 = arith.shrui %xor3A_203, %broadcast_in_dim3A_9 : vector<16xi32>
        %shift_right_logical3A_205 = arith.shrui %xor3A_203, %broadcast_in_dim3A_11 : vector<16xi32>
        %and3A_206 = arith.andi %shift_right_logical3A_205, %broadcast_in_dim3A_13 : vector<16xi32>
        %eq3A_207 = arith.cmpi eq, %shift_right_logical3A_204, %get3A_16 : vector<16xi32>
        %eq3A_208 = arith.cmpi eq, %shift_right_logical3A_204, %get3A_18 : vector<16xi32>
        %or3A_209 = arith.ori %and3A_206, %broadcast_in_dim3A_15 : vector<16xi32>
        %select_n3A_210 = arith.select %eq3A_208, %or3A_209, %and3A_206 : vector<16xi1>, vector<16xi32>
        %or3A_211 = arith.ori %eq3A_207, %eq3A_208 : vector<16xi1>
        tpu.vector_store_idx %arg7[%select_n3A_210], %broadcast_in_dim3A_3 masked %or3A_211 {add = true} : memref<32768xi32, #tpu.memory_space<vmem>>[vector<16xi32>], vector<16xi32>, vector<16xi1>
        %eq3A_212 = arith.cmpi eq, %shift_right_logical3A_204, %get3A_20 : vector<16xi32>
        %eq3A_213 = arith.cmpi eq, %shift_right_logical3A_204, %get3A_22 : vector<16xi32>
        %or3A_214 = arith.ori %and3A_206, %broadcast_in_dim3A_15 : vector<16xi32>
        %select_n3A_215 = arith.select %eq3A_213, %or3A_214, %and3A_206 : vector<16xi1>, vector<16xi32>
        %or3A_216 = arith.ori %eq3A_212, %eq3A_213 : vector<16xi1>
        tpu.vector_store_idx %arg8[%select_n3A_215], %broadcast_in_dim3A_3 masked %or3A_216 {add = true} : memref<32768xi32, #tpu.memory_space<vmem>>[vector<16xi32>], vector<16xi32>, vector<16xi1>
        %scan3A_217 = arith.constant 4 : i32
        %scan3A_218 = arith.addi %scan3A_113, %scan3A_217 : i32
        %mul3A_219 = arith.constant 1 : i32
        %mul3A_220 = arith.muli %scan3A_218, %mul3A_219 : i32
        %add3A_221 = arith.constant 0 : i32
        %add3A_222 = arith.addi %add3A_221, %mul3A_220 : i32
        %mul3A_223 = arith.constant 16 : i32
        %mul3A_224 = arith.muli %add3A_222, %mul3A_223 : i32
        %get3A_225 = arith.constant 2 : i32
        %get3A_226 = arith.index_cast %get3A_225 : i32 to index
        %get3A_227 = arith.index_cast %mul3A_224 : i32 to index
        %get3A_228 = tpu.vector_load %arg5[%get3A_226, %get3A_227] {strides = array<i32>} : memref<4x4096xi32, #tpu.memory_space<vmem>>, vector<16xi32>,
        %shift_right_arithmetic3A_229 = arith.shrsi %get3A_228, %broadcast_in_dim3A_7 : vector<16xi32>
        %or3A_230 = arith.ori %shift_right_arithmetic3A_229, %broadcast_in_dim3A_5 : vector<16xi32>
        %xor3A_231 = arith.xori %get3A_228, %or3A_230 : vector<16xi32>
        %shift_right_logical3A_232 = arith.shrui %xor3A_231, %broadcast_in_dim3A_9 : vector<16xi32>
        %shift_right_logical3A_233 = arith.shrui %xor3A_231, %broadcast_in_dim3A_11 : vector<16xi32>
        %and3A_234 = arith.andi %shift_right_logical3A_233, %broadcast_in_dim3A_13 : vector<16xi32>
        %eq3A_235 = arith.cmpi eq, %shift_right_logical3A_232, %get3A_16 : vector<16xi32>
        %eq3A_236 = arith.cmpi eq, %shift_right_logical3A_232, %get3A_18 : vector<16xi32>
        %or3A_237 = arith.ori %and3A_234, %broadcast_in_dim3A_15 : vector<16xi32>
        %select_n3A_238 = arith.select %eq3A_236, %or3A_237, %and3A_234 : vector<16xi1>, vector<16xi32>
        %or3A_239 = arith.ori %eq3A_235, %eq3A_236 : vector<16xi1>
        tpu.vector_store_idx %arg7[%select_n3A_238], %broadcast_in_dim3A_3 masked %or3A_239 {add = true} : memref<32768xi32, #tpu.memory_space<vmem>>[vector<16xi32>], vector<16xi32>, vector<16xi1>
        %eq3A_240 = arith.cmpi eq, %shift_right_logical3A_232, %get3A_20 : vector<16xi32>
        %eq3A_241 = arith.cmpi eq, %shift_right_logical3A_232, %get3A_22 : vector<16xi32>
        %or3A_242 = arith.ori %and3A_234, %broadcast_in_dim3A_15 : vector<16xi32>
        %select_n3A_243 = arith.select %eq3A_241, %or3A_242, %and3A_234 : vector<16xi1>, vector<16xi32>
        %or3A_244 = arith.ori %eq3A_240, %eq3A_241 : vector<16xi1>
        tpu.vector_store_idx %arg8[%select_n3A_243], %broadcast_in_dim3A_3 masked %or3A_244 {add = true} : memref<32768xi32, #tpu.memory_space<vmem>>[vector<16xi32>], vector<16xi32>, vector<16xi1>
        %scan3A_245 = arith.constant 5 : i32
        %scan3A_246 = arith.addi %scan3A_113, %scan3A_245 : i32
        %mul3A_247 = arith.constant 1 : i32
        %mul3A_248 = arith.muli %scan3A_246, %mul3A_247 : i32
        %add3A_249 = arith.constant 0 : i32
        %add3A_250 = arith.addi %add3A_249, %mul3A_248 : i32
        %mul3A_251 = arith.constant 16 : i32
        %mul3A_252 = arith.muli %add3A_250, %mul3A_251 : i32
        %get3A_253 = arith.constant 2 : i32
        %get3A_254 = arith.index_cast %get3A_253 : i32 to index
        %get3A_255 = arith.index_cast %mul3A_252 : i32 to index
        %get3A_256 = tpu.vector_load %arg5[%get3A_254, %get3A_255] {strides = array<i32>} : memref<4x4096xi32, #tpu.memory_space<vmem>>, vector<16xi32>,
        %shift_right_arithmetic3A_257 = arith.shrsi %get3A_256, %broadcast_in_dim3A_7 : vector<16xi32>
        %or3A_258 = arith.ori %shift_right_arithmetic3A_257, %broadcast_in_dim3A_5 : vector<16xi32>
        %xor3A_259 = arith.xori %get3A_256, %or3A_258 : vector<16xi32>
        %shift_right_logical3A_260 = arith.shrui %xor3A_259, %broadcast_in_dim3A_9 : vector<16xi32>
        %shift_right_logical3A_261 = arith.shrui %xor3A_259, %broadcast_in_dim3A_11 : vector<16xi32>
        %and3A_262 = arith.andi %shift_right_logical3A_261, %broadcast_in_dim3A_13 : vector<16xi32>
        %eq3A_263 = arith.cmpi eq, %shift_right_logical3A_260, %get3A_16 : vector<16xi32>
        %eq3A_264 = arith.cmpi eq, %shift_right_logical3A_260, %get3A_18 : vector<16xi32>
        %or3A_265 = arith.ori %and3A_262, %broadcast_in_dim3A_15 : vector<16xi32>
        %select_n3A_266 = arith.select %eq3A_264, %or3A_265, %and3A_262 : vector<16xi1>, vector<16xi32>
        %or3A_267 = arith.ori %eq3A_263, %eq3A_264 : vector<16xi1>
        tpu.vector_store_idx %arg7[%select_n3A_266], %broadcast_in_dim3A_3 masked %or3A_267 {add = true} : memref<32768xi32, #tpu.memory_space<vmem>>[vector<16xi32>], vector<16xi32>, vector<16xi1>
        %eq3A_268 = arith.cmpi eq, %shift_right_logical3A_260, %get3A_20 : vector<16xi32>
        %eq3A_269 = arith.cmpi eq, %shift_right_logical3A_260, %get3A_22 : vector<16xi32>
        %or3A_270 = arith.ori %and3A_262, %broadcast_in_dim3A_15 : vector<16xi32>
        %select_n3A_271 = arith.select %eq3A_269, %or3A_270, %and3A_262 : vector<16xi1>, vector<16xi32>
        %or3A_272 = arith.ori %eq3A_268, %eq3A_269 : vector<16xi1>
        tpu.vector_store_idx %arg8[%select_n3A_271], %broadcast_in_dim3A_3 masked %or3A_272 {add = true} : memref<32768xi32, #tpu.memory_space<vmem>>[vector<16xi32>], vector<16xi32>, vector<16xi1>
        %scan3A_273 = arith.constant 6 : i32
        %scan3A_274 = arith.addi %scan3A_113, %scan3A_273 : i32
        %mul3A_275 = arith.constant 1 : i32
        %mul3A_276 = arith.muli %scan3A_274, %mul3A_275 : i32
        %add3A_277 = arith.constant 0 : i32
        %add3A_278 = arith.addi %add3A_277, %mul3A_276 : i32
        %mul3A_279 = arith.constant 16 : i32
        %mul3A_280 = arith.muli %add3A_278, %mul3A_279 : i32
        %get3A_281 = arith.constant 2 : i32
        %get3A_282 = arith.index_cast %get3A_281 : i32 to index
        %get3A_283 = arith.index_cast %mul3A_280 : i32 to index
        %get3A_284 = tpu.vector_load %arg5[%get3A_282, %get3A_283] {strides = array<i32>} : memref<4x4096xi32, #tpu.memory_space<vmem>>, vector<16xi32>,
        %shift_right_arithmetic3A_285 = arith.shrsi %get3A_284, %broadcast_in_dim3A_7 : vector<16xi32>
        %or3A_286 = arith.ori %shift_right_arithmetic3A_285, %broadcast_in_dim3A_5 : vector<16xi32>
        %xor3A_287 = arith.xori %get3A_284, %or3A_286 : vector<16xi32>
        %shift_right_logical3A_288 = arith.shrui %xor3A_287, %broadcast_in_dim3A_9 : vector<16xi32>
        %shift_right_logical3A_289 = arith.shrui %xor3A_287, %broadcast_in_dim3A_11 : vector<16xi32>
        %and3A_290 = arith.andi %shift_right_logical3A_289, %broadcast_in_dim3A_13 : vector<16xi32>
        %eq3A_291 = arith.cmpi eq, %shift_right_logical3A_288, %get3A_16 : vector<16xi32>
        %eq3A_292 = arith.cmpi eq, %shift_right_logical3A_288, %get3A_18 : vector<16xi32>
        %or3A_293 = arith.ori %and3A_290, %broadcast_in_dim3A_15 : vector<16xi32>
        %select_n3A_294 = arith.select %eq3A_292, %or3A_293, %and3A_290 : vector<16xi1>, vector<16xi32>
        %or3A_295 = arith.ori %eq3A_291, %eq3A_292 : vector<16xi1>
        tpu.vector_store_idx %arg7[%select_n3A_294], %broadcast_in_dim3A_3 masked %or3A_295 {add = true} : memref<32768xi32, #tpu.memory_space<vmem>>[vector<16xi32>], vector<16xi32>, vector<16xi1>
        %eq3A_296 = arith.cmpi eq, %shift_right_logical3A_288, %get3A_20 : vector<16xi32>
        %eq3A_297 = arith.cmpi eq, %shift_right_logical3A_288, %get3A_22 : vector<16xi32>
        %or3A_298 = arith.ori %and3A_290, %broadcast_in_dim3A_15 : vector<16xi32>
        %select_n3A_299 = arith.select %eq3A_297, %or3A_298, %and3A_290 : vector<16xi1>, vector<16xi32>
        %or3A_300 = arith.ori %eq3A_296, %eq3A_297 : vector<16xi1>
        tpu.vector_store_idx %arg8[%select_n3A_299], %broadcast_in_dim3A_3 masked %or3A_300 {add = true} : memref<32768xi32, #tpu.memory_space<vmem>>[vector<16xi32>], vector<16xi32>, vector<16xi1>
        %scan3A_301 = arith.constant 7 : i32
        %scan3A_302 = arith.addi %scan3A_113, %scan3A_301 : i32
        %mul3A_303 = arith.constant 1 : i32
        %mul3A_304 = arith.muli %scan3A_302, %mul3A_303 : i32
        %add3A_305 = arith.constant 0 : i32
        %add3A_306 = arith.addi %add3A_305, %mul3A_304 : i32
        %mul3A_307 = arith.constant 16 : i32
        %mul3A_308 = arith.muli %add3A_306, %mul3A_307 : i32
        %get3A_309 = arith.constant 2 : i32
        %get3A_310 = arith.index_cast %get3A_309 : i32 to index
        %get3A_311 = arith.index_cast %mul3A_308 : i32 to index
        %get3A_312 = tpu.vector_load %arg5[%get3A_310, %get3A_311] {strides = array<i32>} : memref<4x4096xi32, #tpu.memory_space<vmem>>, vector<16xi32>,
        %shift_right_arithmetic3A_313 = arith.shrsi %get3A_312, %broadcast_in_dim3A_7 : vector<16xi32>
        %or3A_314 = arith.ori %shift_right_arithmetic3A_313, %broadcast_in_dim3A_5 : vector<16xi32>
        %xor3A_315 = arith.xori %get3A_312, %or3A_314 : vector<16xi32>
        %shift_right_logical3A_316 = arith.shrui %xor3A_315, %broadcast_in_dim3A_9 : vector<16xi32>
        %shift_right_logical3A_317 = arith.shrui %xor3A_315, %broadcast_in_dim3A_11 : vector<16xi32>
        %and3A_318 = arith.andi %shift_right_logical3A_317, %broadcast_in_dim3A_13 : vector<16xi32>
        %eq3A_319 = arith.cmpi eq, %shift_right_logical3A_316, %get3A_16 : vector<16xi32>
        %eq3A_320 = arith.cmpi eq, %shift_right_logical3A_316, %get3A_18 : vector<16xi32>
        %or3A_321 = arith.ori %and3A_318, %broadcast_in_dim3A_15 : vector<16xi32>
        %select_n3A_322 = arith.select %eq3A_320, %or3A_321, %and3A_318 : vector<16xi1>, vector<16xi32>
        %or3A_323 = arith.ori %eq3A_319, %eq3A_320 : vector<16xi1>
        tpu.vector_store_idx %arg7[%select_n3A_322], %broadcast_in_dim3A_3 masked %or3A_323 {add = true} : memref<32768xi32, #tpu.memory_space<vmem>>[vector<16xi32>], vector<16xi32>, vector<16xi1>
        %eq3A_324 = arith.cmpi eq, %shift_right_logical3A_316, %get3A_20 : vector<16xi32>
        %eq3A_325 = arith.cmpi eq, %shift_right_logical3A_316, %get3A_22 : vector<16xi32>
        %or3A_326 = arith.ori %and3A_318, %broadcast_in_dim3A_15 : vector<16xi32>
        %select_n3A_327 = arith.select %eq3A_325, %or3A_326, %and3A_318 : vector<16xi1>, vector<16xi32>
        %or3A_328 = arith.ori %eq3A_324, %eq3A_325 : vector<16xi1>
        tpu.vector_store_idx %arg8[%select_n3A_327], %broadcast_in_dim3A_3 masked %or3A_328 {add = true} : memref<32768xi32, #tpu.memory_space<vmem>>[vector<16xi32>], vector<16xi32>, vector<16xi1>
      }
      %scan3A_74 = arith.constant 256 : i32
      %scan3A_75 = arith.constant 0 : i32
      %scan3A_76 = arith.constant 256 : i32
      %scan3A_77 = arith.addi %scan3A_75, %scan3A_76 : i32
      %scan3A_78 = arith.constant 8 : i32
      scf.for %scan3A_113 = %scan3A_75 to %scan3A_77 step %scan3A_78  : i32 {
        %mul3A_114 = arith.constant 1 : i32
        %mul3A_115 = arith.muli %scan3A_113, %mul3A_114 : i32
        %add3A_116 = arith.constant 0 : i32
        %add3A_117 = arith.addi %add3A_116, %mul3A_115 : i32
        %mul3A_118 = arith.constant 16 : i32
        %mul3A_119 = arith.muli %add3A_117, %mul3A_118 : i32
        %get3A_120 = arith.constant 3 : i32
        %get3A_121 = arith.index_cast %get3A_120 : i32 to index
        %get3A_122 = arith.index_cast %mul3A_119 : i32 to index
        %get3A_123 = tpu.vector_load %arg5[%get3A_121, %get3A_122] {strides = array<i32>} : memref<4x4096xi32, #tpu.memory_space<vmem>>, vector<16xi32>,
        %shift_right_arithmetic3A = arith.shrsi %get3A_123, %broadcast_in_dim3A_7 : vector<16xi32>
        %or3A = arith.ori %shift_right_arithmetic3A, %broadcast_in_dim3A_5 : vector<16xi32>
        %xor3A = arith.xori %get3A_123, %or3A : vector<16xi32>
        %shift_right_logical3A = arith.shrui %xor3A, %broadcast_in_dim3A_9 : vector<16xi32>
        %shift_right_logical3A_124 = arith.shrui %xor3A, %broadcast_in_dim3A_11 : vector<16xi32>
        %and3A = arith.andi %shift_right_logical3A_124, %broadcast_in_dim3A_13 : vector<16xi32>
        %eq3A = arith.cmpi eq, %shift_right_logical3A, %get3A_16 : vector<16xi32>
        %eq3A_125 = arith.cmpi eq, %shift_right_logical3A, %get3A_18 : vector<16xi32>
        %or3A_126 = arith.ori %and3A, %broadcast_in_dim3A_15 : vector<16xi32>
        %select_n3A = arith.select %eq3A_125, %or3A_126, %and3A : vector<16xi1>, vector<16xi32>
        %or3A_127 = arith.ori %eq3A, %eq3A_125 : vector<16xi1>
        tpu.vector_store_idx %arg7[%select_n3A], %broadcast_in_dim3A_3 masked %or3A_127 {add = true} : memref<32768xi32, #tpu.memory_space<vmem>>[vector<16xi32>], vector<16xi32>, vector<16xi1>
        %eq3A_128 = arith.cmpi eq, %shift_right_logical3A, %get3A_20 : vector<16xi32>
        %eq3A_129 = arith.cmpi eq, %shift_right_logical3A, %get3A_22 : vector<16xi32>
        %or3A_130 = arith.ori %and3A, %broadcast_in_dim3A_15 : vector<16xi32>
        %select_n3A_131 = arith.select %eq3A_129, %or3A_130, %and3A : vector<16xi1>, vector<16xi32>
        %or3A_132 = arith.ori %eq3A_128, %eq3A_129 : vector<16xi1>
        tpu.vector_store_idx %arg8[%select_n3A_131], %broadcast_in_dim3A_3 masked %or3A_132 {add = true} : memref<32768xi32, #tpu.memory_space<vmem>>[vector<16xi32>], vector<16xi32>, vector<16xi1>
        %scan3A_133 = arith.constant 1 : i32
        %scan3A_134 = arith.addi %scan3A_113, %scan3A_133 : i32
        %mul3A_135 = arith.constant 1 : i32
        %mul3A_136 = arith.muli %scan3A_134, %mul3A_135 : i32
        %add3A_137 = arith.constant 0 : i32
        %add3A_138 = arith.addi %add3A_137, %mul3A_136 : i32
        %mul3A_139 = arith.constant 16 : i32
        %mul3A_140 = arith.muli %add3A_138, %mul3A_139 : i32
        %get3A_141 = arith.constant 3 : i32
        %get3A_142 = arith.index_cast %get3A_141 : i32 to index
        %get3A_143 = arith.index_cast %mul3A_140 : i32 to index
        %get3A_144 = tpu.vector_load %arg5[%get3A_142, %get3A_143] {strides = array<i32>} : memref<4x4096xi32, #tpu.memory_space<vmem>>, vector<16xi32>,
        %shift_right_arithmetic3A_145 = arith.shrsi %get3A_144, %broadcast_in_dim3A_7 : vector<16xi32>
        %or3A_146 = arith.ori %shift_right_arithmetic3A_145, %broadcast_in_dim3A_5 : vector<16xi32>
        %xor3A_147 = arith.xori %get3A_144, %or3A_146 : vector<16xi32>
        %shift_right_logical3A_148 = arith.shrui %xor3A_147, %broadcast_in_dim3A_9 : vector<16xi32>
        %shift_right_logical3A_149 = arith.shrui %xor3A_147, %broadcast_in_dim3A_11 : vector<16xi32>
        %and3A_150 = arith.andi %shift_right_logical3A_149, %broadcast_in_dim3A_13 : vector<16xi32>
        %eq3A_151 = arith.cmpi eq, %shift_right_logical3A_148, %get3A_16 : vector<16xi32>
        %eq3A_152 = arith.cmpi eq, %shift_right_logical3A_148, %get3A_18 : vector<16xi32>
        %or3A_153 = arith.ori %and3A_150, %broadcast_in_dim3A_15 : vector<16xi32>
        %select_n3A_154 = arith.select %eq3A_152, %or3A_153, %and3A_150 : vector<16xi1>, vector<16xi32>
        %or3A_155 = arith.ori %eq3A_151, %eq3A_152 : vector<16xi1>
        tpu.vector_store_idx %arg7[%select_n3A_154], %broadcast_in_dim3A_3 masked %or3A_155 {add = true} : memref<32768xi32, #tpu.memory_space<vmem>>[vector<16xi32>], vector<16xi32>, vector<16xi1>
        %eq3A_156 = arith.cmpi eq, %shift_right_logical3A_148, %get3A_20 : vector<16xi32>
        %eq3A_157 = arith.cmpi eq, %shift_right_logical3A_148, %get3A_22 : vector<16xi32>
        %or3A_158 = arith.ori %and3A_150, %broadcast_in_dim3A_15 : vector<16xi32>
        %select_n3A_159 = arith.select %eq3A_157, %or3A_158, %and3A_150 : vector<16xi1>, vector<16xi32>
        %or3A_160 = arith.ori %eq3A_156, %eq3A_157 : vector<16xi1>
        tpu.vector_store_idx %arg8[%select_n3A_159], %broadcast_in_dim3A_3 masked %or3A_160 {add = true} : memref<32768xi32, #tpu.memory_space<vmem>>[vector<16xi32>], vector<16xi32>, vector<16xi1>
        %scan3A_161 = arith.constant 2 : i32
        %scan3A_162 = arith.addi %scan3A_113, %scan3A_161 : i32
        %mul3A_163 = arith.constant 1 : i32
        %mul3A_164 = arith.muli %scan3A_162, %mul3A_163 : i32
        %add3A_165 = arith.constant 0 : i32
        %add3A_166 = arith.addi %add3A_165, %mul3A_164 : i32
        %mul3A_167 = arith.constant 16 : i32
        %mul3A_168 = arith.muli %add3A_166, %mul3A_167 : i32
        %get3A_169 = arith.constant 3 : i32
        %get3A_170 = arith.index_cast %get3A_169 : i32 to index
        %get3A_171 = arith.index_cast %mul3A_168 : i32 to index
        %get3A_172 = tpu.vector_load %arg5[%get3A_170, %get3A_171] {strides = array<i32>} : memref<4x4096xi32, #tpu.memory_space<vmem>>, vector<16xi32>,
        %shift_right_arithmetic3A_173 = arith.shrsi %get3A_172, %broadcast_in_dim3A_7 : vector<16xi32>
        %or3A_174 = arith.ori %shift_right_arithmetic3A_173, %broadcast_in_dim3A_5 : vector<16xi32>
        %xor3A_175 = arith.xori %get3A_172, %or3A_174 : vector<16xi32>
        %shift_right_logical3A_176 = arith.shrui %xor3A_175, %broadcast_in_dim3A_9 : vector<16xi32>
        %shift_right_logical3A_177 = arith.shrui %xor3A_175, %broadcast_in_dim3A_11 : vector<16xi32>
        %and3A_178 = arith.andi %shift_right_logical3A_177, %broadcast_in_dim3A_13 : vector<16xi32>
        %eq3A_179 = arith.cmpi eq, %shift_right_logical3A_176, %get3A_16 : vector<16xi32>
        %eq3A_180 = arith.cmpi eq, %shift_right_logical3A_176, %get3A_18 : vector<16xi32>
        %or3A_181 = arith.ori %and3A_178, %broadcast_in_dim3A_15 : vector<16xi32>
        %select_n3A_182 = arith.select %eq3A_180, %or3A_181, %and3A_178 : vector<16xi1>, vector<16xi32>
        %or3A_183 = arith.ori %eq3A_179, %eq3A_180 : vector<16xi1>
        tpu.vector_store_idx %arg7[%select_n3A_182], %broadcast_in_dim3A_3 masked %or3A_183 {add = true} : memref<32768xi32, #tpu.memory_space<vmem>>[vector<16xi32>], vector<16xi32>, vector<16xi1>
        %eq3A_184 = arith.cmpi eq, %shift_right_logical3A_176, %get3A_20 : vector<16xi32>
        %eq3A_185 = arith.cmpi eq, %shift_right_logical3A_176, %get3A_22 : vector<16xi32>
        %or3A_186 = arith.ori %and3A_178, %broadcast_in_dim3A_15 : vector<16xi32>
        %select_n3A_187 = arith.select %eq3A_185, %or3A_186, %and3A_178 : vector<16xi1>, vector<16xi32>
        %or3A_188 = arith.ori %eq3A_184, %eq3A_185 : vector<16xi1>
        tpu.vector_store_idx %arg8[%select_n3A_187], %broadcast_in_dim3A_3 masked %or3A_188 {add = true} : memref<32768xi32, #tpu.memory_space<vmem>>[vector<16xi32>], vector<16xi32>, vector<16xi1>
        %scan3A_189 = arith.constant 3 : i32
        %scan3A_190 = arith.addi %scan3A_113, %scan3A_189 : i32
        %mul3A_191 = arith.constant 1 : i32
        %mul3A_192 = arith.muli %scan3A_190, %mul3A_191 : i32
        %add3A_193 = arith.constant 0 : i32
        %add3A_194 = arith.addi %add3A_193, %mul3A_192 : i32
        %mul3A_195 = arith.constant 16 : i32
        %mul3A_196 = arith.muli %add3A_194, %mul3A_195 : i32
        %get3A_197 = arith.constant 3 : i32
        %get3A_198 = arith.index_cast %get3A_197 : i32 to index
        %get3A_199 = arith.index_cast %mul3A_196 : i32 to index
        %get3A_200 = tpu.vector_load %arg5[%get3A_198, %get3A_199] {strides = array<i32>} : memref<4x4096xi32, #tpu.memory_space<vmem>>, vector<16xi32>,
        %shift_right_arithmetic3A_201 = arith.shrsi %get3A_200, %broadcast_in_dim3A_7 : vector<16xi32>
        %or3A_202 = arith.ori %shift_right_arithmetic3A_201, %broadcast_in_dim3A_5 : vector<16xi32>
        %xor3A_203 = arith.xori %get3A_200, %or3A_202 : vector<16xi32>
        %shift_right_logical3A_204 = arith.shrui %xor3A_203, %broadcast_in_dim3A_9 : vector<16xi32>
        %shift_right_logical3A_205 = arith.shrui %xor3A_203, %broadcast_in_dim3A_11 : vector<16xi32>
        %and3A_206 = arith.andi %shift_right_logical3A_205, %broadcast_in_dim3A_13 : vector<16xi32>
        %eq3A_207 = arith.cmpi eq, %shift_right_logical3A_204, %get3A_16 : vector<16xi32>
        %eq3A_208 = arith.cmpi eq, %shift_right_logical3A_204, %get3A_18 : vector<16xi32>
        %or3A_209 = arith.ori %and3A_206, %broadcast_in_dim3A_15 : vector<16xi32>
        %select_n3A_210 = arith.select %eq3A_208, %or3A_209, %and3A_206 : vector<16xi1>, vector<16xi32>
        %or3A_211 = arith.ori %eq3A_207, %eq3A_208 : vector<16xi1>
        tpu.vector_store_idx %arg7[%select_n3A_210], %broadcast_in_dim3A_3 masked %or3A_211 {add = true} : memref<32768xi32, #tpu.memory_space<vmem>>[vector<16xi32>], vector<16xi32>, vector<16xi1>
        %eq3A_212 = arith.cmpi eq, %shift_right_logical3A_204, %get3A_20 : vector<16xi32>
        %eq3A_213 = arith.cmpi eq, %shift_right_logical3A_204, %get3A_22 : vector<16xi32>
        %or3A_214 = arith.ori %and3A_206, %broadcast_in_dim3A_15 : vector<16xi32>
        %select_n3A_215 = arith.select %eq3A_213, %or3A_214, %and3A_206 : vector<16xi1>, vector<16xi32>
        %or3A_216 = arith.ori %eq3A_212, %eq3A_213 : vector<16xi1>
        tpu.vector_store_idx %arg8[%select_n3A_215], %broadcast_in_dim3A_3 masked %or3A_216 {add = true} : memref<32768xi32, #tpu.memory_space<vmem>>[vector<16xi32>], vector<16xi32>, vector<16xi1>
        %scan3A_217 = arith.constant 4 : i32
        %scan3A_218 = arith.addi %scan3A_113, %scan3A_217 : i32
        %mul3A_219 = arith.constant 1 : i32
        %mul3A_220 = arith.muli %scan3A_218, %mul3A_219 : i32
        %add3A_221 = arith.constant 0 : i32
        %add3A_222 = arith.addi %add3A_221, %mul3A_220 : i32
        %mul3A_223 = arith.constant 16 : i32
        %mul3A_224 = arith.muli %add3A_222, %mul3A_223 : i32
        %get3A_225 = arith.constant 3 : i32
        %get3A_226 = arith.index_cast %get3A_225 : i32 to index
        %get3A_227 = arith.index_cast %mul3A_224 : i32 to index
        %get3A_228 = tpu.vector_load %arg5[%get3A_226, %get3A_227] {strides = array<i32>} : memref<4x4096xi32, #tpu.memory_space<vmem>>, vector<16xi32>,
        %shift_right_arithmetic3A_229 = arith.shrsi %get3A_228, %broadcast_in_dim3A_7 : vector<16xi32>
        %or3A_230 = arith.ori %shift_right_arithmetic3A_229, %broadcast_in_dim3A_5 : vector<16xi32>
        %xor3A_231 = arith.xori %get3A_228, %or3A_230 : vector<16xi32>
        %shift_right_logical3A_232 = arith.shrui %xor3A_231, %broadcast_in_dim3A_9 : vector<16xi32>
        %shift_right_logical3A_233 = arith.shrui %xor3A_231, %broadcast_in_dim3A_11 : vector<16xi32>
        %and3A_234 = arith.andi %shift_right_logical3A_233, %broadcast_in_dim3A_13 : vector<16xi32>
        %eq3A_235 = arith.cmpi eq, %shift_right_logical3A_232, %get3A_16 : vector<16xi32>
        %eq3A_236 = arith.cmpi eq, %shift_right_logical3A_232, %get3A_18 : vector<16xi32>
        %or3A_237 = arith.ori %and3A_234, %broadcast_in_dim3A_15 : vector<16xi32>
        %select_n3A_238 = arith.select %eq3A_236, %or3A_237, %and3A_234 : vector<16xi1>, vector<16xi32>
        %or3A_239 = arith.ori %eq3A_235, %eq3A_236 : vector<16xi1>
        tpu.vector_store_idx %arg7[%select_n3A_238], %broadcast_in_dim3A_3 masked %or3A_239 {add = true} : memref<32768xi32, #tpu.memory_space<vmem>>[vector<16xi32>], vector<16xi32>, vector<16xi1>
        %eq3A_240 = arith.cmpi eq, %shift_right_logical3A_232, %get3A_20 : vector<16xi32>
        %eq3A_241 = arith.cmpi eq, %shift_right_logical3A_232, %get3A_22 : vector<16xi32>
        %or3A_242 = arith.ori %and3A_234, %broadcast_in_dim3A_15 : vector<16xi32>
        %select_n3A_243 = arith.select %eq3A_241, %or3A_242, %and3A_234 : vector<16xi1>, vector<16xi32>
        %or3A_244 = arith.ori %eq3A_240, %eq3A_241 : vector<16xi1>
        tpu.vector_store_idx %arg8[%select_n3A_243], %broadcast_in_dim3A_3 masked %or3A_244 {add = true} : memref<32768xi32, #tpu.memory_space<vmem>>[vector<16xi32>], vector<16xi32>, vector<16xi1>
        %scan3A_245 = arith.constant 5 : i32
        %scan3A_246 = arith.addi %scan3A_113, %scan3A_245 : i32
        %mul3A_247 = arith.constant 1 : i32
        %mul3A_248 = arith.muli %scan3A_246, %mul3A_247 : i32
        %add3A_249 = arith.constant 0 : i32
        %add3A_250 = arith.addi %add3A_249, %mul3A_248 : i32
        %mul3A_251 = arith.constant 16 : i32
        %mul3A_252 = arith.muli %add3A_250, %mul3A_251 : i32
        %get3A_253 = arith.constant 3 : i32
        %get3A_254 = arith.index_cast %get3A_253 : i32 to index
        %get3A_255 = arith.index_cast %mul3A_252 : i32 to index
        %get3A_256 = tpu.vector_load %arg5[%get3A_254, %get3A_255] {strides = array<i32>} : memref<4x4096xi32, #tpu.memory_space<vmem>>, vector<16xi32>,
        %shift_right_arithmetic3A_257 = arith.shrsi %get3A_256, %broadcast_in_dim3A_7 : vector<16xi32>
        %or3A_258 = arith.ori %shift_right_arithmetic3A_257, %broadcast_in_dim3A_5 : vector<16xi32>
        %xor3A_259 = arith.xori %get3A_256, %or3A_258 : vector<16xi32>
        %shift_right_logical3A_260 = arith.shrui %xor3A_259, %broadcast_in_dim3A_9 : vector<16xi32>
        %shift_right_logical3A_261 = arith.shrui %xor3A_259, %broadcast_in_dim3A_11 : vector<16xi32>
        %and3A_262 = arith.andi %shift_right_logical3A_261, %broadcast_in_dim3A_13 : vector<16xi32>
        %eq3A_263 = arith.cmpi eq, %shift_right_logical3A_260, %get3A_16 : vector<16xi32>
        %eq3A_264 = arith.cmpi eq, %shift_right_logical3A_260, %get3A_18 : vector<16xi32>
        %or3A_265 = arith.ori %and3A_262, %broadcast_in_dim3A_15 : vector<16xi32>
        %select_n3A_266 = arith.select %eq3A_264, %or3A_265, %and3A_262 : vector<16xi1>, vector<16xi32>
        %or3A_267 = arith.ori %eq3A_263, %eq3A_264 : vector<16xi1>
        tpu.vector_store_idx %arg7[%select_n3A_266], %broadcast_in_dim3A_3 masked %or3A_267 {add = true} : memref<32768xi32, #tpu.memory_space<vmem>>[vector<16xi32>], vector<16xi32>, vector<16xi1>
        %eq3A_268 = arith.cmpi eq, %shift_right_logical3A_260, %get3A_20 : vector<16xi32>
        %eq3A_269 = arith.cmpi eq, %shift_right_logical3A_260, %get3A_22 : vector<16xi32>
        %or3A_270 = arith.ori %and3A_262, %broadcast_in_dim3A_15 : vector<16xi32>
        %select_n3A_271 = arith.select %eq3A_269, %or3A_270, %and3A_262 : vector<16xi1>, vector<16xi32>
        %or3A_272 = arith.ori %eq3A_268, %eq3A_269 : vector<16xi1>
        tpu.vector_store_idx %arg8[%select_n3A_271], %broadcast_in_dim3A_3 masked %or3A_272 {add = true} : memref<32768xi32, #tpu.memory_space<vmem>>[vector<16xi32>], vector<16xi32>, vector<16xi1>
        %scan3A_273 = arith.constant 6 : i32
        %scan3A_274 = arith.addi %scan3A_113, %scan3A_273 : i32
        %mul3A_275 = arith.constant 1 : i32
        %mul3A_276 = arith.muli %scan3A_274, %mul3A_275 : i32
        %add3A_277 = arith.constant 0 : i32
        %add3A_278 = arith.addi %add3A_277, %mul3A_276 : i32
        %mul3A_279 = arith.constant 16 : i32
        %mul3A_280 = arith.muli %add3A_278, %mul3A_279 : i32
        %get3A_281 = arith.constant 3 : i32
        %get3A_282 = arith.index_cast %get3A_281 : i32 to index
        %get3A_283 = arith.index_cast %mul3A_280 : i32 to index
        %get3A_284 = tpu.vector_load %arg5[%get3A_282, %get3A_283] {strides = array<i32>} : memref<4x4096xi32, #tpu.memory_space<vmem>>, vector<16xi32>,
        %shift_right_arithmetic3A_285 = arith.shrsi %get3A_284, %broadcast_in_dim3A_7 : vector<16xi32>
        %or3A_286 = arith.ori %shift_right_arithmetic3A_285, %broadcast_in_dim3A_5 : vector<16xi32>
        %xor3A_287 = arith.xori %get3A_284, %or3A_286 : vector<16xi32>
        %shift_right_logical3A_288 = arith.shrui %xor3A_287, %broadcast_in_dim3A_9 : vector<16xi32>
        %shift_right_logical3A_289 = arith.shrui %xor3A_287, %broadcast_in_dim3A_11 : vector<16xi32>
        %and3A_290 = arith.andi %shift_right_logical3A_289, %broadcast_in_dim3A_13 : vector<16xi32>
        %eq3A_291 = arith.cmpi eq, %shift_right_logical3A_288, %get3A_16 : vector<16xi32>
        %eq3A_292 = arith.cmpi eq, %shift_right_logical3A_288, %get3A_18 : vector<16xi32>
        %or3A_293 = arith.ori %and3A_290, %broadcast_in_dim3A_15 : vector<16xi32>
        %select_n3A_294 = arith.select %eq3A_292, %or3A_293, %and3A_290 : vector<16xi1>, vector<16xi32>
        %or3A_295 = arith.ori %eq3A_291, %eq3A_292 : vector<16xi1>
        tpu.vector_store_idx %arg7[%select_n3A_294], %broadcast_in_dim3A_3 masked %or3A_295 {add = true} : memref<32768xi32, #tpu.memory_space<vmem>>[vector<16xi32>], vector<16xi32>, vector<16xi1>
        %eq3A_296 = arith.cmpi eq, %shift_right_logical3A_288, %get3A_20 : vector<16xi32>
        %eq3A_297 = arith.cmpi eq, %shift_right_logical3A_288, %get3A_22 : vector<16xi32>
        %or3A_298 = arith.ori %and3A_290, %broadcast_in_dim3A_15 : vector<16xi32>
        %select_n3A_299 = arith.select %eq3A_297, %or3A_298, %and3A_290 : vector<16xi1>, vector<16xi32>
        %or3A_300 = arith.ori %eq3A_296, %eq3A_297 : vector<16xi1>
        tpu.vector_store_idx %arg8[%select_n3A_299], %broadcast_in_dim3A_3 masked %or3A_300 {add = true} : memref<32768xi32, #tpu.memory_space<vmem>>[vector<16xi32>], vector<16xi32>, vector<16xi1>
        %scan3A_301 = arith.constant 7 : i32
        %scan3A_302 = arith.addi %scan3A_113, %scan3A_301 : i32
        %mul3A_303 = arith.constant 1 : i32
        %mul3A_304 = arith.muli %scan3A_302, %mul3A_303 : i32
        %add3A_305 = arith.constant 0 : i32
        %add3A_306 = arith.addi %add3A_305, %mul3A_304 : i32
        %mul3A_307 = arith.constant 16 : i32
        %mul3A_308 = arith.muli %add3A_306, %mul3A_307 : i32
        %get3A_309 = arith.constant 3 : i32
        %get3A_310 = arith.index_cast %get3A_309 : i32 to index
        %get3A_311 = arith.index_cast %mul3A_308 : i32 to index
        %get3A_312 = tpu.vector_load %arg5[%get3A_310, %get3A_311] {strides = array<i32>} : memref<4x4096xi32, #tpu.memory_space<vmem>>, vector<16xi32>,
        %shift_right_arithmetic3A_313 = arith.shrsi %get3A_312, %broadcast_in_dim3A_7 : vector<16xi32>
        %or3A_314 = arith.ori %shift_right_arithmetic3A_313, %broadcast_in_dim3A_5 : vector<16xi32>
        %xor3A_315 = arith.xori %get3A_312, %or3A_314 : vector<16xi32>
        %shift_right_logical3A_316 = arith.shrui %xor3A_315, %broadcast_in_dim3A_9 : vector<16xi32>
        %shift_right_logical3A_317 = arith.shrui %xor3A_315, %broadcast_in_dim3A_11 : vector<16xi32>
        %and3A_318 = arith.andi %shift_right_logical3A_317, %broadcast_in_dim3A_13 : vector<16xi32>
        %eq3A_319 = arith.cmpi eq, %shift_right_logical3A_316, %get3A_16 : vector<16xi32>
        %eq3A_320 = arith.cmpi eq, %shift_right_logical3A_316, %get3A_18 : vector<16xi32>
        %or3A_321 = arith.ori %and3A_318, %broadcast_in_dim3A_15 : vector<16xi32>
        %select_n3A_322 = arith.select %eq3A_320, %or3A_321, %and3A_318 : vector<16xi1>, vector<16xi32>
        %or3A_323 = arith.ori %eq3A_319, %eq3A_320 : vector<16xi1>
        tpu.vector_store_idx %arg7[%select_n3A_322], %broadcast_in_dim3A_3 masked %or3A_323 {add = true} : memref<32768xi32, #tpu.memory_space<vmem>>[vector<16xi32>], vector<16xi32>, vector<16xi1>
        %eq3A_324 = arith.cmpi eq, %shift_right_logical3A_316, %get3A_20 : vector<16xi32>
        %eq3A_325 = arith.cmpi eq, %shift_right_logical3A_316, %get3A_22 : vector<16xi32>
        %or3A_326 = arith.ori %and3A_318, %broadcast_in_dim3A_15 : vector<16xi32>
        %select_n3A_327 = arith.select %eq3A_325, %or3A_326, %and3A_318 : vector<16xi1>, vector<16xi32>
        %or3A_328 = arith.ori %eq3A_324, %eq3A_325 : vector<16xi1>
        tpu.vector_store_idx %arg8[%select_n3A_327], %broadcast_in_dim3A_3 masked %or3A_328 {add = true} : memref<32768xi32, #tpu.memory_space<vmem>>[vector<16xi32>], vector<16xi32>, vector<16xi1>
      }
      %scan3A_79 = arith.constant 256 : i32
      %add3A_80 = arith.constant 2 : i32
      %add3A_81 = arith.addi %add3A_44, %add3A_80 : i32
      %lt3A = arith.constant 32 : i32
      %lt3A_82 = arith.cmpi slt, %add3A_81, %lt3A : i32
      %convert_element_type3A = arith.extui %lt3A_82 : i1 to i32
      %cond3A = arith.constant 0 : i32
      %cond3A_83 = arith.cmpi ne, %convert_element_type3A, %cond3A : i32
      scf.if %cond3A_83 {
        %add3A_113 = arith.constant 2 : i32
        %add3A_114 = arith.addi %add3A_44, %add3A_113 : i32
        %mul3A_115 = arith.constant 4 : i32
        %mul3A_116 = arith.muli %add3A_114, %mul3A_115 : i32
        %add3A_117 = arith.addi %mul3A_28, %mul3A_116 : i32
        %dma_start3A_118 = arith.constant 0 : i32
        %dma_start3A_119 = tpu.memref_slice %arg2[%add3A_117, %dma_start3A_118] : memref<4096x4096xi32, #tpu.memory_space<hbm>> -> memref<4x4096xi32, #tpu.memory_space<hbm>>
        %dma_start3A_120 = arith.constant 0 : i32
        %dma_start3A_121 = tpu.memref_slice %arg2[%add3A_117, %dma_start3A_120] : memref<4096x4096xi32, #tpu.memory_space<hbm>> -> memref<4x4096xi32, #tpu.memory_space<hbm>>
        tpu.enqueue_dma source(%dma_start3A_121 : memref<4x4096xi32, #tpu.memory_space<hbm>>) target(%arg5 : memref<4x4096xi32, #tpu.memory_space<vmem>>) target_semaphore(%arg10 : memref<!tpu.dma_semaphore, #tpu.memory_space<semaphore_mem>>)
      } else {
      }
      %add3A_84 = arith.constant 1 : i32
      %add3A_85 = arith.addi %add3A_44, %add3A_84 : i32
      %mul3A_86 = arith.constant 4 : i32
      %mul3A_87 = arith.muli %add3A_85, %mul3A_86 : i32
      %add3A_88 = arith.addi %mul3A_28, %mul3A_87 : i32
      %dma_wait3A_89 = arith.constant 0 : i32
      %dma_wait3A_90 = tpu.memref_slice %arg2[%add3A_88, %dma_wait3A_89] : memref<4096x4096xi32, #tpu.memory_space<hbm>> -> memref<4x4096xi32, #tpu.memory_space<hbm>>
      %dma_wait3A_91 = arith.constant 0 : i32
      %dma_wait3A_92 = tpu.memref_slice %arg2[%add3A_88, %dma_wait3A_91] : memref<4096x4096xi32, #tpu.memory_space<hbm>> -> memref<4x4096xi32, #tpu.memory_space<hbm>>
      tpu.wait_dma2 semaphore(%arg11 : memref<!tpu.dma_semaphore, #tpu.memory_space<semaphore_mem>>) src(%dma_wait3A_92 : memref<4x4096xi32, #tpu.memory_space<hbm>>) dst(%arg6 : memref<4x4096xi32, #tpu.memory_space<vmem>>)
      %scan3A_93 = arith.constant 0 : i32
      %scan3A_94 = arith.constant 256 : i32
      %scan3A_95 = arith.addi %scan3A_93, %scan3A_94 : i32
      %scan3A_96 = arith.constant 8 : i32
      scf.for %scan3A_113 = %scan3A_93 to %scan3A_95 step %scan3A_96  : i32 {
        %mul3A_114 = arith.constant 1 : i32
        %mul3A_115 = arith.muli %scan3A_113, %mul3A_114 : i32
        %add3A_116 = arith.constant 0 : i32
        %add3A_117 = arith.addi %add3A_116, %mul3A_115 : i32
        %mul3A_118 = arith.constant 16 : i32
        %mul3A_119 = arith.muli %add3A_117, %mul3A_118 : i32
        %get3A_120 = arith.constant 0 : i32
        %get3A_121 = arith.index_cast %get3A_120 : i32 to index
        %get3A_122 = arith.index_cast %mul3A_119 : i32 to index
        %get3A_123 = tpu.vector_load %arg6[%get3A_121, %get3A_122] {strides = array<i32>} : memref<4x4096xi32, #tpu.memory_space<vmem>>, vector<16xi32>,
        %shift_right_arithmetic3A = arith.shrsi %get3A_123, %broadcast_in_dim3A_7 : vector<16xi32>
        %or3A = arith.ori %shift_right_arithmetic3A, %broadcast_in_dim3A_5 : vector<16xi32>
        %xor3A = arith.xori %get3A_123, %or3A : vector<16xi32>
        %shift_right_logical3A = arith.shrui %xor3A, %broadcast_in_dim3A_9 : vector<16xi32>
        %shift_right_logical3A_124 = arith.shrui %xor3A, %broadcast_in_dim3A_11 : vector<16xi32>
        %and3A = arith.andi %shift_right_logical3A_124, %broadcast_in_dim3A_13 : vector<16xi32>
        %eq3A = arith.cmpi eq, %shift_right_logical3A, %get3A_16 : vector<16xi32>
        %eq3A_125 = arith.cmpi eq, %shift_right_logical3A, %get3A_18 : vector<16xi32>
        %or3A_126 = arith.ori %and3A, %broadcast_in_dim3A_15 : vector<16xi32>
        %select_n3A = arith.select %eq3A_125, %or3A_126, %and3A : vector<16xi1>, vector<16xi32>
        %or3A_127 = arith.ori %eq3A, %eq3A_125 : vector<16xi1>
        tpu.vector_store_idx %arg7[%select_n3A], %broadcast_in_dim3A_3 masked %or3A_127 {add = true} : memref<32768xi32, #tpu.memory_space<vmem>>[vector<16xi32>], vector<16xi32>, vector<16xi1>
        %eq3A_128 = arith.cmpi eq, %shift_right_logical3A, %get3A_20 : vector<16xi32>
        %eq3A_129 = arith.cmpi eq, %shift_right_logical3A, %get3A_22 : vector<16xi32>
        %or3A_130 = arith.ori %and3A, %broadcast_in_dim3A_15 : vector<16xi32>
        %select_n3A_131 = arith.select %eq3A_129, %or3A_130, %and3A : vector<16xi1>, vector<16xi32>
        %or3A_132 = arith.ori %eq3A_128, %eq3A_129 : vector<16xi1>
        tpu.vector_store_idx %arg8[%select_n3A_131], %broadcast_in_dim3A_3 masked %or3A_132 {add = true} : memref<32768xi32, #tpu.memory_space<vmem>>[vector<16xi32>], vector<16xi32>, vector<16xi1>
        %scan3A_133 = arith.constant 1 : i32
        %scan3A_134 = arith.addi %scan3A_113, %scan3A_133 : i32
        %mul3A_135 = arith.constant 1 : i32
        %mul3A_136 = arith.muli %scan3A_134, %mul3A_135 : i32
        %add3A_137 = arith.constant 0 : i32
        %add3A_138 = arith.addi %add3A_137, %mul3A_136 : i32
        %mul3A_139 = arith.constant 16 : i32
        %mul3A_140 = arith.muli %add3A_138, %mul3A_139 : i32
        %get3A_141 = arith.constant 0 : i32
        %get3A_142 = arith.index_cast %get3A_141 : i32 to index
        %get3A_143 = arith.index_cast %mul3A_140 : i32 to index
        %get3A_144 = tpu.vector_load %arg6[%get3A_142, %get3A_143] {strides = array<i32>} : memref<4x4096xi32, #tpu.memory_space<vmem>>, vector<16xi32>,
        %shift_right_arithmetic3A_145 = arith.shrsi %get3A_144, %broadcast_in_dim3A_7 : vector<16xi32>
        %or3A_146 = arith.ori %shift_right_arithmetic3A_145, %broadcast_in_dim3A_5 : vector<16xi32>
        %xor3A_147 = arith.xori %get3A_144, %or3A_146 : vector<16xi32>
        %shift_right_logical3A_148 = arith.shrui %xor3A_147, %broadcast_in_dim3A_9 : vector<16xi32>
        %shift_right_logical3A_149 = arith.shrui %xor3A_147, %broadcast_in_dim3A_11 : vector<16xi32>
        %and3A_150 = arith.andi %shift_right_logical3A_149, %broadcast_in_dim3A_13 : vector<16xi32>
        %eq3A_151 = arith.cmpi eq, %shift_right_logical3A_148, %get3A_16 : vector<16xi32>
        %eq3A_152 = arith.cmpi eq, %shift_right_logical3A_148, %get3A_18 : vector<16xi32>
        %or3A_153 = arith.ori %and3A_150, %broadcast_in_dim3A_15 : vector<16xi32>
        %select_n3A_154 = arith.select %eq3A_152, %or3A_153, %and3A_150 : vector<16xi1>, vector<16xi32>
        %or3A_155 = arith.ori %eq3A_151, %eq3A_152 : vector<16xi1>
        tpu.vector_store_idx %arg7[%select_n3A_154], %broadcast_in_dim3A_3 masked %or3A_155 {add = true} : memref<32768xi32, #tpu.memory_space<vmem>>[vector<16xi32>], vector<16xi32>, vector<16xi1>
        %eq3A_156 = arith.cmpi eq, %shift_right_logical3A_148, %get3A_20 : vector<16xi32>
        %eq3A_157 = arith.cmpi eq, %shift_right_logical3A_148, %get3A_22 : vector<16xi32>
        %or3A_158 = arith.ori %and3A_150, %broadcast_in_dim3A_15 : vector<16xi32>
        %select_n3A_159 = arith.select %eq3A_157, %or3A_158, %and3A_150 : vector<16xi1>, vector<16xi32>
        %or3A_160 = arith.ori %eq3A_156, %eq3A_157 : vector<16xi1>
        tpu.vector_store_idx %arg8[%select_n3A_159], %broadcast_in_dim3A_3 masked %or3A_160 {add = true} : memref<32768xi32, #tpu.memory_space<vmem>>[vector<16xi32>], vector<16xi32>, vector<16xi1>
        %scan3A_161 = arith.constant 2 : i32
        %scan3A_162 = arith.addi %scan3A_113, %scan3A_161 : i32
        %mul3A_163 = arith.constant 1 : i32
        %mul3A_164 = arith.muli %scan3A_162, %mul3A_163 : i32
        %add3A_165 = arith.constant 0 : i32
        %add3A_166 = arith.addi %add3A_165, %mul3A_164 : i32
        %mul3A_167 = arith.constant 16 : i32
        %mul3A_168 = arith.muli %add3A_166, %mul3A_167 : i32
        %get3A_169 = arith.constant 0 : i32
        %get3A_170 = arith.index_cast %get3A_169 : i32 to index
        %get3A_171 = arith.index_cast %mul3A_168 : i32 to index
        %get3A_172 = tpu.vector_load %arg6[%get3A_170, %get3A_171] {strides = array<i32>} : memref<4x4096xi32, #tpu.memory_space<vmem>>, vector<16xi32>,
        %shift_right_arithmetic3A_173 = arith.shrsi %get3A_172, %broadcast_in_dim3A_7 : vector<16xi32>
        %or3A_174 = arith.ori %shift_right_arithmetic3A_173, %broadcast_in_dim3A_5 : vector<16xi32>
        %xor3A_175 = arith.xori %get3A_172, %or3A_174 : vector<16xi32>
        %shift_right_logical3A_176 = arith.shrui %xor3A_175, %broadcast_in_dim3A_9 : vector<16xi32>
        %shift_right_logical3A_177 = arith.shrui %xor3A_175, %broadcast_in_dim3A_11 : vector<16xi32>
        %and3A_178 = arith.andi %shift_right_logical3A_177, %broadcast_in_dim3A_13 : vector<16xi32>
        %eq3A_179 = arith.cmpi eq, %shift_right_logical3A_176, %get3A_16 : vector<16xi32>
        %eq3A_180 = arith.cmpi eq, %shift_right_logical3A_176, %get3A_18 : vector<16xi32>
        %or3A_181 = arith.ori %and3A_178, %broadcast_in_dim3A_15 : vector<16xi32>
        %select_n3A_182 = arith.select %eq3A_180, %or3A_181, %and3A_178 : vector<16xi1>, vector<16xi32>
        %or3A_183 = arith.ori %eq3A_179, %eq3A_180 : vector<16xi1>
        tpu.vector_store_idx %arg7[%select_n3A_182], %broadcast_in_dim3A_3 masked %or3A_183 {add = true} : memref<32768xi32, #tpu.memory_space<vmem>>[vector<16xi32>], vector<16xi32>, vector<16xi1>
        %eq3A_184 = arith.cmpi eq, %shift_right_logical3A_176, %get3A_20 : vector<16xi32>
        %eq3A_185 = arith.cmpi eq, %shift_right_logical3A_176, %get3A_22 : vector<16xi32>
        %or3A_186 = arith.ori %and3A_178, %broadcast_in_dim3A_15 : vector<16xi32>
        %select_n3A_187 = arith.select %eq3A_185, %or3A_186, %and3A_178 : vector<16xi1>, vector<16xi32>
        %or3A_188 = arith.ori %eq3A_184, %eq3A_185 : vector<16xi1>
        tpu.vector_store_idx %arg8[%select_n3A_187], %broadcast_in_dim3A_3 masked %or3A_188 {add = true} : memref<32768xi32, #tpu.memory_space<vmem>>[vector<16xi32>], vector<16xi32>, vector<16xi1>
        %scan3A_189 = arith.constant 3 : i32
        %scan3A_190 = arith.addi %scan3A_113, %scan3A_189 : i32
        %mul3A_191 = arith.constant 1 : i32
        %mul3A_192 = arith.muli %scan3A_190, %mul3A_191 : i32
        %add3A_193 = arith.constant 0 : i32
        %add3A_194 = arith.addi %add3A_193, %mul3A_192 : i32
        %mul3A_195 = arith.constant 16 : i32
        %mul3A_196 = arith.muli %add3A_194, %mul3A_195 : i32
        %get3A_197 = arith.constant 0 : i32
        %get3A_198 = arith.index_cast %get3A_197 : i32 to index
        %get3A_199 = arith.index_cast %mul3A_196 : i32 to index
        %get3A_200 = tpu.vector_load %arg6[%get3A_198, %get3A_199] {strides = array<i32>} : memref<4x4096xi32, #tpu.memory_space<vmem>>, vector<16xi32>,
        %shift_right_arithmetic3A_201 = arith.shrsi %get3A_200, %broadcast_in_dim3A_7 : vector<16xi32>
        %or3A_202 = arith.ori %shift_right_arithmetic3A_201, %broadcast_in_dim3A_5 : vector<16xi32>
        %xor3A_203 = arith.xori %get3A_200, %or3A_202 : vector<16xi32>
        %shift_right_logical3A_204 = arith.shrui %xor3A_203, %broadcast_in_dim3A_9 : vector<16xi32>
        %shift_right_logical3A_205 = arith.shrui %xor3A_203, %broadcast_in_dim3A_11 : vector<16xi32>
        %and3A_206 = arith.andi %shift_right_logical3A_205, %broadcast_in_dim3A_13 : vector<16xi32>
        %eq3A_207 = arith.cmpi eq, %shift_right_logical3A_204, %get3A_16 : vector<16xi32>
        %eq3A_208 = arith.cmpi eq, %shift_right_logical3A_204, %get3A_18 : vector<16xi32>
        %or3A_209 = arith.ori %and3A_206, %broadcast_in_dim3A_15 : vector<16xi32>
        %select_n3A_210 = arith.select %eq3A_208, %or3A_209, %and3A_206 : vector<16xi1>, vector<16xi32>
        %or3A_211 = arith.ori %eq3A_207, %eq3A_208 : vector<16xi1>
        tpu.vector_store_idx %arg7[%select_n3A_210], %broadcast_in_dim3A_3 masked %or3A_211 {add = true} : memref<32768xi32, #tpu.memory_space<vmem>>[vector<16xi32>], vector<16xi32>, vector<16xi1>
        %eq3A_212 = arith.cmpi eq, %shift_right_logical3A_204, %get3A_20 : vector<16xi32>
        %eq3A_213 = arith.cmpi eq, %shift_right_logical3A_204, %get3A_22 : vector<16xi32>
        %or3A_214 = arith.ori %and3A_206, %broadcast_in_dim3A_15 : vector<16xi32>
        %select_n3A_215 = arith.select %eq3A_213, %or3A_214, %and3A_206 : vector<16xi1>, vector<16xi32>
        %or3A_216 = arith.ori %eq3A_212, %eq3A_213 : vector<16xi1>
        tpu.vector_store_idx %arg8[%select_n3A_215], %broadcast_in_dim3A_3 masked %or3A_216 {add = true} : memref<32768xi32, #tpu.memory_space<vmem>>[vector<16xi32>], vector<16xi32>, vector<16xi1>
        %scan3A_217 = arith.constant 4 : i32
        %scan3A_218 = arith.addi %scan3A_113, %scan3A_217 : i32
        %mul3A_219 = arith.constant 1 : i32
        %mul3A_220 = arith.muli %scan3A_218, %mul3A_219 : i32
        %add3A_221 = arith.constant 0 : i32
        %add3A_222 = arith.addi %add3A_221, %mul3A_220 : i32
        %mul3A_223 = arith.constant 16 : i32
        %mul3A_224 = arith.muli %add3A_222, %mul3A_223 : i32
        %get3A_225 = arith.constant 0 : i32
        %get3A_226 = arith.index_cast %get3A_225 : i32 to index
        %get3A_227 = arith.index_cast %mul3A_224 : i32 to index
        %get3A_228 = tpu.vector_load %arg6[%get3A_226, %get3A_227] {strides = array<i32>} : memref<4x4096xi32, #tpu.memory_space<vmem>>, vector<16xi32>,
        %shift_right_arithmetic3A_229 = arith.shrsi %get3A_228, %broadcast_in_dim3A_7 : vector<16xi32>
        %or3A_230 = arith.ori %shift_right_arithmetic3A_229, %broadcast_in_dim3A_5 : vector<16xi32>
        %xor3A_231 = arith.xori %get3A_228, %or3A_230 : vector<16xi32>
        %shift_right_logical3A_232 = arith.shrui %xor3A_231, %broadcast_in_dim3A_9 : vector<16xi32>
        %shift_right_logical3A_233 = arith.shrui %xor3A_231, %broadcast_in_dim3A_11 : vector<16xi32>
        %and3A_234 = arith.andi %shift_right_logical3A_233, %broadcast_in_dim3A_13 : vector<16xi32>
        %eq3A_235 = arith.cmpi eq, %shift_right_logical3A_232, %get3A_16 : vector<16xi32>
        %eq3A_236 = arith.cmpi eq, %shift_right_logical3A_232, %get3A_18 : vector<16xi32>
        %or3A_237 = arith.ori %and3A_234, %broadcast_in_dim3A_15 : vector<16xi32>
        %select_n3A_238 = arith.select %eq3A_236, %or3A_237, %and3A_234 : vector<16xi1>, vector<16xi32>
        %or3A_239 = arith.ori %eq3A_235, %eq3A_236 : vector<16xi1>
        tpu.vector_store_idx %arg7[%select_n3A_238], %broadcast_in_dim3A_3 masked %or3A_239 {add = true} : memref<32768xi32, #tpu.memory_space<vmem>>[vector<16xi32>], vector<16xi32>, vector<16xi1>
        %eq3A_240 = arith.cmpi eq, %shift_right_logical3A_232, %get3A_20 : vector<16xi32>
        %eq3A_241 = arith.cmpi eq, %shift_right_logical3A_232, %get3A_22 : vector<16xi32>
        %or3A_242 = arith.ori %and3A_234, %broadcast_in_dim3A_15 : vector<16xi32>
        %select_n3A_243 = arith.select %eq3A_241, %or3A_242, %and3A_234 : vector<16xi1>, vector<16xi32>
        %or3A_244 = arith.ori %eq3A_240, %eq3A_241 : vector<16xi1>
        tpu.vector_store_idx %arg8[%select_n3A_243], %broadcast_in_dim3A_3 masked %or3A_244 {add = true} : memref<32768xi32, #tpu.memory_space<vmem>>[vector<16xi32>], vector<16xi32>, vector<16xi1>
        %scan3A_245 = arith.constant 5 : i32
        %scan3A_246 = arith.addi %scan3A_113, %scan3A_245 : i32
        %mul3A_247 = arith.constant 1 : i32
        %mul3A_248 = arith.muli %scan3A_246, %mul3A_247 : i32
        %add3A_249 = arith.constant 0 : i32
        %add3A_250 = arith.addi %add3A_249, %mul3A_248 : i32
        %mul3A_251 = arith.constant 16 : i32
        %mul3A_252 = arith.muli %add3A_250, %mul3A_251 : i32
        %get3A_253 = arith.constant 0 : i32
        %get3A_254 = arith.index_cast %get3A_253 : i32 to index
        %get3A_255 = arith.index_cast %mul3A_252 : i32 to index
        %get3A_256 = tpu.vector_load %arg6[%get3A_254, %get3A_255] {strides = array<i32>} : memref<4x4096xi32, #tpu.memory_space<vmem>>, vector<16xi32>,
        %shift_right_arithmetic3A_257 = arith.shrsi %get3A_256, %broadcast_in_dim3A_7 : vector<16xi32>
        %or3A_258 = arith.ori %shift_right_arithmetic3A_257, %broadcast_in_dim3A_5 : vector<16xi32>
        %xor3A_259 = arith.xori %get3A_256, %or3A_258 : vector<16xi32>
        %shift_right_logical3A_260 = arith.shrui %xor3A_259, %broadcast_in_dim3A_9 : vector<16xi32>
        %shift_right_logical3A_261 = arith.shrui %xor3A_259, %broadcast_in_dim3A_11 : vector<16xi32>
        %and3A_262 = arith.andi %shift_right_logical3A_261, %broadcast_in_dim3A_13 : vector<16xi32>
        %eq3A_263 = arith.cmpi eq, %shift_right_logical3A_260, %get3A_16 : vector<16xi32>
        %eq3A_264 = arith.cmpi eq, %shift_right_logical3A_260, %get3A_18 : vector<16xi32>
        %or3A_265 = arith.ori %and3A_262, %broadcast_in_dim3A_15 : vector<16xi32>
        %select_n3A_266 = arith.select %eq3A_264, %or3A_265, %and3A_262 : vector<16xi1>, vector<16xi32>
        %or3A_267 = arith.ori %eq3A_263, %eq3A_264 : vector<16xi1>
        tpu.vector_store_idx %arg7[%select_n3A_266], %broadcast_in_dim3A_3 masked %or3A_267 {add = true} : memref<32768xi32, #tpu.memory_space<vmem>>[vector<16xi32>], vector<16xi32>, vector<16xi1>
        %eq3A_268 = arith.cmpi eq, %shift_right_logical3A_260, %get3A_20 : vector<16xi32>
        %eq3A_269 = arith.cmpi eq, %shift_right_logical3A_260, %get3A_22 : vector<16xi32>
        %or3A_270 = arith.ori %and3A_262, %broadcast_in_dim3A_15 : vector<16xi32>
        %select_n3A_271 = arith.select %eq3A_269, %or3A_270, %and3A_262 : vector<16xi1>, vector<16xi32>
        %or3A_272 = arith.ori %eq3A_268, %eq3A_269 : vector<16xi1>
        tpu.vector_store_idx %arg8[%select_n3A_271], %broadcast_in_dim3A_3 masked %or3A_272 {add = true} : memref<32768xi32, #tpu.memory_space<vmem>>[vector<16xi32>], vector<16xi32>, vector<16xi1>
        %scan3A_273 = arith.constant 6 : i32
        %scan3A_274 = arith.addi %scan3A_113, %scan3A_273 : i32
        %mul3A_275 = arith.constant 1 : i32
        %mul3A_276 = arith.muli %scan3A_274, %mul3A_275 : i32
        %add3A_277 = arith.constant 0 : i32
        %add3A_278 = arith.addi %add3A_277, %mul3A_276 : i32
        %mul3A_279 = arith.constant 16 : i32
        %mul3A_280 = arith.muli %add3A_278, %mul3A_279 : i32
        %get3A_281 = arith.constant 0 : i32
        %get3A_282 = arith.index_cast %get3A_281 : i32 to index
        %get3A_283 = arith.index_cast %mul3A_280 : i32 to index
        %get3A_284 = tpu.vector_load %arg6[%get3A_282, %get3A_283] {strides = array<i32>} : memref<4x4096xi32, #tpu.memory_space<vmem>>, vector<16xi32>,
        %shift_right_arithmetic3A_285 = arith.shrsi %get3A_284, %broadcast_in_dim3A_7 : vector<16xi32>
        %or3A_286 = arith.ori %shift_right_arithmetic3A_285, %broadcast_in_dim3A_5 : vector<16xi32>
        %xor3A_287 = arith.xori %get3A_284, %or3A_286 : vector<16xi32>
        %shift_right_logical3A_288 = arith.shrui %xor3A_287, %broadcast_in_dim3A_9 : vector<16xi32>
        %shift_right_logical3A_289 = arith.shrui %xor3A_287, %broadcast_in_dim3A_11 : vector<16xi32>
        %and3A_290 = arith.andi %shift_right_logical3A_289, %broadcast_in_dim3A_13 : vector<16xi32>
        %eq3A_291 = arith.cmpi eq, %shift_right_logical3A_288, %get3A_16 : vector<16xi32>
        %eq3A_292 = arith.cmpi eq, %shift_right_logical3A_288, %get3A_18 : vector<16xi32>
        %or3A_293 = arith.ori %and3A_290, %broadcast_in_dim3A_15 : vector<16xi32>
        %select_n3A_294 = arith.select %eq3A_292, %or3A_293, %and3A_290 : vector<16xi1>, vector<16xi32>
        %or3A_295 = arith.ori %eq3A_291, %eq3A_292 : vector<16xi1>
        tpu.vector_store_idx %arg7[%select_n3A_294], %broadcast_in_dim3A_3 masked %or3A_295 {add = true} : memref<32768xi32, #tpu.memory_space<vmem>>[vector<16xi32>], vector<16xi32>, vector<16xi1>
        %eq3A_296 = arith.cmpi eq, %shift_right_logical3A_288, %get3A_20 : vector<16xi32>
        %eq3A_297 = arith.cmpi eq, %shift_right_logical3A_288, %get3A_22 : vector<16xi32>
        %or3A_298 = arith.ori %and3A_290, %broadcast_in_dim3A_15 : vector<16xi32>
        %select_n3A_299 = arith.select %eq3A_297, %or3A_298, %and3A_290 : vector<16xi1>, vector<16xi32>
        %or3A_300 = arith.ori %eq3A_296, %eq3A_297 : vector<16xi1>
        tpu.vector_store_idx %arg8[%select_n3A_299], %broadcast_in_dim3A_3 masked %or3A_300 {add = true} : memref<32768xi32, #tpu.memory_space<vmem>>[vector<16xi32>], vector<16xi32>, vector<16xi1>
        %scan3A_301 = arith.constant 7 : i32
        %scan3A_302 = arith.addi %scan3A_113, %scan3A_301 : i32
        %mul3A_303 = arith.constant 1 : i32
        %mul3A_304 = arith.muli %scan3A_302, %mul3A_303 : i32
        %add3A_305 = arith.constant 0 : i32
        %add3A_306 = arith.addi %add3A_305, %mul3A_304 : i32
        %mul3A_307 = arith.constant 16 : i32
        %mul3A_308 = arith.muli %add3A_306, %mul3A_307 : i32
        %get3A_309 = arith.constant 0 : i32
        %get3A_310 = arith.index_cast %get3A_309 : i32 to index
        %get3A_311 = arith.index_cast %mul3A_308 : i32 to index
        %get3A_312 = tpu.vector_load %arg6[%get3A_310, %get3A_311] {strides = array<i32>} : memref<4x4096xi32, #tpu.memory_space<vmem>>, vector<16xi32>,
        %shift_right_arithmetic3A_313 = arith.shrsi %get3A_312, %broadcast_in_dim3A_7 : vector<16xi32>
        %or3A_314 = arith.ori %shift_right_arithmetic3A_313, %broadcast_in_dim3A_5 : vector<16xi32>
        %xor3A_315 = arith.xori %get3A_312, %or3A_314 : vector<16xi32>
        %shift_right_logical3A_316 = arith.shrui %xor3A_315, %broadcast_in_dim3A_9 : vector<16xi32>
        %shift_right_logical3A_317 = arith.shrui %xor3A_315, %broadcast_in_dim3A_11 : vector<16xi32>
        %and3A_318 = arith.andi %shift_right_logical3A_317, %broadcast_in_dim3A_13 : vector<16xi32>
        %eq3A_319 = arith.cmpi eq, %shift_right_logical3A_316, %get3A_16 : vector<16xi32>
        %eq3A_320 = arith.cmpi eq, %shift_right_logical3A_316, %get3A_18 : vector<16xi32>
        %or3A_321 = arith.ori %and3A_318, %broadcast_in_dim3A_15 : vector<16xi32>
        %select_n3A_322 = arith.select %eq3A_320, %or3A_321, %and3A_318 : vector<16xi1>, vector<16xi32>
        %or3A_323 = arith.ori %eq3A_319, %eq3A_320 : vector<16xi1>
        tpu.vector_store_idx %arg7[%select_n3A_322], %broadcast_in_dim3A_3 masked %or3A_323 {add = true} : memref<32768xi32, #tpu.memory_space<vmem>>[vector<16xi32>], vector<16xi32>, vector<16xi1>
        %eq3A_324 = arith.cmpi eq, %shift_right_logical3A_316, %get3A_20 : vector<16xi32>
        %eq3A_325 = arith.cmpi eq, %shift_right_logical3A_316, %get3A_22 : vector<16xi32>
        %or3A_326 = arith.ori %and3A_318, %broadcast_in_dim3A_15 : vector<16xi32>
        %select_n3A_327 = arith.select %eq3A_325, %or3A_326, %and3A_318 : vector<16xi1>, vector<16xi32>
        %or3A_328 = arith.ori %eq3A_324, %eq3A_325 : vector<16xi1>
        tpu.vector_store_idx %arg8[%select_n3A_327], %broadcast_in_dim3A_3 masked %or3A_328 {add = true} : memref<32768xi32, #tpu.memory_space<vmem>>[vector<16xi32>], vector<16xi32>, vector<16xi1>
      }
      %scan3A_97 = arith.constant 256 : i32
      %scan3A_98 = arith.constant 0 : i32
      %scan3A_99 = arith.constant 256 : i32
      %scan3A_100 = arith.addi %scan3A_98, %scan3A_99 : i32
      %scan3A_101 = arith.constant 8 : i32
      scf.for %scan3A_113 = %scan3A_98 to %scan3A_100 step %scan3A_101  : i32 {
        %mul3A_114 = arith.constant 1 : i32
        %mul3A_115 = arith.muli %scan3A_113, %mul3A_114 : i32
        %add3A_116 = arith.constant 0 : i32
        %add3A_117 = arith.addi %add3A_116, %mul3A_115 : i32
        %mul3A_118 = arith.constant 16 : i32
        %mul3A_119 = arith.muli %add3A_117, %mul3A_118 : i32
        %get3A_120 = arith.constant 1 : i32
        %get3A_121 = arith.index_cast %get3A_120 : i32 to index
        %get3A_122 = arith.index_cast %mul3A_119 : i32 to index
        %get3A_123 = tpu.vector_load %arg6[%get3A_121, %get3A_122] {strides = array<i32>} : memref<4x4096xi32, #tpu.memory_space<vmem>>, vector<16xi32>,
        %shift_right_arithmetic3A = arith.shrsi %get3A_123, %broadcast_in_dim3A_7 : vector<16xi32>
        %or3A = arith.ori %shift_right_arithmetic3A, %broadcast_in_dim3A_5 : vector<16xi32>
        %xor3A = arith.xori %get3A_123, %or3A : vector<16xi32>
        %shift_right_logical3A = arith.shrui %xor3A, %broadcast_in_dim3A_9 : vector<16xi32>
        %shift_right_logical3A_124 = arith.shrui %xor3A, %broadcast_in_dim3A_11 : vector<16xi32>
        %and3A = arith.andi %shift_right_logical3A_124, %broadcast_in_dim3A_13 : vector<16xi32>
        %eq3A = arith.cmpi eq, %shift_right_logical3A, %get3A_16 : vector<16xi32>
        %eq3A_125 = arith.cmpi eq, %shift_right_logical3A, %get3A_18 : vector<16xi32>
        %or3A_126 = arith.ori %and3A, %broadcast_in_dim3A_15 : vector<16xi32>
        %select_n3A = arith.select %eq3A_125, %or3A_126, %and3A : vector<16xi1>, vector<16xi32>
        %or3A_127 = arith.ori %eq3A, %eq3A_125 : vector<16xi1>
        tpu.vector_store_idx %arg7[%select_n3A], %broadcast_in_dim3A_3 masked %or3A_127 {add = true} : memref<32768xi32, #tpu.memory_space<vmem>>[vector<16xi32>], vector<16xi32>, vector<16xi1>
        %eq3A_128 = arith.cmpi eq, %shift_right_logical3A, %get3A_20 : vector<16xi32>
        %eq3A_129 = arith.cmpi eq, %shift_right_logical3A, %get3A_22 : vector<16xi32>
        %or3A_130 = arith.ori %and3A, %broadcast_in_dim3A_15 : vector<16xi32>
        %select_n3A_131 = arith.select %eq3A_129, %or3A_130, %and3A : vector<16xi1>, vector<16xi32>
        %or3A_132 = arith.ori %eq3A_128, %eq3A_129 : vector<16xi1>
        tpu.vector_store_idx %arg8[%select_n3A_131], %broadcast_in_dim3A_3 masked %or3A_132 {add = true} : memref<32768xi32, #tpu.memory_space<vmem>>[vector<16xi32>], vector<16xi32>, vector<16xi1>
        %scan3A_133 = arith.constant 1 : i32
        %scan3A_134 = arith.addi %scan3A_113, %scan3A_133 : i32
        %mul3A_135 = arith.constant 1 : i32
        %mul3A_136 = arith.muli %scan3A_134, %mul3A_135 : i32
        %add3A_137 = arith.constant 0 : i32
        %add3A_138 = arith.addi %add3A_137, %mul3A_136 : i32
        %mul3A_139 = arith.constant 16 : i32
        %mul3A_140 = arith.muli %add3A_138, %mul3A_139 : i32
        %get3A_141 = arith.constant 1 : i32
        %get3A_142 = arith.index_cast %get3A_141 : i32 to index
        %get3A_143 = arith.index_cast %mul3A_140 : i32 to index
        %get3A_144 = tpu.vector_load %arg6[%get3A_142, %get3A_143] {strides = array<i32>} : memref<4x4096xi32, #tpu.memory_space<vmem>>, vector<16xi32>,
        %shift_right_arithmetic3A_145 = arith.shrsi %get3A_144, %broadcast_in_dim3A_7 : vector<16xi32>
        %or3A_146 = arith.ori %shift_right_arithmetic3A_145, %broadcast_in_dim3A_5 : vector<16xi32>
        %xor3A_147 = arith.xori %get3A_144, %or3A_146 : vector<16xi32>
        %shift_right_logical3A_148 = arith.shrui %xor3A_147, %broadcast_in_dim3A_9 : vector<16xi32>
        %shift_right_logical3A_149 = arith.shrui %xor3A_147, %broadcast_in_dim3A_11 : vector<16xi32>
        %and3A_150 = arith.andi %shift_right_logical3A_149, %broadcast_in_dim3A_13 : vector<16xi32>
        %eq3A_151 = arith.cmpi eq, %shift_right_logical3A_148, %get3A_16 : vector<16xi32>
        %eq3A_152 = arith.cmpi eq, %shift_right_logical3A_148, %get3A_18 : vector<16xi32>
        %or3A_153 = arith.ori %and3A_150, %broadcast_in_dim3A_15 : vector<16xi32>
        %select_n3A_154 = arith.select %eq3A_152, %or3A_153, %and3A_150 : vector<16xi1>, vector<16xi32>
        %or3A_155 = arith.ori %eq3A_151, %eq3A_152 : vector<16xi1>
        tpu.vector_store_idx %arg7[%select_n3A_154], %broadcast_in_dim3A_3 masked %or3A_155 {add = true} : memref<32768xi32, #tpu.memory_space<vmem>>[vector<16xi32>], vector<16xi32>, vector<16xi1>
        %eq3A_156 = arith.cmpi eq, %shift_right_logical3A_148, %get3A_20 : vector<16xi32>
        %eq3A_157 = arith.cmpi eq, %shift_right_logical3A_148, %get3A_22 : vector<16xi32>
        %or3A_158 = arith.ori %and3A_150, %broadcast_in_dim3A_15 : vector<16xi32>
        %select_n3A_159 = arith.select %eq3A_157, %or3A_158, %and3A_150 : vector<16xi1>, vector<16xi32>
        %or3A_160 = arith.ori %eq3A_156, %eq3A_157 : vector<16xi1>
        tpu.vector_store_idx %arg8[%select_n3A_159], %broadcast_in_dim3A_3 masked %or3A_160 {add = true} : memref<32768xi32, #tpu.memory_space<vmem>>[vector<16xi32>], vector<16xi32>, vector<16xi1>
        %scan3A_161 = arith.constant 2 : i32
        %scan3A_162 = arith.addi %scan3A_113, %scan3A_161 : i32
        %mul3A_163 = arith.constant 1 : i32
        %mul3A_164 = arith.muli %scan3A_162, %mul3A_163 : i32
        %add3A_165 = arith.constant 0 : i32
        %add3A_166 = arith.addi %add3A_165, %mul3A_164 : i32
        %mul3A_167 = arith.constant 16 : i32
        %mul3A_168 = arith.muli %add3A_166, %mul3A_167 : i32
        %get3A_169 = arith.constant 1 : i32
        %get3A_170 = arith.index_cast %get3A_169 : i32 to index
        %get3A_171 = arith.index_cast %mul3A_168 : i32 to index
        %get3A_172 = tpu.vector_load %arg6[%get3A_170, %get3A_171] {strides = array<i32>} : memref<4x4096xi32, #tpu.memory_space<vmem>>, vector<16xi32>,
        %shift_right_arithmetic3A_173 = arith.shrsi %get3A_172, %broadcast_in_dim3A_7 : vector<16xi32>
        %or3A_174 = arith.ori %shift_right_arithmetic3A_173, %broadcast_in_dim3A_5 : vector<16xi32>
        %xor3A_175 = arith.xori %get3A_172, %or3A_174 : vector<16xi32>
        %shift_right_logical3A_176 = arith.shrui %xor3A_175, %broadcast_in_dim3A_9 : vector<16xi32>
        %shift_right_logical3A_177 = arith.shrui %xor3A_175, %broadcast_in_dim3A_11 : vector<16xi32>
        %and3A_178 = arith.andi %shift_right_logical3A_177, %broadcast_in_dim3A_13 : vector<16xi32>
        %eq3A_179 = arith.cmpi eq, %shift_right_logical3A_176, %get3A_16 : vector<16xi32>
        %eq3A_180 = arith.cmpi eq, %shift_right_logical3A_176, %get3A_18 : vector<16xi32>
        %or3A_181 = arith.ori %and3A_178, %broadcast_in_dim3A_15 : vector<16xi32>
        %select_n3A_182 = arith.select %eq3A_180, %or3A_181, %and3A_178 : vector<16xi1>, vector<16xi32>
        %or3A_183 = arith.ori %eq3A_179, %eq3A_180 : vector<16xi1>
        tpu.vector_store_idx %arg7[%select_n3A_182], %broadcast_in_dim3A_3 masked %or3A_183 {add = true} : memref<32768xi32, #tpu.memory_space<vmem>>[vector<16xi32>], vector<16xi32>, vector<16xi1>
        %eq3A_184 = arith.cmpi eq, %shift_right_logical3A_176, %get3A_20 : vector<16xi32>
        %eq3A_185 = arith.cmpi eq, %shift_right_logical3A_176, %get3A_22 : vector<16xi32>
        %or3A_186 = arith.ori %and3A_178, %broadcast_in_dim3A_15 : vector<16xi32>
        %select_n3A_187 = arith.select %eq3A_185, %or3A_186, %and3A_178 : vector<16xi1>, vector<16xi32>
        %or3A_188 = arith.ori %eq3A_184, %eq3A_185 : vector<16xi1>
        tpu.vector_store_idx %arg8[%select_n3A_187], %broadcast_in_dim3A_3 masked %or3A_188 {add = true} : memref<32768xi32, #tpu.memory_space<vmem>>[vector<16xi32>], vector<16xi32>, vector<16xi1>
        %scan3A_189 = arith.constant 3 : i32
        %scan3A_190 = arith.addi %scan3A_113, %scan3A_189 : i32
        %mul3A_191 = arith.constant 1 : i32
        %mul3A_192 = arith.muli %scan3A_190, %mul3A_191 : i32
        %add3A_193 = arith.constant 0 : i32
        %add3A_194 = arith.addi %add3A_193, %mul3A_192 : i32
        %mul3A_195 = arith.constant 16 : i32
        %mul3A_196 = arith.muli %add3A_194, %mul3A_195 : i32
        %get3A_197 = arith.constant 1 : i32
        %get3A_198 = arith.index_cast %get3A_197 : i32 to index
        %get3A_199 = arith.index_cast %mul3A_196 : i32 to index
        %get3A_200 = tpu.vector_load %arg6[%get3A_198, %get3A_199] {strides = array<i32>} : memref<4x4096xi32, #tpu.memory_space<vmem>>, vector<16xi32>,
        %shift_right_arithmetic3A_201 = arith.shrsi %get3A_200, %broadcast_in_dim3A_7 : vector<16xi32>
        %or3A_202 = arith.ori %shift_right_arithmetic3A_201, %broadcast_in_dim3A_5 : vector<16xi32>
        %xor3A_203 = arith.xori %get3A_200, %or3A_202 : vector<16xi32>
        %shift_right_logical3A_204 = arith.shrui %xor3A_203, %broadcast_in_dim3A_9 : vector<16xi32>
        %shift_right_logical3A_205 = arith.shrui %xor3A_203, %broadcast_in_dim3A_11 : vector<16xi32>
        %and3A_206 = arith.andi %shift_right_logical3A_205, %broadcast_in_dim3A_13 : vector<16xi32>
        %eq3A_207 = arith.cmpi eq, %shift_right_logical3A_204, %get3A_16 : vector<16xi32>
        %eq3A_208 = arith.cmpi eq, %shift_right_logical3A_204, %get3A_18 : vector<16xi32>
        %or3A_209 = arith.ori %and3A_206, %broadcast_in_dim3A_15 : vector<16xi32>
        %select_n3A_210 = arith.select %eq3A_208, %or3A_209, %and3A_206 : vector<16xi1>, vector<16xi32>
        %or3A_211 = arith.ori %eq3A_207, %eq3A_208 : vector<16xi1>
        tpu.vector_store_idx %arg7[%select_n3A_210], %broadcast_in_dim3A_3 masked %or3A_211 {add = true} : memref<32768xi32, #tpu.memory_space<vmem>>[vector<16xi32>], vector<16xi32>, vector<16xi1>
        %eq3A_212 = arith.cmpi eq, %shift_right_logical3A_204, %get3A_20 : vector<16xi32>
        %eq3A_213 = arith.cmpi eq, %shift_right_logical3A_204, %get3A_22 : vector<16xi32>
        %or3A_214 = arith.ori %and3A_206, %broadcast_in_dim3A_15 : vector<16xi32>
        %select_n3A_215 = arith.select %eq3A_213, %or3A_214, %and3A_206 : vector<16xi1>, vector<16xi32>
        %or3A_216 = arith.ori %eq3A_212, %eq3A_213 : vector<16xi1>
        tpu.vector_store_idx %arg8[%select_n3A_215], %broadcast_in_dim3A_3 masked %or3A_216 {add = true} : memref<32768xi32, #tpu.memory_space<vmem>>[vector<16xi32>], vector<16xi32>, vector<16xi1>
        %scan3A_217 = arith.constant 4 : i32
        %scan3A_218 = arith.addi %scan3A_113, %scan3A_217 : i32
        %mul3A_219 = arith.constant 1 : i32
        %mul3A_220 = arith.muli %scan3A_218, %mul3A_219 : i32
        %add3A_221 = arith.constant 0 : i32
        %add3A_222 = arith.addi %add3A_221, %mul3A_220 : i32
        %mul3A_223 = arith.constant 16 : i32
        %mul3A_224 = arith.muli %add3A_222, %mul3A_223 : i32
        %get3A_225 = arith.constant 1 : i32
        %get3A_226 = arith.index_cast %get3A_225 : i32 to index
        %get3A_227 = arith.index_cast %mul3A_224 : i32 to index
        %get3A_228 = tpu.vector_load %arg6[%get3A_226, %get3A_227] {strides = array<i32>} : memref<4x4096xi32, #tpu.memory_space<vmem>>, vector<16xi32>,
        %shift_right_arithmetic3A_229 = arith.shrsi %get3A_228, %broadcast_in_dim3A_7 : vector<16xi32>
        %or3A_230 = arith.ori %shift_right_arithmetic3A_229, %broadcast_in_dim3A_5 : vector<16xi32>
        %xor3A_231 = arith.xori %get3A_228, %or3A_230 : vector<16xi32>
        %shift_right_logical3A_232 = arith.shrui %xor3A_231, %broadcast_in_dim3A_9 : vector<16xi32>
        %shift_right_logical3A_233 = arith.shrui %xor3A_231, %broadcast_in_dim3A_11 : vector<16xi32>
        %and3A_234 = arith.andi %shift_right_logical3A_233, %broadcast_in_dim3A_13 : vector<16xi32>
        %eq3A_235 = arith.cmpi eq, %shift_right_logical3A_232, %get3A_16 : vector<16xi32>
        %eq3A_236 = arith.cmpi eq, %shift_right_logical3A_232, %get3A_18 : vector<16xi32>
        %or3A_237 = arith.ori %and3A_234, %broadcast_in_dim3A_15 : vector<16xi32>
        %select_n3A_238 = arith.select %eq3A_236, %or3A_237, %and3A_234 : vector<16xi1>, vector<16xi32>
        %or3A_239 = arith.ori %eq3A_235, %eq3A_236 : vector<16xi1>
        tpu.vector_store_idx %arg7[%select_n3A_238], %broadcast_in_dim3A_3 masked %or3A_239 {add = true} : memref<32768xi32, #tpu.memory_space<vmem>>[vector<16xi32>], vector<16xi32>, vector<16xi1>
        %eq3A_240 = arith.cmpi eq, %shift_right_logical3A_232, %get3A_20 : vector<16xi32>
        %eq3A_241 = arith.cmpi eq, %shift_right_logical3A_232, %get3A_22 : vector<16xi32>
        %or3A_242 = arith.ori %and3A_234, %broadcast_in_dim3A_15 : vector<16xi32>
        %select_n3A_243 = arith.select %eq3A_241, %or3A_242, %and3A_234 : vector<16xi1>, vector<16xi32>
        %or3A_244 = arith.ori %eq3A_240, %eq3A_241 : vector<16xi1>
        tpu.vector_store_idx %arg8[%select_n3A_243], %broadcast_in_dim3A_3 masked %or3A_244 {add = true} : memref<32768xi32, #tpu.memory_space<vmem>>[vector<16xi32>], vector<16xi32>, vector<16xi1>
        %scan3A_245 = arith.constant 5 : i32
        %scan3A_246 = arith.addi %scan3A_113, %scan3A_245 : i32
        %mul3A_247 = arith.constant 1 : i32
        %mul3A_248 = arith.muli %scan3A_246, %mul3A_247 : i32
        %add3A_249 = arith.constant 0 : i32
        %add3A_250 = arith.addi %add3A_249, %mul3A_248 : i32
        %mul3A_251 = arith.constant 16 : i32
        %mul3A_252 = arith.muli %add3A_250, %mul3A_251 : i32
        %get3A_253 = arith.constant 1 : i32
        %get3A_254 = arith.index_cast %get3A_253 : i32 to index
        %get3A_255 = arith.index_cast %mul3A_252 : i32 to index
        %get3A_256 = tpu.vector_load %arg6[%get3A_254, %get3A_255] {strides = array<i32>} : memref<4x4096xi32, #tpu.memory_space<vmem>>, vector<16xi32>,
        %shift_right_arithmetic3A_257 = arith.shrsi %get3A_256, %broadcast_in_dim3A_7 : vector<16xi32>
        %or3A_258 = arith.ori %shift_right_arithmetic3A_257, %broadcast_in_dim3A_5 : vector<16xi32>
        %xor3A_259 = arith.xori %get3A_256, %or3A_258 : vector<16xi32>
        %shift_right_logical3A_260 = arith.shrui %xor3A_259, %broadcast_in_dim3A_9 : vector<16xi32>
        %shift_right_logical3A_261 = arith.shrui %xor3A_259, %broadcast_in_dim3A_11 : vector<16xi32>
        %and3A_262 = arith.andi %shift_right_logical3A_261, %broadcast_in_dim3A_13 : vector<16xi32>
        %eq3A_263 = arith.cmpi eq, %shift_right_logical3A_260, %get3A_16 : vector<16xi32>
        %eq3A_264 = arith.cmpi eq, %shift_right_logical3A_260, %get3A_18 : vector<16xi32>
        %or3A_265 = arith.ori %and3A_262, %broadcast_in_dim3A_15 : vector<16xi32>
        %select_n3A_266 = arith.select %eq3A_264, %or3A_265, %and3A_262 : vector<16xi1>, vector<16xi32>
        %or3A_267 = arith.ori %eq3A_263, %eq3A_264 : vector<16xi1>
        tpu.vector_store_idx %arg7[%select_n3A_266], %broadcast_in_dim3A_3 masked %or3A_267 {add = true} : memref<32768xi32, #tpu.memory_space<vmem>>[vector<16xi32>], vector<16xi32>, vector<16xi1>
        %eq3A_268 = arith.cmpi eq, %shift_right_logical3A_260, %get3A_20 : vector<16xi32>
        %eq3A_269 = arith.cmpi eq, %shift_right_logical3A_260, %get3A_22 : vector<16xi32>
        %or3A_270 = arith.ori %and3A_262, %broadcast_in_dim3A_15 : vector<16xi32>
        %select_n3A_271 = arith.select %eq3A_269, %or3A_270, %and3A_262 : vector<16xi1>, vector<16xi32>
        %or3A_272 = arith.ori %eq3A_268, %eq3A_269 : vector<16xi1>
        tpu.vector_store_idx %arg8[%select_n3A_271], %broadcast_in_dim3A_3 masked %or3A_272 {add = true} : memref<32768xi32, #tpu.memory_space<vmem>>[vector<16xi32>], vector<16xi32>, vector<16xi1>
        %scan3A_273 = arith.constant 6 : i32
        %scan3A_274 = arith.addi %scan3A_113, %scan3A_273 : i32
        %mul3A_275 = arith.constant 1 : i32
        %mul3A_276 = arith.muli %scan3A_274, %mul3A_275 : i32
        %add3A_277 = arith.constant 0 : i32
        %add3A_278 = arith.addi %add3A_277, %mul3A_276 : i32
        %mul3A_279 = arith.constant 16 : i32
        %mul3A_280 = arith.muli %add3A_278, %mul3A_279 : i32
        %get3A_281 = arith.constant 1 : i32
        %get3A_282 = arith.index_cast %get3A_281 : i32 to index
        %get3A_283 = arith.index_cast %mul3A_280 : i32 to index
        %get3A_284 = tpu.vector_load %arg6[%get3A_282, %get3A_283] {strides = array<i32>} : memref<4x4096xi32, #tpu.memory_space<vmem>>, vector<16xi32>,
        %shift_right_arithmetic3A_285 = arith.shrsi %get3A_284, %broadcast_in_dim3A_7 : vector<16xi32>
        %or3A_286 = arith.ori %shift_right_arithmetic3A_285, %broadcast_in_dim3A_5 : vector<16xi32>
        %xor3A_287 = arith.xori %get3A_284, %or3A_286 : vector<16xi32>
        %shift_right_logical3A_288 = arith.shrui %xor3A_287, %broadcast_in_dim3A_9 : vector<16xi32>
        %shift_right_logical3A_289 = arith.shrui %xor3A_287, %broadcast_in_dim3A_11 : vector<16xi32>
        %and3A_290 = arith.andi %shift_right_logical3A_289, %broadcast_in_dim3A_13 : vector<16xi32>
        %eq3A_291 = arith.cmpi eq, %shift_right_logical3A_288, %get3A_16 : vector<16xi32>
        %eq3A_292 = arith.cmpi eq, %shift_right_logical3A_288, %get3A_18 : vector<16xi32>
        %or3A_293 = arith.ori %and3A_290, %broadcast_in_dim3A_15 : vector<16xi32>
        %select_n3A_294 = arith.select %eq3A_292, %or3A_293, %and3A_290 : vector<16xi1>, vector<16xi32>
        %or3A_295 = arith.ori %eq3A_291, %eq3A_292 : vector<16xi1>
        tpu.vector_store_idx %arg7[%select_n3A_294], %broadcast_in_dim3A_3 masked %or3A_295 {add = true} : memref<32768xi32, #tpu.memory_space<vmem>>[vector<16xi32>], vector<16xi32>, vector<16xi1>
        %eq3A_296 = arith.cmpi eq, %shift_right_logical3A_288, %get3A_20 : vector<16xi32>
        %eq3A_297 = arith.cmpi eq, %shift_right_logical3A_288, %get3A_22 : vector<16xi32>
        %or3A_298 = arith.ori %and3A_290, %broadcast_in_dim3A_15 : vector<16xi32>
        %select_n3A_299 = arith.select %eq3A_297, %or3A_298, %and3A_290 : vector<16xi1>, vector<16xi32>
        %or3A_300 = arith.ori %eq3A_296, %eq3A_297 : vector<16xi1>
        tpu.vector_store_idx %arg8[%select_n3A_299], %broadcast_in_dim3A_3 masked %or3A_300 {add = true} : memref<32768xi32, #tpu.memory_space<vmem>>[vector<16xi32>], vector<16xi32>, vector<16xi1>
        %scan3A_301 = arith.constant 7 : i32
        %scan3A_302 = arith.addi %scan3A_113, %scan3A_301 : i32
        %mul3A_303 = arith.constant 1 : i32
        %mul3A_304 = arith.muli %scan3A_302, %mul3A_303 : i32
        %add3A_305 = arith.constant 0 : i32
        %add3A_306 = arith.addi %add3A_305, %mul3A_304 : i32
        %mul3A_307 = arith.constant 16 : i32
        %mul3A_308 = arith.muli %add3A_306, %mul3A_307 : i32
        %get3A_309 = arith.constant 1 : i32
        %get3A_310 = arith.index_cast %get3A_309 : i32 to index
        %get3A_311 = arith.index_cast %mul3A_308 : i32 to index
        %get3A_312 = tpu.vector_load %arg6[%get3A_310, %get3A_311] {strides = array<i32>} : memref<4x4096xi32, #tpu.memory_space<vmem>>, vector<16xi32>,
        %shift_right_arithmetic3A_313 = arith.shrsi %get3A_312, %broadcast_in_dim3A_7 : vector<16xi32>
        %or3A_314 = arith.ori %shift_right_arithmetic3A_313, %broadcast_in_dim3A_5 : vector<16xi32>
        %xor3A_315 = arith.xori %get3A_312, %or3A_314 : vector<16xi32>
        %shift_right_logical3A_316 = arith.shrui %xor3A_315, %broadcast_in_dim3A_9 : vector<16xi32>
        %shift_right_logical3A_317 = arith.shrui %xor3A_315, %broadcast_in_dim3A_11 : vector<16xi32>
        %and3A_318 = arith.andi %shift_right_logical3A_317, %broadcast_in_dim3A_13 : vector<16xi32>
        %eq3A_319 = arith.cmpi eq, %shift_right_logical3A_316, %get3A_16 : vector<16xi32>
        %eq3A_320 = arith.cmpi eq, %shift_right_logical3A_316, %get3A_18 : vector<16xi32>
        %or3A_321 = arith.ori %and3A_318, %broadcast_in_dim3A_15 : vector<16xi32>
        %select_n3A_322 = arith.select %eq3A_320, %or3A_321, %and3A_318 : vector<16xi1>, vector<16xi32>
        %or3A_323 = arith.ori %eq3A_319, %eq3A_320 : vector<16xi1>
        tpu.vector_store_idx %arg7[%select_n3A_322], %broadcast_in_dim3A_3 masked %or3A_323 {add = true} : memref<32768xi32, #tpu.memory_space<vmem>>[vector<16xi32>], vector<16xi32>, vector<16xi1>
        %eq3A_324 = arith.cmpi eq, %shift_right_logical3A_316, %get3A_20 : vector<16xi32>
        %eq3A_325 = arith.cmpi eq, %shift_right_logical3A_316, %get3A_22 : vector<16xi32>
        %or3A_326 = arith.ori %and3A_318, %broadcast_in_dim3A_15 : vector<16xi32>
        %select_n3A_327 = arith.select %eq3A_325, %or3A_326, %and3A_318 : vector<16xi1>, vector<16xi32>
        %or3A_328 = arith.ori %eq3A_324, %eq3A_325 : vector<16xi1>
        tpu.vector_store_idx %arg8[%select_n3A_327], %broadcast_in_dim3A_3 masked %or3A_328 {add = true} : memref<32768xi32, #tpu.memory_space<vmem>>[vector<16xi32>], vector<16xi32>, vector<16xi1>
      }
      %scan3A_102 = arith.constant 256 : i32
      %scan3A_103 = arith.constant 0 : i32
      %scan3A_104 = arith.constant 256 : i32
      %scan3A_105 = arith.addi %scan3A_103, %scan3A_104 : i32
      %scan3A_106 = arith.constant 8 : i32
      scf.for %scan3A_113 = %scan3A_103 to %scan3A_105 step %scan3A_106  : i32 {
        %mul3A_114 = arith.constant 1 : i32
        %mul3A_115 = arith.muli %scan3A_113, %mul3A_114 : i32
        %add3A_116 = arith.constant 0 : i32
        %add3A_117 = arith.addi %add3A_116, %mul3A_115 : i32
        %mul3A_118 = arith.constant 16 : i32
        %mul3A_119 = arith.muli %add3A_117, %mul3A_118 : i32
        %get3A_120 = arith.constant 2 : i32
        %get3A_121 = arith.index_cast %get3A_120 : i32 to index
        %get3A_122 = arith.index_cast %mul3A_119 : i32 to index
        %get3A_123 = tpu.vector_load %arg6[%get3A_121, %get3A_122] {strides = array<i32>} : memref<4x4096xi32, #tpu.memory_space<vmem>>, vector<16xi32>,
        %shift_right_arithmetic3A = arith.shrsi %get3A_123, %broadcast_in_dim3A_7 : vector<16xi32>
        %or3A = arith.ori %shift_right_arithmetic3A, %broadcast_in_dim3A_5 : vector<16xi32>
        %xor3A = arith.xori %get3A_123, %or3A : vector<16xi32>
        %shift_right_logical3A = arith.shrui %xor3A, %broadcast_in_dim3A_9 : vector<16xi32>
        %shift_right_logical3A_124 = arith.shrui %xor3A, %broadcast_in_dim3A_11 : vector<16xi32>
        %and3A = arith.andi %shift_right_logical3A_124, %broadcast_in_dim3A_13 : vector<16xi32>
        %eq3A = arith.cmpi eq, %shift_right_logical3A, %get3A_16 : vector<16xi32>
        %eq3A_125 = arith.cmpi eq, %shift_right_logical3A, %get3A_18 : vector<16xi32>
        %or3A_126 = arith.ori %and3A, %broadcast_in_dim3A_15 : vector<16xi32>
        %select_n3A = arith.select %eq3A_125, %or3A_126, %and3A : vector<16xi1>, vector<16xi32>
        %or3A_127 = arith.ori %eq3A, %eq3A_125 : vector<16xi1>
        tpu.vector_store_idx %arg7[%select_n3A], %broadcast_in_dim3A_3 masked %or3A_127 {add = true} : memref<32768xi32, #tpu.memory_space<vmem>>[vector<16xi32>], vector<16xi32>, vector<16xi1>
        %eq3A_128 = arith.cmpi eq, %shift_right_logical3A, %get3A_20 : vector<16xi32>
        %eq3A_129 = arith.cmpi eq, %shift_right_logical3A, %get3A_22 : vector<16xi32>
        %or3A_130 = arith.ori %and3A, %broadcast_in_dim3A_15 : vector<16xi32>
        %select_n3A_131 = arith.select %eq3A_129, %or3A_130, %and3A : vector<16xi1>, vector<16xi32>
        %or3A_132 = arith.ori %eq3A_128, %eq3A_129 : vector<16xi1>
        tpu.vector_store_idx %arg8[%select_n3A_131], %broadcast_in_dim3A_3 masked %or3A_132 {add = true} : memref<32768xi32, #tpu.memory_space<vmem>>[vector<16xi32>], vector<16xi32>, vector<16xi1>
        %scan3A_133 = arith.constant 1 : i32
        %scan3A_134 = arith.addi %scan3A_113, %scan3A_133 : i32
        %mul3A_135 = arith.constant 1 : i32
        %mul3A_136 = arith.muli %scan3A_134, %mul3A_135 : i32
        %add3A_137 = arith.constant 0 : i32
        %add3A_138 = arith.addi %add3A_137, %mul3A_136 : i32
        %mul3A_139 = arith.constant 16 : i32
        %mul3A_140 = arith.muli %add3A_138, %mul3A_139 : i32
        %get3A_141 = arith.constant 2 : i32
        %get3A_142 = arith.index_cast %get3A_141 : i32 to index
        %get3A_143 = arith.index_cast %mul3A_140 : i32 to index
        %get3A_144 = tpu.vector_load %arg6[%get3A_142, %get3A_143] {strides = array<i32>} : memref<4x4096xi32, #tpu.memory_space<vmem>>, vector<16xi32>,
        %shift_right_arithmetic3A_145 = arith.shrsi %get3A_144, %broadcast_in_dim3A_7 : vector<16xi32>
        %or3A_146 = arith.ori %shift_right_arithmetic3A_145, %broadcast_in_dim3A_5 : vector<16xi32>
        %xor3A_147 = arith.xori %get3A_144, %or3A_146 : vector<16xi32>
        %shift_right_logical3A_148 = arith.shrui %xor3A_147, %broadcast_in_dim3A_9 : vector<16xi32>
        %shift_right_logical3A_149 = arith.shrui %xor3A_147, %broadcast_in_dim3A_11 : vector<16xi32>
        %and3A_150 = arith.andi %shift_right_logical3A_149, %broadcast_in_dim3A_13 : vector<16xi32>
        %eq3A_151 = arith.cmpi eq, %shift_right_logical3A_148, %get3A_16 : vector<16xi32>
        %eq3A_152 = arith.cmpi eq, %shift_right_logical3A_148, %get3A_18 : vector<16xi32>
        %or3A_153 = arith.ori %and3A_150, %broadcast_in_dim3A_15 : vector<16xi32>
        %select_n3A_154 = arith.select %eq3A_152, %or3A_153, %and3A_150 : vector<16xi1>, vector<16xi32>
        %or3A_155 = arith.ori %eq3A_151, %eq3A_152 : vector<16xi1>
        tpu.vector_store_idx %arg7[%select_n3A_154], %broadcast_in_dim3A_3 masked %or3A_155 {add = true} : memref<32768xi32, #tpu.memory_space<vmem>>[vector<16xi32>], vector<16xi32>, vector<16xi1>
        %eq3A_156 = arith.cmpi eq, %shift_right_logical3A_148, %get3A_20 : vector<16xi32>
        %eq3A_157 = arith.cmpi eq, %shift_right_logical3A_148, %get3A_22 : vector<16xi32>
        %or3A_158 = arith.ori %and3A_150, %broadcast_in_dim3A_15 : vector<16xi32>
        %select_n3A_159 = arith.select %eq3A_157, %or3A_158, %and3A_150 : vector<16xi1>, vector<16xi32>
        %or3A_160 = arith.ori %eq3A_156, %eq3A_157 : vector<16xi1>
        tpu.vector_store_idx %arg8[%select_n3A_159], %broadcast_in_dim3A_3 masked %or3A_160 {add = true} : memref<32768xi32, #tpu.memory_space<vmem>>[vector<16xi32>], vector<16xi32>, vector<16xi1>
        %scan3A_161 = arith.constant 2 : i32
        %scan3A_162 = arith.addi %scan3A_113, %scan3A_161 : i32
        %mul3A_163 = arith.constant 1 : i32
        %mul3A_164 = arith.muli %scan3A_162, %mul3A_163 : i32
        %add3A_165 = arith.constant 0 : i32
        %add3A_166 = arith.addi %add3A_165, %mul3A_164 : i32
        %mul3A_167 = arith.constant 16 : i32
        %mul3A_168 = arith.muli %add3A_166, %mul3A_167 : i32
        %get3A_169 = arith.constant 2 : i32
        %get3A_170 = arith.index_cast %get3A_169 : i32 to index
        %get3A_171 = arith.index_cast %mul3A_168 : i32 to index
        %get3A_172 = tpu.vector_load %arg6[%get3A_170, %get3A_171] {strides = array<i32>} : memref<4x4096xi32, #tpu.memory_space<vmem>>, vector<16xi32>,
        %shift_right_arithmetic3A_173 = arith.shrsi %get3A_172, %broadcast_in_dim3A_7 : vector<16xi32>
        %or3A_174 = arith.ori %shift_right_arithmetic3A_173, %broadcast_in_dim3A_5 : vector<16xi32>
        %xor3A_175 = arith.xori %get3A_172, %or3A_174 : vector<16xi32>
        %shift_right_logical3A_176 = arith.shrui %xor3A_175, %broadcast_in_dim3A_9 : vector<16xi32>
        %shift_right_logical3A_177 = arith.shrui %xor3A_175, %broadcast_in_dim3A_11 : vector<16xi32>
        %and3A_178 = arith.andi %shift_right_logical3A_177, %broadcast_in_dim3A_13 : vector<16xi32>
        %eq3A_179 = arith.cmpi eq, %shift_right_logical3A_176, %get3A_16 : vector<16xi32>
        %eq3A_180 = arith.cmpi eq, %shift_right_logical3A_176, %get3A_18 : vector<16xi32>
        %or3A_181 = arith.ori %and3A_178, %broadcast_in_dim3A_15 : vector<16xi32>
        %select_n3A_182 = arith.select %eq3A_180, %or3A_181, %and3A_178 : vector<16xi1>, vector<16xi32>
        %or3A_183 = arith.ori %eq3A_179, %eq3A_180 : vector<16xi1>
        tpu.vector_store_idx %arg7[%select_n3A_182], %broadcast_in_dim3A_3 masked %or3A_183 {add = true} : memref<32768xi32, #tpu.memory_space<vmem>>[vector<16xi32>], vector<16xi32>, vector<16xi1>
        %eq3A_184 = arith.cmpi eq, %shift_right_logical3A_176, %get3A_20 : vector<16xi32>
        %eq3A_185 = arith.cmpi eq, %shift_right_logical3A_176, %get3A_22 : vector<16xi32>
        %or3A_186 = arith.ori %and3A_178, %broadcast_in_dim3A_15 : vector<16xi32>
        %select_n3A_187 = arith.select %eq3A_185, %or3A_186, %and3A_178 : vector<16xi1>, vector<16xi32>
        %or3A_188 = arith.ori %eq3A_184, %eq3A_185 : vector<16xi1>
        tpu.vector_store_idx %arg8[%select_n3A_187], %broadcast_in_dim3A_3 masked %or3A_188 {add = true} : memref<32768xi32, #tpu.memory_space<vmem>>[vector<16xi32>], vector<16xi32>, vector<16xi1>
        %scan3A_189 = arith.constant 3 : i32
        %scan3A_190 = arith.addi %scan3A_113, %scan3A_189 : i32
        %mul3A_191 = arith.constant 1 : i32
        %mul3A_192 = arith.muli %scan3A_190, %mul3A_191 : i32
        %add3A_193 = arith.constant 0 : i32
        %add3A_194 = arith.addi %add3A_193, %mul3A_192 : i32
        %mul3A_195 = arith.constant 16 : i32
        %mul3A_196 = arith.muli %add3A_194, %mul3A_195 : i32
        %get3A_197 = arith.constant 2 : i32
        %get3A_198 = arith.index_cast %get3A_197 : i32 to index
        %get3A_199 = arith.index_cast %mul3A_196 : i32 to index
        %get3A_200 = tpu.vector_load %arg6[%get3A_198, %get3A_199] {strides = array<i32>} : memref<4x4096xi32, #tpu.memory_space<vmem>>, vector<16xi32>,
        %shift_right_arithmetic3A_201 = arith.shrsi %get3A_200, %broadcast_in_dim3A_7 : vector<16xi32>
        %or3A_202 = arith.ori %shift_right_arithmetic3A_201, %broadcast_in_dim3A_5 : vector<16xi32>
        %xor3A_203 = arith.xori %get3A_200, %or3A_202 : vector<16xi32>
        %shift_right_logical3A_204 = arith.shrui %xor3A_203, %broadcast_in_dim3A_9 : vector<16xi32>
        %shift_right_logical3A_205 = arith.shrui %xor3A_203, %broadcast_in_dim3A_11 : vector<16xi32>
        %and3A_206 = arith.andi %shift_right_logical3A_205, %broadcast_in_dim3A_13 : vector<16xi32>
        %eq3A_207 = arith.cmpi eq, %shift_right_logical3A_204, %get3A_16 : vector<16xi32>
        %eq3A_208 = arith.cmpi eq, %shift_right_logical3A_204, %get3A_18 : vector<16xi32>
        %or3A_209 = arith.ori %and3A_206, %broadcast_in_dim3A_15 : vector<16xi32>
        %select_n3A_210 = arith.select %eq3A_208, %or3A_209, %and3A_206 : vector<16xi1>, vector<16xi32>
        %or3A_211 = arith.ori %eq3A_207, %eq3A_208 : vector<16xi1>
        tpu.vector_store_idx %arg7[%select_n3A_210], %broadcast_in_dim3A_3 masked %or3A_211 {add = true} : memref<32768xi32, #tpu.memory_space<vmem>>[vector<16xi32>], vector<16xi32>, vector<16xi1>
        %eq3A_212 = arith.cmpi eq, %shift_right_logical3A_204, %get3A_20 : vector<16xi32>
        %eq3A_213 = arith.cmpi eq, %shift_right_logical3A_204, %get3A_22 : vector<16xi32>
        %or3A_214 = arith.ori %and3A_206, %broadcast_in_dim3A_15 : vector<16xi32>
        %select_n3A_215 = arith.select %eq3A_213, %or3A_214, %and3A_206 : vector<16xi1>, vector<16xi32>
        %or3A_216 = arith.ori %eq3A_212, %eq3A_213 : vector<16xi1>
        tpu.vector_store_idx %arg8[%select_n3A_215], %broadcast_in_dim3A_3 masked %or3A_216 {add = true} : memref<32768xi32, #tpu.memory_space<vmem>>[vector<16xi32>], vector<16xi32>, vector<16xi1>
        %scan3A_217 = arith.constant 4 : i32
        %scan3A_218 = arith.addi %scan3A_113, %scan3A_217 : i32
        %mul3A_219 = arith.constant 1 : i32
        %mul3A_220 = arith.muli %scan3A_218, %mul3A_219 : i32
        %add3A_221 = arith.constant 0 : i32
        %add3A_222 = arith.addi %add3A_221, %mul3A_220 : i32
        %mul3A_223 = arith.constant 16 : i32
        %mul3A_224 = arith.muli %add3A_222, %mul3A_223 : i32
        %get3A_225 = arith.constant 2 : i32
        %get3A_226 = arith.index_cast %get3A_225 : i32 to index
        %get3A_227 = arith.index_cast %mul3A_224 : i32 to index
        %get3A_228 = tpu.vector_load %arg6[%get3A_226, %get3A_227] {strides = array<i32>} : memref<4x4096xi32, #tpu.memory_space<vmem>>, vector<16xi32>,
        %shift_right_arithmetic3A_229 = arith.shrsi %get3A_228, %broadcast_in_dim3A_7 : vector<16xi32>
        %or3A_230 = arith.ori %shift_right_arithmetic3A_229, %broadcast_in_dim3A_5 : vector<16xi32>
        %xor3A_231 = arith.xori %get3A_228, %or3A_230 : vector<16xi32>
        %shift_right_logical3A_232 = arith.shrui %xor3A_231, %broadcast_in_dim3A_9 : vector<16xi32>
        %shift_right_logical3A_233 = arith.shrui %xor3A_231, %broadcast_in_dim3A_11 : vector<16xi32>
        %and3A_234 = arith.andi %shift_right_logical3A_233, %broadcast_in_dim3A_13 : vector<16xi32>
        %eq3A_235 = arith.cmpi eq, %shift_right_logical3A_232, %get3A_16 : vector<16xi32>
        %eq3A_236 = arith.cmpi eq, %shift_right_logical3A_232, %get3A_18 : vector<16xi32>
        %or3A_237 = arith.ori %and3A_234, %broadcast_in_dim3A_15 : vector<16xi32>
        %select_n3A_238 = arith.select %eq3A_236, %or3A_237, %and3A_234 : vector<16xi1>, vector<16xi32>
        %or3A_239 = arith.ori %eq3A_235, %eq3A_236 : vector<16xi1>
        tpu.vector_store_idx %arg7[%select_n3A_238], %broadcast_in_dim3A_3 masked %or3A_239 {add = true} : memref<32768xi32, #tpu.memory_space<vmem>>[vector<16xi32>], vector<16xi32>, vector<16xi1>
        %eq3A_240 = arith.cmpi eq, %shift_right_logical3A_232, %get3A_20 : vector<16xi32>
        %eq3A_241 = arith.cmpi eq, %shift_right_logical3A_232, %get3A_22 : vector<16xi32>
        %or3A_242 = arith.ori %and3A_234, %broadcast_in_dim3A_15 : vector<16xi32>
        %select_n3A_243 = arith.select %eq3A_241, %or3A_242, %and3A_234 : vector<16xi1>, vector<16xi32>
        %or3A_244 = arith.ori %eq3A_240, %eq3A_241 : vector<16xi1>
        tpu.vector_store_idx %arg8[%select_n3A_243], %broadcast_in_dim3A_3 masked %or3A_244 {add = true} : memref<32768xi32, #tpu.memory_space<vmem>>[vector<16xi32>], vector<16xi32>, vector<16xi1>
        %scan3A_245 = arith.constant 5 : i32
        %scan3A_246 = arith.addi %scan3A_113, %scan3A_245 : i32
        %mul3A_247 = arith.constant 1 : i32
        %mul3A_248 = arith.muli %scan3A_246, %mul3A_247 : i32
        %add3A_249 = arith.constant 0 : i32
        %add3A_250 = arith.addi %add3A_249, %mul3A_248 : i32
        %mul3A_251 = arith.constant 16 : i32
        %mul3A_252 = arith.muli %add3A_250, %mul3A_251 : i32
        %get3A_253 = arith.constant 2 : i32
        %get3A_254 = arith.index_cast %get3A_253 : i32 to index
        %get3A_255 = arith.index_cast %mul3A_252 : i32 to index
        %get3A_256 = tpu.vector_load %arg6[%get3A_254, %get3A_255] {strides = array<i32>} : memref<4x4096xi32, #tpu.memory_space<vmem>>, vector<16xi32>,
        %shift_right_arithmetic3A_257 = arith.shrsi %get3A_256, %broadcast_in_dim3A_7 : vector<16xi32>
        %or3A_258 = arith.ori %shift_right_arithmetic3A_257, %broadcast_in_dim3A_5 : vector<16xi32>
        %xor3A_259 = arith.xori %get3A_256, %or3A_258 : vector<16xi32>
        %shift_right_logical3A_260 = arith.shrui %xor3A_259, %broadcast_in_dim3A_9 : vector<16xi32>
        %shift_right_logical3A_261 = arith.shrui %xor3A_259, %broadcast_in_dim3A_11 : vector<16xi32>
        %and3A_262 = arith.andi %shift_right_logical3A_261, %broadcast_in_dim3A_13 : vector<16xi32>
        %eq3A_263 = arith.cmpi eq, %shift_right_logical3A_260, %get3A_16 : vector<16xi32>
        %eq3A_264 = arith.cmpi eq, %shift_right_logical3A_260, %get3A_18 : vector<16xi32>
        %or3A_265 = arith.ori %and3A_262, %broadcast_in_dim3A_15 : vector<16xi32>
        %select_n3A_266 = arith.select %eq3A_264, %or3A_265, %and3A_262 : vector<16xi1>, vector<16xi32>
        %or3A_267 = arith.ori %eq3A_263, %eq3A_264 : vector<16xi1>
        tpu.vector_store_idx %arg7[%select_n3A_266], %broadcast_in_dim3A_3 masked %or3A_267 {add = true} : memref<32768xi32, #tpu.memory_space<vmem>>[vector<16xi32>], vector<16xi32>, vector<16xi1>
        %eq3A_268 = arith.cmpi eq, %shift_right_logical3A_260, %get3A_20 : vector<16xi32>
        %eq3A_269 = arith.cmpi eq, %shift_right_logical3A_260, %get3A_22 : vector<16xi32>
        %or3A_270 = arith.ori %and3A_262, %broadcast_in_dim3A_15 : vector<16xi32>
        %select_n3A_271 = arith.select %eq3A_269, %or3A_270, %and3A_262 : vector<16xi1>, vector<16xi32>
        %or3A_272 = arith.ori %eq3A_268, %eq3A_269 : vector<16xi1>
        tpu.vector_store_idx %arg8[%select_n3A_271], %broadcast_in_dim3A_3 masked %or3A_272 {add = true} : memref<32768xi32, #tpu.memory_space<vmem>>[vector<16xi32>], vector<16xi32>, vector<16xi1>
        %scan3A_273 = arith.constant 6 : i32
        %scan3A_274 = arith.addi %scan3A_113, %scan3A_273 : i32
        %mul3A_275 = arith.constant 1 : i32
        %mul3A_276 = arith.muli %scan3A_274, %mul3A_275 : i32
        %add3A_277 = arith.constant 0 : i32
        %add3A_278 = arith.addi %add3A_277, %mul3A_276 : i32
        %mul3A_279 = arith.constant 16 : i32
        %mul3A_280 = arith.muli %add3A_278, %mul3A_279 : i32
        %get3A_281 = arith.constant 2 : i32
        %get3A_282 = arith.index_cast %get3A_281 : i32 to index
        %get3A_283 = arith.index_cast %mul3A_280 : i32 to index
        %get3A_284 = tpu.vector_load %arg6[%get3A_282, %get3A_283] {strides = array<i32>} : memref<4x4096xi32, #tpu.memory_space<vmem>>, vector<16xi32>,
        %shift_right_arithmetic3A_285 = arith.shrsi %get3A_284, %broadcast_in_dim3A_7 : vector<16xi32>
        %or3A_286 = arith.ori %shift_right_arithmetic3A_285, %broadcast_in_dim3A_5 : vector<16xi32>
        %xor3A_287 = arith.xori %get3A_284, %or3A_286 : vector<16xi32>
        %shift_right_logical3A_288 = arith.shrui %xor3A_287, %broadcast_in_dim3A_9 : vector<16xi32>
        %shift_right_logical3A_289 = arith.shrui %xor3A_287, %broadcast_in_dim3A_11 : vector<16xi32>
        %and3A_290 = arith.andi %shift_right_logical3A_289, %broadcast_in_dim3A_13 : vector<16xi32>
        %eq3A_291 = arith.cmpi eq, %shift_right_logical3A_288, %get3A_16 : vector<16xi32>
        %eq3A_292 = arith.cmpi eq, %shift_right_logical3A_288, %get3A_18 : vector<16xi32>
        %or3A_293 = arith.ori %and3A_290, %broadcast_in_dim3A_15 : vector<16xi32>
        %select_n3A_294 = arith.select %eq3A_292, %or3A_293, %and3A_290 : vector<16xi1>, vector<16xi32>
        %or3A_295 = arith.ori %eq3A_291, %eq3A_292 : vector<16xi1>
        tpu.vector_store_idx %arg7[%select_n3A_294], %broadcast_in_dim3A_3 masked %or3A_295 {add = true} : memref<32768xi32, #tpu.memory_space<vmem>>[vector<16xi32>], vector<16xi32>, vector<16xi1>
        %eq3A_296 = arith.cmpi eq, %shift_right_logical3A_288, %get3A_20 : vector<16xi32>
        %eq3A_297 = arith.cmpi eq, %shift_right_logical3A_288, %get3A_22 : vector<16xi32>
        %or3A_298 = arith.ori %and3A_290, %broadcast_in_dim3A_15 : vector<16xi32>
        %select_n3A_299 = arith.select %eq3A_297, %or3A_298, %and3A_290 : vector<16xi1>, vector<16xi32>
        %or3A_300 = arith.ori %eq3A_296, %eq3A_297 : vector<16xi1>
        tpu.vector_store_idx %arg8[%select_n3A_299], %broadcast_in_dim3A_3 masked %or3A_300 {add = true} : memref<32768xi32, #tpu.memory_space<vmem>>[vector<16xi32>], vector<16xi32>, vector<16xi1>
        %scan3A_301 = arith.constant 7 : i32
        %scan3A_302 = arith.addi %scan3A_113, %scan3A_301 : i32
        %mul3A_303 = arith.constant 1 : i32
        %mul3A_304 = arith.muli %scan3A_302, %mul3A_303 : i32
        %add3A_305 = arith.constant 0 : i32
        %add3A_306 = arith.addi %add3A_305, %mul3A_304 : i32
        %mul3A_307 = arith.constant 16 : i32
        %mul3A_308 = arith.muli %add3A_306, %mul3A_307 : i32
        %get3A_309 = arith.constant 2 : i32
        %get3A_310 = arith.index_cast %get3A_309 : i32 to index
        %get3A_311 = arith.index_cast %mul3A_308 : i32 to index
        %get3A_312 = tpu.vector_load %arg6[%get3A_310, %get3A_311] {strides = array<i32>} : memref<4x4096xi32, #tpu.memory_space<vmem>>, vector<16xi32>,
        %shift_right_arithmetic3A_313 = arith.shrsi %get3A_312, %broadcast_in_dim3A_7 : vector<16xi32>
        %or3A_314 = arith.ori %shift_right_arithmetic3A_313, %broadcast_in_dim3A_5 : vector<16xi32>
        %xor3A_315 = arith.xori %get3A_312, %or3A_314 : vector<16xi32>
        %shift_right_logical3A_316 = arith.shrui %xor3A_315, %broadcast_in_dim3A_9 : vector<16xi32>
        %shift_right_logical3A_317 = arith.shrui %xor3A_315, %broadcast_in_dim3A_11 : vector<16xi32>
        %and3A_318 = arith.andi %shift_right_logical3A_317, %broadcast_in_dim3A_13 : vector<16xi32>
        %eq3A_319 = arith.cmpi eq, %shift_right_logical3A_316, %get3A_16 : vector<16xi32>
        %eq3A_320 = arith.cmpi eq, %shift_right_logical3A_316, %get3A_18 : vector<16xi32>
        %or3A_321 = arith.ori %and3A_318, %broadcast_in_dim3A_15 : vector<16xi32>
        %select_n3A_322 = arith.select %eq3A_320, %or3A_321, %and3A_318 : vector<16xi1>, vector<16xi32>
        %or3A_323 = arith.ori %eq3A_319, %eq3A_320 : vector<16xi1>
        tpu.vector_store_idx %arg7[%select_n3A_322], %broadcast_in_dim3A_3 masked %or3A_323 {add = true} : memref<32768xi32, #tpu.memory_space<vmem>>[vector<16xi32>], vector<16xi32>, vector<16xi1>
        %eq3A_324 = arith.cmpi eq, %shift_right_logical3A_316, %get3A_20 : vector<16xi32>
        %eq3A_325 = arith.cmpi eq, %shift_right_logical3A_316, %get3A_22 : vector<16xi32>
        %or3A_326 = arith.ori %and3A_318, %broadcast_in_dim3A_15 : vector<16xi32>
        %select_n3A_327 = arith.select %eq3A_325, %or3A_326, %and3A_318 : vector<16xi1>, vector<16xi32>
        %or3A_328 = arith.ori %eq3A_324, %eq3A_325 : vector<16xi1>
        tpu.vector_store_idx %arg8[%select_n3A_327], %broadcast_in_dim3A_3 masked %or3A_328 {add = true} : memref<32768xi32, #tpu.memory_space<vmem>>[vector<16xi32>], vector<16xi32>, vector<16xi1>
      }
      %scan3A_107 = arith.constant 256 : i32
      %scan3A_108 = arith.constant 0 : i32
      %scan3A_109 = arith.constant 256 : i32
      %scan3A_110 = arith.addi %scan3A_108, %scan3A_109 : i32
      %scan3A_111 = arith.constant 8 : i32
      scf.for %scan3A_113 = %scan3A_108 to %scan3A_110 step %scan3A_111  : i32 {
        %mul3A_114 = arith.constant 1 : i32
        %mul3A_115 = arith.muli %scan3A_113, %mul3A_114 : i32
        %add3A_116 = arith.constant 0 : i32
        %add3A_117 = arith.addi %add3A_116, %mul3A_115 : i32
        %mul3A_118 = arith.constant 16 : i32
        %mul3A_119 = arith.muli %add3A_117, %mul3A_118 : i32
        %get3A_120 = arith.constant 3 : i32
        %get3A_121 = arith.index_cast %get3A_120 : i32 to index
        %get3A_122 = arith.index_cast %mul3A_119 : i32 to index
        %get3A_123 = tpu.vector_load %arg6[%get3A_121, %get3A_122] {strides = array<i32>} : memref<4x4096xi32, #tpu.memory_space<vmem>>, vector<16xi32>,
        %shift_right_arithmetic3A = arith.shrsi %get3A_123, %broadcast_in_dim3A_7 : vector<16xi32>
        %or3A = arith.ori %shift_right_arithmetic3A, %broadcast_in_dim3A_5 : vector<16xi32>
        %xor3A = arith.xori %get3A_123, %or3A : vector<16xi32>
        %shift_right_logical3A = arith.shrui %xor3A, %broadcast_in_dim3A_9 : vector<16xi32>
        %shift_right_logical3A_124 = arith.shrui %xor3A, %broadcast_in_dim3A_11 : vector<16xi32>
        %and3A = arith.andi %shift_right_logical3A_124, %broadcast_in_dim3A_13 : vector<16xi32>
        %eq3A = arith.cmpi eq, %shift_right_logical3A, %get3A_16 : vector<16xi32>
        %eq3A_125 = arith.cmpi eq, %shift_right_logical3A, %get3A_18 : vector<16xi32>
        %or3A_126 = arith.ori %and3A, %broadcast_in_dim3A_15 : vector<16xi32>
        %select_n3A = arith.select %eq3A_125, %or3A_126, %and3A : vector<16xi1>, vector<16xi32>
        %or3A_127 = arith.ori %eq3A, %eq3A_125 : vector<16xi1>
        tpu.vector_store_idx %arg7[%select_n3A], %broadcast_in_dim3A_3 masked %or3A_127 {add = true} : memref<32768xi32, #tpu.memory_space<vmem>>[vector<16xi32>], vector<16xi32>, vector<16xi1>
        %eq3A_128 = arith.cmpi eq, %shift_right_logical3A, %get3A_20 : vector<16xi32>
        %eq3A_129 = arith.cmpi eq, %shift_right_logical3A, %get3A_22 : vector<16xi32>
        %or3A_130 = arith.ori %and3A, %broadcast_in_dim3A_15 : vector<16xi32>
        %select_n3A_131 = arith.select %eq3A_129, %or3A_130, %and3A : vector<16xi1>, vector<16xi32>
        %or3A_132 = arith.ori %eq3A_128, %eq3A_129 : vector<16xi1>
        tpu.vector_store_idx %arg8[%select_n3A_131], %broadcast_in_dim3A_3 masked %or3A_132 {add = true} : memref<32768xi32, #tpu.memory_space<vmem>>[vector<16xi32>], vector<16xi32>, vector<16xi1>
        %scan3A_133 = arith.constant 1 : i32
        %scan3A_134 = arith.addi %scan3A_113, %scan3A_133 : i32
        %mul3A_135 = arith.constant 1 : i32
        %mul3A_136 = arith.muli %scan3A_134, %mul3A_135 : i32
        %add3A_137 = arith.constant 0 : i32
        %add3A_138 = arith.addi %add3A_137, %mul3A_136 : i32
        %mul3A_139 = arith.constant 16 : i32
        %mul3A_140 = arith.muli %add3A_138, %mul3A_139 : i32
        %get3A_141 = arith.constant 3 : i32
        %get3A_142 = arith.index_cast %get3A_141 : i32 to index
        %get3A_143 = arith.index_cast %mul3A_140 : i32 to index
        %get3A_144 = tpu.vector_load %arg6[%get3A_142, %get3A_143] {strides = array<i32>} : memref<4x4096xi32, #tpu.memory_space<vmem>>, vector<16xi32>,
        %shift_right_arithmetic3A_145 = arith.shrsi %get3A_144, %broadcast_in_dim3A_7 : vector<16xi32>
        %or3A_146 = arith.ori %shift_right_arithmetic3A_145, %broadcast_in_dim3A_5 : vector<16xi32>
        %xor3A_147 = arith.xori %get3A_144, %or3A_146 : vector<16xi32>
        %shift_right_logical3A_148 = arith.shrui %xor3A_147, %broadcast_in_dim3A_9 : vector<16xi32>
        %shift_right_logical3A_149 = arith.shrui %xor3A_147, %broadcast_in_dim3A_11 : vector<16xi32>
        %and3A_150 = arith.andi %shift_right_logical3A_149, %broadcast_in_dim3A_13 : vector<16xi32>
        %eq3A_151 = arith.cmpi eq, %shift_right_logical3A_148, %get3A_16 : vector<16xi32>
        %eq3A_152 = arith.cmpi eq, %shift_right_logical3A_148, %get3A_18 : vector<16xi32>
        %or3A_153 = arith.ori %and3A_150, %broadcast_in_dim3A_15 : vector<16xi32>
        %select_n3A_154 = arith.select %eq3A_152, %or3A_153, %and3A_150 : vector<16xi1>, vector<16xi32>
        %or3A_155 = arith.ori %eq3A_151, %eq3A_152 : vector<16xi1>
        tpu.vector_store_idx %arg7[%select_n3A_154], %broadcast_in_dim3A_3 masked %or3A_155 {add = true} : memref<32768xi32, #tpu.memory_space<vmem>>[vector<16xi32>], vector<16xi32>, vector<16xi1>
        %eq3A_156 = arith.cmpi eq, %shift_right_logical3A_148, %get3A_20 : vector<16xi32>
        %eq3A_157 = arith.cmpi eq, %shift_right_logical3A_148, %get3A_22 : vector<16xi32>
        %or3A_158 = arith.ori %and3A_150, %broadcast_in_dim3A_15 : vector<16xi32>
        %select_n3A_159 = arith.select %eq3A_157, %or3A_158, %and3A_150 : vector<16xi1>, vector<16xi32>
        %or3A_160 = arith.ori %eq3A_156, %eq3A_157 : vector<16xi1>
        tpu.vector_store_idx %arg8[%select_n3A_159], %broadcast_in_dim3A_3 masked %or3A_160 {add = true} : memref<32768xi32, #tpu.memory_space<vmem>>[vector<16xi32>], vector<16xi32>, vector<16xi1>
        %scan3A_161 = arith.constant 2 : i32
        %scan3A_162 = arith.addi %scan3A_113, %scan3A_161 : i32
        %mul3A_163 = arith.constant 1 : i32
        %mul3A_164 = arith.muli %scan3A_162, %mul3A_163 : i32
        %add3A_165 = arith.constant 0 : i32
        %add3A_166 = arith.addi %add3A_165, %mul3A_164 : i32
        %mul3A_167 = arith.constant 16 : i32
        %mul3A_168 = arith.muli %add3A_166, %mul3A_167 : i32
        %get3A_169 = arith.constant 3 : i32
        %get3A_170 = arith.index_cast %get3A_169 : i32 to index
        %get3A_171 = arith.index_cast %mul3A_168 : i32 to index
        %get3A_172 = tpu.vector_load %arg6[%get3A_170, %get3A_171] {strides = array<i32>} : memref<4x4096xi32, #tpu.memory_space<vmem>>, vector<16xi32>,
        %shift_right_arithmetic3A_173 = arith.shrsi %get3A_172, %broadcast_in_dim3A_7 : vector<16xi32>
        %or3A_174 = arith.ori %shift_right_arithmetic3A_173, %broadcast_in_dim3A_5 : vector<16xi32>
        %xor3A_175 = arith.xori %get3A_172, %or3A_174 : vector<16xi32>
        %shift_right_logical3A_176 = arith.shrui %xor3A_175, %broadcast_in_dim3A_9 : vector<16xi32>
        %shift_right_logical3A_177 = arith.shrui %xor3A_175, %broadcast_in_dim3A_11 : vector<16xi32>
        %and3A_178 = arith.andi %shift_right_logical3A_177, %broadcast_in_dim3A_13 : vector<16xi32>
        %eq3A_179 = arith.cmpi eq, %shift_right_logical3A_176, %get3A_16 : vector<16xi32>
        %eq3A_180 = arith.cmpi eq, %shift_right_logical3A_176, %get3A_18 : vector<16xi32>
        %or3A_181 = arith.ori %and3A_178, %broadcast_in_dim3A_15 : vector<16xi32>
        %select_n3A_182 = arith.select %eq3A_180, %or3A_181, %and3A_178 : vector<16xi1>, vector<16xi32>
        %or3A_183 = arith.ori %eq3A_179, %eq3A_180 : vector<16xi1>
        tpu.vector_store_idx %arg7[%select_n3A_182], %broadcast_in_dim3A_3 masked %or3A_183 {add = true} : memref<32768xi32, #tpu.memory_space<vmem>>[vector<16xi32>], vector<16xi32>, vector<16xi1>
        %eq3A_184 = arith.cmpi eq, %shift_right_logical3A_176, %get3A_20 : vector<16xi32>
        %eq3A_185 = arith.cmpi eq, %shift_right_logical3A_176, %get3A_22 : vector<16xi32>
        %or3A_186 = arith.ori %and3A_178, %broadcast_in_dim3A_15 : vector<16xi32>
        %select_n3A_187 = arith.select %eq3A_185, %or3A_186, %and3A_178 : vector<16xi1>, vector<16xi32>
        %or3A_188 = arith.ori %eq3A_184, %eq3A_185 : vector<16xi1>
        tpu.vector_store_idx %arg8[%select_n3A_187], %broadcast_in_dim3A_3 masked %or3A_188 {add = true} : memref<32768xi32, #tpu.memory_space<vmem>>[vector<16xi32>], vector<16xi32>, vector<16xi1>
        %scan3A_189 = arith.constant 3 : i32
        %scan3A_190 = arith.addi %scan3A_113, %scan3A_189 : i32
        %mul3A_191 = arith.constant 1 : i32
        %mul3A_192 = arith.muli %scan3A_190, %mul3A_191 : i32
        %add3A_193 = arith.constant 0 : i32
        %add3A_194 = arith.addi %add3A_193, %mul3A_192 : i32
        %mul3A_195 = arith.constant 16 : i32
        %mul3A_196 = arith.muli %add3A_194, %mul3A_195 : i32
        %get3A_197 = arith.constant 3 : i32
        %get3A_198 = arith.index_cast %get3A_197 : i32 to index
        %get3A_199 = arith.index_cast %mul3A_196 : i32 to index
        %get3A_200 = tpu.vector_load %arg6[%get3A_198, %get3A_199] {strides = array<i32>} : memref<4x4096xi32, #tpu.memory_space<vmem>>, vector<16xi32>,
        %shift_right_arithmetic3A_201 = arith.shrsi %get3A_200, %broadcast_in_dim3A_7 : vector<16xi32>
        %or3A_202 = arith.ori %shift_right_arithmetic3A_201, %broadcast_in_dim3A_5 : vector<16xi32>
        %xor3A_203 = arith.xori %get3A_200, %or3A_202 : vector<16xi32>
        %shift_right_logical3A_204 = arith.shrui %xor3A_203, %broadcast_in_dim3A_9 : vector<16xi32>
        %shift_right_logical3A_205 = arith.shrui %xor3A_203, %broadcast_in_dim3A_11 : vector<16xi32>
        %and3A_206 = arith.andi %shift_right_logical3A_205, %broadcast_in_dim3A_13 : vector<16xi32>
        %eq3A_207 = arith.cmpi eq, %shift_right_logical3A_204, %get3A_16 : vector<16xi32>
        %eq3A_208 = arith.cmpi eq, %shift_right_logical3A_204, %get3A_18 : vector<16xi32>
        %or3A_209 = arith.ori %and3A_206, %broadcast_in_dim3A_15 : vector<16xi32>
        %select_n3A_210 = arith.select %eq3A_208, %or3A_209, %and3A_206 : vector<16xi1>, vector<16xi32>
        %or3A_211 = arith.ori %eq3A_207, %eq3A_208 : vector<16xi1>
        tpu.vector_store_idx %arg7[%select_n3A_210], %broadcast_in_dim3A_3 masked %or3A_211 {add = true} : memref<32768xi32, #tpu.memory_space<vmem>>[vector<16xi32>], vector<16xi32>, vector<16xi1>
        %eq3A_212 = arith.cmpi eq, %shift_right_logical3A_204, %get3A_20 : vector<16xi32>
        %eq3A_213 = arith.cmpi eq, %shift_right_logical3A_204, %get3A_22 : vector<16xi32>
        %or3A_214 = arith.ori %and3A_206, %broadcast_in_dim3A_15 : vector<16xi32>
        %select_n3A_215 = arith.select %eq3A_213, %or3A_214, %and3A_206 : vector<16xi1>, vector<16xi32>
        %or3A_216 = arith.ori %eq3A_212, %eq3A_213 : vector<16xi1>
        tpu.vector_store_idx %arg8[%select_n3A_215], %broadcast_in_dim3A_3 masked %or3A_216 {add = true} : memref<32768xi32, #tpu.memory_space<vmem>>[vector<16xi32>], vector<16xi32>, vector<16xi1>
        %scan3A_217 = arith.constant 4 : i32
        %scan3A_218 = arith.addi %scan3A_113, %scan3A_217 : i32
        %mul3A_219 = arith.constant 1 : i32
        %mul3A_220 = arith.muli %scan3A_218, %mul3A_219 : i32
        %add3A_221 = arith.constant 0 : i32
        %add3A_222 = arith.addi %add3A_221, %mul3A_220 : i32
        %mul3A_223 = arith.constant 16 : i32
        %mul3A_224 = arith.muli %add3A_222, %mul3A_223 : i32
        %get3A_225 = arith.constant 3 : i32
        %get3A_226 = arith.index_cast %get3A_225 : i32 to index
        %get3A_227 = arith.index_cast %mul3A_224 : i32 to index
        %get3A_228 = tpu.vector_load %arg6[%get3A_226, %get3A_227] {strides = array<i32>} : memref<4x4096xi32, #tpu.memory_space<vmem>>, vector<16xi32>,
        %shift_right_arithmetic3A_229 = arith.shrsi %get3A_228, %broadcast_in_dim3A_7 : vector<16xi32>
        %or3A_230 = arith.ori %shift_right_arithmetic3A_229, %broadcast_in_dim3A_5 : vector<16xi32>
        %xor3A_231 = arith.xori %get3A_228, %or3A_230 : vector<16xi32>
        %shift_right_logical3A_232 = arith.shrui %xor3A_231, %broadcast_in_dim3A_9 : vector<16xi32>
        %shift_right_logical3A_233 = arith.shrui %xor3A_231, %broadcast_in_dim3A_11 : vector<16xi32>
        %and3A_234 = arith.andi %shift_right_logical3A_233, %broadcast_in_dim3A_13 : vector<16xi32>
        %eq3A_235 = arith.cmpi eq, %shift_right_logical3A_232, %get3A_16 : vector<16xi32>
        %eq3A_236 = arith.cmpi eq, %shift_right_logical3A_232, %get3A_18 : vector<16xi32>
        %or3A_237 = arith.ori %and3A_234, %broadcast_in_dim3A_15 : vector<16xi32>
        %select_n3A_238 = arith.select %eq3A_236, %or3A_237, %and3A_234 : vector<16xi1>, vector<16xi32>
        %or3A_239 = arith.ori %eq3A_235, %eq3A_236 : vector<16xi1>
        tpu.vector_store_idx %arg7[%select_n3A_238], %broadcast_in_dim3A_3 masked %or3A_239 {add = true} : memref<32768xi32, #tpu.memory_space<vmem>>[vector<16xi32>], vector<16xi32>, vector<16xi1>
        %eq3A_240 = arith.cmpi eq, %shift_right_logical3A_232, %get3A_20 : vector<16xi32>
        %eq3A_241 = arith.cmpi eq, %shift_right_logical3A_232, %get3A_22 : vector<16xi32>
        %or3A_242 = arith.ori %and3A_234, %broadcast_in_dim3A_15 : vector<16xi32>
        %select_n3A_243 = arith.select %eq3A_241, %or3A_242, %and3A_234 : vector<16xi1>, vector<16xi32>
        %or3A_244 = arith.ori %eq3A_240, %eq3A_241 : vector<16xi1>
        tpu.vector_store_idx %arg8[%select_n3A_243], %broadcast_in_dim3A_3 masked %or3A_244 {add = true} : memref<32768xi32, #tpu.memory_space<vmem>>[vector<16xi32>], vector<16xi32>, vector<16xi1>
        %scan3A_245 = arith.constant 5 : i32
        %scan3A_246 = arith.addi %scan3A_113, %scan3A_245 : i32
        %mul3A_247 = arith.constant 1 : i32
        %mul3A_248 = arith.muli %scan3A_246, %mul3A_247 : i32
        %add3A_249 = arith.constant 0 : i32
        %add3A_250 = arith.addi %add3A_249, %mul3A_248 : i32
        %mul3A_251 = arith.constant 16 : i32
        %mul3A_252 = arith.muli %add3A_250, %mul3A_251 : i32
        %get3A_253 = arith.constant 3 : i32
        %get3A_254 = arith.index_cast %get3A_253 : i32 to index
        %get3A_255 = arith.index_cast %mul3A_252 : i32 to index
        %get3A_256 = tpu.vector_load %arg6[%get3A_254, %get3A_255] {strides = array<i32>} : memref<4x4096xi32, #tpu.memory_space<vmem>>, vector<16xi32>,
        %shift_right_arithmetic3A_257 = arith.shrsi %get3A_256, %broadcast_in_dim3A_7 : vector<16xi32>
        %or3A_258 = arith.ori %shift_right_arithmetic3A_257, %broadcast_in_dim3A_5 : vector<16xi32>
        %xor3A_259 = arith.xori %get3A_256, %or3A_258 : vector<16xi32>
        %shift_right_logical3A_260 = arith.shrui %xor3A_259, %broadcast_in_dim3A_9 : vector<16xi32>
        %shift_right_logical3A_261 = arith.shrui %xor3A_259, %broadcast_in_dim3A_11 : vector<16xi32>
        %and3A_262 = arith.andi %shift_right_logical3A_261, %broadcast_in_dim3A_13 : vector<16xi32>
        %eq3A_263 = arith.cmpi eq, %shift_right_logical3A_260, %get3A_16 : vector<16xi32>
        %eq3A_264 = arith.cmpi eq, %shift_right_logical3A_260, %get3A_18 : vector<16xi32>
        %or3A_265 = arith.ori %and3A_262, %broadcast_in_dim3A_15 : vector<16xi32>
        %select_n3A_266 = arith.select %eq3A_264, %or3A_265, %and3A_262 : vector<16xi1>, vector<16xi32>
        %or3A_267 = arith.ori %eq3A_263, %eq3A_264 : vector<16xi1>
        tpu.vector_store_idx %arg7[%select_n3A_266], %broadcast_in_dim3A_3 masked %or3A_267 {add = true} : memref<32768xi32, #tpu.memory_space<vmem>>[vector<16xi32>], vector<16xi32>, vector<16xi1>
        %eq3A_268 = arith.cmpi eq, %shift_right_logical3A_260, %get3A_20 : vector<16xi32>
        %eq3A_269 = arith.cmpi eq, %shift_right_logical3A_260, %get3A_22 : vector<16xi32>
        %or3A_270 = arith.ori %and3A_262, %broadcast_in_dim3A_15 : vector<16xi32>
        %select_n3A_271 = arith.select %eq3A_269, %or3A_270, %and3A_262 : vector<16xi1>, vector<16xi32>
        %or3A_272 = arith.ori %eq3A_268, %eq3A_269 : vector<16xi1>
        tpu.vector_store_idx %arg8[%select_n3A_271], %broadcast_in_dim3A_3 masked %or3A_272 {add = true} : memref<32768xi32, #tpu.memory_space<vmem>>[vector<16xi32>], vector<16xi32>, vector<16xi1>
        %scan3A_273 = arith.constant 6 : i32
        %scan3A_274 = arith.addi %scan3A_113, %scan3A_273 : i32
        %mul3A_275 = arith.constant 1 : i32
        %mul3A_276 = arith.muli %scan3A_274, %mul3A_275 : i32
        %add3A_277 = arith.constant 0 : i32
        %add3A_278 = arith.addi %add3A_277, %mul3A_276 : i32
        %mul3A_279 = arith.constant 16 : i32
        %mul3A_280 = arith.muli %add3A_278, %mul3A_279 : i32
        %get3A_281 = arith.constant 3 : i32
        %get3A_282 = arith.index_cast %get3A_281 : i32 to index
        %get3A_283 = arith.index_cast %mul3A_280 : i32 to index
        %get3A_284 = tpu.vector_load %arg6[%get3A_282, %get3A_283] {strides = array<i32>} : memref<4x4096xi32, #tpu.memory_space<vmem>>, vector<16xi32>,
        %shift_right_arithmetic3A_285 = arith.shrsi %get3A_284, %broadcast_in_dim3A_7 : vector<16xi32>
        %or3A_286 = arith.ori %shift_right_arithmetic3A_285, %broadcast_in_dim3A_5 : vector<16xi32>
        %xor3A_287 = arith.xori %get3A_284, %or3A_286 : vector<16xi32>
        %shift_right_logical3A_288 = arith.shrui %xor3A_287, %broadcast_in_dim3A_9 : vector<16xi32>
        %shift_right_logical3A_289 = arith.shrui %xor3A_287, %broadcast_in_dim3A_11 : vector<16xi32>
        %and3A_290 = arith.andi %shift_right_logical3A_289, %broadcast_in_dim3A_13 : vector<16xi32>
        %eq3A_291 = arith.cmpi eq, %shift_right_logical3A_288, %get3A_16 : vector<16xi32>
        %eq3A_292 = arith.cmpi eq, %shift_right_logical3A_288, %get3A_18 : vector<16xi32>
        %or3A_293 = arith.ori %and3A_290, %broadcast_in_dim3A_15 : vector<16xi32>
        %select_n3A_294 = arith.select %eq3A_292, %or3A_293, %and3A_290 : vector<16xi1>, vector<16xi32>
        %or3A_295 = arith.ori %eq3A_291, %eq3A_292 : vector<16xi1>
        tpu.vector_store_idx %arg7[%select_n3A_294], %broadcast_in_dim3A_3 masked %or3A_295 {add = true} : memref<32768xi32, #tpu.memory_space<vmem>>[vector<16xi32>], vector<16xi32>, vector<16xi1>
        %eq3A_296 = arith.cmpi eq, %shift_right_logical3A_288, %get3A_20 : vector<16xi32>
        %eq3A_297 = arith.cmpi eq, %shift_right_logical3A_288, %get3A_22 : vector<16xi32>
        %or3A_298 = arith.ori %and3A_290, %broadcast_in_dim3A_15 : vector<16xi32>
        %select_n3A_299 = arith.select %eq3A_297, %or3A_298, %and3A_290 : vector<16xi1>, vector<16xi32>
        %or3A_300 = arith.ori %eq3A_296, %eq3A_297 : vector<16xi1>
        tpu.vector_store_idx %arg8[%select_n3A_299], %broadcast_in_dim3A_3 masked %or3A_300 {add = true} : memref<32768xi32, #tpu.memory_space<vmem>>[vector<16xi32>], vector<16xi32>, vector<16xi1>
        %scan3A_301 = arith.constant 7 : i32
        %scan3A_302 = arith.addi %scan3A_113, %scan3A_301 : i32
        %mul3A_303 = arith.constant 1 : i32
        %mul3A_304 = arith.muli %scan3A_302, %mul3A_303 : i32
        %add3A_305 = arith.constant 0 : i32
        %add3A_306 = arith.addi %add3A_305, %mul3A_304 : i32
        %mul3A_307 = arith.constant 16 : i32
        %mul3A_308 = arith.muli %add3A_306, %mul3A_307 : i32
        %get3A_309 = arith.constant 3 : i32
        %get3A_310 = arith.index_cast %get3A_309 : i32 to index
        %get3A_311 = arith.index_cast %mul3A_308 : i32 to index
        %get3A_312 = tpu.vector_load %arg6[%get3A_310, %get3A_311] {strides = array<i32>} : memref<4x4096xi32, #tpu.memory_space<vmem>>, vector<16xi32>,
        %shift_right_arithmetic3A_313 = arith.shrsi %get3A_312, %broadcast_in_dim3A_7 : vector<16xi32>
        %or3A_314 = arith.ori %shift_right_arithmetic3A_313, %broadcast_in_dim3A_5 : vector<16xi32>
        %xor3A_315 = arith.xori %get3A_312, %or3A_314 : vector<16xi32>
        %shift_right_logical3A_316 = arith.shrui %xor3A_315, %broadcast_in_dim3A_9 : vector<16xi32>
        %shift_right_logical3A_317 = arith.shrui %xor3A_315, %broadcast_in_dim3A_11 : vector<16xi32>
        %and3A_318 = arith.andi %shift_right_logical3A_317, %broadcast_in_dim3A_13 : vector<16xi32>
        %eq3A_319 = arith.cmpi eq, %shift_right_logical3A_316, %get3A_16 : vector<16xi32>
        %eq3A_320 = arith.cmpi eq, %shift_right_logical3A_316, %get3A_18 : vector<16xi32>
        %or3A_321 = arith.ori %and3A_318, %broadcast_in_dim3A_15 : vector<16xi32>
        %select_n3A_322 = arith.select %eq3A_320, %or3A_321, %and3A_318 : vector<16xi1>, vector<16xi32>
        %or3A_323 = arith.ori %eq3A_319, %eq3A_320 : vector<16xi1>
        tpu.vector_store_idx %arg7[%select_n3A_322], %broadcast_in_dim3A_3 masked %or3A_323 {add = true} : memref<32768xi32, #tpu.memory_space<vmem>>[vector<16xi32>], vector<16xi32>, vector<16xi1>
        %eq3A_324 = arith.cmpi eq, %shift_right_logical3A_316, %get3A_20 : vector<16xi32>
        %eq3A_325 = arith.cmpi eq, %shift_right_logical3A_316, %get3A_22 : vector<16xi32>
        %or3A_326 = arith.ori %and3A_318, %broadcast_in_dim3A_15 : vector<16xi32>
        %select_n3A_327 = arith.select %eq3A_325, %or3A_326, %and3A_318 : vector<16xi1>, vector<16xi32>
        %or3A_328 = arith.ori %eq3A_324, %eq3A_325 : vector<16xi1>
        tpu.vector_store_idx %arg8[%select_n3A_327], %broadcast_in_dim3A_3 masked %or3A_328 {add = true} : memref<32768xi32, #tpu.memory_space<vmem>>[vector<16xi32>], vector<16xi32>, vector<16xi1>
      }
      %scan3A_112 = arith.constant 256 : i32
    }
    %scan3A_38 = arith.constant 16 : i32
    %run_scoped3A = arith.constant 0 : i32
    "tpu.region"() ({
      %run_scoped3A_40 = tpu.sem_alloc : memref<!tpu.dma_semaphore, #tpu.memory_space<semaphore_mem>>
      %dma_start3A_41 = arith.constant 0 : i32
      %dma_start3A_42 = tpu.memref_slice %arg4[%add3A, %run_scoped3A, %dma_start3A_41] : memref<32x2x32768xi32, #tpu.memory_space<hbm>> -> memref<1x1x32768xi32, #tpu.memory_space<hbm>>
      %dma_start3A_43 = tpu.memref_squeeze %dma_start3A_42 : memref<1x1x32768xi32, #tpu.memory_space<hbm>> -> memref<32768xi32, #tpu.memory_space<hbm>>
      %dma_start3A_44 = arith.constant 0 : i32
      %dma_start3A_45 = tpu.memref_slice %arg4[%add3A, %run_scoped3A, %dma_start3A_44] : memref<32x2x32768xi32, #tpu.memory_space<hbm>> -> memref<1x1x32768xi32, #tpu.memory_space<hbm>>
      %dma_start3A_46 = tpu.memref_squeeze %dma_start3A_45 : memref<1x1x32768xi32, #tpu.memory_space<hbm>> -> memref<32768xi32, #tpu.memory_space<hbm>>
      tpu.enqueue_dma source(%arg7 : memref<32768xi32, #tpu.memory_space<vmem>>) target(%dma_start3A_46 : memref<32768xi32, #tpu.memory_space<hbm>>) target_semaphore(%run_scoped3A_40 : memref<!tpu.dma_semaphore, #tpu.memory_space<semaphore_mem>>)
      %dma_wait3A = arith.constant 0 : i32
      %dma_wait3A_47 = tpu.memref_slice %arg4[%add3A, %run_scoped3A, %dma_wait3A] : memref<32x2x32768xi32, #tpu.memory_space<hbm>> -> memref<1x1x32768xi32, #tpu.memory_space<hbm>>
      %dma_wait3A_48 = tpu.memref_squeeze %dma_wait3A_47 : memref<1x1x32768xi32, #tpu.memory_space<hbm>> -> memref<32768xi32, #tpu.memory_space<hbm>>
      %dma_wait3A_49 = arith.constant 0 : i32
      %dma_wait3A_50 = tpu.memref_slice %arg4[%add3A, %run_scoped3A, %dma_wait3A_49] : memref<32x2x32768xi32, #tpu.memory_space<hbm>> -> memref<1x1x32768xi32, #tpu.memory_space<hbm>>
      %dma_wait3A_51 = tpu.memref_squeeze %dma_wait3A_50 : memref<1x1x32768xi32, #tpu.memory_space<hbm>> -> memref<32768xi32, #tpu.memory_space<hbm>>
      tpu.wait_dma2 semaphore(%run_scoped3A_40 : memref<!tpu.dma_semaphore, #tpu.memory_space<semaphore_mem>>) src(%arg7 : memref<32768xi32, #tpu.memory_space<vmem>>) dst(%dma_wait3A_51 : memref<32768xi32, #tpu.memory_space<hbm>>)
      tpu.yield
    }) : () -> ()
    %run_scoped3A_39 = arith.constant 1 : i32
    "tpu.region"() ({
      %run_scoped3A_40 = tpu.sem_alloc : memref<!tpu.dma_semaphore, #tpu.memory_space<semaphore_mem>>
      %dma_start3A_41 = arith.constant 0 : i32
      %dma_start3A_42 = tpu.memref_slice %arg4[%add3A, %run_scoped3A_39, %dma_start3A_41] : memref<32x2x32768xi32, #tpu.memory_space<hbm>> -> memref<1x1x32768xi32, #tpu.memory_space<hbm>>
      %dma_start3A_43 = tpu.memref_squeeze %dma_start3A_42 : memref<1x1x32768xi32, #tpu.memory_space<hbm>> -> memref<32768xi32, #tpu.memory_space<hbm>>
      %dma_start3A_44 = arith.constant 0 : i32
      %dma_start3A_45 = tpu.memref_slice %arg4[%add3A, %run_scoped3A_39, %dma_start3A_44] : memref<32x2x32768xi32, #tpu.memory_space<hbm>> -> memref<1x1x32768xi32, #tpu.memory_space<hbm>>
      %dma_start3A_46 = tpu.memref_squeeze %dma_start3A_45 : memref<1x1x32768xi32, #tpu.memory_space<hbm>> -> memref<32768xi32, #tpu.memory_space<hbm>>
      tpu.enqueue_dma source(%arg8 : memref<32768xi32, #tpu.memory_space<vmem>>) target(%dma_start3A_46 : memref<32768xi32, #tpu.memory_space<hbm>>) target_semaphore(%run_scoped3A_40 : memref<!tpu.dma_semaphore, #tpu.memory_space<semaphore_mem>>)
      %dma_wait3A = arith.constant 0 : i32
      %dma_wait3A_47 = tpu.memref_slice %arg4[%add3A, %run_scoped3A_39, %dma_wait3A] : memref<32x2x32768xi32, #tpu.memory_space<hbm>> -> memref<1x1x32768xi32, #tpu.memory_space<hbm>>
      %dma_wait3A_48 = tpu.memref_squeeze %dma_wait3A_47 : memref<1x1x32768xi32, #tpu.memory_space<hbm>> -> memref<32768xi32, #tpu.memory_space<hbm>>
      %dma_wait3A_49 = arith.constant 0 : i32
      %dma_wait3A_50 = tpu.memref_slice %arg4[%add3A, %run_scoped3A_39, %dma_wait3A_49] : memref<32x2x32768xi32, #tpu.memory_space<hbm>> -> memref<1x1x32768xi32, #tpu.memory_space<hbm>>
      %dma_wait3A_51 = tpu.memref_squeeze %dma_wait3A_50 : memref<1x1x32768xi32, #tpu.memory_space<hbm>> -> memref<32768xi32, #tpu.memory_space<hbm>>
      tpu.wait_dma2 semaphore(%run_scoped3A_40 : memref<!tpu.dma_semaphore, #tpu.memory_space<semaphore_mem>>) src(%arg8 : memref<32768xi32, #tpu.memory_space<vmem>>) dst(%dma_wait3A_51 : memref<32768xi32, #tpu.memory_space<hbm>>)
      tpu.yield
    }) : () -> ()
    return
  }
}

#map = affine_map<(d0, d1) -> (0, 0)>
module attributes {stable_mosaic.version = 14 : i64} {
  func.func @sc_hist_pass1(%arg0: i32, %arg1: i32, %arg2: memref<4096x4096xi32, #tpu.memory_space<hbm>>, %arg3: memref<32x65536xi32, #tpu.memory_space<hbm>>, %arg4: memref<4x4096xi32, #tpu.memory_space<vmem>>, %arg5: memref<4x4096xi32, #tpu.memory_space<vmem>>, %arg6: memref<65536xi32, #tpu.memory_space<vmem>>, %arg7: memref<!tpu.dma_semaphore, #tpu.memory_space<semaphore_mem>>, %arg8: memref<!tpu.dma_semaphore, #tpu.memory_space<semaphore_mem>>) attributes {dimension_semantics = [#tpu.dimension_semantics<core_parallel>, #tpu.dimension_semantics<subcore_parallel>], iteration_bounds = array<i64: 2, 16>, scalar_prefetch = 0 : i64, scratch_operands = 5 : i64, tpu.core_type = #tpu.core_type<sc_vector_subcore>, window_params = [{transform_indices = #map}, {transform_indices = #map}]} {
    %mul3A = arith.constant 2 : i32
    %mul3A_0 = arith.muli %arg1, %mul3A : i32
    %add3A = arith.addi %mul3A_0, %arg0 : i32
    %broadcast_in_dim3A = arith.constant 0 : i32
    %broadcast_in_dim3A_1 = vector.broadcast %broadcast_in_dim3A : i32 to vector<16xi32>
    %broadcast_in_dim3A_2 = arith.constant 1 : i32
    %broadcast_in_dim3A_3 = vector.broadcast %broadcast_in_dim3A_2 : i32 to vector<16xi32>
    %broadcast_in_dim3A_4 = arith.constant -2147483648 : i32
    %broadcast_in_dim3A_5 = vector.broadcast %broadcast_in_dim3A_4 : i32 to vector<16xi32>
    %broadcast_in_dim3A_6 = arith.constant 31 : i32
    %broadcast_in_dim3A_7 = vector.broadcast %broadcast_in_dim3A_6 : i32 to vector<16xi32>
    %broadcast_in_dim3A_8 = arith.constant 16 : i32
    %broadcast_in_dim3A_9 = vector.broadcast %broadcast_in_dim3A_8 : i32 to vector<16xi32>
    %scan3A = arith.constant 0 : i32
    %scan3A_10 = arith.constant 4096 : i32
    %scan3A_11 = arith.addi %scan3A, %scan3A_10 : i32
    %scan3A_12 = arith.constant 8 : i32
    scf.for %scan3A_26 = %scan3A to %scan3A_11 step %scan3A_12  : i32 {
      %mul3A_27 = arith.constant 1 : i32
      %mul3A_28 = arith.muli %scan3A_26, %mul3A_27 : i32
      %add3A_29 = arith.constant 0 : i32
      %add3A_30 = arith.addi %add3A_29, %mul3A_28 : i32
      %mul3A_31 = arith.constant 16 : i32
      %mul3A_32 = arith.muli %add3A_30, %mul3A_31 : i32
      %swap3A = arith.index_cast %mul3A_32 : i32 to index
      %swap3A_33 = tpu.vector_load %arg6[%swap3A] {strides = array<i32>} : memref<65536xi32, #tpu.memory_space<vmem>>, vector<16xi32>,
      tpu.vector_store %arg6[%swap3A], %broadcast_in_dim3A_1 {strides = array<i32>} : memref<65536xi32, #tpu.memory_space<vmem>>, vector<16xi32>,
      %scan3A_34 = arith.constant 1 : i32
      %scan3A_35 = arith.addi %scan3A_26, %scan3A_34 : i32
      %mul3A_36 = arith.constant 1 : i32
      %mul3A_37 = arith.muli %scan3A_35, %mul3A_36 : i32
      %add3A_38 = arith.constant 0 : i32
      %add3A_39 = arith.addi %add3A_38, %mul3A_37 : i32
      %mul3A_40 = arith.constant 16 : i32
      %mul3A_41 = arith.muli %add3A_39, %mul3A_40 : i32
      %swap3A_42 = arith.index_cast %mul3A_41 : i32 to index
      %swap3A_43 = tpu.vector_load %arg6[%swap3A_42] {strides = array<i32>} : memref<65536xi32, #tpu.memory_space<vmem>>, vector<16xi32>,
      tpu.vector_store %arg6[%swap3A_42], %broadcast_in_dim3A_1 {strides = array<i32>} : memref<65536xi32, #tpu.memory_space<vmem>>, vector<16xi32>,
      %scan3A_44 = arith.constant 2 : i32
      %scan3A_45 = arith.addi %scan3A_26, %scan3A_44 : i32
      %mul3A_46 = arith.constant 1 : i32
      %mul3A_47 = arith.muli %scan3A_45, %mul3A_46 : i32
      %add3A_48 = arith.constant 0 : i32
      %add3A_49 = arith.addi %add3A_48, %mul3A_47 : i32
      %mul3A_50 = arith.constant 16 : i32
      %mul3A_51 = arith.muli %add3A_49, %mul3A_50 : i32
      %swap3A_52 = arith.index_cast %mul3A_51 : i32 to index
      %swap3A_53 = tpu.vector_load %arg6[%swap3A_52] {strides = array<i32>} : memref<65536xi32, #tpu.memory_space<vmem>>, vector<16xi32>,
      tpu.vector_store %arg6[%swap3A_52], %broadcast_in_dim3A_1 {strides = array<i32>} : memref<65536xi32, #tpu.memory_space<vmem>>, vector<16xi32>,
      %scan3A_54 = arith.constant 3 : i32
      %scan3A_55 = arith.addi %scan3A_26, %scan3A_54 : i32
      %mul3A_56 = arith.constant 1 : i32
      %mul3A_57 = arith.muli %scan3A_55, %mul3A_56 : i32
      %add3A_58 = arith.constant 0 : i32
      %add3A_59 = arith.addi %add3A_58, %mul3A_57 : i32
      %mul3A_60 = arith.constant 16 : i32
      %mul3A_61 = arith.muli %add3A_59, %mul3A_60 : i32
      %swap3A_62 = arith.index_cast %mul3A_61 : i32 to index
      %swap3A_63 = tpu.vector_load %arg6[%swap3A_62] {strides = array<i32>} : memref<65536xi32, #tpu.memory_space<vmem>>, vector<16xi32>,
      tpu.vector_store %arg6[%swap3A_62], %broadcast_in_dim3A_1 {strides = array<i32>} : memref<65536xi32, #tpu.memory_space<vmem>>, vector<16xi32>,
      %scan3A_64 = arith.constant 4 : i32
      %scan3A_65 = arith.addi %scan3A_26, %scan3A_64 : i32
      %mul3A_66 = arith.constant 1 : i32
      %mul3A_67 = arith.muli %scan3A_65, %mul3A_66 : i32
      %add3A_68 = arith.constant 0 : i32
      %add3A_69 = arith.addi %add3A_68, %mul3A_67 : i32
      %mul3A_70 = arith.constant 16 : i32
      %mul3A_71 = arith.muli %add3A_69, %mul3A_70 : i32
      %swap3A_72 = arith.index_cast %mul3A_71 : i32 to index
      %swap3A_73 = tpu.vector_load %arg6[%swap3A_72] {strides = array<i32>} : memref<65536xi32, #tpu.memory_space<vmem>>, vector<16xi32>,
      tpu.vector_store %arg6[%swap3A_72], %broadcast_in_dim3A_1 {strides = array<i32>} : memref<65536xi32, #tpu.memory_space<vmem>>, vector<16xi32>,
      %scan3A_74 = arith.constant 5 : i32
      %scan3A_75 = arith.addi %scan3A_26, %scan3A_74 : i32
      %mul3A_76 = arith.constant 1 : i32
      %mul3A_77 = arith.muli %scan3A_75, %mul3A_76 : i32
      %add3A_78 = arith.constant 0 : i32
      %add3A_79 = arith.addi %add3A_78, %mul3A_77 : i32
      %mul3A_80 = arith.constant 16 : i32
      %mul3A_81 = arith.muli %add3A_79, %mul3A_80 : i32
      %swap3A_82 = arith.index_cast %mul3A_81 : i32 to index
      %swap3A_83 = tpu.vector_load %arg6[%swap3A_82] {strides = array<i32>} : memref<65536xi32, #tpu.memory_space<vmem>>, vector<16xi32>,
      tpu.vector_store %arg6[%swap3A_82], %broadcast_in_dim3A_1 {strides = array<i32>} : memref<65536xi32, #tpu.memory_space<vmem>>, vector<16xi32>,
      %scan3A_84 = arith.constant 6 : i32
      %scan3A_85 = arith.addi %scan3A_26, %scan3A_84 : i32
      %mul3A_86 = arith.constant 1 : i32
      %mul3A_87 = arith.muli %scan3A_85, %mul3A_86 : i32
      %add3A_88 = arith.constant 0 : i32
      %add3A_89 = arith.addi %add3A_88, %mul3A_87 : i32
      %mul3A_90 = arith.constant 16 : i32
      %mul3A_91 = arith.muli %add3A_89, %mul3A_90 : i32
      %swap3A_92 = arith.index_cast %mul3A_91 : i32 to index
      %swap3A_93 = tpu.vector_load %arg6[%swap3A_92] {strides = array<i32>} : memref<65536xi32, #tpu.memory_space<vmem>>, vector<16xi32>,
      tpu.vector_store %arg6[%swap3A_92], %broadcast_in_dim3A_1 {strides = array<i32>} : memref<65536xi32, #tpu.memory_space<vmem>>, vector<16xi32>,
      %scan3A_94 = arith.constant 7 : i32
      %scan3A_95 = arith.addi %scan3A_26, %scan3A_94 : i32
      %mul3A_96 = arith.constant 1 : i32
      %mul3A_97 = arith.muli %scan3A_95, %mul3A_96 : i32
      %add3A_98 = arith.constant 0 : i32
      %add3A_99 = arith.addi %add3A_98, %mul3A_97 : i32
      %mul3A_100 = arith.constant 16 : i32
      %mul3A_101 = arith.muli %add3A_99, %mul3A_100 : i32
      %swap3A_102 = arith.index_cast %mul3A_101 : i32 to index
      %swap3A_103 = tpu.vector_load %arg6[%swap3A_102] {strides = array<i32>} : memref<65536xi32, #tpu.memory_space<vmem>>, vector<16xi32>,
      tpu.vector_store %arg6[%swap3A_102], %broadcast_in_dim3A_1 {strides = array<i32>} : memref<65536xi32, #tpu.memory_space<vmem>>, vector<16xi32>,
    }
    %scan3A_13 = arith.constant 4096 : i32
    %mul3A_14 = arith.constant 128 : i32
    %mul3A_15 = arith.muli %add3A, %mul3A_14 : i32
    %add3A_16 = arith.constant 0 : i32
    %add3A_17 = arith.addi %mul3A_15, %add3A_16 : i32
    %dma_start3A = arith.constant 0 : i32
    %dma_start3A_18 = tpu.memref_slice %arg2[%add3A_17, %dma_start3A] : memref<4096x4096xi32, #tpu.memory_space<hbm>> -> memref<4x4096xi32, #tpu.memory_space<hbm>>
    %dma_start3A_19 = arith.constant 0 : i32
    %dma_start3A_20 = tpu.memref_slice %arg2[%add3A_17, %dma_start3A_19] : memref<4096x4096xi32, #tpu.memory_space<hbm>> -> memref<4x4096xi32, #tpu.memory_space<hbm>>
    tpu.enqueue_dma source(%dma_start3A_20 : memref<4x4096xi32, #tpu.memory_space<hbm>>) target(%arg4 : memref<4x4096xi32, #tpu.memory_space<vmem>>) target_semaphore(%arg7 : memref<!tpu.dma_semaphore, #tpu.memory_space<semaphore_mem>>)
    %scan3A_21 = arith.constant 0 : i32
    %scan3A_22 = arith.constant 16 : i32
    %scan3A_23 = arith.addi %scan3A_21, %scan3A_22 : i32
    %scan3A_24 = arith.constant 1 : i32
    scf.for %scan3A_26 = %scan3A_21 to %scan3A_23 step %scan3A_24  : i32 {
      %mul3A_27 = arith.constant 2 : i32
      %mul3A_28 = arith.muli %scan3A_26, %mul3A_27 : i32
      %add3A_29 = arith.constant 0 : i32
      %add3A_30 = arith.addi %add3A_29, %mul3A_28 : i32
      %add3A_31 = arith.constant 1 : i32
      %add3A_32 = arith.addi %add3A_30, %add3A_31 : i32
      %mul3A_33 = arith.constant 4 : i32
      %mul3A_34 = arith.muli %add3A_32, %mul3A_33 : i32
      %add3A_35 = arith.addi %mul3A_15, %mul3A_34 : i32
      %dma_start3A_36 = arith.constant 0 : i32
      %dma_start3A_37 = tpu.memref_slice %arg2[%add3A_35, %dma_start3A_36] : memref<4096x4096xi32, #tpu.memory_space<hbm>> -> memref<4x4096xi32, #tpu.memory_space<hbm>>
      %dma_start3A_38 = arith.constant 0 : i32
      %dma_start3A_39 = tpu.memref_slice %arg2[%add3A_35, %dma_start3A_38] : memref<4096x4096xi32, #tpu.memory_space<hbm>> -> memref<4x4096xi32, #tpu.memory_space<hbm>>
      tpu.enqueue_dma source(%dma_start3A_39 : memref<4x4096xi32, #tpu.memory_space<hbm>>) target(%arg5 : memref<4x4096xi32, #tpu.memory_space<vmem>>) target_semaphore(%arg8 : memref<!tpu.dma_semaphore, #tpu.memory_space<semaphore_mem>>)
      %mul3A_40 = arith.constant 4 : i32
      %mul3A_41 = arith.muli %add3A_30, %mul3A_40 : i32
      %add3A_42 = arith.addi %mul3A_15, %mul3A_41 : i32
      %dma_wait3A = arith.constant 0 : i32
      %dma_wait3A_43 = tpu.memref_slice %arg2[%add3A_42, %dma_wait3A] : memref<4096x4096xi32, #tpu.memory_space<hbm>> -> memref<4x4096xi32, #tpu.memory_space<hbm>>
      %dma_wait3A_44 = arith.constant 0 : i32
      %dma_wait3A_45 = tpu.memref_slice %arg2[%add3A_42, %dma_wait3A_44] : memref<4096x4096xi32, #tpu.memory_space<hbm>> -> memref<4x4096xi32, #tpu.memory_space<hbm>>
      tpu.wait_dma2 semaphore(%arg7 : memref<!tpu.dma_semaphore, #tpu.memory_space<semaphore_mem>>) src(%dma_wait3A_45 : memref<4x4096xi32, #tpu.memory_space<hbm>>) dst(%arg4 : memref<4x4096xi32, #tpu.memory_space<vmem>>)
      %scan3A_46 = arith.constant 0 : i32
      %scan3A_47 = arith.constant 256 : i32
      %scan3A_48 = arith.addi %scan3A_46, %scan3A_47 : i32
      %scan3A_49 = arith.constant 8 : i32
      scf.for %scan3A_99 = %scan3A_46 to %scan3A_48 step %scan3A_49  : i32 {
        %mul3A_100 = arith.constant 1 : i32
        %mul3A_101 = arith.muli %scan3A_99, %mul3A_100 : i32
        %add3A_102 = arith.constant 0 : i32
        %add3A_103 = arith.addi %add3A_102, %mul3A_101 : i32
        %mul3A_104 = arith.constant 16 : i32
        %mul3A_105 = arith.muli %add3A_103, %mul3A_104 : i32
        %get3A = arith.constant 0 : i32
        %get3A_106 = arith.index_cast %get3A : i32 to index
        %get3A_107 = arith.index_cast %mul3A_105 : i32 to index
        %get3A_108 = tpu.vector_load %arg4[%get3A_106, %get3A_107] {strides = array<i32>} : memref<4x4096xi32, #tpu.memory_space<vmem>>, vector<16xi32>,
        %shift_right_arithmetic3A = arith.shrsi %get3A_108, %broadcast_in_dim3A_7 : vector<16xi32>
        %or3A = arith.ori %shift_right_arithmetic3A, %broadcast_in_dim3A_5 : vector<16xi32>
        %xor3A = arith.xori %get3A_108, %or3A : vector<16xi32>
        %shift_right_logical3A = arith.shrui %xor3A, %broadcast_in_dim3A_9 : vector<16xi32>
        tpu.vector_store_idx %arg6[%shift_right_logical3A], %broadcast_in_dim3A_3 {add = true} : memref<65536xi32, #tpu.memory_space<vmem>>[vector<16xi32>], vector<16xi32>,
        %scan3A_109 = arith.constant 1 : i32
        %scan3A_110 = arith.addi %scan3A_99, %scan3A_109 : i32
        %mul3A_111 = arith.constant 1 : i32
        %mul3A_112 = arith.muli %scan3A_110, %mul3A_111 : i32
        %add3A_113 = arith.constant 0 : i32
        %add3A_114 = arith.addi %add3A_113, %mul3A_112 : i32
        %mul3A_115 = arith.constant 16 : i32
        %mul3A_116 = arith.muli %add3A_114, %mul3A_115 : i32
        %get3A_117 = arith.constant 0 : i32
        %get3A_118 = arith.index_cast %get3A_117 : i32 to index
        %get3A_119 = arith.index_cast %mul3A_116 : i32 to index
        %get3A_120 = tpu.vector_load %arg4[%get3A_118, %get3A_119] {strides = array<i32>} : memref<4x4096xi32, #tpu.memory_space<vmem>>, vector<16xi32>,
        %shift_right_arithmetic3A_121 = arith.shrsi %get3A_120, %broadcast_in_dim3A_7 : vector<16xi32>
        %or3A_122 = arith.ori %shift_right_arithmetic3A_121, %broadcast_in_dim3A_5 : vector<16xi32>
        %xor3A_123 = arith.xori %get3A_120, %or3A_122 : vector<16xi32>
        %shift_right_logical3A_124 = arith.shrui %xor3A_123, %broadcast_in_dim3A_9 : vector<16xi32>
        tpu.vector_store_idx %arg6[%shift_right_logical3A_124], %broadcast_in_dim3A_3 {add = true} : memref<65536xi32, #tpu.memory_space<vmem>>[vector<16xi32>], vector<16xi32>,
        %scan3A_125 = arith.constant 2 : i32
        %scan3A_126 = arith.addi %scan3A_99, %scan3A_125 : i32
        %mul3A_127 = arith.constant 1 : i32
        %mul3A_128 = arith.muli %scan3A_126, %mul3A_127 : i32
        %add3A_129 = arith.constant 0 : i32
        %add3A_130 = arith.addi %add3A_129, %mul3A_128 : i32
        %mul3A_131 = arith.constant 16 : i32
        %mul3A_132 = arith.muli %add3A_130, %mul3A_131 : i32
        %get3A_133 = arith.constant 0 : i32
        %get3A_134 = arith.index_cast %get3A_133 : i32 to index
        %get3A_135 = arith.index_cast %mul3A_132 : i32 to index
        %get3A_136 = tpu.vector_load %arg4[%get3A_134, %get3A_135] {strides = array<i32>} : memref<4x4096xi32, #tpu.memory_space<vmem>>, vector<16xi32>,
        %shift_right_arithmetic3A_137 = arith.shrsi %get3A_136, %broadcast_in_dim3A_7 : vector<16xi32>
        %or3A_138 = arith.ori %shift_right_arithmetic3A_137, %broadcast_in_dim3A_5 : vector<16xi32>
        %xor3A_139 = arith.xori %get3A_136, %or3A_138 : vector<16xi32>
        %shift_right_logical3A_140 = arith.shrui %xor3A_139, %broadcast_in_dim3A_9 : vector<16xi32>
        tpu.vector_store_idx %arg6[%shift_right_logical3A_140], %broadcast_in_dim3A_3 {add = true} : memref<65536xi32, #tpu.memory_space<vmem>>[vector<16xi32>], vector<16xi32>,
        %scan3A_141 = arith.constant 3 : i32
        %scan3A_142 = arith.addi %scan3A_99, %scan3A_141 : i32
        %mul3A_143 = arith.constant 1 : i32
        %mul3A_144 = arith.muli %scan3A_142, %mul3A_143 : i32
        %add3A_145 = arith.constant 0 : i32
        %add3A_146 = arith.addi %add3A_145, %mul3A_144 : i32
        %mul3A_147 = arith.constant 16 : i32
        %mul3A_148 = arith.muli %add3A_146, %mul3A_147 : i32
        %get3A_149 = arith.constant 0 : i32
        %get3A_150 = arith.index_cast %get3A_149 : i32 to index
        %get3A_151 = arith.index_cast %mul3A_148 : i32 to index
        %get3A_152 = tpu.vector_load %arg4[%get3A_150, %get3A_151] {strides = array<i32>} : memref<4x4096xi32, #tpu.memory_space<vmem>>, vector<16xi32>,
        %shift_right_arithmetic3A_153 = arith.shrsi %get3A_152, %broadcast_in_dim3A_7 : vector<16xi32>
        %or3A_154 = arith.ori %shift_right_arithmetic3A_153, %broadcast_in_dim3A_5 : vector<16xi32>
        %xor3A_155 = arith.xori %get3A_152, %or3A_154 : vector<16xi32>
        %shift_right_logical3A_156 = arith.shrui %xor3A_155, %broadcast_in_dim3A_9 : vector<16xi32>
        tpu.vector_store_idx %arg6[%shift_right_logical3A_156], %broadcast_in_dim3A_3 {add = true} : memref<65536xi32, #tpu.memory_space<vmem>>[vector<16xi32>], vector<16xi32>,
        %scan3A_157 = arith.constant 4 : i32
        %scan3A_158 = arith.addi %scan3A_99, %scan3A_157 : i32
        %mul3A_159 = arith.constant 1 : i32
        %mul3A_160 = arith.muli %scan3A_158, %mul3A_159 : i32
        %add3A_161 = arith.constant 0 : i32
        %add3A_162 = arith.addi %add3A_161, %mul3A_160 : i32
        %mul3A_163 = arith.constant 16 : i32
        %mul3A_164 = arith.muli %add3A_162, %mul3A_163 : i32
        %get3A_165 = arith.constant 0 : i32
        %get3A_166 = arith.index_cast %get3A_165 : i32 to index
        %get3A_167 = arith.index_cast %mul3A_164 : i32 to index
        %get3A_168 = tpu.vector_load %arg4[%get3A_166, %get3A_167] {strides = array<i32>} : memref<4x4096xi32, #tpu.memory_space<vmem>>, vector<16xi32>,
        %shift_right_arithmetic3A_169 = arith.shrsi %get3A_168, %broadcast_in_dim3A_7 : vector<16xi32>
        %or3A_170 = arith.ori %shift_right_arithmetic3A_169, %broadcast_in_dim3A_5 : vector<16xi32>
        %xor3A_171 = arith.xori %get3A_168, %or3A_170 : vector<16xi32>
        %shift_right_logical3A_172 = arith.shrui %xor3A_171, %broadcast_in_dim3A_9 : vector<16xi32>
        tpu.vector_store_idx %arg6[%shift_right_logical3A_172], %broadcast_in_dim3A_3 {add = true} : memref<65536xi32, #tpu.memory_space<vmem>>[vector<16xi32>], vector<16xi32>,
        %scan3A_173 = arith.constant 5 : i32
        %scan3A_174 = arith.addi %scan3A_99, %scan3A_173 : i32
        %mul3A_175 = arith.constant 1 : i32
        %mul3A_176 = arith.muli %scan3A_174, %mul3A_175 : i32
        %add3A_177 = arith.constant 0 : i32
        %add3A_178 = arith.addi %add3A_177, %mul3A_176 : i32
        %mul3A_179 = arith.constant 16 : i32
        %mul3A_180 = arith.muli %add3A_178, %mul3A_179 : i32
        %get3A_181 = arith.constant 0 : i32
        %get3A_182 = arith.index_cast %get3A_181 : i32 to index
        %get3A_183 = arith.index_cast %mul3A_180 : i32 to index
        %get3A_184 = tpu.vector_load %arg4[%get3A_182, %get3A_183] {strides = array<i32>} : memref<4x4096xi32, #tpu.memory_space<vmem>>, vector<16xi32>,
        %shift_right_arithmetic3A_185 = arith.shrsi %get3A_184, %broadcast_in_dim3A_7 : vector<16xi32>
        %or3A_186 = arith.ori %shift_right_arithmetic3A_185, %broadcast_in_dim3A_5 : vector<16xi32>
        %xor3A_187 = arith.xori %get3A_184, %or3A_186 : vector<16xi32>
        %shift_right_logical3A_188 = arith.shrui %xor3A_187, %broadcast_in_dim3A_9 : vector<16xi32>
        tpu.vector_store_idx %arg6[%shift_right_logical3A_188], %broadcast_in_dim3A_3 {add = true} : memref<65536xi32, #tpu.memory_space<vmem>>[vector<16xi32>], vector<16xi32>,
        %scan3A_189 = arith.constant 6 : i32
        %scan3A_190 = arith.addi %scan3A_99, %scan3A_189 : i32
        %mul3A_191 = arith.constant 1 : i32
        %mul3A_192 = arith.muli %scan3A_190, %mul3A_191 : i32
        %add3A_193 = arith.constant 0 : i32
        %add3A_194 = arith.addi %add3A_193, %mul3A_192 : i32
        %mul3A_195 = arith.constant 16 : i32
        %mul3A_196 = arith.muli %add3A_194, %mul3A_195 : i32
        %get3A_197 = arith.constant 0 : i32
        %get3A_198 = arith.index_cast %get3A_197 : i32 to index
        %get3A_199 = arith.index_cast %mul3A_196 : i32 to index
        %get3A_200 = tpu.vector_load %arg4[%get3A_198, %get3A_199] {strides = array<i32>} : memref<4x4096xi32, #tpu.memory_space<vmem>>, vector<16xi32>,
        %shift_right_arithmetic3A_201 = arith.shrsi %get3A_200, %broadcast_in_dim3A_7 : vector<16xi32>
        %or3A_202 = arith.ori %shift_right_arithmetic3A_201, %broadcast_in_dim3A_5 : vector<16xi32>
        %xor3A_203 = arith.xori %get3A_200, %or3A_202 : vector<16xi32>
        %shift_right_logical3A_204 = arith.shrui %xor3A_203, %broadcast_in_dim3A_9 : vector<16xi32>
        tpu.vector_store_idx %arg6[%shift_right_logical3A_204], %broadcast_in_dim3A_3 {add = true} : memref<65536xi32, #tpu.memory_space<vmem>>[vector<16xi32>], vector<16xi32>,
        %scan3A_205 = arith.constant 7 : i32
        %scan3A_206 = arith.addi %scan3A_99, %scan3A_205 : i32
        %mul3A_207 = arith.constant 1 : i32
        %mul3A_208 = arith.muli %scan3A_206, %mul3A_207 : i32
        %add3A_209 = arith.constant 0 : i32
        %add3A_210 = arith.addi %add3A_209, %mul3A_208 : i32
        %mul3A_211 = arith.constant 16 : i32
        %mul3A_212 = arith.muli %add3A_210, %mul3A_211 : i32
        %get3A_213 = arith.constant 0 : i32
        %get3A_214 = arith.index_cast %get3A_213 : i32 to index
        %get3A_215 = arith.index_cast %mul3A_212 : i32 to index
        %get3A_216 = tpu.vector_load %arg4[%get3A_214, %get3A_215] {strides = array<i32>} : memref<4x4096xi32, #tpu.memory_space<vmem>>, vector<16xi32>,
        %shift_right_arithmetic3A_217 = arith.shrsi %get3A_216, %broadcast_in_dim3A_7 : vector<16xi32>
        %or3A_218 = arith.ori %shift_right_arithmetic3A_217, %broadcast_in_dim3A_5 : vector<16xi32>
        %xor3A_219 = arith.xori %get3A_216, %or3A_218 : vector<16xi32>
        %shift_right_logical3A_220 = arith.shrui %xor3A_219, %broadcast_in_dim3A_9 : vector<16xi32>
        tpu.vector_store_idx %arg6[%shift_right_logical3A_220], %broadcast_in_dim3A_3 {add = true} : memref<65536xi32, #tpu.memory_space<vmem>>[vector<16xi32>], vector<16xi32>,
      }
      %scan3A_50 = arith.constant 256 : i32
      %scan3A_51 = arith.constant 0 : i32
      %scan3A_52 = arith.constant 256 : i32
      %scan3A_53 = arith.addi %scan3A_51, %scan3A_52 : i32
      %scan3A_54 = arith.constant 8 : i32
      scf.for %scan3A_99 = %scan3A_51 to %scan3A_53 step %scan3A_54  : i32 {
        %mul3A_100 = arith.constant 1 : i32
        %mul3A_101 = arith.muli %scan3A_99, %mul3A_100 : i32
        %add3A_102 = arith.constant 0 : i32
        %add3A_103 = arith.addi %add3A_102, %mul3A_101 : i32
        %mul3A_104 = arith.constant 16 : i32
        %mul3A_105 = arith.muli %add3A_103, %mul3A_104 : i32
        %get3A = arith.constant 1 : i32
        %get3A_106 = arith.index_cast %get3A : i32 to index
        %get3A_107 = arith.index_cast %mul3A_105 : i32 to index
        %get3A_108 = tpu.vector_load %arg4[%get3A_106, %get3A_107] {strides = array<i32>} : memref<4x4096xi32, #tpu.memory_space<vmem>>, vector<16xi32>,
        %shift_right_arithmetic3A = arith.shrsi %get3A_108, %broadcast_in_dim3A_7 : vector<16xi32>
        %or3A = arith.ori %shift_right_arithmetic3A, %broadcast_in_dim3A_5 : vector<16xi32>
        %xor3A = arith.xori %get3A_108, %or3A : vector<16xi32>
        %shift_right_logical3A = arith.shrui %xor3A, %broadcast_in_dim3A_9 : vector<16xi32>
        tpu.vector_store_idx %arg6[%shift_right_logical3A], %broadcast_in_dim3A_3 {add = true} : memref<65536xi32, #tpu.memory_space<vmem>>[vector<16xi32>], vector<16xi32>,
        %scan3A_109 = arith.constant 1 : i32
        %scan3A_110 = arith.addi %scan3A_99, %scan3A_109 : i32
        %mul3A_111 = arith.constant 1 : i32
        %mul3A_112 = arith.muli %scan3A_110, %mul3A_111 : i32
        %add3A_113 = arith.constant 0 : i32
        %add3A_114 = arith.addi %add3A_113, %mul3A_112 : i32
        %mul3A_115 = arith.constant 16 : i32
        %mul3A_116 = arith.muli %add3A_114, %mul3A_115 : i32
        %get3A_117 = arith.constant 1 : i32
        %get3A_118 = arith.index_cast %get3A_117 : i32 to index
        %get3A_119 = arith.index_cast %mul3A_116 : i32 to index
        %get3A_120 = tpu.vector_load %arg4[%get3A_118, %get3A_119] {strides = array<i32>} : memref<4x4096xi32, #tpu.memory_space<vmem>>, vector<16xi32>,
        %shift_right_arithmetic3A_121 = arith.shrsi %get3A_120, %broadcast_in_dim3A_7 : vector<16xi32>
        %or3A_122 = arith.ori %shift_right_arithmetic3A_121, %broadcast_in_dim3A_5 : vector<16xi32>
        %xor3A_123 = arith.xori %get3A_120, %or3A_122 : vector<16xi32>
        %shift_right_logical3A_124 = arith.shrui %xor3A_123, %broadcast_in_dim3A_9 : vector<16xi32>
        tpu.vector_store_idx %arg6[%shift_right_logical3A_124], %broadcast_in_dim3A_3 {add = true} : memref<65536xi32, #tpu.memory_space<vmem>>[vector<16xi32>], vector<16xi32>,
        %scan3A_125 = arith.constant 2 : i32
        %scan3A_126 = arith.addi %scan3A_99, %scan3A_125 : i32
        %mul3A_127 = arith.constant 1 : i32
        %mul3A_128 = arith.muli %scan3A_126, %mul3A_127 : i32
        %add3A_129 = arith.constant 0 : i32
        %add3A_130 = arith.addi %add3A_129, %mul3A_128 : i32
        %mul3A_131 = arith.constant 16 : i32
        %mul3A_132 = arith.muli %add3A_130, %mul3A_131 : i32
        %get3A_133 = arith.constant 1 : i32
        %get3A_134 = arith.index_cast %get3A_133 : i32 to index
        %get3A_135 = arith.index_cast %mul3A_132 : i32 to index
        %get3A_136 = tpu.vector_load %arg4[%get3A_134, %get3A_135] {strides = array<i32>} : memref<4x4096xi32, #tpu.memory_space<vmem>>, vector<16xi32>,
        %shift_right_arithmetic3A_137 = arith.shrsi %get3A_136, %broadcast_in_dim3A_7 : vector<16xi32>
        %or3A_138 = arith.ori %shift_right_arithmetic3A_137, %broadcast_in_dim3A_5 : vector<16xi32>
        %xor3A_139 = arith.xori %get3A_136, %or3A_138 : vector<16xi32>
        %shift_right_logical3A_140 = arith.shrui %xor3A_139, %broadcast_in_dim3A_9 : vector<16xi32>
        tpu.vector_store_idx %arg6[%shift_right_logical3A_140], %broadcast_in_dim3A_3 {add = true} : memref<65536xi32, #tpu.memory_space<vmem>>[vector<16xi32>], vector<16xi32>,
        %scan3A_141 = arith.constant 3 : i32
        %scan3A_142 = arith.addi %scan3A_99, %scan3A_141 : i32
        %mul3A_143 = arith.constant 1 : i32
        %mul3A_144 = arith.muli %scan3A_142, %mul3A_143 : i32
        %add3A_145 = arith.constant 0 : i32
        %add3A_146 = arith.addi %add3A_145, %mul3A_144 : i32
        %mul3A_147 = arith.constant 16 : i32
        %mul3A_148 = arith.muli %add3A_146, %mul3A_147 : i32
        %get3A_149 = arith.constant 1 : i32
        %get3A_150 = arith.index_cast %get3A_149 : i32 to index
        %get3A_151 = arith.index_cast %mul3A_148 : i32 to index
        %get3A_152 = tpu.vector_load %arg4[%get3A_150, %get3A_151] {strides = array<i32>} : memref<4x4096xi32, #tpu.memory_space<vmem>>, vector<16xi32>,
        %shift_right_arithmetic3A_153 = arith.shrsi %get3A_152, %broadcast_in_dim3A_7 : vector<16xi32>
        %or3A_154 = arith.ori %shift_right_arithmetic3A_153, %broadcast_in_dim3A_5 : vector<16xi32>
        %xor3A_155 = arith.xori %get3A_152, %or3A_154 : vector<16xi32>
        %shift_right_logical3A_156 = arith.shrui %xor3A_155, %broadcast_in_dim3A_9 : vector<16xi32>
        tpu.vector_store_idx %arg6[%shift_right_logical3A_156], %broadcast_in_dim3A_3 {add = true} : memref<65536xi32, #tpu.memory_space<vmem>>[vector<16xi32>], vector<16xi32>,
        %scan3A_157 = arith.constant 4 : i32
        %scan3A_158 = arith.addi %scan3A_99, %scan3A_157 : i32
        %mul3A_159 = arith.constant 1 : i32
        %mul3A_160 = arith.muli %scan3A_158, %mul3A_159 : i32
        %add3A_161 = arith.constant 0 : i32
        %add3A_162 = arith.addi %add3A_161, %mul3A_160 : i32
        %mul3A_163 = arith.constant 16 : i32
        %mul3A_164 = arith.muli %add3A_162, %mul3A_163 : i32
        %get3A_165 = arith.constant 1 : i32
        %get3A_166 = arith.index_cast %get3A_165 : i32 to index
        %get3A_167 = arith.index_cast %mul3A_164 : i32 to index
        %get3A_168 = tpu.vector_load %arg4[%get3A_166, %get3A_167] {strides = array<i32>} : memref<4x4096xi32, #tpu.memory_space<vmem>>, vector<16xi32>,
        %shift_right_arithmetic3A_169 = arith.shrsi %get3A_168, %broadcast_in_dim3A_7 : vector<16xi32>
        %or3A_170 = arith.ori %shift_right_arithmetic3A_169, %broadcast_in_dim3A_5 : vector<16xi32>
        %xor3A_171 = arith.xori %get3A_168, %or3A_170 : vector<16xi32>
        %shift_right_logical3A_172 = arith.shrui %xor3A_171, %broadcast_in_dim3A_9 : vector<16xi32>
        tpu.vector_store_idx %arg6[%shift_right_logical3A_172], %broadcast_in_dim3A_3 {add = true} : memref<65536xi32, #tpu.memory_space<vmem>>[vector<16xi32>], vector<16xi32>,
        %scan3A_173 = arith.constant 5 : i32
        %scan3A_174 = arith.addi %scan3A_99, %scan3A_173 : i32
        %mul3A_175 = arith.constant 1 : i32
        %mul3A_176 = arith.muli %scan3A_174, %mul3A_175 : i32
        %add3A_177 = arith.constant 0 : i32
        %add3A_178 = arith.addi %add3A_177, %mul3A_176 : i32
        %mul3A_179 = arith.constant 16 : i32
        %mul3A_180 = arith.muli %add3A_178, %mul3A_179 : i32
        %get3A_181 = arith.constant 1 : i32
        %get3A_182 = arith.index_cast %get3A_181 : i32 to index
        %get3A_183 = arith.index_cast %mul3A_180 : i32 to index
        %get3A_184 = tpu.vector_load %arg4[%get3A_182, %get3A_183] {strides = array<i32>} : memref<4x4096xi32, #tpu.memory_space<vmem>>, vector<16xi32>,
        %shift_right_arithmetic3A_185 = arith.shrsi %get3A_184, %broadcast_in_dim3A_7 : vector<16xi32>
        %or3A_186 = arith.ori %shift_right_arithmetic3A_185, %broadcast_in_dim3A_5 : vector<16xi32>
        %xor3A_187 = arith.xori %get3A_184, %or3A_186 : vector<16xi32>
        %shift_right_logical3A_188 = arith.shrui %xor3A_187, %broadcast_in_dim3A_9 : vector<16xi32>
        tpu.vector_store_idx %arg6[%shift_right_logical3A_188], %broadcast_in_dim3A_3 {add = true} : memref<65536xi32, #tpu.memory_space<vmem>>[vector<16xi32>], vector<16xi32>,
        %scan3A_189 = arith.constant 6 : i32
        %scan3A_190 = arith.addi %scan3A_99, %scan3A_189 : i32
        %mul3A_191 = arith.constant 1 : i32
        %mul3A_192 = arith.muli %scan3A_190, %mul3A_191 : i32
        %add3A_193 = arith.constant 0 : i32
        %add3A_194 = arith.addi %add3A_193, %mul3A_192 : i32
        %mul3A_195 = arith.constant 16 : i32
        %mul3A_196 = arith.muli %add3A_194, %mul3A_195 : i32
        %get3A_197 = arith.constant 1 : i32
        %get3A_198 = arith.index_cast %get3A_197 : i32 to index
        %get3A_199 = arith.index_cast %mul3A_196 : i32 to index
        %get3A_200 = tpu.vector_load %arg4[%get3A_198, %get3A_199] {strides = array<i32>} : memref<4x4096xi32, #tpu.memory_space<vmem>>, vector<16xi32>,
        %shift_right_arithmetic3A_201 = arith.shrsi %get3A_200, %broadcast_in_dim3A_7 : vector<16xi32>
        %or3A_202 = arith.ori %shift_right_arithmetic3A_201, %broadcast_in_dim3A_5 : vector<16xi32>
        %xor3A_203 = arith.xori %get3A_200, %or3A_202 : vector<16xi32>
        %shift_right_logical3A_204 = arith.shrui %xor3A_203, %broadcast_in_dim3A_9 : vector<16xi32>
        tpu.vector_store_idx %arg6[%shift_right_logical3A_204], %broadcast_in_dim3A_3 {add = true} : memref<65536xi32, #tpu.memory_space<vmem>>[vector<16xi32>], vector<16xi32>,
        %scan3A_205 = arith.constant 7 : i32
        %scan3A_206 = arith.addi %scan3A_99, %scan3A_205 : i32
        %mul3A_207 = arith.constant 1 : i32
        %mul3A_208 = arith.muli %scan3A_206, %mul3A_207 : i32
        %add3A_209 = arith.constant 0 : i32
        %add3A_210 = arith.addi %add3A_209, %mul3A_208 : i32
        %mul3A_211 = arith.constant 16 : i32
        %mul3A_212 = arith.muli %add3A_210, %mul3A_211 : i32
        %get3A_213 = arith.constant 1 : i32
        %get3A_214 = arith.index_cast %get3A_213 : i32 to index
        %get3A_215 = arith.index_cast %mul3A_212 : i32 to index
        %get3A_216 = tpu.vector_load %arg4[%get3A_214, %get3A_215] {strides = array<i32>} : memref<4x4096xi32, #tpu.memory_space<vmem>>, vector<16xi32>,
        %shift_right_arithmetic3A_217 = arith.shrsi %get3A_216, %broadcast_in_dim3A_7 : vector<16xi32>
        %or3A_218 = arith.ori %shift_right_arithmetic3A_217, %broadcast_in_dim3A_5 : vector<16xi32>
        %xor3A_219 = arith.xori %get3A_216, %or3A_218 : vector<16xi32>
        %shift_right_logical3A_220 = arith.shrui %xor3A_219, %broadcast_in_dim3A_9 : vector<16xi32>
        tpu.vector_store_idx %arg6[%shift_right_logical3A_220], %broadcast_in_dim3A_3 {add = true} : memref<65536xi32, #tpu.memory_space<vmem>>[vector<16xi32>], vector<16xi32>,
      }
      %scan3A_55 = arith.constant 256 : i32
      %scan3A_56 = arith.constant 0 : i32
      %scan3A_57 = arith.constant 256 : i32
      %scan3A_58 = arith.addi %scan3A_56, %scan3A_57 : i32
      %scan3A_59 = arith.constant 8 : i32
      scf.for %scan3A_99 = %scan3A_56 to %scan3A_58 step %scan3A_59  : i32 {
        %mul3A_100 = arith.constant 1 : i32
        %mul3A_101 = arith.muli %scan3A_99, %mul3A_100 : i32
        %add3A_102 = arith.constant 0 : i32
        %add3A_103 = arith.addi %add3A_102, %mul3A_101 : i32
        %mul3A_104 = arith.constant 16 : i32
        %mul3A_105 = arith.muli %add3A_103, %mul3A_104 : i32
        %get3A = arith.constant 2 : i32
        %get3A_106 = arith.index_cast %get3A : i32 to index
        %get3A_107 = arith.index_cast %mul3A_105 : i32 to index
        %get3A_108 = tpu.vector_load %arg4[%get3A_106, %get3A_107] {strides = array<i32>} : memref<4x4096xi32, #tpu.memory_space<vmem>>, vector<16xi32>,
        %shift_right_arithmetic3A = arith.shrsi %get3A_108, %broadcast_in_dim3A_7 : vector<16xi32>
        %or3A = arith.ori %shift_right_arithmetic3A, %broadcast_in_dim3A_5 : vector<16xi32>
        %xor3A = arith.xori %get3A_108, %or3A : vector<16xi32>
        %shift_right_logical3A = arith.shrui %xor3A, %broadcast_in_dim3A_9 : vector<16xi32>
        tpu.vector_store_idx %arg6[%shift_right_logical3A], %broadcast_in_dim3A_3 {add = true} : memref<65536xi32, #tpu.memory_space<vmem>>[vector<16xi32>], vector<16xi32>,
        %scan3A_109 = arith.constant 1 : i32
        %scan3A_110 = arith.addi %scan3A_99, %scan3A_109 : i32
        %mul3A_111 = arith.constant 1 : i32
        %mul3A_112 = arith.muli %scan3A_110, %mul3A_111 : i32
        %add3A_113 = arith.constant 0 : i32
        %add3A_114 = arith.addi %add3A_113, %mul3A_112 : i32
        %mul3A_115 = arith.constant 16 : i32
        %mul3A_116 = arith.muli %add3A_114, %mul3A_115 : i32
        %get3A_117 = arith.constant 2 : i32
        %get3A_118 = arith.index_cast %get3A_117 : i32 to index
        %get3A_119 = arith.index_cast %mul3A_116 : i32 to index
        %get3A_120 = tpu.vector_load %arg4[%get3A_118, %get3A_119] {strides = array<i32>} : memref<4x4096xi32, #tpu.memory_space<vmem>>, vector<16xi32>,
        %shift_right_arithmetic3A_121 = arith.shrsi %get3A_120, %broadcast_in_dim3A_7 : vector<16xi32>
        %or3A_122 = arith.ori %shift_right_arithmetic3A_121, %broadcast_in_dim3A_5 : vector<16xi32>
        %xor3A_123 = arith.xori %get3A_120, %or3A_122 : vector<16xi32>
        %shift_right_logical3A_124 = arith.shrui %xor3A_123, %broadcast_in_dim3A_9 : vector<16xi32>
        tpu.vector_store_idx %arg6[%shift_right_logical3A_124], %broadcast_in_dim3A_3 {add = true} : memref<65536xi32, #tpu.memory_space<vmem>>[vector<16xi32>], vector<16xi32>,
        %scan3A_125 = arith.constant 2 : i32
        %scan3A_126 = arith.addi %scan3A_99, %scan3A_125 : i32
        %mul3A_127 = arith.constant 1 : i32
        %mul3A_128 = arith.muli %scan3A_126, %mul3A_127 : i32
        %add3A_129 = arith.constant 0 : i32
        %add3A_130 = arith.addi %add3A_129, %mul3A_128 : i32
        %mul3A_131 = arith.constant 16 : i32
        %mul3A_132 = arith.muli %add3A_130, %mul3A_131 : i32
        %get3A_133 = arith.constant 2 : i32
        %get3A_134 = arith.index_cast %get3A_133 : i32 to index
        %get3A_135 = arith.index_cast %mul3A_132 : i32 to index
        %get3A_136 = tpu.vector_load %arg4[%get3A_134, %get3A_135] {strides = array<i32>} : memref<4x4096xi32, #tpu.memory_space<vmem>>, vector<16xi32>,
        %shift_right_arithmetic3A_137 = arith.shrsi %get3A_136, %broadcast_in_dim3A_7 : vector<16xi32>
        %or3A_138 = arith.ori %shift_right_arithmetic3A_137, %broadcast_in_dim3A_5 : vector<16xi32>
        %xor3A_139 = arith.xori %get3A_136, %or3A_138 : vector<16xi32>
        %shift_right_logical3A_140 = arith.shrui %xor3A_139, %broadcast_in_dim3A_9 : vector<16xi32>
        tpu.vector_store_idx %arg6[%shift_right_logical3A_140], %broadcast_in_dim3A_3 {add = true} : memref<65536xi32, #tpu.memory_space<vmem>>[vector<16xi32>], vector<16xi32>,
        %scan3A_141 = arith.constant 3 : i32
        %scan3A_142 = arith.addi %scan3A_99, %scan3A_141 : i32
        %mul3A_143 = arith.constant 1 : i32
        %mul3A_144 = arith.muli %scan3A_142, %mul3A_143 : i32
        %add3A_145 = arith.constant 0 : i32
        %add3A_146 = arith.addi %add3A_145, %mul3A_144 : i32
        %mul3A_147 = arith.constant 16 : i32
        %mul3A_148 = arith.muli %add3A_146, %mul3A_147 : i32
        %get3A_149 = arith.constant 2 : i32
        %get3A_150 = arith.index_cast %get3A_149 : i32 to index
        %get3A_151 = arith.index_cast %mul3A_148 : i32 to index
        %get3A_152 = tpu.vector_load %arg4[%get3A_150, %get3A_151] {strides = array<i32>} : memref<4x4096xi32, #tpu.memory_space<vmem>>, vector<16xi32>,
        %shift_right_arithmetic3A_153 = arith.shrsi %get3A_152, %broadcast_in_dim3A_7 : vector<16xi32>
        %or3A_154 = arith.ori %shift_right_arithmetic3A_153, %broadcast_in_dim3A_5 : vector<16xi32>
        %xor3A_155 = arith.xori %get3A_152, %or3A_154 : vector<16xi32>
        %shift_right_logical3A_156 = arith.shrui %xor3A_155, %broadcast_in_dim3A_9 : vector<16xi32>
        tpu.vector_store_idx %arg6[%shift_right_logical3A_156], %broadcast_in_dim3A_3 {add = true} : memref<65536xi32, #tpu.memory_space<vmem>>[vector<16xi32>], vector<16xi32>,
        %scan3A_157 = arith.constant 4 : i32
        %scan3A_158 = arith.addi %scan3A_99, %scan3A_157 : i32
        %mul3A_159 = arith.constant 1 : i32
        %mul3A_160 = arith.muli %scan3A_158, %mul3A_159 : i32
        %add3A_161 = arith.constant 0 : i32
        %add3A_162 = arith.addi %add3A_161, %mul3A_160 : i32
        %mul3A_163 = arith.constant 16 : i32
        %mul3A_164 = arith.muli %add3A_162, %mul3A_163 : i32
        %get3A_165 = arith.constant 2 : i32
        %get3A_166 = arith.index_cast %get3A_165 : i32 to index
        %get3A_167 = arith.index_cast %mul3A_164 : i32 to index
        %get3A_168 = tpu.vector_load %arg4[%get3A_166, %get3A_167] {strides = array<i32>} : memref<4x4096xi32, #tpu.memory_space<vmem>>, vector<16xi32>,
        %shift_right_arithmetic3A_169 = arith.shrsi %get3A_168, %broadcast_in_dim3A_7 : vector<16xi32>
        %or3A_170 = arith.ori %shift_right_arithmetic3A_169, %broadcast_in_dim3A_5 : vector<16xi32>
        %xor3A_171 = arith.xori %get3A_168, %or3A_170 : vector<16xi32>
        %shift_right_logical3A_172 = arith.shrui %xor3A_171, %broadcast_in_dim3A_9 : vector<16xi32>
        tpu.vector_store_idx %arg6[%shift_right_logical3A_172], %broadcast_in_dim3A_3 {add = true} : memref<65536xi32, #tpu.memory_space<vmem>>[vector<16xi32>], vector<16xi32>,
        %scan3A_173 = arith.constant 5 : i32
        %scan3A_174 = arith.addi %scan3A_99, %scan3A_173 : i32
        %mul3A_175 = arith.constant 1 : i32
        %mul3A_176 = arith.muli %scan3A_174, %mul3A_175 : i32
        %add3A_177 = arith.constant 0 : i32
        %add3A_178 = arith.addi %add3A_177, %mul3A_176 : i32
        %mul3A_179 = arith.constant 16 : i32
        %mul3A_180 = arith.muli %add3A_178, %mul3A_179 : i32
        %get3A_181 = arith.constant 2 : i32
        %get3A_182 = arith.index_cast %get3A_181 : i32 to index
        %get3A_183 = arith.index_cast %mul3A_180 : i32 to index
        %get3A_184 = tpu.vector_load %arg4[%get3A_182, %get3A_183] {strides = array<i32>} : memref<4x4096xi32, #tpu.memory_space<vmem>>, vector<16xi32>,
        %shift_right_arithmetic3A_185 = arith.shrsi %get3A_184, %broadcast_in_dim3A_7 : vector<16xi32>
        %or3A_186 = arith.ori %shift_right_arithmetic3A_185, %broadcast_in_dim3A_5 : vector<16xi32>
        %xor3A_187 = arith.xori %get3A_184, %or3A_186 : vector<16xi32>
        %shift_right_logical3A_188 = arith.shrui %xor3A_187, %broadcast_in_dim3A_9 : vector<16xi32>
        tpu.vector_store_idx %arg6[%shift_right_logical3A_188], %broadcast_in_dim3A_3 {add = true} : memref<65536xi32, #tpu.memory_space<vmem>>[vector<16xi32>], vector<16xi32>,
        %scan3A_189 = arith.constant 6 : i32
        %scan3A_190 = arith.addi %scan3A_99, %scan3A_189 : i32
        %mul3A_191 = arith.constant 1 : i32
        %mul3A_192 = arith.muli %scan3A_190, %mul3A_191 : i32
        %add3A_193 = arith.constant 0 : i32
        %add3A_194 = arith.addi %add3A_193, %mul3A_192 : i32
        %mul3A_195 = arith.constant 16 : i32
        %mul3A_196 = arith.muli %add3A_194, %mul3A_195 : i32
        %get3A_197 = arith.constant 2 : i32
        %get3A_198 = arith.index_cast %get3A_197 : i32 to index
        %get3A_199 = arith.index_cast %mul3A_196 : i32 to index
        %get3A_200 = tpu.vector_load %arg4[%get3A_198, %get3A_199] {strides = array<i32>} : memref<4x4096xi32, #tpu.memory_space<vmem>>, vector<16xi32>,
        %shift_right_arithmetic3A_201 = arith.shrsi %get3A_200, %broadcast_in_dim3A_7 : vector<16xi32>
        %or3A_202 = arith.ori %shift_right_arithmetic3A_201, %broadcast_in_dim3A_5 : vector<16xi32>
        %xor3A_203 = arith.xori %get3A_200, %or3A_202 : vector<16xi32>
        %shift_right_logical3A_204 = arith.shrui %xor3A_203, %broadcast_in_dim3A_9 : vector<16xi32>
        tpu.vector_store_idx %arg6[%shift_right_logical3A_204], %broadcast_in_dim3A_3 {add = true} : memref<65536xi32, #tpu.memory_space<vmem>>[vector<16xi32>], vector<16xi32>,
        %scan3A_205 = arith.constant 7 : i32
        %scan3A_206 = arith.addi %scan3A_99, %scan3A_205 : i32
        %mul3A_207 = arith.constant 1 : i32
        %mul3A_208 = arith.muli %scan3A_206, %mul3A_207 : i32
        %add3A_209 = arith.constant 0 : i32
        %add3A_210 = arith.addi %add3A_209, %mul3A_208 : i32
        %mul3A_211 = arith.constant 16 : i32
        %mul3A_212 = arith.muli %add3A_210, %mul3A_211 : i32
        %get3A_213 = arith.constant 2 : i32
        %get3A_214 = arith.index_cast %get3A_213 : i32 to index
        %get3A_215 = arith.index_cast %mul3A_212 : i32 to index
        %get3A_216 = tpu.vector_load %arg4[%get3A_214, %get3A_215] {strides = array<i32>} : memref<4x4096xi32, #tpu.memory_space<vmem>>, vector<16xi32>,
        %shift_right_arithmetic3A_217 = arith.shrsi %get3A_216, %broadcast_in_dim3A_7 : vector<16xi32>
        %or3A_218 = arith.ori %shift_right_arithmetic3A_217, %broadcast_in_dim3A_5 : vector<16xi32>
        %xor3A_219 = arith.xori %get3A_216, %or3A_218 : vector<16xi32>
        %shift_right_logical3A_220 = arith.shrui %xor3A_219, %broadcast_in_dim3A_9 : vector<16xi32>
        tpu.vector_store_idx %arg6[%shift_right_logical3A_220], %broadcast_in_dim3A_3 {add = true} : memref<65536xi32, #tpu.memory_space<vmem>>[vector<16xi32>], vector<16xi32>,
      }
      %scan3A_60 = arith.constant 256 : i32
      %scan3A_61 = arith.constant 0 : i32
      %scan3A_62 = arith.constant 256 : i32
      %scan3A_63 = arith.addi %scan3A_61, %scan3A_62 : i32
      %scan3A_64 = arith.constant 8 : i32
      scf.for %scan3A_99 = %scan3A_61 to %scan3A_63 step %scan3A_64  : i32 {
        %mul3A_100 = arith.constant 1 : i32
        %mul3A_101 = arith.muli %scan3A_99, %mul3A_100 : i32
        %add3A_102 = arith.constant 0 : i32
        %add3A_103 = arith.addi %add3A_102, %mul3A_101 : i32
        %mul3A_104 = arith.constant 16 : i32
        %mul3A_105 = arith.muli %add3A_103, %mul3A_104 : i32
        %get3A = arith.constant 3 : i32
        %get3A_106 = arith.index_cast %get3A : i32 to index
        %get3A_107 = arith.index_cast %mul3A_105 : i32 to index
        %get3A_108 = tpu.vector_load %arg4[%get3A_106, %get3A_107] {strides = array<i32>} : memref<4x4096xi32, #tpu.memory_space<vmem>>, vector<16xi32>,
        %shift_right_arithmetic3A = arith.shrsi %get3A_108, %broadcast_in_dim3A_7 : vector<16xi32>
        %or3A = arith.ori %shift_right_arithmetic3A, %broadcast_in_dim3A_5 : vector<16xi32>
        %xor3A = arith.xori %get3A_108, %or3A : vector<16xi32>
        %shift_right_logical3A = arith.shrui %xor3A, %broadcast_in_dim3A_9 : vector<16xi32>
        tpu.vector_store_idx %arg6[%shift_right_logical3A], %broadcast_in_dim3A_3 {add = true} : memref<65536xi32, #tpu.memory_space<vmem>>[vector<16xi32>], vector<16xi32>,
        %scan3A_109 = arith.constant 1 : i32
        %scan3A_110 = arith.addi %scan3A_99, %scan3A_109 : i32
        %mul3A_111 = arith.constant 1 : i32
        %mul3A_112 = arith.muli %scan3A_110, %mul3A_111 : i32
        %add3A_113 = arith.constant 0 : i32
        %add3A_114 = arith.addi %add3A_113, %mul3A_112 : i32
        %mul3A_115 = arith.constant 16 : i32
        %mul3A_116 = arith.muli %add3A_114, %mul3A_115 : i32
        %get3A_117 = arith.constant 3 : i32
        %get3A_118 = arith.index_cast %get3A_117 : i32 to index
        %get3A_119 = arith.index_cast %mul3A_116 : i32 to index
        %get3A_120 = tpu.vector_load %arg4[%get3A_118, %get3A_119] {strides = array<i32>} : memref<4x4096xi32, #tpu.memory_space<vmem>>, vector<16xi32>,
        %shift_right_arithmetic3A_121 = arith.shrsi %get3A_120, %broadcast_in_dim3A_7 : vector<16xi32>
        %or3A_122 = arith.ori %shift_right_arithmetic3A_121, %broadcast_in_dim3A_5 : vector<16xi32>
        %xor3A_123 = arith.xori %get3A_120, %or3A_122 : vector<16xi32>
        %shift_right_logical3A_124 = arith.shrui %xor3A_123, %broadcast_in_dim3A_9 : vector<16xi32>
        tpu.vector_store_idx %arg6[%shift_right_logical3A_124], %broadcast_in_dim3A_3 {add = true} : memref<65536xi32, #tpu.memory_space<vmem>>[vector<16xi32>], vector<16xi32>,
        %scan3A_125 = arith.constant 2 : i32
        %scan3A_126 = arith.addi %scan3A_99, %scan3A_125 : i32
        %mul3A_127 = arith.constant 1 : i32
        %mul3A_128 = arith.muli %scan3A_126, %mul3A_127 : i32
        %add3A_129 = arith.constant 0 : i32
        %add3A_130 = arith.addi %add3A_129, %mul3A_128 : i32
        %mul3A_131 = arith.constant 16 : i32
        %mul3A_132 = arith.muli %add3A_130, %mul3A_131 : i32
        %get3A_133 = arith.constant 3 : i32
        %get3A_134 = arith.index_cast %get3A_133 : i32 to index
        %get3A_135 = arith.index_cast %mul3A_132 : i32 to index
        %get3A_136 = tpu.vector_load %arg4[%get3A_134, %get3A_135] {strides = array<i32>} : memref<4x4096xi32, #tpu.memory_space<vmem>>, vector<16xi32>,
        %shift_right_arithmetic3A_137 = arith.shrsi %get3A_136, %broadcast_in_dim3A_7 : vector<16xi32>
        %or3A_138 = arith.ori %shift_right_arithmetic3A_137, %broadcast_in_dim3A_5 : vector<16xi32>
        %xor3A_139 = arith.xori %get3A_136, %or3A_138 : vector<16xi32>
        %shift_right_logical3A_140 = arith.shrui %xor3A_139, %broadcast_in_dim3A_9 : vector<16xi32>
        tpu.vector_store_idx %arg6[%shift_right_logical3A_140], %broadcast_in_dim3A_3 {add = true} : memref<65536xi32, #tpu.memory_space<vmem>>[vector<16xi32>], vector<16xi32>,
        %scan3A_141 = arith.constant 3 : i32
        %scan3A_142 = arith.addi %scan3A_99, %scan3A_141 : i32
        %mul3A_143 = arith.constant 1 : i32
        %mul3A_144 = arith.muli %scan3A_142, %mul3A_143 : i32
        %add3A_145 = arith.constant 0 : i32
        %add3A_146 = arith.addi %add3A_145, %mul3A_144 : i32
        %mul3A_147 = arith.constant 16 : i32
        %mul3A_148 = arith.muli %add3A_146, %mul3A_147 : i32
        %get3A_149 = arith.constant 3 : i32
        %get3A_150 = arith.index_cast %get3A_149 : i32 to index
        %get3A_151 = arith.index_cast %mul3A_148 : i32 to index
        %get3A_152 = tpu.vector_load %arg4[%get3A_150, %get3A_151] {strides = array<i32>} : memref<4x4096xi32, #tpu.memory_space<vmem>>, vector<16xi32>,
        %shift_right_arithmetic3A_153 = arith.shrsi %get3A_152, %broadcast_in_dim3A_7 : vector<16xi32>
        %or3A_154 = arith.ori %shift_right_arithmetic3A_153, %broadcast_in_dim3A_5 : vector<16xi32>
        %xor3A_155 = arith.xori %get3A_152, %or3A_154 : vector<16xi32>
        %shift_right_logical3A_156 = arith.shrui %xor3A_155, %broadcast_in_dim3A_9 : vector<16xi32>
        tpu.vector_store_idx %arg6[%shift_right_logical3A_156], %broadcast_in_dim3A_3 {add = true} : memref<65536xi32, #tpu.memory_space<vmem>>[vector<16xi32>], vector<16xi32>,
        %scan3A_157 = arith.constant 4 : i32
        %scan3A_158 = arith.addi %scan3A_99, %scan3A_157 : i32
        %mul3A_159 = arith.constant 1 : i32
        %mul3A_160 = arith.muli %scan3A_158, %mul3A_159 : i32
        %add3A_161 = arith.constant 0 : i32
        %add3A_162 = arith.addi %add3A_161, %mul3A_160 : i32
        %mul3A_163 = arith.constant 16 : i32
        %mul3A_164 = arith.muli %add3A_162, %mul3A_163 : i32
        %get3A_165 = arith.constant 3 : i32
        %get3A_166 = arith.index_cast %get3A_165 : i32 to index
        %get3A_167 = arith.index_cast %mul3A_164 : i32 to index
        %get3A_168 = tpu.vector_load %arg4[%get3A_166, %get3A_167] {strides = array<i32>} : memref<4x4096xi32, #tpu.memory_space<vmem>>, vector<16xi32>,
        %shift_right_arithmetic3A_169 = arith.shrsi %get3A_168, %broadcast_in_dim3A_7 : vector<16xi32>
        %or3A_170 = arith.ori %shift_right_arithmetic3A_169, %broadcast_in_dim3A_5 : vector<16xi32>
        %xor3A_171 = arith.xori %get3A_168, %or3A_170 : vector<16xi32>
        %shift_right_logical3A_172 = arith.shrui %xor3A_171, %broadcast_in_dim3A_9 : vector<16xi32>
        tpu.vector_store_idx %arg6[%shift_right_logical3A_172], %broadcast_in_dim3A_3 {add = true} : memref<65536xi32, #tpu.memory_space<vmem>>[vector<16xi32>], vector<16xi32>,
        %scan3A_173 = arith.constant 5 : i32
        %scan3A_174 = arith.addi %scan3A_99, %scan3A_173 : i32
        %mul3A_175 = arith.constant 1 : i32
        %mul3A_176 = arith.muli %scan3A_174, %mul3A_175 : i32
        %add3A_177 = arith.constant 0 : i32
        %add3A_178 = arith.addi %add3A_177, %mul3A_176 : i32
        %mul3A_179 = arith.constant 16 : i32
        %mul3A_180 = arith.muli %add3A_178, %mul3A_179 : i32
        %get3A_181 = arith.constant 3 : i32
        %get3A_182 = arith.index_cast %get3A_181 : i32 to index
        %get3A_183 = arith.index_cast %mul3A_180 : i32 to index
        %get3A_184 = tpu.vector_load %arg4[%get3A_182, %get3A_183] {strides = array<i32>} : memref<4x4096xi32, #tpu.memory_space<vmem>>, vector<16xi32>,
        %shift_right_arithmetic3A_185 = arith.shrsi %get3A_184, %broadcast_in_dim3A_7 : vector<16xi32>
        %or3A_186 = arith.ori %shift_right_arithmetic3A_185, %broadcast_in_dim3A_5 : vector<16xi32>
        %xor3A_187 = arith.xori %get3A_184, %or3A_186 : vector<16xi32>
        %shift_right_logical3A_188 = arith.shrui %xor3A_187, %broadcast_in_dim3A_9 : vector<16xi32>
        tpu.vector_store_idx %arg6[%shift_right_logical3A_188], %broadcast_in_dim3A_3 {add = true} : memref<65536xi32, #tpu.memory_space<vmem>>[vector<16xi32>], vector<16xi32>,
        %scan3A_189 = arith.constant 6 : i32
        %scan3A_190 = arith.addi %scan3A_99, %scan3A_189 : i32
        %mul3A_191 = arith.constant 1 : i32
        %mul3A_192 = arith.muli %scan3A_190, %mul3A_191 : i32
        %add3A_193 = arith.constant 0 : i32
        %add3A_194 = arith.addi %add3A_193, %mul3A_192 : i32
        %mul3A_195 = arith.constant 16 : i32
        %mul3A_196 = arith.muli %add3A_194, %mul3A_195 : i32
        %get3A_197 = arith.constant 3 : i32
        %get3A_198 = arith.index_cast %get3A_197 : i32 to index
        %get3A_199 = arith.index_cast %mul3A_196 : i32 to index
        %get3A_200 = tpu.vector_load %arg4[%get3A_198, %get3A_199] {strides = array<i32>} : memref<4x4096xi32, #tpu.memory_space<vmem>>, vector<16xi32>,
        %shift_right_arithmetic3A_201 = arith.shrsi %get3A_200, %broadcast_in_dim3A_7 : vector<16xi32>
        %or3A_202 = arith.ori %shift_right_arithmetic3A_201, %broadcast_in_dim3A_5 : vector<16xi32>
        %xor3A_203 = arith.xori %get3A_200, %or3A_202 : vector<16xi32>
        %shift_right_logical3A_204 = arith.shrui %xor3A_203, %broadcast_in_dim3A_9 : vector<16xi32>
        tpu.vector_store_idx %arg6[%shift_right_logical3A_204], %broadcast_in_dim3A_3 {add = true} : memref<65536xi32, #tpu.memory_space<vmem>>[vector<16xi32>], vector<16xi32>,
        %scan3A_205 = arith.constant 7 : i32
        %scan3A_206 = arith.addi %scan3A_99, %scan3A_205 : i32
        %mul3A_207 = arith.constant 1 : i32
        %mul3A_208 = arith.muli %scan3A_206, %mul3A_207 : i32
        %add3A_209 = arith.constant 0 : i32
        %add3A_210 = arith.addi %add3A_209, %mul3A_208 : i32
        %mul3A_211 = arith.constant 16 : i32
        %mul3A_212 = arith.muli %add3A_210, %mul3A_211 : i32
        %get3A_213 = arith.constant 3 : i32
        %get3A_214 = arith.index_cast %get3A_213 : i32 to index
        %get3A_215 = arith.index_cast %mul3A_212 : i32 to index
        %get3A_216 = tpu.vector_load %arg4[%get3A_214, %get3A_215] {strides = array<i32>} : memref<4x4096xi32, #tpu.memory_space<vmem>>, vector<16xi32>,
        %shift_right_arithmetic3A_217 = arith.shrsi %get3A_216, %broadcast_in_dim3A_7 : vector<16xi32>
        %or3A_218 = arith.ori %shift_right_arithmetic3A_217, %broadcast_in_dim3A_5 : vector<16xi32>
        %xor3A_219 = arith.xori %get3A_216, %or3A_218 : vector<16xi32>
        %shift_right_logical3A_220 = arith.shrui %xor3A_219, %broadcast_in_dim3A_9 : vector<16xi32>
        tpu.vector_store_idx %arg6[%shift_right_logical3A_220], %broadcast_in_dim3A_3 {add = true} : memref<65536xi32, #tpu.memory_space<vmem>>[vector<16xi32>], vector<16xi32>,
      }
      %scan3A_65 = arith.constant 256 : i32
      %add3A_66 = arith.constant 2 : i32
      %add3A_67 = arith.addi %add3A_30, %add3A_66 : i32
      %lt3A = arith.constant 32 : i32
      %lt3A_68 = arith.cmpi slt, %add3A_67, %lt3A : i32
      %convert_element_type3A = arith.extui %lt3A_68 : i1 to i32
      %cond3A = arith.constant 0 : i32
      %cond3A_69 = arith.cmpi ne, %convert_element_type3A, %cond3A : i32
      scf.if %cond3A_69 {
        %add3A_99 = arith.constant 2 : i32
        %add3A_100 = arith.addi %add3A_30, %add3A_99 : i32
        %mul3A_101 = arith.constant 4 : i32
        %mul3A_102 = arith.muli %add3A_100, %mul3A_101 : i32
        %add3A_103 = arith.addi %mul3A_15, %mul3A_102 : i32
        %dma_start3A_104 = arith.constant 0 : i32
        %dma_start3A_105 = tpu.memref_slice %arg2[%add3A_103, %dma_start3A_104] : memref<4096x4096xi32, #tpu.memory_space<hbm>> -> memref<4x4096xi32, #tpu.memory_space<hbm>>
        %dma_start3A_106 = arith.constant 0 : i32
        %dma_start3A_107 = tpu.memref_slice %arg2[%add3A_103, %dma_start3A_106] : memref<4096x4096xi32, #tpu.memory_space<hbm>> -> memref<4x4096xi32, #tpu.memory_space<hbm>>
        tpu.enqueue_dma source(%dma_start3A_107 : memref<4x4096xi32, #tpu.memory_space<hbm>>) target(%arg4 : memref<4x4096xi32, #tpu.memory_space<vmem>>) target_semaphore(%arg7 : memref<!tpu.dma_semaphore, #tpu.memory_space<semaphore_mem>>)
      } else {
      }
      %add3A_70 = arith.constant 1 : i32
      %add3A_71 = arith.addi %add3A_30, %add3A_70 : i32
      %mul3A_72 = arith.constant 4 : i32
      %mul3A_73 = arith.muli %add3A_71, %mul3A_72 : i32
      %add3A_74 = arith.addi %mul3A_15, %mul3A_73 : i32
      %dma_wait3A_75 = arith.constant 0 : i32
      %dma_wait3A_76 = tpu.memref_slice %arg2[%add3A_74, %dma_wait3A_75] : memref<4096x4096xi32, #tpu.memory_space<hbm>> -> memref<4x4096xi32, #tpu.memory_space<hbm>>
      %dma_wait3A_77 = arith.constant 0 : i32
      %dma_wait3A_78 = tpu.memref_slice %arg2[%add3A_74, %dma_wait3A_77] : memref<4096x4096xi32, #tpu.memory_space<hbm>> -> memref<4x4096xi32, #tpu.memory_space<hbm>>
      tpu.wait_dma2 semaphore(%arg8 : memref<!tpu.dma_semaphore, #tpu.memory_space<semaphore_mem>>) src(%dma_wait3A_78 : memref<4x4096xi32, #tpu.memory_space<hbm>>) dst(%arg5 : memref<4x4096xi32, #tpu.memory_space<vmem>>)
      %scan3A_79 = arith.constant 0 : i32
      %scan3A_80 = arith.constant 256 : i32
      %scan3A_81 = arith.addi %scan3A_79, %scan3A_80 : i32
      %scan3A_82 = arith.constant 8 : i32
      scf.for %scan3A_99 = %scan3A_79 to %scan3A_81 step %scan3A_82  : i32 {
        %mul3A_100 = arith.constant 1 : i32
        %mul3A_101 = arith.muli %scan3A_99, %mul3A_100 : i32
        %add3A_102 = arith.constant 0 : i32
        %add3A_103 = arith.addi %add3A_102, %mul3A_101 : i32
        %mul3A_104 = arith.constant 16 : i32
        %mul3A_105 = arith.muli %add3A_103, %mul3A_104 : i32
        %get3A = arith.constant 0 : i32
        %get3A_106 = arith.index_cast %get3A : i32 to index
        %get3A_107 = arith.index_cast %mul3A_105 : i32 to index
        %get3A_108 = tpu.vector_load %arg5[%get3A_106, %get3A_107] {strides = array<i32>} : memref<4x4096xi32, #tpu.memory_space<vmem>>, vector<16xi32>,
        %shift_right_arithmetic3A = arith.shrsi %get3A_108, %broadcast_in_dim3A_7 : vector<16xi32>
        %or3A = arith.ori %shift_right_arithmetic3A, %broadcast_in_dim3A_5 : vector<16xi32>
        %xor3A = arith.xori %get3A_108, %or3A : vector<16xi32>
        %shift_right_logical3A = arith.shrui %xor3A, %broadcast_in_dim3A_9 : vector<16xi32>
        tpu.vector_store_idx %arg6[%shift_right_logical3A], %broadcast_in_dim3A_3 {add = true} : memref<65536xi32, #tpu.memory_space<vmem>>[vector<16xi32>], vector<16xi32>,
        %scan3A_109 = arith.constant 1 : i32
        %scan3A_110 = arith.addi %scan3A_99, %scan3A_109 : i32
        %mul3A_111 = arith.constant 1 : i32
        %mul3A_112 = arith.muli %scan3A_110, %mul3A_111 : i32
        %add3A_113 = arith.constant 0 : i32
        %add3A_114 = arith.addi %add3A_113, %mul3A_112 : i32
        %mul3A_115 = arith.constant 16 : i32
        %mul3A_116 = arith.muli %add3A_114, %mul3A_115 : i32
        %get3A_117 = arith.constant 0 : i32
        %get3A_118 = arith.index_cast %get3A_117 : i32 to index
        %get3A_119 = arith.index_cast %mul3A_116 : i32 to index
        %get3A_120 = tpu.vector_load %arg5[%get3A_118, %get3A_119] {strides = array<i32>} : memref<4x4096xi32, #tpu.memory_space<vmem>>, vector<16xi32>,
        %shift_right_arithmetic3A_121 = arith.shrsi %get3A_120, %broadcast_in_dim3A_7 : vector<16xi32>
        %or3A_122 = arith.ori %shift_right_arithmetic3A_121, %broadcast_in_dim3A_5 : vector<16xi32>
        %xor3A_123 = arith.xori %get3A_120, %or3A_122 : vector<16xi32>
        %shift_right_logical3A_124 = arith.shrui %xor3A_123, %broadcast_in_dim3A_9 : vector<16xi32>
        tpu.vector_store_idx %arg6[%shift_right_logical3A_124], %broadcast_in_dim3A_3 {add = true} : memref<65536xi32, #tpu.memory_space<vmem>>[vector<16xi32>], vector<16xi32>,
        %scan3A_125 = arith.constant 2 : i32
        %scan3A_126 = arith.addi %scan3A_99, %scan3A_125 : i32
        %mul3A_127 = arith.constant 1 : i32
        %mul3A_128 = arith.muli %scan3A_126, %mul3A_127 : i32
        %add3A_129 = arith.constant 0 : i32
        %add3A_130 = arith.addi %add3A_129, %mul3A_128 : i32
        %mul3A_131 = arith.constant 16 : i32
        %mul3A_132 = arith.muli %add3A_130, %mul3A_131 : i32
        %get3A_133 = arith.constant 0 : i32
        %get3A_134 = arith.index_cast %get3A_133 : i32 to index
        %get3A_135 = arith.index_cast %mul3A_132 : i32 to index
        %get3A_136 = tpu.vector_load %arg5[%get3A_134, %get3A_135] {strides = array<i32>} : memref<4x4096xi32, #tpu.memory_space<vmem>>, vector<16xi32>,
        %shift_right_arithmetic3A_137 = arith.shrsi %get3A_136, %broadcast_in_dim3A_7 : vector<16xi32>
        %or3A_138 = arith.ori %shift_right_arithmetic3A_137, %broadcast_in_dim3A_5 : vector<16xi32>
        %xor3A_139 = arith.xori %get3A_136, %or3A_138 : vector<16xi32>
        %shift_right_logical3A_140 = arith.shrui %xor3A_139, %broadcast_in_dim3A_9 : vector<16xi32>
        tpu.vector_store_idx %arg6[%shift_right_logical3A_140], %broadcast_in_dim3A_3 {add = true} : memref<65536xi32, #tpu.memory_space<vmem>>[vector<16xi32>], vector<16xi32>,
        %scan3A_141 = arith.constant 3 : i32
        %scan3A_142 = arith.addi %scan3A_99, %scan3A_141 : i32
        %mul3A_143 = arith.constant 1 : i32
        %mul3A_144 = arith.muli %scan3A_142, %mul3A_143 : i32
        %add3A_145 = arith.constant 0 : i32
        %add3A_146 = arith.addi %add3A_145, %mul3A_144 : i32
        %mul3A_147 = arith.constant 16 : i32
        %mul3A_148 = arith.muli %add3A_146, %mul3A_147 : i32
        %get3A_149 = arith.constant 0 : i32
        %get3A_150 = arith.index_cast %get3A_149 : i32 to index
        %get3A_151 = arith.index_cast %mul3A_148 : i32 to index
        %get3A_152 = tpu.vector_load %arg5[%get3A_150, %get3A_151] {strides = array<i32>} : memref<4x4096xi32, #tpu.memory_space<vmem>>, vector<16xi32>,
        %shift_right_arithmetic3A_153 = arith.shrsi %get3A_152, %broadcast_in_dim3A_7 : vector<16xi32>
        %or3A_154 = arith.ori %shift_right_arithmetic3A_153, %broadcast_in_dim3A_5 : vector<16xi32>
        %xor3A_155 = arith.xori %get3A_152, %or3A_154 : vector<16xi32>
        %shift_right_logical3A_156 = arith.shrui %xor3A_155, %broadcast_in_dim3A_9 : vector<16xi32>
        tpu.vector_store_idx %arg6[%shift_right_logical3A_156], %broadcast_in_dim3A_3 {add = true} : memref<65536xi32, #tpu.memory_space<vmem>>[vector<16xi32>], vector<16xi32>,
        %scan3A_157 = arith.constant 4 : i32
        %scan3A_158 = arith.addi %scan3A_99, %scan3A_157 : i32
        %mul3A_159 = arith.constant 1 : i32
        %mul3A_160 = arith.muli %scan3A_158, %mul3A_159 : i32
        %add3A_161 = arith.constant 0 : i32
        %add3A_162 = arith.addi %add3A_161, %mul3A_160 : i32
        %mul3A_163 = arith.constant 16 : i32
        %mul3A_164 = arith.muli %add3A_162, %mul3A_163 : i32
        %get3A_165 = arith.constant 0 : i32
        %get3A_166 = arith.index_cast %get3A_165 : i32 to index
        %get3A_167 = arith.index_cast %mul3A_164 : i32 to index
        %get3A_168 = tpu.vector_load %arg5[%get3A_166, %get3A_167] {strides = array<i32>} : memref<4x4096xi32, #tpu.memory_space<vmem>>, vector<16xi32>,
        %shift_right_arithmetic3A_169 = arith.shrsi %get3A_168, %broadcast_in_dim3A_7 : vector<16xi32>
        %or3A_170 = arith.ori %shift_right_arithmetic3A_169, %broadcast_in_dim3A_5 : vector<16xi32>
        %xor3A_171 = arith.xori %get3A_168, %or3A_170 : vector<16xi32>
        %shift_right_logical3A_172 = arith.shrui %xor3A_171, %broadcast_in_dim3A_9 : vector<16xi32>
        tpu.vector_store_idx %arg6[%shift_right_logical3A_172], %broadcast_in_dim3A_3 {add = true} : memref<65536xi32, #tpu.memory_space<vmem>>[vector<16xi32>], vector<16xi32>,
        %scan3A_173 = arith.constant 5 : i32
        %scan3A_174 = arith.addi %scan3A_99, %scan3A_173 : i32
        %mul3A_175 = arith.constant 1 : i32
        %mul3A_176 = arith.muli %scan3A_174, %mul3A_175 : i32
        %add3A_177 = arith.constant 0 : i32
        %add3A_178 = arith.addi %add3A_177, %mul3A_176 : i32
        %mul3A_179 = arith.constant 16 : i32
        %mul3A_180 = arith.muli %add3A_178, %mul3A_179 : i32
        %get3A_181 = arith.constant 0 : i32
        %get3A_182 = arith.index_cast %get3A_181 : i32 to index
        %get3A_183 = arith.index_cast %mul3A_180 : i32 to index
        %get3A_184 = tpu.vector_load %arg5[%get3A_182, %get3A_183] {strides = array<i32>} : memref<4x4096xi32, #tpu.memory_space<vmem>>, vector<16xi32>,
        %shift_right_arithmetic3A_185 = arith.shrsi %get3A_184, %broadcast_in_dim3A_7 : vector<16xi32>
        %or3A_186 = arith.ori %shift_right_arithmetic3A_185, %broadcast_in_dim3A_5 : vector<16xi32>
        %xor3A_187 = arith.xori %get3A_184, %or3A_186 : vector<16xi32>
        %shift_right_logical3A_188 = arith.shrui %xor3A_187, %broadcast_in_dim3A_9 : vector<16xi32>
        tpu.vector_store_idx %arg6[%shift_right_logical3A_188], %broadcast_in_dim3A_3 {add = true} : memref<65536xi32, #tpu.memory_space<vmem>>[vector<16xi32>], vector<16xi32>,
        %scan3A_189 = arith.constant 6 : i32
        %scan3A_190 = arith.addi %scan3A_99, %scan3A_189 : i32
        %mul3A_191 = arith.constant 1 : i32
        %mul3A_192 = arith.muli %scan3A_190, %mul3A_191 : i32
        %add3A_193 = arith.constant 0 : i32
        %add3A_194 = arith.addi %add3A_193, %mul3A_192 : i32
        %mul3A_195 = arith.constant 16 : i32
        %mul3A_196 = arith.muli %add3A_194, %mul3A_195 : i32
        %get3A_197 = arith.constant 0 : i32
        %get3A_198 = arith.index_cast %get3A_197 : i32 to index
        %get3A_199 = arith.index_cast %mul3A_196 : i32 to index
        %get3A_200 = tpu.vector_load %arg5[%get3A_198, %get3A_199] {strides = array<i32>} : memref<4x4096xi32, #tpu.memory_space<vmem>>, vector<16xi32>,
        %shift_right_arithmetic3A_201 = arith.shrsi %get3A_200, %broadcast_in_dim3A_7 : vector<16xi32>
        %or3A_202 = arith.ori %shift_right_arithmetic3A_201, %broadcast_in_dim3A_5 : vector<16xi32>
        %xor3A_203 = arith.xori %get3A_200, %or3A_202 : vector<16xi32>
        %shift_right_logical3A_204 = arith.shrui %xor3A_203, %broadcast_in_dim3A_9 : vector<16xi32>
        tpu.vector_store_idx %arg6[%shift_right_logical3A_204], %broadcast_in_dim3A_3 {add = true} : memref<65536xi32, #tpu.memory_space<vmem>>[vector<16xi32>], vector<16xi32>,
        %scan3A_205 = arith.constant 7 : i32
        %scan3A_206 = arith.addi %scan3A_99, %scan3A_205 : i32
        %mul3A_207 = arith.constant 1 : i32
        %mul3A_208 = arith.muli %scan3A_206, %mul3A_207 : i32
        %add3A_209 = arith.constant 0 : i32
        %add3A_210 = arith.addi %add3A_209, %mul3A_208 : i32
        %mul3A_211 = arith.constant 16 : i32
        %mul3A_212 = arith.muli %add3A_210, %mul3A_211 : i32
        %get3A_213 = arith.constant 0 : i32
        %get3A_214 = arith.index_cast %get3A_213 : i32 to index
        %get3A_215 = arith.index_cast %mul3A_212 : i32 to index
        %get3A_216 = tpu.vector_load %arg5[%get3A_214, %get3A_215] {strides = array<i32>} : memref<4x4096xi32, #tpu.memory_space<vmem>>, vector<16xi32>,
        %shift_right_arithmetic3A_217 = arith.shrsi %get3A_216, %broadcast_in_dim3A_7 : vector<16xi32>
        %or3A_218 = arith.ori %shift_right_arithmetic3A_217, %broadcast_in_dim3A_5 : vector<16xi32>
        %xor3A_219 = arith.xori %get3A_216, %or3A_218 : vector<16xi32>
        %shift_right_logical3A_220 = arith.shrui %xor3A_219, %broadcast_in_dim3A_9 : vector<16xi32>
        tpu.vector_store_idx %arg6[%shift_right_logical3A_220], %broadcast_in_dim3A_3 {add = true} : memref<65536xi32, #tpu.memory_space<vmem>>[vector<16xi32>], vector<16xi32>,
      }
      %scan3A_83 = arith.constant 256 : i32
      %scan3A_84 = arith.constant 0 : i32
      %scan3A_85 = arith.constant 256 : i32
      %scan3A_86 = arith.addi %scan3A_84, %scan3A_85 : i32
      %scan3A_87 = arith.constant 8 : i32
      scf.for %scan3A_99 = %scan3A_84 to %scan3A_86 step %scan3A_87  : i32 {
        %mul3A_100 = arith.constant 1 : i32
        %mul3A_101 = arith.muli %scan3A_99, %mul3A_100 : i32
        %add3A_102 = arith.constant 0 : i32
        %add3A_103 = arith.addi %add3A_102, %mul3A_101 : i32
        %mul3A_104 = arith.constant 16 : i32
        %mul3A_105 = arith.muli %add3A_103, %mul3A_104 : i32
        %get3A = arith.constant 1 : i32
        %get3A_106 = arith.index_cast %get3A : i32 to index
        %get3A_107 = arith.index_cast %mul3A_105 : i32 to index
        %get3A_108 = tpu.vector_load %arg5[%get3A_106, %get3A_107] {strides = array<i32>} : memref<4x4096xi32, #tpu.memory_space<vmem>>, vector<16xi32>,
        %shift_right_arithmetic3A = arith.shrsi %get3A_108, %broadcast_in_dim3A_7 : vector<16xi32>
        %or3A = arith.ori %shift_right_arithmetic3A, %broadcast_in_dim3A_5 : vector<16xi32>
        %xor3A = arith.xori %get3A_108, %or3A : vector<16xi32>
        %shift_right_logical3A = arith.shrui %xor3A, %broadcast_in_dim3A_9 : vector<16xi32>
        tpu.vector_store_idx %arg6[%shift_right_logical3A], %broadcast_in_dim3A_3 {add = true} : memref<65536xi32, #tpu.memory_space<vmem>>[vector<16xi32>], vector<16xi32>,
        %scan3A_109 = arith.constant 1 : i32
        %scan3A_110 = arith.addi %scan3A_99, %scan3A_109 : i32
        %mul3A_111 = arith.constant 1 : i32
        %mul3A_112 = arith.muli %scan3A_110, %mul3A_111 : i32
        %add3A_113 = arith.constant 0 : i32
        %add3A_114 = arith.addi %add3A_113, %mul3A_112 : i32
        %mul3A_115 = arith.constant 16 : i32
        %mul3A_116 = arith.muli %add3A_114, %mul3A_115 : i32
        %get3A_117 = arith.constant 1 : i32
        %get3A_118 = arith.index_cast %get3A_117 : i32 to index
        %get3A_119 = arith.index_cast %mul3A_116 : i32 to index
        %get3A_120 = tpu.vector_load %arg5[%get3A_118, %get3A_119] {strides = array<i32>} : memref<4x4096xi32, #tpu.memory_space<vmem>>, vector<16xi32>,
        %shift_right_arithmetic3A_121 = arith.shrsi %get3A_120, %broadcast_in_dim3A_7 : vector<16xi32>
        %or3A_122 = arith.ori %shift_right_arithmetic3A_121, %broadcast_in_dim3A_5 : vector<16xi32>
        %xor3A_123 = arith.xori %get3A_120, %or3A_122 : vector<16xi32>
        %shift_right_logical3A_124 = arith.shrui %xor3A_123, %broadcast_in_dim3A_9 : vector<16xi32>
        tpu.vector_store_idx %arg6[%shift_right_logical3A_124], %broadcast_in_dim3A_3 {add = true} : memref<65536xi32, #tpu.memory_space<vmem>>[vector<16xi32>], vector<16xi32>,
        %scan3A_125 = arith.constant 2 : i32
        %scan3A_126 = arith.addi %scan3A_99, %scan3A_125 : i32
        %mul3A_127 = arith.constant 1 : i32
        %mul3A_128 = arith.muli %scan3A_126, %mul3A_127 : i32
        %add3A_129 = arith.constant 0 : i32
        %add3A_130 = arith.addi %add3A_129, %mul3A_128 : i32
        %mul3A_131 = arith.constant 16 : i32
        %mul3A_132 = arith.muli %add3A_130, %mul3A_131 : i32
        %get3A_133 = arith.constant 1 : i32
        %get3A_134 = arith.index_cast %get3A_133 : i32 to index
        %get3A_135 = arith.index_cast %mul3A_132 : i32 to index
        %get3A_136 = tpu.vector_load %arg5[%get3A_134, %get3A_135] {strides = array<i32>} : memref<4x4096xi32, #tpu.memory_space<vmem>>, vector<16xi32>,
        %shift_right_arithmetic3A_137 = arith.shrsi %get3A_136, %broadcast_in_dim3A_7 : vector<16xi32>
        %or3A_138 = arith.ori %shift_right_arithmetic3A_137, %broadcast_in_dim3A_5 : vector<16xi32>
        %xor3A_139 = arith.xori %get3A_136, %or3A_138 : vector<16xi32>
        %shift_right_logical3A_140 = arith.shrui %xor3A_139, %broadcast_in_dim3A_9 : vector<16xi32>
        tpu.vector_store_idx %arg6[%shift_right_logical3A_140], %broadcast_in_dim3A_3 {add = true} : memref<65536xi32, #tpu.memory_space<vmem>>[vector<16xi32>], vector<16xi32>,
        %scan3A_141 = arith.constant 3 : i32
        %scan3A_142 = arith.addi %scan3A_99, %scan3A_141 : i32
        %mul3A_143 = arith.constant 1 : i32
        %mul3A_144 = arith.muli %scan3A_142, %mul3A_143 : i32
        %add3A_145 = arith.constant 0 : i32
        %add3A_146 = arith.addi %add3A_145, %mul3A_144 : i32
        %mul3A_147 = arith.constant 16 : i32
        %mul3A_148 = arith.muli %add3A_146, %mul3A_147 : i32
        %get3A_149 = arith.constant 1 : i32
        %get3A_150 = arith.index_cast %get3A_149 : i32 to index
        %get3A_151 = arith.index_cast %mul3A_148 : i32 to index
        %get3A_152 = tpu.vector_load %arg5[%get3A_150, %get3A_151] {strides = array<i32>} : memref<4x4096xi32, #tpu.memory_space<vmem>>, vector<16xi32>,
        %shift_right_arithmetic3A_153 = arith.shrsi %get3A_152, %broadcast_in_dim3A_7 : vector<16xi32>
        %or3A_154 = arith.ori %shift_right_arithmetic3A_153, %broadcast_in_dim3A_5 : vector<16xi32>
        %xor3A_155 = arith.xori %get3A_152, %or3A_154 : vector<16xi32>
        %shift_right_logical3A_156 = arith.shrui %xor3A_155, %broadcast_in_dim3A_9 : vector<16xi32>
        tpu.vector_store_idx %arg6[%shift_right_logical3A_156], %broadcast_in_dim3A_3 {add = true} : memref<65536xi32, #tpu.memory_space<vmem>>[vector<16xi32>], vector<16xi32>,
        %scan3A_157 = arith.constant 4 : i32
        %scan3A_158 = arith.addi %scan3A_99, %scan3A_157 : i32
        %mul3A_159 = arith.constant 1 : i32
        %mul3A_160 = arith.muli %scan3A_158, %mul3A_159 : i32
        %add3A_161 = arith.constant 0 : i32
        %add3A_162 = arith.addi %add3A_161, %mul3A_160 : i32
        %mul3A_163 = arith.constant 16 : i32
        %mul3A_164 = arith.muli %add3A_162, %mul3A_163 : i32
        %get3A_165 = arith.constant 1 : i32
        %get3A_166 = arith.index_cast %get3A_165 : i32 to index
        %get3A_167 = arith.index_cast %mul3A_164 : i32 to index
        %get3A_168 = tpu.vector_load %arg5[%get3A_166, %get3A_167] {strides = array<i32>} : memref<4x4096xi32, #tpu.memory_space<vmem>>, vector<16xi32>,
        %shift_right_arithmetic3A_169 = arith.shrsi %get3A_168, %broadcast_in_dim3A_7 : vector<16xi32>
        %or3A_170 = arith.ori %shift_right_arithmetic3A_169, %broadcast_in_dim3A_5 : vector<16xi32>
        %xor3A_171 = arith.xori %get3A_168, %or3A_170 : vector<16xi32>
        %shift_right_logical3A_172 = arith.shrui %xor3A_171, %broadcast_in_dim3A_9 : vector<16xi32>
        tpu.vector_store_idx %arg6[%shift_right_logical3A_172], %broadcast_in_dim3A_3 {add = true} : memref<65536xi32, #tpu.memory_space<vmem>>[vector<16xi32>], vector<16xi32>,
        %scan3A_173 = arith.constant 5 : i32
        %scan3A_174 = arith.addi %scan3A_99, %scan3A_173 : i32
        %mul3A_175 = arith.constant 1 : i32
        %mul3A_176 = arith.muli %scan3A_174, %mul3A_175 : i32
        %add3A_177 = arith.constant 0 : i32
        %add3A_178 = arith.addi %add3A_177, %mul3A_176 : i32
        %mul3A_179 = arith.constant 16 : i32
        %mul3A_180 = arith.muli %add3A_178, %mul3A_179 : i32
        %get3A_181 = arith.constant 1 : i32
        %get3A_182 = arith.index_cast %get3A_181 : i32 to index
        %get3A_183 = arith.index_cast %mul3A_180 : i32 to index
        %get3A_184 = tpu.vector_load %arg5[%get3A_182, %get3A_183] {strides = array<i32>} : memref<4x4096xi32, #tpu.memory_space<vmem>>, vector<16xi32>,
        %shift_right_arithmetic3A_185 = arith.shrsi %get3A_184, %broadcast_in_dim3A_7 : vector<16xi32>
        %or3A_186 = arith.ori %shift_right_arithmetic3A_185, %broadcast_in_dim3A_5 : vector<16xi32>
        %xor3A_187 = arith.xori %get3A_184, %or3A_186 : vector<16xi32>
        %shift_right_logical3A_188 = arith.shrui %xor3A_187, %broadcast_in_dim3A_9 : vector<16xi32>
        tpu.vector_store_idx %arg6[%shift_right_logical3A_188], %broadcast_in_dim3A_3 {add = true} : memref<65536xi32, #tpu.memory_space<vmem>>[vector<16xi32>], vector<16xi32>,
        %scan3A_189 = arith.constant 6 : i32
        %scan3A_190 = arith.addi %scan3A_99, %scan3A_189 : i32
        %mul3A_191 = arith.constant 1 : i32
        %mul3A_192 = arith.muli %scan3A_190, %mul3A_191 : i32
        %add3A_193 = arith.constant 0 : i32
        %add3A_194 = arith.addi %add3A_193, %mul3A_192 : i32
        %mul3A_195 = arith.constant 16 : i32
        %mul3A_196 = arith.muli %add3A_194, %mul3A_195 : i32
        %get3A_197 = arith.constant 1 : i32
        %get3A_198 = arith.index_cast %get3A_197 : i32 to index
        %get3A_199 = arith.index_cast %mul3A_196 : i32 to index
        %get3A_200 = tpu.vector_load %arg5[%get3A_198, %get3A_199] {strides = array<i32>} : memref<4x4096xi32, #tpu.memory_space<vmem>>, vector<16xi32>,
        %shift_right_arithmetic3A_201 = arith.shrsi %get3A_200, %broadcast_in_dim3A_7 : vector<16xi32>
        %or3A_202 = arith.ori %shift_right_arithmetic3A_201, %broadcast_in_dim3A_5 : vector<16xi32>
        %xor3A_203 = arith.xori %get3A_200, %or3A_202 : vector<16xi32>
        %shift_right_logical3A_204 = arith.shrui %xor3A_203, %broadcast_in_dim3A_9 : vector<16xi32>
        tpu.vector_store_idx %arg6[%shift_right_logical3A_204], %broadcast_in_dim3A_3 {add = true} : memref<65536xi32, #tpu.memory_space<vmem>>[vector<16xi32>], vector<16xi32>,
        %scan3A_205 = arith.constant 7 : i32
        %scan3A_206 = arith.addi %scan3A_99, %scan3A_205 : i32
        %mul3A_207 = arith.constant 1 : i32
        %mul3A_208 = arith.muli %scan3A_206, %mul3A_207 : i32
        %add3A_209 = arith.constant 0 : i32
        %add3A_210 = arith.addi %add3A_209, %mul3A_208 : i32
        %mul3A_211 = arith.constant 16 : i32
        %mul3A_212 = arith.muli %add3A_210, %mul3A_211 : i32
        %get3A_213 = arith.constant 1 : i32
        %get3A_214 = arith.index_cast %get3A_213 : i32 to index
        %get3A_215 = arith.index_cast %mul3A_212 : i32 to index
        %get3A_216 = tpu.vector_load %arg5[%get3A_214, %get3A_215] {strides = array<i32>} : memref<4x4096xi32, #tpu.memory_space<vmem>>, vector<16xi32>,
        %shift_right_arithmetic3A_217 = arith.shrsi %get3A_216, %broadcast_in_dim3A_7 : vector<16xi32>
        %or3A_218 = arith.ori %shift_right_arithmetic3A_217, %broadcast_in_dim3A_5 : vector<16xi32>
        %xor3A_219 = arith.xori %get3A_216, %or3A_218 : vector<16xi32>
        %shift_right_logical3A_220 = arith.shrui %xor3A_219, %broadcast_in_dim3A_9 : vector<16xi32>
        tpu.vector_store_idx %arg6[%shift_right_logical3A_220], %broadcast_in_dim3A_3 {add = true} : memref<65536xi32, #tpu.memory_space<vmem>>[vector<16xi32>], vector<16xi32>,
      }
      %scan3A_88 = arith.constant 256 : i32
      %scan3A_89 = arith.constant 0 : i32
      %scan3A_90 = arith.constant 256 : i32
      %scan3A_91 = arith.addi %scan3A_89, %scan3A_90 : i32
      %scan3A_92 = arith.constant 8 : i32
      scf.for %scan3A_99 = %scan3A_89 to %scan3A_91 step %scan3A_92  : i32 {
        %mul3A_100 = arith.constant 1 : i32
        %mul3A_101 = arith.muli %scan3A_99, %mul3A_100 : i32
        %add3A_102 = arith.constant 0 : i32
        %add3A_103 = arith.addi %add3A_102, %mul3A_101 : i32
        %mul3A_104 = arith.constant 16 : i32
        %mul3A_105 = arith.muli %add3A_103, %mul3A_104 : i32
        %get3A = arith.constant 2 : i32
        %get3A_106 = arith.index_cast %get3A : i32 to index
        %get3A_107 = arith.index_cast %mul3A_105 : i32 to index
        %get3A_108 = tpu.vector_load %arg5[%get3A_106, %get3A_107] {strides = array<i32>} : memref<4x4096xi32, #tpu.memory_space<vmem>>, vector<16xi32>,
        %shift_right_arithmetic3A = arith.shrsi %get3A_108, %broadcast_in_dim3A_7 : vector<16xi32>
        %or3A = arith.ori %shift_right_arithmetic3A, %broadcast_in_dim3A_5 : vector<16xi32>
        %xor3A = arith.xori %get3A_108, %or3A : vector<16xi32>
        %shift_right_logical3A = arith.shrui %xor3A, %broadcast_in_dim3A_9 : vector<16xi32>
        tpu.vector_store_idx %arg6[%shift_right_logical3A], %broadcast_in_dim3A_3 {add = true} : memref<65536xi32, #tpu.memory_space<vmem>>[vector<16xi32>], vector<16xi32>,
        %scan3A_109 = arith.constant 1 : i32
        %scan3A_110 = arith.addi %scan3A_99, %scan3A_109 : i32
        %mul3A_111 = arith.constant 1 : i32
        %mul3A_112 = arith.muli %scan3A_110, %mul3A_111 : i32
        %add3A_113 = arith.constant 0 : i32
        %add3A_114 = arith.addi %add3A_113, %mul3A_112 : i32
        %mul3A_115 = arith.constant 16 : i32
        %mul3A_116 = arith.muli %add3A_114, %mul3A_115 : i32
        %get3A_117 = arith.constant 2 : i32
        %get3A_118 = arith.index_cast %get3A_117 : i32 to index
        %get3A_119 = arith.index_cast %mul3A_116 : i32 to index
        %get3A_120 = tpu.vector_load %arg5[%get3A_118, %get3A_119] {strides = array<i32>} : memref<4x4096xi32, #tpu.memory_space<vmem>>, vector<16xi32>,
        %shift_right_arithmetic3A_121 = arith.shrsi %get3A_120, %broadcast_in_dim3A_7 : vector<16xi32>
        %or3A_122 = arith.ori %shift_right_arithmetic3A_121, %broadcast_in_dim3A_5 : vector<16xi32>
        %xor3A_123 = arith.xori %get3A_120, %or3A_122 : vector<16xi32>
        %shift_right_logical3A_124 = arith.shrui %xor3A_123, %broadcast_in_dim3A_9 : vector<16xi32>
        tpu.vector_store_idx %arg6[%shift_right_logical3A_124], %broadcast_in_dim3A_3 {add = true} : memref<65536xi32, #tpu.memory_space<vmem>>[vector<16xi32>], vector<16xi32>,
        %scan3A_125 = arith.constant 2 : i32
        %scan3A_126 = arith.addi %scan3A_99, %scan3A_125 : i32
        %mul3A_127 = arith.constant 1 : i32
        %mul3A_128 = arith.muli %scan3A_126, %mul3A_127 : i32
        %add3A_129 = arith.constant 0 : i32
        %add3A_130 = arith.addi %add3A_129, %mul3A_128 : i32
        %mul3A_131 = arith.constant 16 : i32
        %mul3A_132 = arith.muli %add3A_130, %mul3A_131 : i32
        %get3A_133 = arith.constant 2 : i32
        %get3A_134 = arith.index_cast %get3A_133 : i32 to index
        %get3A_135 = arith.index_cast %mul3A_132 : i32 to index
        %get3A_136 = tpu.vector_load %arg5[%get3A_134, %get3A_135] {strides = array<i32>} : memref<4x4096xi32, #tpu.memory_space<vmem>>, vector<16xi32>,
        %shift_right_arithmetic3A_137 = arith.shrsi %get3A_136, %broadcast_in_dim3A_7 : vector<16xi32>
        %or3A_138 = arith.ori %shift_right_arithmetic3A_137, %broadcast_in_dim3A_5 : vector<16xi32>
        %xor3A_139 = arith.xori %get3A_136, %or3A_138 : vector<16xi32>
        %shift_right_logical3A_140 = arith.shrui %xor3A_139, %broadcast_in_dim3A_9 : vector<16xi32>
        tpu.vector_store_idx %arg6[%shift_right_logical3A_140], %broadcast_in_dim3A_3 {add = true} : memref<65536xi32, #tpu.memory_space<vmem>>[vector<16xi32>], vector<16xi32>,
        %scan3A_141 = arith.constant 3 : i32
        %scan3A_142 = arith.addi %scan3A_99, %scan3A_141 : i32
        %mul3A_143 = arith.constant 1 : i32
        %mul3A_144 = arith.muli %scan3A_142, %mul3A_143 : i32
        %add3A_145 = arith.constant 0 : i32
        %add3A_146 = arith.addi %add3A_145, %mul3A_144 : i32
        %mul3A_147 = arith.constant 16 : i32
        %mul3A_148 = arith.muli %add3A_146, %mul3A_147 : i32
        %get3A_149 = arith.constant 2 : i32
        %get3A_150 = arith.index_cast %get3A_149 : i32 to index
        %get3A_151 = arith.index_cast %mul3A_148 : i32 to index
        %get3A_152 = tpu.vector_load %arg5[%get3A_150, %get3A_151] {strides = array<i32>} : memref<4x4096xi32, #tpu.memory_space<vmem>>, vector<16xi32>,
        %shift_right_arithmetic3A_153 = arith.shrsi %get3A_152, %broadcast_in_dim3A_7 : vector<16xi32>
        %or3A_154 = arith.ori %shift_right_arithmetic3A_153, %broadcast_in_dim3A_5 : vector<16xi32>
        %xor3A_155 = arith.xori %get3A_152, %or3A_154 : vector<16xi32>
        %shift_right_logical3A_156 = arith.shrui %xor3A_155, %broadcast_in_dim3A_9 : vector<16xi32>
        tpu.vector_store_idx %arg6[%shift_right_logical3A_156], %broadcast_in_dim3A_3 {add = true} : memref<65536xi32, #tpu.memory_space<vmem>>[vector<16xi32>], vector<16xi32>,
        %scan3A_157 = arith.constant 4 : i32
        %scan3A_158 = arith.addi %scan3A_99, %scan3A_157 : i32
        %mul3A_159 = arith.constant 1 : i32
        %mul3A_160 = arith.muli %scan3A_158, %mul3A_159 : i32
        %add3A_161 = arith.constant 0 : i32
        %add3A_162 = arith.addi %add3A_161, %mul3A_160 : i32
        %mul3A_163 = arith.constant 16 : i32
        %mul3A_164 = arith.muli %add3A_162, %mul3A_163 : i32
        %get3A_165 = arith.constant 2 : i32
        %get3A_166 = arith.index_cast %get3A_165 : i32 to index
        %get3A_167 = arith.index_cast %mul3A_164 : i32 to index
        %get3A_168 = tpu.vector_load %arg5[%get3A_166, %get3A_167] {strides = array<i32>} : memref<4x4096xi32, #tpu.memory_space<vmem>>, vector<16xi32>,
        %shift_right_arithmetic3A_169 = arith.shrsi %get3A_168, %broadcast_in_dim3A_7 : vector<16xi32>
        %or3A_170 = arith.ori %shift_right_arithmetic3A_169, %broadcast_in_dim3A_5 : vector<16xi32>
        %xor3A_171 = arith.xori %get3A_168, %or3A_170 : vector<16xi32>
        %shift_right_logical3A_172 = arith.shrui %xor3A_171, %broadcast_in_dim3A_9 : vector<16xi32>
        tpu.vector_store_idx %arg6[%shift_right_logical3A_172], %broadcast_in_dim3A_3 {add = true} : memref<65536xi32, #tpu.memory_space<vmem>>[vector<16xi32>], vector<16xi32>,
        %scan3A_173 = arith.constant 5 : i32
        %scan3A_174 = arith.addi %scan3A_99, %scan3A_173 : i32
        %mul3A_175 = arith.constant 1 : i32
        %mul3A_176 = arith.muli %scan3A_174, %mul3A_175 : i32
        %add3A_177 = arith.constant 0 : i32
        %add3A_178 = arith.addi %add3A_177, %mul3A_176 : i32
        %mul3A_179 = arith.constant 16 : i32
        %mul3A_180 = arith.muli %add3A_178, %mul3A_179 : i32
        %get3A_181 = arith.constant 2 : i32
        %get3A_182 = arith.index_cast %get3A_181 : i32 to index
        %get3A_183 = arith.index_cast %mul3A_180 : i32 to index
        %get3A_184 = tpu.vector_load %arg5[%get3A_182, %get3A_183] {strides = array<i32>} : memref<4x4096xi32, #tpu.memory_space<vmem>>, vector<16xi32>,
        %shift_right_arithmetic3A_185 = arith.shrsi %get3A_184, %broadcast_in_dim3A_7 : vector<16xi32>
        %or3A_186 = arith.ori %shift_right_arithmetic3A_185, %broadcast_in_dim3A_5 : vector<16xi32>
        %xor3A_187 = arith.xori %get3A_184, %or3A_186 : vector<16xi32>
        %shift_right_logical3A_188 = arith.shrui %xor3A_187, %broadcast_in_dim3A_9 : vector<16xi32>
        tpu.vector_store_idx %arg6[%shift_right_logical3A_188], %broadcast_in_dim3A_3 {add = true} : memref<65536xi32, #tpu.memory_space<vmem>>[vector<16xi32>], vector<16xi32>,
        %scan3A_189 = arith.constant 6 : i32
        %scan3A_190 = arith.addi %scan3A_99, %scan3A_189 : i32
        %mul3A_191 = arith.constant 1 : i32
        %mul3A_192 = arith.muli %scan3A_190, %mul3A_191 : i32
        %add3A_193 = arith.constant 0 : i32
        %add3A_194 = arith.addi %add3A_193, %mul3A_192 : i32
        %mul3A_195 = arith.constant 16 : i32
        %mul3A_196 = arith.muli %add3A_194, %mul3A_195 : i32
        %get3A_197 = arith.constant 2 : i32
        %get3A_198 = arith.index_cast %get3A_197 : i32 to index
        %get3A_199 = arith.index_cast %mul3A_196 : i32 to index
        %get3A_200 = tpu.vector_load %arg5[%get3A_198, %get3A_199] {strides = array<i32>} : memref<4x4096xi32, #tpu.memory_space<vmem>>, vector<16xi32>,
        %shift_right_arithmetic3A_201 = arith.shrsi %get3A_200, %broadcast_in_dim3A_7 : vector<16xi32>
        %or3A_202 = arith.ori %shift_right_arithmetic3A_201, %broadcast_in_dim3A_5 : vector<16xi32>
        %xor3A_203 = arith.xori %get3A_200, %or3A_202 : vector<16xi32>
        %shift_right_logical3A_204 = arith.shrui %xor3A_203, %broadcast_in_dim3A_9 : vector<16xi32>
        tpu.vector_store_idx %arg6[%shift_right_logical3A_204], %broadcast_in_dim3A_3 {add = true} : memref<65536xi32, #tpu.memory_space<vmem>>[vector<16xi32>], vector<16xi32>,
        %scan3A_205 = arith.constant 7 : i32
        %scan3A_206 = arith.addi %scan3A_99, %scan3A_205 : i32
        %mul3A_207 = arith.constant 1 : i32
        %mul3A_208 = arith.muli %scan3A_206, %mul3A_207 : i32
        %add3A_209 = arith.constant 0 : i32
        %add3A_210 = arith.addi %add3A_209, %mul3A_208 : i32
        %mul3A_211 = arith.constant 16 : i32
        %mul3A_212 = arith.muli %add3A_210, %mul3A_211 : i32
        %get3A_213 = arith.constant 2 : i32
        %get3A_214 = arith.index_cast %get3A_213 : i32 to index
        %get3A_215 = arith.index_cast %mul3A_212 : i32 to index
        %get3A_216 = tpu.vector_load %arg5[%get3A_214, %get3A_215] {strides = array<i32>} : memref<4x4096xi32, #tpu.memory_space<vmem>>, vector<16xi32>,
        %shift_right_arithmetic3A_217 = arith.shrsi %get3A_216, %broadcast_in_dim3A_7 : vector<16xi32>
        %or3A_218 = arith.ori %shift_right_arithmetic3A_217, %broadcast_in_dim3A_5 : vector<16xi32>
        %xor3A_219 = arith.xori %get3A_216, %or3A_218 : vector<16xi32>
        %shift_right_logical3A_220 = arith.shrui %xor3A_219, %broadcast_in_dim3A_9 : vector<16xi32>
        tpu.vector_store_idx %arg6[%shift_right_logical3A_220], %broadcast_in_dim3A_3 {add = true} : memref<65536xi32, #tpu.memory_space<vmem>>[vector<16xi32>], vector<16xi32>,
      }
      %scan3A_93 = arith.constant 256 : i32
      %scan3A_94 = arith.constant 0 : i32
      %scan3A_95 = arith.constant 256 : i32
      %scan3A_96 = arith.addi %scan3A_94, %scan3A_95 : i32
      %scan3A_97 = arith.constant 8 : i32
      scf.for %scan3A_99 = %scan3A_94 to %scan3A_96 step %scan3A_97  : i32 {
        %mul3A_100 = arith.constant 1 : i32
        %mul3A_101 = arith.muli %scan3A_99, %mul3A_100 : i32
        %add3A_102 = arith.constant 0 : i32
        %add3A_103 = arith.addi %add3A_102, %mul3A_101 : i32
        %mul3A_104 = arith.constant 16 : i32
        %mul3A_105 = arith.muli %add3A_103, %mul3A_104 : i32
        %get3A = arith.constant 3 : i32
        %get3A_106 = arith.index_cast %get3A : i32 to index
        %get3A_107 = arith.index_cast %mul3A_105 : i32 to index
        %get3A_108 = tpu.vector_load %arg5[%get3A_106, %get3A_107] {strides = array<i32>} : memref<4x4096xi32, #tpu.memory_space<vmem>>, vector<16xi32>,
        %shift_right_arithmetic3A = arith.shrsi %get3A_108, %broadcast_in_dim3A_7 : vector<16xi32>
        %or3A = arith.ori %shift_right_arithmetic3A, %broadcast_in_dim3A_5 : vector<16xi32>
        %xor3A = arith.xori %get3A_108, %or3A : vector<16xi32>
        %shift_right_logical3A = arith.shrui %xor3A, %broadcast_in_dim3A_9 : vector<16xi32>
        tpu.vector_store_idx %arg6[%shift_right_logical3A], %broadcast_in_dim3A_3 {add = true} : memref<65536xi32, #tpu.memory_space<vmem>>[vector<16xi32>], vector<16xi32>,
        %scan3A_109 = arith.constant 1 : i32
        %scan3A_110 = arith.addi %scan3A_99, %scan3A_109 : i32
        %mul3A_111 = arith.constant 1 : i32
        %mul3A_112 = arith.muli %scan3A_110, %mul3A_111 : i32
        %add3A_113 = arith.constant 0 : i32
        %add3A_114 = arith.addi %add3A_113, %mul3A_112 : i32
        %mul3A_115 = arith.constant 16 : i32
        %mul3A_116 = arith.muli %add3A_114, %mul3A_115 : i32
        %get3A_117 = arith.constant 3 : i32
        %get3A_118 = arith.index_cast %get3A_117 : i32 to index
        %get3A_119 = arith.index_cast %mul3A_116 : i32 to index
        %get3A_120 = tpu.vector_load %arg5[%get3A_118, %get3A_119] {strides = array<i32>} : memref<4x4096xi32, #tpu.memory_space<vmem>>, vector<16xi32>,
        %shift_right_arithmetic3A_121 = arith.shrsi %get3A_120, %broadcast_in_dim3A_7 : vector<16xi32>
        %or3A_122 = arith.ori %shift_right_arithmetic3A_121, %broadcast_in_dim3A_5 : vector<16xi32>
        %xor3A_123 = arith.xori %get3A_120, %or3A_122 : vector<16xi32>
        %shift_right_logical3A_124 = arith.shrui %xor3A_123, %broadcast_in_dim3A_9 : vector<16xi32>
        tpu.vector_store_idx %arg6[%shift_right_logical3A_124], %broadcast_in_dim3A_3 {add = true} : memref<65536xi32, #tpu.memory_space<vmem>>[vector<16xi32>], vector<16xi32>,
        %scan3A_125 = arith.constant 2 : i32
        %scan3A_126 = arith.addi %scan3A_99, %scan3A_125 : i32
        %mul3A_127 = arith.constant 1 : i32
        %mul3A_128 = arith.muli %scan3A_126, %mul3A_127 : i32
        %add3A_129 = arith.constant 0 : i32
        %add3A_130 = arith.addi %add3A_129, %mul3A_128 : i32
        %mul3A_131 = arith.constant 16 : i32
        %mul3A_132 = arith.muli %add3A_130, %mul3A_131 : i32
        %get3A_133 = arith.constant 3 : i32
        %get3A_134 = arith.index_cast %get3A_133 : i32 to index
        %get3A_135 = arith.index_cast %mul3A_132 : i32 to index
        %get3A_136 = tpu.vector_load %arg5[%get3A_134, %get3A_135] {strides = array<i32>} : memref<4x4096xi32, #tpu.memory_space<vmem>>, vector<16xi32>,
        %shift_right_arithmetic3A_137 = arith.shrsi %get3A_136, %broadcast_in_dim3A_7 : vector<16xi32>
        %or3A_138 = arith.ori %shift_right_arithmetic3A_137, %broadcast_in_dim3A_5 : vector<16xi32>
        %xor3A_139 = arith.xori %get3A_136, %or3A_138 : vector<16xi32>
        %shift_right_logical3A_140 = arith.shrui %xor3A_139, %broadcast_in_dim3A_9 : vector<16xi32>
        tpu.vector_store_idx %arg6[%shift_right_logical3A_140], %broadcast_in_dim3A_3 {add = true} : memref<65536xi32, #tpu.memory_space<vmem>>[vector<16xi32>], vector<16xi32>,
        %scan3A_141 = arith.constant 3 : i32
        %scan3A_142 = arith.addi %scan3A_99, %scan3A_141 : i32
        %mul3A_143 = arith.constant 1 : i32
        %mul3A_144 = arith.muli %scan3A_142, %mul3A_143 : i32
        %add3A_145 = arith.constant 0 : i32
        %add3A_146 = arith.addi %add3A_145, %mul3A_144 : i32
        %mul3A_147 = arith.constant 16 : i32
        %mul3A_148 = arith.muli %add3A_146, %mul3A_147 : i32
        %get3A_149 = arith.constant 3 : i32
        %get3A_150 = arith.index_cast %get3A_149 : i32 to index
        %get3A_151 = arith.index_cast %mul3A_148 : i32 to index
        %get3A_152 = tpu.vector_load %arg5[%get3A_150, %get3A_151] {strides = array<i32>} : memref<4x4096xi32, #tpu.memory_space<vmem>>, vector<16xi32>,
        %shift_right_arithmetic3A_153 = arith.shrsi %get3A_152, %broadcast_in_dim3A_7 : vector<16xi32>
        %or3A_154 = arith.ori %shift_right_arithmetic3A_153, %broadcast_in_dim3A_5 : vector<16xi32>
        %xor3A_155 = arith.xori %get3A_152, %or3A_154 : vector<16xi32>
        %shift_right_logical3A_156 = arith.shrui %xor3A_155, %broadcast_in_dim3A_9 : vector<16xi32>
        tpu.vector_store_idx %arg6[%shift_right_logical3A_156], %broadcast_in_dim3A_3 {add = true} : memref<65536xi32, #tpu.memory_space<vmem>>[vector<16xi32>], vector<16xi32>,
        %scan3A_157 = arith.constant 4 : i32
        %scan3A_158 = arith.addi %scan3A_99, %scan3A_157 : i32
        %mul3A_159 = arith.constant 1 : i32
        %mul3A_160 = arith.muli %scan3A_158, %mul3A_159 : i32
        %add3A_161 = arith.constant 0 : i32
        %add3A_162 = arith.addi %add3A_161, %mul3A_160 : i32
        %mul3A_163 = arith.constant 16 : i32
        %mul3A_164 = arith.muli %add3A_162, %mul3A_163 : i32
        %get3A_165 = arith.constant 3 : i32
        %get3A_166 = arith.index_cast %get3A_165 : i32 to index
        %get3A_167 = arith.index_cast %mul3A_164 : i32 to index
        %get3A_168 = tpu.vector_load %arg5[%get3A_166, %get3A_167] {strides = array<i32>} : memref<4x4096xi32, #tpu.memory_space<vmem>>, vector<16xi32>,
        %shift_right_arithmetic3A_169 = arith.shrsi %get3A_168, %broadcast_in_dim3A_7 : vector<16xi32>
        %or3A_170 = arith.ori %shift_right_arithmetic3A_169, %broadcast_in_dim3A_5 : vector<16xi32>
        %xor3A_171 = arith.xori %get3A_168, %or3A_170 : vector<16xi32>
        %shift_right_logical3A_172 = arith.shrui %xor3A_171, %broadcast_in_dim3A_9 : vector<16xi32>
        tpu.vector_store_idx %arg6[%shift_right_logical3A_172], %broadcast_in_dim3A_3 {add = true} : memref<65536xi32, #tpu.memory_space<vmem>>[vector<16xi32>], vector<16xi32>,
        %scan3A_173 = arith.constant 5 : i32
        %scan3A_174 = arith.addi %scan3A_99, %scan3A_173 : i32
        %mul3A_175 = arith.constant 1 : i32
        %mul3A_176 = arith.muli %scan3A_174, %mul3A_175 : i32
        %add3A_177 = arith.constant 0 : i32
        %add3A_178 = arith.addi %add3A_177, %mul3A_176 : i32
        %mul3A_179 = arith.constant 16 : i32
        %mul3A_180 = arith.muli %add3A_178, %mul3A_179 : i32
        %get3A_181 = arith.constant 3 : i32
        %get3A_182 = arith.index_cast %get3A_181 : i32 to index
        %get3A_183 = arith.index_cast %mul3A_180 : i32 to index
        %get3A_184 = tpu.vector_load %arg5[%get3A_182, %get3A_183] {strides = array<i32>} : memref<4x4096xi32, #tpu.memory_space<vmem>>, vector<16xi32>,
        %shift_right_arithmetic3A_185 = arith.shrsi %get3A_184, %broadcast_in_dim3A_7 : vector<16xi32>
        %or3A_186 = arith.ori %shift_right_arithmetic3A_185, %broadcast_in_dim3A_5 : vector<16xi32>
        %xor3A_187 = arith.xori %get3A_184, %or3A_186 : vector<16xi32>
        %shift_right_logical3A_188 = arith.shrui %xor3A_187, %broadcast_in_dim3A_9 : vector<16xi32>
        tpu.vector_store_idx %arg6[%shift_right_logical3A_188], %broadcast_in_dim3A_3 {add = true} : memref<65536xi32, #tpu.memory_space<vmem>>[vector<16xi32>], vector<16xi32>,
        %scan3A_189 = arith.constant 6 : i32
        %scan3A_190 = arith.addi %scan3A_99, %scan3A_189 : i32
        %mul3A_191 = arith.constant 1 : i32
        %mul3A_192 = arith.muli %scan3A_190, %mul3A_191 : i32
        %add3A_193 = arith.constant 0 : i32
        %add3A_194 = arith.addi %add3A_193, %mul3A_192 : i32
        %mul3A_195 = arith.constant 16 : i32
        %mul3A_196 = arith.muli %add3A_194, %mul3A_195 : i32
        %get3A_197 = arith.constant 3 : i32
        %get3A_198 = arith.index_cast %get3A_197 : i32 to index
        %get3A_199 = arith.index_cast %mul3A_196 : i32 to index
        %get3A_200 = tpu.vector_load %arg5[%get3A_198, %get3A_199] {strides = array<i32>} : memref<4x4096xi32, #tpu.memory_space<vmem>>, vector<16xi32>,
        %shift_right_arithmetic3A_201 = arith.shrsi %get3A_200, %broadcast_in_dim3A_7 : vector<16xi32>
        %or3A_202 = arith.ori %shift_right_arithmetic3A_201, %broadcast_in_dim3A_5 : vector<16xi32>
        %xor3A_203 = arith.xori %get3A_200, %or3A_202 : vector<16xi32>
        %shift_right_logical3A_204 = arith.shrui %xor3A_203, %broadcast_in_dim3A_9 : vector<16xi32>
        tpu.vector_store_idx %arg6[%shift_right_logical3A_204], %broadcast_in_dim3A_3 {add = true} : memref<65536xi32, #tpu.memory_space<vmem>>[vector<16xi32>], vector<16xi32>,
        %scan3A_205 = arith.constant 7 : i32
        %scan3A_206 = arith.addi %scan3A_99, %scan3A_205 : i32
        %mul3A_207 = arith.constant 1 : i32
        %mul3A_208 = arith.muli %scan3A_206, %mul3A_207 : i32
        %add3A_209 = arith.constant 0 : i32
        %add3A_210 = arith.addi %add3A_209, %mul3A_208 : i32
        %mul3A_211 = arith.constant 16 : i32
        %mul3A_212 = arith.muli %add3A_210, %mul3A_211 : i32
        %get3A_213 = arith.constant 3 : i32
        %get3A_214 = arith.index_cast %get3A_213 : i32 to index
        %get3A_215 = arith.index_cast %mul3A_212 : i32 to index
        %get3A_216 = tpu.vector_load %arg5[%get3A_214, %get3A_215] {strides = array<i32>} : memref<4x4096xi32, #tpu.memory_space<vmem>>, vector<16xi32>,
        %shift_right_arithmetic3A_217 = arith.shrsi %get3A_216, %broadcast_in_dim3A_7 : vector<16xi32>
        %or3A_218 = arith.ori %shift_right_arithmetic3A_217, %broadcast_in_dim3A_5 : vector<16xi32>
        %xor3A_219 = arith.xori %get3A_216, %or3A_218 : vector<16xi32>
        %shift_right_logical3A_220 = arith.shrui %xor3A_219, %broadcast_in_dim3A_9 : vector<16xi32>
        tpu.vector_store_idx %arg6[%shift_right_logical3A_220], %broadcast_in_dim3A_3 {add = true} : memref<65536xi32, #tpu.memory_space<vmem>>[vector<16xi32>], vector<16xi32>,
      }
      %scan3A_98 = arith.constant 256 : i32
    }
    %scan3A_25 = arith.constant 16 : i32
    "tpu.region"() ({
      %run_scoped3A = tpu.sem_alloc : memref<!tpu.dma_semaphore, #tpu.memory_space<semaphore_mem>>
      %dma_start3A_26 = arith.constant 0 : i32
      %dma_start3A_27 = tpu.memref_slice %arg3[%add3A, %dma_start3A_26] : memref<32x65536xi32, #tpu.memory_space<hbm>> -> memref<1x65536xi32, #tpu.memory_space<hbm>>
      %dma_start3A_28 = tpu.memref_squeeze %dma_start3A_27 : memref<1x65536xi32, #tpu.memory_space<hbm>> -> memref<65536xi32, #tpu.memory_space<hbm>>
      %dma_start3A_29 = arith.constant 0 : i32
      %dma_start3A_30 = tpu.memref_slice %arg3[%add3A, %dma_start3A_29] : memref<32x65536xi32, #tpu.memory_space<hbm>> -> memref<1x65536xi32, #tpu.memory_space<hbm>>
      %dma_start3A_31 = tpu.memref_squeeze %dma_start3A_30 : memref<1x65536xi32, #tpu.memory_space<hbm>> -> memref<65536xi32, #tpu.memory_space<hbm>>
      tpu.enqueue_dma source(%arg6 : memref<65536xi32, #tpu.memory_space<vmem>>) target(%dma_start3A_31 : memref<65536xi32, #tpu.memory_space<hbm>>) target_semaphore(%run_scoped3A : memref<!tpu.dma_semaphore, #tpu.memory_space<semaphore_mem>>)
      %dma_wait3A = arith.constant 0 : i32
      %dma_wait3A_32 = tpu.memref_slice %arg3[%add3A, %dma_wait3A] : memref<32x65536xi32, #tpu.memory_space<hbm>> -> memref<1x65536xi32, #tpu.memory_space<hbm>>
      %dma_wait3A_33 = tpu.memref_squeeze %dma_wait3A_32 : memref<1x65536xi32, #tpu.memory_space<hbm>> -> memref<65536xi32, #tpu.memory_space<hbm>>
      %dma_wait3A_34 = arith.constant 0 : i32
      %dma_wait3A_35 = tpu.memref_slice %arg3[%add3A, %dma_wait3A_34] : memref<32x65536xi32, #tpu.memory_space<hbm>> -> memref<1x65536xi32, #tpu.memory_space<hbm>>
      %dma_wait3A_36 = tpu.memref_squeeze %dma_wait3A_35 : memref<1x65536xi32, #tpu.memory_space<hbm>> -> memref<65536xi32, #tpu.memory_space<hbm>>
      tpu.wait_dma2 semaphore(%run_scoped3A : memref<!tpu.dma_semaphore, #tpu.memory_space<semaphore_mem>>) src(%arg6 : memref<65536xi32, #tpu.memory_space<vmem>>) dst(%dma_wait3A_36 : memref<65536xi32, #tpu.memory_space<hbm>>)
      tpu.yield
    }) : () -> ()
    return
  }
}

module attributes {stable_mosaic.version = 14 : i64} {
  func.func @_tc_prefix(%arg0: memref<32x512x128xi32, #tpu.memory_space<vmem>>, %arg1: memref<1x128xi32, #tpu.memory_space<vmem>>) attributes {dimension_semantics = [], scalar_prefetch = 0 : i64, scratch_operands = 0 : i64, tpu.core_type = #tpu.core_type<tc>} {
    %get3A = arith.constant 0 : index
    %get3A_0 = arith.constant 0 : index
    %get3A_1 = arith.constant 0 : index
    %get3A_2 = vector.load %arg0[%get3A, %get3A_0, %get3A_1] : memref<32x512x128xi32, #tpu.memory_space<vmem>>, vector<32x512x128xi32>
    %reduce_sum3A = arith.constant dense<0> : vector<512x128xi32>
    %reduce_sum3A_3 = vector.multi_reduction <add>, %get3A_2, %reduce_sum3A [0] : vector<32x512x128xi32> to vector<512x128xi32>
    %broadcast_in_dim3A = arith.constant 0 : i32
    %broadcast_in_dim3A_4 = vector.broadcast %broadcast_in_dim3A : i32 to vector<512x1xi32>
    %slice3A = vector.extract_strided_slice %reduce_sum3A_3 {offsets = [0, 0], sizes = [512, 127], strides = [1, 1]} : vector<512x128xi32> to vector<512x127xi32>
    %concatenate3A = tpu.concatenate %broadcast_in_dim3A_4, %slice3A in 1 : vector<512x1xi32>, vector<512x127xi32> -> vector<512x128xi32>
    %add3A = arith.addi %reduce_sum3A_3, %concatenate3A : vector<512x128xi32>
    %broadcast_in_dim3A_5 = arith.constant 0 : i32
    %broadcast_in_dim3A_6 = vector.broadcast %broadcast_in_dim3A_5 : i32 to vector<512x2xi32>
    %slice3A_7 = vector.extract_strided_slice %add3A {offsets = [0, 0], sizes = [512, 126], strides = [1, 1]} : vector<512x128xi32> to vector<512x126xi32>
    %concatenate3A_8 = tpu.concatenate %broadcast_in_dim3A_6, %slice3A_7 in 1 : vector<512x2xi32>, vector<512x126xi32> -> vector<512x128xi32>
    %add3A_9 = arith.addi %add3A, %concatenate3A_8 : vector<512x128xi32>
    %broadcast_in_dim3A_10 = arith.constant 0 : i32
    %broadcast_in_dim3A_11 = vector.broadcast %broadcast_in_dim3A_10 : i32 to vector<512x4xi32>
    %slice3A_12 = vector.extract_strided_slice %add3A_9 {offsets = [0, 0], sizes = [512, 124], strides = [1, 1]} : vector<512x128xi32> to vector<512x124xi32>
    %concatenate3A_13 = tpu.concatenate %broadcast_in_dim3A_11, %slice3A_12 in 1 : vector<512x4xi32>, vector<512x124xi32> -> vector<512x128xi32>
    %add3A_14 = arith.addi %add3A_9, %concatenate3A_13 : vector<512x128xi32>
    %broadcast_in_dim3A_15 = arith.constant 0 : i32
    %broadcast_in_dim3A_16 = vector.broadcast %broadcast_in_dim3A_15 : i32 to vector<512x8xi32>
    %slice3A_17 = vector.extract_strided_slice %add3A_14 {offsets = [0, 0], sizes = [512, 120], strides = [1, 1]} : vector<512x128xi32> to vector<512x120xi32>
    %concatenate3A_18 = tpu.concatenate %broadcast_in_dim3A_16, %slice3A_17 in 1 : vector<512x8xi32>, vector<512x120xi32> -> vector<512x128xi32>
    %add3A_19 = arith.addi %add3A_14, %concatenate3A_18 : vector<512x128xi32>
    %broadcast_in_dim3A_20 = arith.constant 0 : i32
    %broadcast_in_dim3A_21 = vector.broadcast %broadcast_in_dim3A_20 : i32 to vector<512x16xi32>
    %slice3A_22 = vector.extract_strided_slice %add3A_19 {offsets = [0, 0], sizes = [512, 112], strides = [1, 1]} : vector<512x128xi32> to vector<512x112xi32>
    %concatenate3A_23 = tpu.concatenate %broadcast_in_dim3A_21, %slice3A_22 in 1 : vector<512x16xi32>, vector<512x112xi32> -> vector<512x128xi32>
    %add3A_24 = arith.addi %add3A_19, %concatenate3A_23 : vector<512x128xi32>
    %broadcast_in_dim3A_25 = arith.constant 0 : i32
    %broadcast_in_dim3A_26 = vector.broadcast %broadcast_in_dim3A_25 : i32 to vector<512x32xi32>
    %slice3A_27 = vector.extract_strided_slice %add3A_24 {offsets = [0, 0], sizes = [512, 96], strides = [1, 1]} : vector<512x128xi32> to vector<512x96xi32>
    %concatenate3A_28 = tpu.concatenate %broadcast_in_dim3A_26, %slice3A_27 in 1 : vector<512x32xi32>, vector<512x96xi32> -> vector<512x128xi32>
    %add3A_29 = arith.addi %add3A_24, %concatenate3A_28 : vector<512x128xi32>
    %broadcast_in_dim3A_30 = arith.constant 0 : i32
    %broadcast_in_dim3A_31 = vector.broadcast %broadcast_in_dim3A_30 : i32 to vector<512x64xi32>
    %slice3A_32 = vector.extract_strided_slice %add3A_29 {offsets = [0, 0], sizes = [512, 64], strides = [1, 1]} : vector<512x128xi32> to vector<512x64xi32>
    %concatenate3A_33 = tpu.concatenate %broadcast_in_dim3A_31, %slice3A_32 in 1 : vector<512x64xi32>, vector<512x64xi32> -> vector<512x128xi32>
    %add3A_34 = arith.addi %add3A_29, %concatenate3A_33 : vector<512x128xi32>
    %slice3A_35 = vector.extract_strided_slice %add3A_34 {offsets = [0, 127], sizes = [512, 1], strides = [1, 1]} : vector<512x128xi32> to vector<512x1xi32>
    %broadcast_in_dim3A_36 = arith.constant 0 : i32
    %broadcast_in_dim3A_37 = vector.broadcast %broadcast_in_dim3A_36 : i32 to vector<1x1xi32>
    %slice3A_38 = vector.extract_strided_slice %slice3A_35 {offsets = [0, 0], sizes = [511, 1], strides = [1, 1]} : vector<512x1xi32> to vector<511x1xi32>
    %concatenate3A_39 = tpu.concatenate %broadcast_in_dim3A_37, %slice3A_38 in 0 : vector<1x1xi32>, vector<511x1xi32> -> vector<512x1xi32>
    %add3A_40 = arith.addi %slice3A_35, %concatenate3A_39 : vector<512x1xi32>
    %broadcast_in_dim3A_41 = arith.constant 0 : i32
    %broadcast_in_dim3A_42 = vector.broadcast %broadcast_in_dim3A_41 : i32 to vector<2x1xi32>
    %slice3A_43 = vector.extract_strided_slice %add3A_40 {offsets = [0, 0], sizes = [510, 1], strides = [1, 1]} : vector<512x1xi32> to vector<510x1xi32>
    %concatenate3A_44 = tpu.concatenate %broadcast_in_dim3A_42, %slice3A_43 in 0 : vector<2x1xi32>, vector<510x1xi32> -> vector<512x1xi32>
    %add3A_45 = arith.addi %add3A_40, %concatenate3A_44 : vector<512x1xi32>
    %broadcast_in_dim3A_46 = arith.constant 0 : i32
    %broadcast_in_dim3A_47 = vector.broadcast %broadcast_in_dim3A_46 : i32 to vector<4x1xi32>
    %slice3A_48 = vector.extract_strided_slice %add3A_45 {offsets = [0, 0], sizes = [508, 1], strides = [1, 1]} : vector<512x1xi32> to vector<508x1xi32>
    %concatenate3A_49 = tpu.concatenate %broadcast_in_dim3A_47, %slice3A_48 in 0 : vector<4x1xi32>, vector<508x1xi32> -> vector<512x1xi32>
    %add3A_50 = arith.addi %add3A_45, %concatenate3A_49 : vector<512x1xi32>
    %broadcast_in_dim3A_51 = arith.constant 0 : i32
    %broadcast_in_dim3A_52 = vector.broadcast %broadcast_in_dim3A_51 : i32 to vector<8x1xi32>
    %slice3A_53 = vector.extract_strided_slice %add3A_50 {offsets = [0, 0], sizes = [504, 1], strides = [1, 1]} : vector<512x1xi32> to vector<504x1xi32>
    %concatenate3A_54 = tpu.concatenate %broadcast_in_dim3A_52, %slice3A_53 in 0 : vector<8x1xi32>, vector<504x1xi32> -> vector<512x1xi32>
    %add3A_55 = arith.addi %add3A_50, %concatenate3A_54 : vector<512x1xi32>
    %broadcast_in_dim3A_56 = arith.constant 0 : i32
    %broadcast_in_dim3A_57 = vector.broadcast %broadcast_in_dim3A_56 : i32 to vector<16x1xi32>
    %slice3A_58 = vector.extract_strided_slice %add3A_55 {offsets = [0, 0], sizes = [496, 1], strides = [1, 1]} : vector<512x1xi32> to vector<496x1xi32>
    %concatenate3A_59 = tpu.concatenate %broadcast_in_dim3A_57, %slice3A_58 in 0 : vector<16x1xi32>, vector<496x1xi32> -> vector<512x1xi32>
    %add3A_60 = arith.addi %add3A_55, %concatenate3A_59 : vector<512x1xi32>
    %broadcast_in_dim3A_61 = arith.constant 0 : i32
    %broadcast_in_dim3A_62 = vector.broadcast %broadcast_in_dim3A_61 : i32 to vector<32x1xi32>
    %slice3A_63 = vector.extract_strided_slice %add3A_60 {offsets = [0, 0], sizes = [480, 1], strides = [1, 1]} : vector<512x1xi32> to vector<480x1xi32>
    %concatenate3A_64 = tpu.concatenate %broadcast_in_dim3A_62, %slice3A_63 in 0 : vector<32x1xi32>, vector<480x1xi32> -> vector<512x1xi32>
    %add3A_65 = arith.addi %add3A_60, %concatenate3A_64 : vector<512x1xi32>
    %broadcast_in_dim3A_66 = arith.constant 0 : i32
    %broadcast_in_dim3A_67 = vector.broadcast %broadcast_in_dim3A_66 : i32 to vector<64x1xi32>
    %slice3A_68 = vector.extract_strided_slice %add3A_65 {offsets = [0, 0], sizes = [448, 1], strides = [1, 1]} : vector<512x1xi32> to vector<448x1xi32>
    %concatenate3A_69 = tpu.concatenate %broadcast_in_dim3A_67, %slice3A_68 in 0 : vector<64x1xi32>, vector<448x1xi32> -> vector<512x1xi32>
    %add3A_70 = arith.addi %add3A_65, %concatenate3A_69 : vector<512x1xi32>
    %broadcast_in_dim3A_71 = arith.constant 0 : i32
    %broadcast_in_dim3A_72 = vector.broadcast %broadcast_in_dim3A_71 : i32 to vector<128x1xi32>
    %slice3A_73 = vector.extract_strided_slice %add3A_70 {offsets = [0, 0], sizes = [384, 1], strides = [1, 1]} : vector<512x1xi32> to vector<384x1xi32>
    %concatenate3A_74 = tpu.concatenate %broadcast_in_dim3A_72, %slice3A_73 in 0 : vector<128x1xi32>, vector<384x1xi32> -> vector<512x1xi32>
    %add3A_75 = arith.addi %add3A_70, %concatenate3A_74 : vector<512x1xi32>
    %broadcast_in_dim3A_76 = arith.constant 0 : i32
    %broadcast_in_dim3A_77 = vector.broadcast %broadcast_in_dim3A_76 : i32 to vector<256x1xi32>
    %slice3A_78 = vector.extract_strided_slice %add3A_75 {offsets = [0, 0], sizes = [256, 1], strides = [1, 1]} : vector<512x1xi32> to vector<256x1xi32>
    %concatenate3A_79 = tpu.concatenate %broadcast_in_dim3A_77, %slice3A_78 in 0 : vector<256x1xi32>, vector<256x1xi32> -> vector<512x1xi32>
    %add3A_80 = arith.addi %add3A_75, %concatenate3A_79 : vector<512x1xi32>
    %add3A_81 = vector.broadcast %add3A_80 : vector<512x1xi32> to vector<512x128xi32>
    %add3A_82 = arith.addi %add3A_34, %add3A_81 : vector<512x128xi32>
    %sub3A = vector.broadcast %slice3A_35 : vector<512x1xi32> to vector<512x128xi32>
    %sub3A_83 = arith.subi %add3A_82, %sub3A : vector<512x128xi32>
    %iota3A = tpu.iota {dimensions = array<i32: 0>} : vector<512x128xi32>
    %mul3A = arith.constant 128 : i32
    %mul3A_84 = vector.broadcast %mul3A : i32 to vector<512x128xi32>
    %mul3A_85 = arith.muli %iota3A, %mul3A_84 : vector<512x128xi32>
    %iota3A_86 = tpu.iota {dimensions = array<i32: 1>} : vector<512x128xi32>
    %add3A_87 = arith.addi %mul3A_85, %iota3A_86 : vector<512x128xi32>
    %le3A = arith.constant 838860 : i32
    %le3A_88 = vector.broadcast %le3A : i32 to vector<512x128xi32>
    %le3A_89 = arith.cmpi sle, %sub3A_83, %le3A_88 : vector<512x128xi32>
    %convert_element_type3A = arith.extui %le3A_89 : vector<512x128xi1> to vector<512x128xi32>
    %reduce_sum3A_90 = vector.shape_cast %convert_element_type3A : vector<512x128xi32> to vector<1x512x128xi32>
    %reduce_sum3A_91 = arith.constant dense<0> : vector<1xi32>
    %reduce_sum3A_92 = vector.multi_reduction <add>, %reduce_sum3A_90, %reduce_sum3A_91 [1, 2] : vector<1x512x128xi32> to vector<1xi32>
    %reduce_sum3A_93 = vector.shape_cast %reduce_sum3A_92 : vector<1xi32> to vector<1x1x1xi32>
    %reduce_sum3A_94 = vector.extract %reduce_sum3A_93[0, 0, 0] : i32 from vector<1x1x1xi32>
    %eq3A = vector.broadcast %reduce_sum3A_94 : i32 to vector<512x128xi32>
    %eq3A_95 = arith.cmpi eq, %add3A_87, %eq3A : vector<512x128xi32>
    %sub3A_96 = arith.subi %sub3A_83, %reduce_sum3A_3 : vector<512x128xi32>
    %jit3A = arith.constant 0 : i32
    %broadcast_in_dim3A_97 = vector.broadcast %jit3A : i32 to vector<512x128xi32>
    %select_n3A = arith.select %eq3A_95, %sub3A_96, %broadcast_in_dim3A_97 : vector<512x128xi1>, vector<512x128xi32>
    %reduce_sum3A_98 = vector.shape_cast %select_n3A : vector<512x128xi32> to vector<1x512x128xi32>
    %reduce_sum3A_99 = arith.constant dense<0> : vector<1xi32>
    %reduce_sum3A_100 = vector.multi_reduction <add>, %reduce_sum3A_98, %reduce_sum3A_99 [1, 2] : vector<1x512x128xi32> to vector<1xi32>
    %reduce_sum3A_101 = vector.shape_cast %reduce_sum3A_100 : vector<1xi32> to vector<1x1x1xi32>
    %reduce_sum3A_102 = vector.extract %reduce_sum3A_101[0, 0, 0] : i32 from vector<1x1x1xi32>
    %le3A_103 = arith.constant 838861 : i32
    %le3A_104 = vector.broadcast %le3A_103 : i32 to vector<512x128xi32>
    %le3A_105 = arith.cmpi sle, %sub3A_83, %le3A_104 : vector<512x128xi32>
    %convert_element_type3A_106 = arith.extui %le3A_105 : vector<512x128xi1> to vector<512x128xi32>
    %reduce_sum3A_107 = vector.shape_cast %convert_element_type3A_106 : vector<512x128xi32> to vector<1x512x128xi32>
    %reduce_sum3A_108 = arith.constant dense<0> : vector<1xi32>
    %reduce_sum3A_109 = vector.multi_reduction <add>, %reduce_sum3A_107, %reduce_sum3A_108 [1, 2] : vector<1x512x128xi32> to vector<1xi32>
    %reduce_sum3A_110 = vector.shape_cast %reduce_sum3A_109 : vector<1xi32> to vector<1x1x1xi32>
    %reduce_sum3A_111 = vector.extract %reduce_sum3A_110[0, 0, 0] : i32 from vector<1x1x1xi32>
    %le3A_112 = arith.constant 15938354 : i32
    %le3A_113 = vector.broadcast %le3A_112 : i32 to vector<512x128xi32>
    %le3A_114 = arith.cmpi sle, %sub3A_83, %le3A_113 : vector<512x128xi32>
    %convert_element_type3A_115 = arith.extui %le3A_114 : vector<512x128xi1> to vector<512x128xi32>
    %reduce_sum3A_116 = vector.shape_cast %convert_element_type3A_115 : vector<512x128xi32> to vector<1x512x128xi32>
    %reduce_sum3A_117 = arith.constant dense<0> : vector<1xi32>
    %reduce_sum3A_118 = vector.multi_reduction <add>, %reduce_sum3A_116, %reduce_sum3A_117 [1, 2] : vector<1x512x128xi32> to vector<1xi32>
    %reduce_sum3A_119 = vector.shape_cast %reduce_sum3A_118 : vector<1xi32> to vector<1x1x1xi32>
    %reduce_sum3A_120 = vector.extract %reduce_sum3A_119[0, 0, 0] : i32 from vector<1x1x1xi32>
    %eq3A_121 = vector.broadcast %reduce_sum3A_120 : i32 to vector<512x128xi32>
    %eq3A_122 = arith.cmpi eq, %add3A_87, %eq3A_121 : vector<512x128xi32>
    %sub3A_123 = arith.subi %sub3A_83, %reduce_sum3A_3 : vector<512x128xi32>
    %jit3A_124 = arith.constant 0 : i32
    %broadcast_in_dim3A_125 = vector.broadcast %jit3A_124 : i32 to vector<512x128xi32>
    %select_n3A_126 = arith.select %eq3A_122, %sub3A_123, %broadcast_in_dim3A_125 : vector<512x128xi1>, vector<512x128xi32>
    %reduce_sum3A_127 = vector.shape_cast %select_n3A_126 : vector<512x128xi32> to vector<1x512x128xi32>
    %reduce_sum3A_128 = arith.constant dense<0> : vector<1xi32>
    %reduce_sum3A_129 = vector.multi_reduction <add>, %reduce_sum3A_127, %reduce_sum3A_128 [1, 2] : vector<1x512x128xi32> to vector<1xi32>
    %reduce_sum3A_130 = vector.shape_cast %reduce_sum3A_129 : vector<1xi32> to vector<1x1x1xi32>
    %reduce_sum3A_131 = vector.extract %reduce_sum3A_130[0, 0, 0] : i32 from vector<1x1x1xi32>
    %le3A_132 = arith.constant 15938355 : i32
    %le3A_133 = vector.broadcast %le3A_132 : i32 to vector<512x128xi32>
    %le3A_134 = arith.cmpi sle, %sub3A_83, %le3A_133 : vector<512x128xi32>
    %convert_element_type3A_135 = arith.extui %le3A_134 : vector<512x128xi1> to vector<512x128xi32>
    %reduce_sum3A_136 = vector.shape_cast %convert_element_type3A_135 : vector<512x128xi32> to vector<1x512x128xi32>
    %reduce_sum3A_137 = arith.constant dense<0> : vector<1xi32>
    %reduce_sum3A_138 = vector.multi_reduction <add>, %reduce_sum3A_136, %reduce_sum3A_137 [1, 2] : vector<1x512x128xi32> to vector<1xi32>
    %reduce_sum3A_139 = vector.shape_cast %reduce_sum3A_138 : vector<1xi32> to vector<1x1x1xi32>
    %reduce_sum3A_140 = vector.extract %reduce_sum3A_139[0, 0, 0] : i32 from vector<1x1x1xi32>
    %sub3A_141 = arith.constant 838860 : i32
    %sub3A_142 = arith.subi %sub3A_141, %reduce_sum3A_102 : i32
    %sub3A_143 = arith.constant 15938354 : i32
    %sub3A_144 = arith.subi %sub3A_143, %reduce_sum3A_131 : i32
    %iota3A_145 = tpu.iota {dimensions = array<i32: 1>} : vector<1x128xi32>
    %broadcast_in_dim3A_146 = arith.constant 0 : i32
    %broadcast_in_dim3A_147 = vector.broadcast %broadcast_in_dim3A_146 : i32 to vector<1x128xi32>
    %eq3A_148 = arith.constant 0 : i32
    %eq3A_149 = vector.broadcast %eq3A_148 : i32 to vector<1x128xi32>
    %eq3A_150 = arith.cmpi eq, %iota3A_145, %eq3A_149 : vector<1x128xi32>
    %broadcast_in_dim3A_151 = vector.broadcast %reduce_sum3A_94 : i32 to vector<1x128xi32>
    %select_n3A_152 = arith.select %eq3A_150, %broadcast_in_dim3A_151, %broadcast_in_dim3A_147 : vector<1x128xi1>, vector<1x128xi32>
    %eq3A_153 = arith.constant 1 : i32
    %eq3A_154 = vector.broadcast %eq3A_153 : i32 to vector<1x128xi32>
    %eq3A_155 = arith.cmpi eq, %iota3A_145, %eq3A_154 : vector<1x128xi32>
    %broadcast_in_dim3A_156 = vector.broadcast %reduce_sum3A_111 : i32 to vector<1x128xi32>
    %select_n3A_157 = arith.select %eq3A_155, %broadcast_in_dim3A_156, %select_n3A_152 : vector<1x128xi1>, vector<1x128xi32>
    %eq3A_158 = arith.constant 2 : i32
    %eq3A_159 = vector.broadcast %eq3A_158 : i32 to vector<1x128xi32>
    %eq3A_160 = arith.cmpi eq, %iota3A_145, %eq3A_159 : vector<1x128xi32>
    %broadcast_in_dim3A_161 = vector.broadcast %reduce_sum3A_120 : i32 to vector<1x128xi32>
    %select_n3A_162 = arith.select %eq3A_160, %broadcast_in_dim3A_161, %select_n3A_157 : vector<1x128xi1>, vector<1x128xi32>
    %eq3A_163 = arith.constant 3 : i32
    %eq3A_164 = vector.broadcast %eq3A_163 : i32 to vector<1x128xi32>
    %eq3A_165 = arith.cmpi eq, %iota3A_145, %eq3A_164 : vector<1x128xi32>
    %broadcast_in_dim3A_166 = vector.broadcast %reduce_sum3A_140 : i32 to vector<1x128xi32>
    %select_n3A_167 = arith.select %eq3A_165, %broadcast_in_dim3A_166, %select_n3A_162 : vector<1x128xi1>, vector<1x128xi32>
    %eq3A_168 = arith.constant 4 : i32
    %eq3A_169 = vector.broadcast %eq3A_168 : i32 to vector<1x128xi32>
    %eq3A_170 = arith.cmpi eq, %iota3A_145, %eq3A_169 : vector<1x128xi32>
    %broadcast_in_dim3A_171 = vector.broadcast %sub3A_142 : i32 to vector<1x128xi32>
    %select_n3A_172 = arith.select %eq3A_170, %broadcast_in_dim3A_171, %select_n3A_167 : vector<1x128xi1>, vector<1x128xi32>
    %eq3A_173 = arith.constant 5 : i32
    %eq3A_174 = vector.broadcast %eq3A_173 : i32 to vector<1x128xi32>
    %eq3A_175 = arith.cmpi eq, %iota3A_145, %eq3A_174 : vector<1x128xi32>
    %broadcast_in_dim3A_176 = vector.broadcast %sub3A_144 : i32 to vector<1x128xi32>
    %select_n3A_177 = arith.select %eq3A_175, %broadcast_in_dim3A_176, %select_n3A_172 : vector<1x128xi1>, vector<1x128xi32>
    %swap3A = arith.constant 0 : index
    %swap3A_178 = arith.constant 0 : index
    %swap3A_179 = vector.load %arg1[%swap3A, %swap3A_178] : memref<1x128xi32, #tpu.memory_space<vmem>>, vector<1x128xi32>
    tpu.vector_store %arg1[%swap3A, %swap3A_178], %select_n3A_177 {strides = array<i32>} : memref<1x128xi32, #tpu.memory_space<vmem>>, vector<1x128xi32>,
    return
  }
}

module attributes {stable_mosaic.version = 14 : i64} {
  func.func @_tc_final(%arg0: memref<32x2x256x128xi32, #tpu.memory_space<vmem>>, %arg1: memref<1x128xi32, #tpu.memory_space<vmem>>, %arg2: memref<1x128xf32, #tpu.memory_space<vmem>>, %arg3: memref<1x128xf32, #tpu.memory_space<vmem>>) attributes {dimension_semantics = [], scalar_prefetch = 0 : i64, scratch_operands = 0 : i64, tpu.core_type = #tpu.core_type<tc>} {
    %get3A = arith.constant 0 : index
    %get3A_0 = arith.constant 0 : index
    %get3A_1 = vector.load %arg1[%get3A, %get3A_0] : memref<1x128xi32, #tpu.memory_space<vmem>>, vector<1x128xi32>
    %iota3A = tpu.iota {dimensions = array<i32: 1>} : vector<1x128xi32>
    %get3A_2 = arith.constant 0 : index
    %get3A_3 = arith.constant 0 : index
    %get3A_4 = vector.load %arg2[%get3A_2, %get3A_3] : memref<1x128xf32, #tpu.memory_space<vmem>>, vector<1x128xf32>
    %eq3A = arith.constant 0 : i32
    %eq3A_5 = vector.broadcast %eq3A : i32 to vector<1x128xi32>
    %eq3A_6 = arith.cmpi eq, %iota3A, %eq3A_5 : vector<1x128xi32>
    %jit3A = arith.constant 0.000000e+00 : f32
    %broadcast_in_dim3A = vector.broadcast %jit3A : f32 to vector<1x128xf32>
    %select_n3A = arith.select %eq3A_6, %get3A_4, %broadcast_in_dim3A : vector<1x128xi1>, vector<1x128xf32>
    %reduce_sum3A = vector.shape_cast %select_n3A : vector<1x128xf32> to vector<1x1x128xf32>
    %reduce_sum3A_7 = arith.constant dense<0.000000e+00> : vector<1xf32>
    %reduce_sum3A_8 = vector.multi_reduction <add>, %reduce_sum3A, %reduce_sum3A_7 [1, 2] : vector<1x1x128xf32> to vector<1xf32>
    %reduce_sum3A_9 = vector.shape_cast %reduce_sum3A_8 : vector<1xf32> to vector<1x1x1xf32>
    %reduce_sum3A_10 = vector.extract %reduce_sum3A_9[0, 0, 0] : f32 from vector<1x1x1xf32>
    %eq3A_11 = arith.constant 1 : i32
    %eq3A_12 = vector.broadcast %eq3A_11 : i32 to vector<1x128xi32>
    %eq3A_13 = arith.cmpi eq, %iota3A, %eq3A_12 : vector<1x128xi32>
    %jit3A_14 = arith.constant 0.000000e+00 : f32
    %broadcast_in_dim3A_15 = vector.broadcast %jit3A_14 : f32 to vector<1x128xf32>
    %select_n3A_16 = arith.select %eq3A_13, %get3A_4, %broadcast_in_dim3A_15 : vector<1x128xi1>, vector<1x128xf32>
    %reduce_sum3A_17 = vector.shape_cast %select_n3A_16 : vector<1x128xf32> to vector<1x1x128xf32>
    %reduce_sum3A_18 = arith.constant dense<0.000000e+00> : vector<1xf32>
    %reduce_sum3A_19 = vector.multi_reduction <add>, %reduce_sum3A_17, %reduce_sum3A_18 [1, 2] : vector<1x1x128xf32> to vector<1xf32>
    %reduce_sum3A_20 = vector.shape_cast %reduce_sum3A_19 : vector<1xf32> to vector<1x1x1xf32>
    %reduce_sum3A_21 = vector.extract %reduce_sum3A_20[0, 0, 0] : f32 from vector<1x1x1xf32>
    %get3A_22 = arith.constant 0 : index
    %get3A_23 = arith.constant 0 : index
    %get3A_24 = arith.constant 0 : index
    %get3A_25 = arith.constant 0 : index
    %get3A_26 = vector.load %arg0[%get3A_22, %get3A_23, %get3A_24, %get3A_25] : memref<32x2x256x128xi32, #tpu.memory_space<vmem>>, vector<32x2x256x128xi32>
    %reduce_sum3A_27 = arith.constant dense<0> : vector<2x256x128xi32>
    %reduce_sum3A_28 = vector.multi_reduction <add>, %get3A_26, %reduce_sum3A_27 [0] : vector<32x2x256x128xi32> to vector<2x256x128xi32>
    %eq3A_29 = arith.constant 0 : i32
    %eq3A_30 = vector.broadcast %eq3A_29 : i32 to vector<1x128xi32>
    %eq3A_31 = arith.cmpi eq, %iota3A, %eq3A_30 : vector<1x128xi32>
    %jit3A_32 = arith.constant 0 : i32
    %broadcast_in_dim3A_33 = vector.broadcast %jit3A_32 : i32 to vector<1x128xi32>
    %select_n3A_34 = arith.select %eq3A_31, %get3A_1, %broadcast_in_dim3A_33 : vector<1x128xi1>, vector<1x128xi32>
    %reduce_sum3A_35 = vector.shape_cast %select_n3A_34 : vector<1x128xi32> to vector<1x1x128xi32>
    %reduce_sum3A_36 = arith.constant dense<0> : vector<1xi32>
    %reduce_sum3A_37 = vector.multi_reduction <add>, %reduce_sum3A_35, %reduce_sum3A_36 [1, 2] : vector<1x1x128xi32> to vector<1xi32>
    %reduce_sum3A_38 = vector.shape_cast %reduce_sum3A_37 : vector<1xi32> to vector<1x1x1xi32>
    %reduce_sum3A_39 = vector.extract %reduce_sum3A_38[0, 0, 0] : i32 from vector<1x1x1xi32>
    %eq3A_40 = arith.constant 1 : i32
    %eq3A_41 = vector.broadcast %eq3A_40 : i32 to vector<1x128xi32>
    %eq3A_42 = arith.cmpi eq, %iota3A, %eq3A_41 : vector<1x128xi32>
    %jit3A_43 = arith.constant 0 : i32
    %broadcast_in_dim3A_44 = vector.broadcast %jit3A_43 : i32 to vector<1x128xi32>
    %select_n3A_45 = arith.select %eq3A_42, %get3A_1, %broadcast_in_dim3A_44 : vector<1x128xi1>, vector<1x128xi32>
    %reduce_sum3A_46 = vector.shape_cast %select_n3A_45 : vector<1x128xi32> to vector<1x1x128xi32>
    %reduce_sum3A_47 = arith.constant dense<0> : vector<1xi32>
    %reduce_sum3A_48 = vector.multi_reduction <add>, %reduce_sum3A_46, %reduce_sum3A_47 [1, 2] : vector<1x1x128xi32> to vector<1xi32>
    %reduce_sum3A_49 = vector.shape_cast %reduce_sum3A_48 : vector<1xi32> to vector<1x1x1xi32>
    %reduce_sum3A_50 = vector.extract %reduce_sum3A_49[0, 0, 0] : i32 from vector<1x1x1xi32>
    %eq3A_51 = arith.constant 4 : i32
    %eq3A_52 = vector.broadcast %eq3A_51 : i32 to vector<1x128xi32>
    %eq3A_53 = arith.cmpi eq, %iota3A, %eq3A_52 : vector<1x128xi32>
    %jit3A_54 = arith.constant 0 : i32
    %broadcast_in_dim3A_55 = vector.broadcast %jit3A_54 : i32 to vector<1x128xi32>
    %select_n3A_56 = arith.select %eq3A_53, %get3A_1, %broadcast_in_dim3A_55 : vector<1x128xi1>, vector<1x128xi32>
    %reduce_sum3A_57 = vector.shape_cast %select_n3A_56 : vector<1x128xi32> to vector<1x1x128xi32>
    %reduce_sum3A_58 = arith.constant dense<0> : vector<1xi32>
    %reduce_sum3A_59 = vector.multi_reduction <add>, %reduce_sum3A_57, %reduce_sum3A_58 [1, 2] : vector<1x1x128xi32> to vector<1xi32>
    %reduce_sum3A_60 = vector.shape_cast %reduce_sum3A_59 : vector<1xi32> to vector<1x1x1xi32>
    %reduce_sum3A_61 = vector.extract %reduce_sum3A_60[0, 0, 0] : i32 from vector<1x1x1xi32>
    %slice3A = vector.extract_strided_slice %reduce_sum3A_28 {offsets = [0, 0, 0], sizes = [1, 256, 128], strides = [1, 1, 1]} : vector<2x256x128xi32> to vector<1x256x128xi32>
    %squeeze3A = vector.shape_cast %slice3A : vector<1x256x128xi32> to vector<256x128xi32>
    %broadcast_in_dim3A_62 = arith.constant 0 : i32
    %broadcast_in_dim3A_63 = vector.broadcast %broadcast_in_dim3A_62 : i32 to vector<256x1xi32>
    %slice3A_64 = vector.extract_strided_slice %squeeze3A {offsets = [0, 0], sizes = [256, 127], strides = [1, 1]} : vector<256x128xi32> to vector<256x127xi32>
    %concatenate3A = tpu.concatenate %broadcast_in_dim3A_63, %slice3A_64 in 1 : vector<256x1xi32>, vector<256x127xi32> -> vector<256x128xi32>
    %add3A = arith.addi %squeeze3A, %concatenate3A : vector<256x128xi32>
    %broadcast_in_dim3A_65 = arith.constant 0 : i32
    %broadcast_in_dim3A_66 = vector.broadcast %broadcast_in_dim3A_65 : i32 to vector<256x2xi32>
    %slice3A_67 = vector.extract_strided_slice %add3A {offsets = [0, 0], sizes = [256, 126], strides = [1, 1]} : vector<256x128xi32> to vector<256x126xi32>
    %concatenate3A_68 = tpu.concatenate %broadcast_in_dim3A_66, %slice3A_67 in 1 : vector<256x2xi32>, vector<256x126xi32> -> vector<256x128xi32>
    %add3A_69 = arith.addi %add3A, %concatenate3A_68 : vector<256x128xi32>
    %broadcast_in_dim3A_70 = arith.constant 0 : i32
    %broadcast_in_dim3A_71 = vector.broadcast %broadcast_in_dim3A_70 : i32 to vector<256x4xi32>
    %slice3A_72 = vector.extract_strided_slice %add3A_69 {offsets = [0, 0], sizes = [256, 124], strides = [1, 1]} : vector<256x128xi32> to vector<256x124xi32>
    %concatenate3A_73 = tpu.concatenate %broadcast_in_dim3A_71, %slice3A_72 in 1 : vector<256x4xi32>, vector<256x124xi32> -> vector<256x128xi32>
    %add3A_74 = arith.addi %add3A_69, %concatenate3A_73 : vector<256x128xi32>
    %broadcast_in_dim3A_75 = arith.constant 0 : i32
    %broadcast_in_dim3A_76 = vector.broadcast %broadcast_in_dim3A_75 : i32 to vector<256x8xi32>
    %slice3A_77 = vector.extract_strided_slice %add3A_74 {offsets = [0, 0], sizes = [256, 120], strides = [1, 1]} : vector<256x128xi32> to vector<256x120xi32>
    %concatenate3A_78 = tpu.concatenate %broadcast_in_dim3A_76, %slice3A_77 in 1 : vector<256x8xi32>, vector<256x120xi32> -> vector<256x128xi32>
    %add3A_79 = arith.addi %add3A_74, %concatenate3A_78 : vector<256x128xi32>
    %broadcast_in_dim3A_80 = arith.constant 0 : i32
    %broadcast_in_dim3A_81 = vector.broadcast %broadcast_in_dim3A_80 : i32 to vector<256x16xi32>
    %slice3A_82 = vector.extract_strided_slice %add3A_79 {offsets = [0, 0], sizes = [256, 112], strides = [1, 1]} : vector<256x128xi32> to vector<256x112xi32>
    %concatenate3A_83 = tpu.concatenate %broadcast_in_dim3A_81, %slice3A_82 in 1 : vector<256x16xi32>, vector<256x112xi32> -> vector<256x128xi32>
    %add3A_84 = arith.addi %add3A_79, %concatenate3A_83 : vector<256x128xi32>
    %broadcast_in_dim3A_85 = arith.constant 0 : i32
    %broadcast_in_dim3A_86 = vector.broadcast %broadcast_in_dim3A_85 : i32 to vector<256x32xi32>
    %slice3A_87 = vector.extract_strided_slice %add3A_84 {offsets = [0, 0], sizes = [256, 96], strides = [1, 1]} : vector<256x128xi32> to vector<256x96xi32>
    %concatenate3A_88 = tpu.concatenate %broadcast_in_dim3A_86, %slice3A_87 in 1 : vector<256x32xi32>, vector<256x96xi32> -> vector<256x128xi32>
    %add3A_89 = arith.addi %add3A_84, %concatenate3A_88 : vector<256x128xi32>
    %broadcast_in_dim3A_90 = arith.constant 0 : i32
    %broadcast_in_dim3A_91 = vector.broadcast %broadcast_in_dim3A_90 : i32 to vector<256x64xi32>
    %slice3A_92 = vector.extract_strided_slice %add3A_89 {offsets = [0, 0], sizes = [256, 64], strides = [1, 1]} : vector<256x128xi32> to vector<256x64xi32>
    %concatenate3A_93 = tpu.concatenate %broadcast_in_dim3A_91, %slice3A_92 in 1 : vector<256x64xi32>, vector<256x64xi32> -> vector<256x128xi32>
    %add3A_94 = arith.addi %add3A_89, %concatenate3A_93 : vector<256x128xi32>
    %slice3A_95 = vector.extract_strided_slice %add3A_94 {offsets = [0, 127], sizes = [256, 1], strides = [1, 1]} : vector<256x128xi32> to vector<256x1xi32>
    %broadcast_in_dim3A_96 = arith.constant 0 : i32
    %broadcast_in_dim3A_97 = vector.broadcast %broadcast_in_dim3A_96 : i32 to vector<1x1xi32>
    %slice3A_98 = vector.extract_strided_slice %slice3A_95 {offsets = [0, 0], sizes = [255, 1], strides = [1, 1]} : vector<256x1xi32> to vector<255x1xi32>
    %concatenate3A_99 = tpu.concatenate %broadcast_in_dim3A_97, %slice3A_98 in 0 : vector<1x1xi32>, vector<255x1xi32> -> vector<256x1xi32>
    %add3A_100 = arith.addi %slice3A_95, %concatenate3A_99 : vector<256x1xi32>
    %broadcast_in_dim3A_101 = arith.constant 0 : i32
    %broadcast_in_dim3A_102 = vector.broadcast %broadcast_in_dim3A_101 : i32 to vector<2x1xi32>
    %slice3A_103 = vector.extract_strided_slice %add3A_100 {offsets = [0, 0], sizes = [254, 1], strides = [1, 1]} : vector<256x1xi32> to vector<254x1xi32>
    %concatenate3A_104 = tpu.concatenate %broadcast_in_dim3A_102, %slice3A_103 in 0 : vector<2x1xi32>, vector<254x1xi32> -> vector<256x1xi32>
    %add3A_105 = arith.addi %add3A_100, %concatenate3A_104 : vector<256x1xi32>
    %broadcast_in_dim3A_106 = arith.constant 0 : i32
    %broadcast_in_dim3A_107 = vector.broadcast %broadcast_in_dim3A_106 : i32 to vector<4x1xi32>
    %slice3A_108 = vector.extract_strided_slice %add3A_105 {offsets = [0, 0], sizes = [252, 1], strides = [1, 1]} : vector<256x1xi32> to vector<252x1xi32>
    %concatenate3A_109 = tpu.concatenate %broadcast_in_dim3A_107, %slice3A_108 in 0 : vector<4x1xi32>, vector<252x1xi32> -> vector<256x1xi32>
    %add3A_110 = arith.addi %add3A_105, %concatenate3A_109 : vector<256x1xi32>
    %broadcast_in_dim3A_111 = arith.constant 0 : i32
    %broadcast_in_dim3A_112 = vector.broadcast %broadcast_in_dim3A_111 : i32 to vector<8x1xi32>
    %slice3A_113 = vector.extract_strided_slice %add3A_110 {offsets = [0, 0], sizes = [248, 1], strides = [1, 1]} : vector<256x1xi32> to vector<248x1xi32>
    %concatenate3A_114 = tpu.concatenate %broadcast_in_dim3A_112, %slice3A_113 in 0 : vector<8x1xi32>, vector<248x1xi32> -> vector<256x1xi32>
    %add3A_115 = arith.addi %add3A_110, %concatenate3A_114 : vector<256x1xi32>
    %broadcast_in_dim3A_116 = arith.constant 0 : i32
    %broadcast_in_dim3A_117 = vector.broadcast %broadcast_in_dim3A_116 : i32 to vector<16x1xi32>
    %slice3A_118 = vector.extract_strided_slice %add3A_115 {offsets = [0, 0], sizes = [240, 1], strides = [1, 1]} : vector<256x1xi32> to vector<240x1xi32>
    %concatenate3A_119 = tpu.concatenate %broadcast_in_dim3A_117, %slice3A_118 in 0 : vector<16x1xi32>, vector<240x1xi32> -> vector<256x1xi32>
    %add3A_120 = arith.addi %add3A_115, %concatenate3A_119 : vector<256x1xi32>
    %broadcast_in_dim3A_121 = arith.constant 0 : i32
    %broadcast_in_dim3A_122 = vector.broadcast %broadcast_in_dim3A_121 : i32 to vector<32x1xi32>
    %slice3A_123 = vector.extract_strided_slice %add3A_120 {offsets = [0, 0], sizes = [224, 1], strides = [1, 1]} : vector<256x1xi32> to vector<224x1xi32>
    %concatenate3A_124 = tpu.concatenate %broadcast_in_dim3A_122, %slice3A_123 in 0 : vector<32x1xi32>, vector<224x1xi32> -> vector<256x1xi32>
    %add3A_125 = arith.addi %add3A_120, %concatenate3A_124 : vector<256x1xi32>
    %broadcast_in_dim3A_126 = arith.constant 0 : i32
    %broadcast_in_dim3A_127 = vector.broadcast %broadcast_in_dim3A_126 : i32 to vector<64x1xi32>
    %slice3A_128 = vector.extract_strided_slice %add3A_125 {offsets = [0, 0], sizes = [192, 1], strides = [1, 1]} : vector<256x1xi32> to vector<192x1xi32>
    %concatenate3A_129 = tpu.concatenate %broadcast_in_dim3A_127, %slice3A_128 in 0 : vector<64x1xi32>, vector<192x1xi32> -> vector<256x1xi32>
    %add3A_130 = arith.addi %add3A_125, %concatenate3A_129 : vector<256x1xi32>
    %broadcast_in_dim3A_131 = arith.constant 0 : i32
    %broadcast_in_dim3A_132 = vector.broadcast %broadcast_in_dim3A_131 : i32 to vector<128x1xi32>
    %slice3A_133 = vector.extract_strided_slice %add3A_130 {offsets = [0, 0], sizes = [128, 1], strides = [1, 1]} : vector<256x1xi32> to vector<128x1xi32>
    %concatenate3A_134 = tpu.concatenate %broadcast_in_dim3A_132, %slice3A_133 in 0 : vector<128x1xi32>, vector<128x1xi32> -> vector<256x1xi32>
    %add3A_135 = arith.addi %add3A_130, %concatenate3A_134 : vector<256x1xi32>
    %add3A_136 = vector.broadcast %add3A_135 : vector<256x1xi32> to vector<256x128xi32>
    %add3A_137 = arith.addi %add3A_94, %add3A_136 : vector<256x128xi32>
    %sub3A = vector.broadcast %slice3A_95 : vector<256x1xi32> to vector<256x128xi32>
    %sub3A_138 = arith.subi %add3A_137, %sub3A : vector<256x128xi32>
    %le3A = vector.broadcast %reduce_sum3A_61 : i32 to vector<256x128xi32>
    %le3A_139 = arith.cmpi sle, %sub3A_138, %le3A : vector<256x128xi32>
    %convert_element_type3A = arith.extui %le3A_139 : vector<256x128xi1> to vector<256x128xi32>
    %reduce_sum3A_140 = vector.shape_cast %convert_element_type3A : vector<256x128xi32> to vector<1x256x128xi32>
    %reduce_sum3A_141 = arith.constant dense<0> : vector<1xi32>
    %reduce_sum3A_142 = vector.multi_reduction <add>, %reduce_sum3A_140, %reduce_sum3A_141 [1, 2] : vector<1x256x128xi32> to vector<1xi32>
    %reduce_sum3A_143 = vector.shape_cast %reduce_sum3A_142 : vector<1xi32> to vector<1x1x1xi32>
    %reduce_sum3A_144 = vector.extract %reduce_sum3A_143[0, 0, 0] : i32 from vector<1x1x1xi32>
    %shift_right_logical3A = arith.constant 14 : i32
    %shift_right_logical3A_145 = arith.shrui %reduce_sum3A_144, %shift_right_logical3A : i32
    %and3A = arith.constant 16383 : i32
    %and3A_146 = arith.andi %reduce_sum3A_144, %and3A : i32
    %eq3A_147 = arith.constant 1 : i32
    %eq3A_148 = arith.cmpi eq, %shift_right_logical3A_145, %eq3A_147 : i32
    %select_n3A_149 = arith.select %eq3A_148, %reduce_sum3A_50, %reduce_sum3A_39 : i32
    %shift_left3A = arith.constant 16 : i32
    %shift_left3A_150 = arith.shli %select_n3A_149, %shift_left3A : i32
    %shift_left3A_151 = arith.constant 2 : i32
    %shift_left3A_152 = arith.shli %and3A_146, %shift_left3A_151 : i32
    %or3A = arith.ori %shift_left3A_150, %shift_left3A_152 : i32
    %lt3A = arith.constant 0 : i32
    %lt3A_153 = arith.cmpi slt, %or3A, %lt3A : i32
    %and3A_154 = arith.constant 2147483647 : i32
    %and3A_155 = arith.andi %or3A, %and3A_154 : i32
    %not3A = arith.constant -1 : i32
    %not3A_156 = arith.xori %or3A, %not3A : i32
    %select_n3A_157 = arith.select %lt3A_153, %and3A_155, %not3A_156 : i32
    %bitcast_convert_type3A = arith.bitcast %select_n3A_157 : i32 to f32
    %add3A_158 = arith.constant 1 : i32
    %add3A_159 = arith.addi %reduce_sum3A_61, %add3A_158 : i32
    %le3A_160 = vector.broadcast %add3A_159 : i32 to vector<256x128xi32>
    %le3A_161 = arith.cmpi sle, %sub3A_138, %le3A_160 : vector<256x128xi32>
    %convert_element_type3A_162 = arith.extui %le3A_161 : vector<256x128xi1> to vector<256x128xi32>
    %reduce_sum3A_163 = vector.shape_cast %convert_element_type3A_162 : vector<256x128xi32> to vector<1x256x128xi32>
    %reduce_sum3A_164 = arith.constant dense<0> : vector<1xi32>
    %reduce_sum3A_165 = vector.multi_reduction <add>, %reduce_sum3A_163, %reduce_sum3A_164 [1, 2] : vector<1x256x128xi32> to vector<1xi32>
    %reduce_sum3A_166 = vector.shape_cast %reduce_sum3A_165 : vector<1xi32> to vector<1x1x1xi32>
    %reduce_sum3A_167 = vector.extract %reduce_sum3A_166[0, 0, 0] : i32 from vector<1x1x1xi32>
    %shift_right_logical3A_168 = arith.constant 14 : i32
    %shift_right_logical3A_169 = arith.shrui %reduce_sum3A_167, %shift_right_logical3A_168 : i32
    %and3A_170 = arith.constant 16383 : i32
    %and3A_171 = arith.andi %reduce_sum3A_167, %and3A_170 : i32
    %eq3A_172 = arith.constant 1 : i32
    %eq3A_173 = arith.cmpi eq, %shift_right_logical3A_169, %eq3A_172 : i32
    %select_n3A_174 = arith.select %eq3A_173, %reduce_sum3A_50, %reduce_sum3A_39 : i32
    %shift_left3A_175 = arith.constant 16 : i32
    %shift_left3A_176 = arith.shli %select_n3A_174, %shift_left3A_175 : i32
    %shift_left3A_177 = arith.constant 2 : i32
    %shift_left3A_178 = arith.shli %and3A_171, %shift_left3A_177 : i32
    %or3A_179 = arith.ori %shift_left3A_176, %shift_left3A_178 : i32
    %lt3A_180 = arith.constant 0 : i32
    %lt3A_181 = arith.cmpi slt, %or3A_179, %lt3A_180 : i32
    %and3A_182 = arith.constant 2147483647 : i32
    %and3A_183 = arith.andi %or3A_179, %and3A_182 : i32
    %not3A_184 = arith.constant -1 : i32
    %not3A_185 = arith.xori %or3A_179, %not3A_184 : i32
    %select_n3A_186 = arith.select %lt3A_181, %and3A_183, %not3A_185 : i32
    %bitcast_convert_type3A_187 = arith.bitcast %select_n3A_186 : i32 to f32
    %sub3A_188 = arith.subf %bitcast_convert_type3A_187, %bitcast_convert_type3A : f32
    %mul3A = arith.constant 7.500000e-01 : f32
    %mul3A_189 = arith.mulf %mul3A, %sub3A_188 : f32
    %add3A_190 = arith.addf %bitcast_convert_type3A, %mul3A_189 : f32
    %eq3A_191 = arith.constant 2 : i32
    %eq3A_192 = vector.broadcast %eq3A_191 : i32 to vector<1x128xi32>
    %eq3A_193 = arith.cmpi eq, %iota3A, %eq3A_192 : vector<1x128xi32>
    %jit3A_194 = arith.constant 0 : i32
    %broadcast_in_dim3A_195 = vector.broadcast %jit3A_194 : i32 to vector<1x128xi32>
    %select_n3A_196 = arith.select %eq3A_193, %get3A_1, %broadcast_in_dim3A_195 : vector<1x128xi1>, vector<1x128xi32>
    %reduce_sum3A_197 = vector.shape_cast %select_n3A_196 : vector<1x128xi32> to vector<1x1x128xi32>
    %reduce_sum3A_198 = arith.constant dense<0> : vector<1xi32>
    %reduce_sum3A_199 = vector.multi_reduction <add>, %reduce_sum3A_197, %reduce_sum3A_198 [1, 2] : vector<1x1x128xi32> to vector<1xi32>
    %reduce_sum3A_200 = vector.shape_cast %reduce_sum3A_199 : vector<1xi32> to vector<1x1x1xi32>
    %reduce_sum3A_201 = vector.extract %reduce_sum3A_200[0, 0, 0] : i32 from vector<1x1x1xi32>
    %eq3A_202 = arith.constant 3 : i32
    %eq3A_203 = vector.broadcast %eq3A_202 : i32 to vector<1x128xi32>
    %eq3A_204 = arith.cmpi eq, %iota3A, %eq3A_203 : vector<1x128xi32>
    %jit3A_205 = arith.constant 0 : i32
    %broadcast_in_dim3A_206 = vector.broadcast %jit3A_205 : i32 to vector<1x128xi32>
    %select_n3A_207 = arith.select %eq3A_204, %get3A_1, %broadcast_in_dim3A_206 : vector<1x128xi1>, vector<1x128xi32>
    %reduce_sum3A_208 = vector.shape_cast %select_n3A_207 : vector<1x128xi32> to vector<1x1x128xi32>
    %reduce_sum3A_209 = arith.constant dense<0> : vector<1xi32>
    %reduce_sum3A_210 = vector.multi_reduction <add>, %reduce_sum3A_208, %reduce_sum3A_209 [1, 2] : vector<1x1x128xi32> to vector<1xi32>
    %reduce_sum3A_211 = vector.shape_cast %reduce_sum3A_210 : vector<1xi32> to vector<1x1x1xi32>
    %reduce_sum3A_212 = vector.extract %reduce_sum3A_211[0, 0, 0] : i32 from vector<1x1x1xi32>
    %eq3A_213 = arith.constant 5 : i32
    %eq3A_214 = vector.broadcast %eq3A_213 : i32 to vector<1x128xi32>
    %eq3A_215 = arith.cmpi eq, %iota3A, %eq3A_214 : vector<1x128xi32>
    %jit3A_216 = arith.constant 0 : i32
    %broadcast_in_dim3A_217 = vector.broadcast %jit3A_216 : i32 to vector<1x128xi32>
    %select_n3A_218 = arith.select %eq3A_215, %get3A_1, %broadcast_in_dim3A_217 : vector<1x128xi1>, vector<1x128xi32>
    %reduce_sum3A_219 = vector.shape_cast %select_n3A_218 : vector<1x128xi32> to vector<1x1x128xi32>
    %reduce_sum3A_220 = arith.constant dense<0> : vector<1xi32>
    %reduce_sum3A_221 = vector.multi_reduction <add>, %reduce_sum3A_219, %reduce_sum3A_220 [1, 2] : vector<1x1x128xi32> to vector<1xi32>
    %reduce_sum3A_222 = vector.shape_cast %reduce_sum3A_221 : vector<1xi32> to vector<1x1x1xi32>
    %reduce_sum3A_223 = vector.extract %reduce_sum3A_222[0, 0, 0] : i32 from vector<1x1x1xi32>
    %slice3A_224 = vector.extract_strided_slice %reduce_sum3A_28 {offsets = [1, 0, 0], sizes = [1, 256, 128], strides = [1, 1, 1]} : vector<2x256x128xi32> to vector<1x256x128xi32>
    %squeeze3A_225 = vector.shape_cast %slice3A_224 : vector<1x256x128xi32> to vector<256x128xi32>
    %broadcast_in_dim3A_226 = arith.constant 0 : i32
    %broadcast_in_dim3A_227 = vector.broadcast %broadcast_in_dim3A_226 : i32 to vector<256x1xi32>
    %slice3A_228 = vector.extract_strided_slice %squeeze3A_225 {offsets = [0, 0], sizes = [256, 127], strides = [1, 1]} : vector<256x128xi32> to vector<256x127xi32>
    %concatenate3A_229 = tpu.concatenate %broadcast_in_dim3A_227, %slice3A_228 in 1 : vector<256x1xi32>, vector<256x127xi32> -> vector<256x128xi32>
    %add3A_230 = arith.addi %squeeze3A_225, %concatenate3A_229 : vector<256x128xi32>
    %broadcast_in_dim3A_231 = arith.constant 0 : i32
    %broadcast_in_dim3A_232 = vector.broadcast %broadcast_in_dim3A_231 : i32 to vector<256x2xi32>
    %slice3A_233 = vector.extract_strided_slice %add3A_230 {offsets = [0, 0], sizes = [256, 126], strides = [1, 1]} : vector<256x128xi32> to vector<256x126xi32>
    %concatenate3A_234 = tpu.concatenate %broadcast_in_dim3A_232, %slice3A_233 in 1 : vector<256x2xi32>, vector<256x126xi32> -> vector<256x128xi32>
    %add3A_235 = arith.addi %add3A_230, %concatenate3A_234 : vector<256x128xi32>
    %broadcast_in_dim3A_236 = arith.constant 0 : i32
    %broadcast_in_dim3A_237 = vector.broadcast %broadcast_in_dim3A_236 : i32 to vector<256x4xi32>
    %slice3A_238 = vector.extract_strided_slice %add3A_235 {offsets = [0, 0], sizes = [256, 124], strides = [1, 1]} : vector<256x128xi32> to vector<256x124xi32>
    %concatenate3A_239 = tpu.concatenate %broadcast_in_dim3A_237, %slice3A_238 in 1 : vector<256x4xi32>, vector<256x124xi32> -> vector<256x128xi32>
    %add3A_240 = arith.addi %add3A_235, %concatenate3A_239 : vector<256x128xi32>
    %broadcast_in_dim3A_241 = arith.constant 0 : i32
    %broadcast_in_dim3A_242 = vector.broadcast %broadcast_in_dim3A_241 : i32 to vector<256x8xi32>
    %slice3A_243 = vector.extract_strided_slice %add3A_240 {offsets = [0, 0], sizes = [256, 120], strides = [1, 1]} : vector<256x128xi32> to vector<256x120xi32>
    %concatenate3A_244 = tpu.concatenate %broadcast_in_dim3A_242, %slice3A_243 in 1 : vector<256x8xi32>, vector<256x120xi32> -> vector<256x128xi32>
    %add3A_245 = arith.addi %add3A_240, %concatenate3A_244 : vector<256x128xi32>
    %broadcast_in_dim3A_246 = arith.constant 0 : i32
    %broadcast_in_dim3A_247 = vector.broadcast %broadcast_in_dim3A_246 : i32 to vector<256x16xi32>
    %slice3A_248 = vector.extract_strided_slice %add3A_245 {offsets = [0, 0], sizes = [256, 112], strides = [1, 1]} : vector<256x128xi32> to vector<256x112xi32>
    %concatenate3A_249 = tpu.concatenate %broadcast_in_dim3A_247, %slice3A_248 in 1 : vector<256x16xi32>, vector<256x112xi32> -> vector<256x128xi32>
    %add3A_250 = arith.addi %add3A_245, %concatenate3A_249 : vector<256x128xi32>
    %broadcast_in_dim3A_251 = arith.constant 0 : i32
    %broadcast_in_dim3A_252 = vector.broadcast %broadcast_in_dim3A_251 : i32 to vector<256x32xi32>
    %slice3A_253 = vector.extract_strided_slice %add3A_250 {offsets = [0, 0], sizes = [256, 96], strides = [1, 1]} : vector<256x128xi32> to vector<256x96xi32>
    %concatenate3A_254 = tpu.concatenate %broadcast_in_dim3A_252, %slice3A_253 in 1 : vector<256x32xi32>, vector<256x96xi32> -> vector<256x128xi32>
    %add3A_255 = arith.addi %add3A_250, %concatenate3A_254 : vector<256x128xi32>
    %broadcast_in_dim3A_256 = arith.constant 0 : i32
    %broadcast_in_dim3A_257 = vector.broadcast %broadcast_in_dim3A_256 : i32 to vector<256x64xi32>
    %slice3A_258 = vector.extract_strided_slice %add3A_255 {offsets = [0, 0], sizes = [256, 64], strides = [1, 1]} : vector<256x128xi32> to vector<256x64xi32>
    %concatenate3A_259 = tpu.concatenate %broadcast_in_dim3A_257, %slice3A_258 in 1 : vector<256x64xi32>, vector<256x64xi32> -> vector<256x128xi32>
    %add3A_260 = arith.addi %add3A_255, %concatenate3A_259 : vector<256x128xi32>
    %slice3A_261 = vector.extract_strided_slice %add3A_260 {offsets = [0, 127], sizes = [256, 1], strides = [1, 1]} : vector<256x128xi32> to vector<256x1xi32>
    %broadcast_in_dim3A_262 = arith.constant 0 : i32
    %broadcast_in_dim3A_263 = vector.broadcast %broadcast_in_dim3A_262 : i32 to vector<1x1xi32>
    %slice3A_264 = vector.extract_strided_slice %slice3A_261 {offsets = [0, 0], sizes = [255, 1], strides = [1, 1]} : vector<256x1xi32> to vector<255x1xi32>
    %concatenate3A_265 = tpu.concatenate %broadcast_in_dim3A_263, %slice3A_264 in 0 : vector<1x1xi32>, vector<255x1xi32> -> vector<256x1xi32>
    %add3A_266 = arith.addi %slice3A_261, %concatenate3A_265 : vector<256x1xi32>
    %broadcast_in_dim3A_267 = arith.constant 0 : i32
    %broadcast_in_dim3A_268 = vector.broadcast %broadcast_in_dim3A_267 : i32 to vector<2x1xi32>
    %slice3A_269 = vector.extract_strided_slice %add3A_266 {offsets = [0, 0], sizes = [254, 1], strides = [1, 1]} : vector<256x1xi32> to vector<254x1xi32>
    %concatenate3A_270 = tpu.concatenate %broadcast_in_dim3A_268, %slice3A_269 in 0 : vector<2x1xi32>, vector<254x1xi32> -> vector<256x1xi32>
    %add3A_271 = arith.addi %add3A_266, %concatenate3A_270 : vector<256x1xi32>
    %broadcast_in_dim3A_272 = arith.constant 0 : i32
    %broadcast_in_dim3A_273 = vector.broadcast %broadcast_in_dim3A_272 : i32 to vector<4x1xi32>
    %slice3A_274 = vector.extract_strided_slice %add3A_271 {offsets = [0, 0], sizes = [252, 1], strides = [1, 1]} : vector<256x1xi32> to vector<252x1xi32>
    %concatenate3A_275 = tpu.concatenate %broadcast_in_dim3A_273, %slice3A_274 in 0 : vector<4x1xi32>, vector<252x1xi32> -> vector<256x1xi32>
    %add3A_276 = arith.addi %add3A_271, %concatenate3A_275 : vector<256x1xi32>
    %broadcast_in_dim3A_277 = arith.constant 0 : i32
    %broadcast_in_dim3A_278 = vector.broadcast %broadcast_in_dim3A_277 : i32 to vector<8x1xi32>
    %slice3A_279 = vector.extract_strided_slice %add3A_276 {offsets = [0, 0], sizes = [248, 1], strides = [1, 1]} : vector<256x1xi32> to vector<248x1xi32>
    %concatenate3A_280 = tpu.concatenate %broadcast_in_dim3A_278, %slice3A_279 in 0 : vector<8x1xi32>, vector<248x1xi32> -> vector<256x1xi32>
    %add3A_281 = arith.addi %add3A_276, %concatenate3A_280 : vector<256x1xi32>
    %broadcast_in_dim3A_282 = arith.constant 0 : i32
    %broadcast_in_dim3A_283 = vector.broadcast %broadcast_in_dim3A_282 : i32 to vector<16x1xi32>
    %slice3A_284 = vector.extract_strided_slice %add3A_281 {offsets = [0, 0], sizes = [240, 1], strides = [1, 1]} : vector<256x1xi32> to vector<240x1xi32>
    %concatenate3A_285 = tpu.concatenate %broadcast_in_dim3A_283, %slice3A_284 in 0 : vector<16x1xi32>, vector<240x1xi32> -> vector<256x1xi32>
    %add3A_286 = arith.addi %add3A_281, %concatenate3A_285 : vector<256x1xi32>
    %broadcast_in_dim3A_287 = arith.constant 0 : i32
    %broadcast_in_dim3A_288 = vector.broadcast %broadcast_in_dim3A_287 : i32 to vector<32x1xi32>
    %slice3A_289 = vector.extract_strided_slice %add3A_286 {offsets = [0, 0], sizes = [224, 1], strides = [1, 1]} : vector<256x1xi32> to vector<224x1xi32>
    %concatenate3A_290 = tpu.concatenate %broadcast_in_dim3A_288, %slice3A_289 in 0 : vector<32x1xi32>, vector<224x1xi32> -> vector<256x1xi32>
    %add3A_291 = arith.addi %add3A_286, %concatenate3A_290 : vector<256x1xi32>
    %broadcast_in_dim3A_292 = arith.constant 0 : i32
    %broadcast_in_dim3A_293 = vector.broadcast %broadcast_in_dim3A_292 : i32 to vector<64x1xi32>
    %slice3A_294 = vector.extract_strided_slice %add3A_291 {offsets = [0, 0], sizes = [192, 1], strides = [1, 1]} : vector<256x1xi32> to vector<192x1xi32>
    %concatenate3A_295 = tpu.concatenate %broadcast_in_dim3A_293, %slice3A_294 in 0 : vector<64x1xi32>, vector<192x1xi32> -> vector<256x1xi32>
    %add3A_296 = arith.addi %add3A_291, %concatenate3A_295 : vector<256x1xi32>
    %broadcast_in_dim3A_297 = arith.constant 0 : i32
    %broadcast_in_dim3A_298 = vector.broadcast %broadcast_in_dim3A_297 : i32 to vector<128x1xi32>
    %slice3A_299 = vector.extract_strided_slice %add3A_296 {offsets = [0, 0], sizes = [128, 1], strides = [1, 1]} : vector<256x1xi32> to vector<128x1xi32>
    %concatenate3A_300 = tpu.concatenate %broadcast_in_dim3A_298, %slice3A_299 in 0 : vector<128x1xi32>, vector<128x1xi32> -> vector<256x1xi32>
    %add3A_301 = arith.addi %add3A_296, %concatenate3A_300 : vector<256x1xi32>
    %add3A_302 = vector.broadcast %add3A_301 : vector<256x1xi32> to vector<256x128xi32>
    %add3A_303 = arith.addi %add3A_260, %add3A_302 : vector<256x128xi32>
    %sub3A_304 = vector.broadcast %slice3A_261 : vector<256x1xi32> to vector<256x128xi32>
    %sub3A_305 = arith.subi %add3A_303, %sub3A_304 : vector<256x128xi32>
    %le3A_306 = vector.broadcast %reduce_sum3A_223 : i32 to vector<256x128xi32>
    %le3A_307 = arith.cmpi sle, %sub3A_305, %le3A_306 : vector<256x128xi32>
    %convert_element_type3A_308 = arith.extui %le3A_307 : vector<256x128xi1> to vector<256x128xi32>
    %reduce_sum3A_309 = vector.shape_cast %convert_element_type3A_308 : vector<256x128xi32> to vector<1x256x128xi32>
    %reduce_sum3A_310 = arith.constant dense<0> : vector<1xi32>
    %reduce_sum3A_311 = vector.multi_reduction <add>, %reduce_sum3A_309, %reduce_sum3A_310 [1, 2] : vector<1x256x128xi32> to vector<1xi32>
    %reduce_sum3A_312 = vector.shape_cast %reduce_sum3A_311 : vector<1xi32> to vector<1x1x1xi32>
    %reduce_sum3A_313 = vector.extract %reduce_sum3A_312[0, 0, 0] : i32 from vector<1x1x1xi32>
    %shift_right_logical3A_314 = arith.constant 14 : i32
    %shift_right_logical3A_315 = arith.shrui %reduce_sum3A_313, %shift_right_logical3A_314 : i32
    %and3A_316 = arith.constant 16383 : i32
    %and3A_317 = arith.andi %reduce_sum3A_313, %and3A_316 : i32
    %eq3A_318 = arith.constant 1 : i32
    %eq3A_319 = arith.cmpi eq, %shift_right_logical3A_315, %eq3A_318 : i32
    %select_n3A_320 = arith.select %eq3A_319, %reduce_sum3A_212, %reduce_sum3A_201 : i32
    %shift_left3A_321 = arith.constant 16 : i32
    %shift_left3A_322 = arith.shli %select_n3A_320, %shift_left3A_321 : i32
    %shift_left3A_323 = arith.constant 2 : i32
    %shift_left3A_324 = arith.shli %and3A_317, %shift_left3A_323 : i32
    %or3A_325 = arith.ori %shift_left3A_322, %shift_left3A_324 : i32
    %lt3A_326 = arith.constant 0 : i32
    %lt3A_327 = arith.cmpi slt, %or3A_325, %lt3A_326 : i32
    %and3A_328 = arith.constant 2147483647 : i32
    %and3A_329 = arith.andi %or3A_325, %and3A_328 : i32
    %not3A_330 = arith.constant -1 : i32
    %not3A_331 = arith.xori %or3A_325, %not3A_330 : i32
    %select_n3A_332 = arith.select %lt3A_327, %and3A_329, %not3A_331 : i32
    %bitcast_convert_type3A_333 = arith.bitcast %select_n3A_332 : i32 to f32
    %add3A_334 = arith.constant 1 : i32
    %add3A_335 = arith.addi %reduce_sum3A_223, %add3A_334 : i32
    %le3A_336 = vector.broadcast %add3A_335 : i32 to vector<256x128xi32>
    %le3A_337 = arith.cmpi sle, %sub3A_305, %le3A_336 : vector<256x128xi32>
    %convert_element_type3A_338 = arith.extui %le3A_337 : vector<256x128xi1> to vector<256x128xi32>
    %reduce_sum3A_339 = vector.shape_cast %convert_element_type3A_338 : vector<256x128xi32> to vector<1x256x128xi32>
    %reduce_sum3A_340 = arith.constant dense<0> : vector<1xi32>
    %reduce_sum3A_341 = vector.multi_reduction <add>, %reduce_sum3A_339, %reduce_sum3A_340 [1, 2] : vector<1x256x128xi32> to vector<1xi32>
    %reduce_sum3A_342 = vector.shape_cast %reduce_sum3A_341 : vector<1xi32> to vector<1x1x1xi32>
    %reduce_sum3A_343 = vector.extract %reduce_sum3A_342[0, 0, 0] : i32 from vector<1x1x1xi32>
    %shift_right_logical3A_344 = arith.constant 14 : i32
    %shift_right_logical3A_345 = arith.shrui %reduce_sum3A_343, %shift_right_logical3A_344 : i32
    %and3A_346 = arith.constant 16383 : i32
    %and3A_347 = arith.andi %reduce_sum3A_343, %and3A_346 : i32
    %eq3A_348 = arith.constant 1 : i32
    %eq3A_349 = arith.cmpi eq, %shift_right_logical3A_345, %eq3A_348 : i32
    %select_n3A_350 = arith.select %eq3A_349, %reduce_sum3A_212, %reduce_sum3A_201 : i32
    %shift_left3A_351 = arith.constant 16 : i32
    %shift_left3A_352 = arith.shli %select_n3A_350, %shift_left3A_351 : i32
    %shift_left3A_353 = arith.constant 2 : i32
    %shift_left3A_354 = arith.shli %and3A_347, %shift_left3A_353 : i32
    %or3A_355 = arith.ori %shift_left3A_352, %shift_left3A_354 : i32
    %lt3A_356 = arith.constant 0 : i32
    %lt3A_357 = arith.cmpi slt, %or3A_355, %lt3A_356 : i32
    %and3A_358 = arith.constant 2147483647 : i32
    %and3A_359 = arith.andi %or3A_355, %and3A_358 : i32
    %not3A_360 = arith.constant -1 : i32
    %not3A_361 = arith.xori %or3A_355, %not3A_360 : i32
    %select_n3A_362 = arith.select %lt3A_357, %and3A_359, %not3A_361 : i32
    %bitcast_convert_type3A_363 = arith.bitcast %select_n3A_362 : i32 to f32
    %sub3A_364 = arith.subf %bitcast_convert_type3A_363, %bitcast_convert_type3A_333 : f32
    %mul3A_365 = arith.constant 2.500000e-01 : f32
    %mul3A_366 = arith.mulf %mul3A_365, %sub3A_364 : f32
    %add3A_367 = arith.addf %bitcast_convert_type3A_333, %mul3A_366 : f32
    %mul3A_368 = arith.constant 9.900000e-01 : f32
    %mul3A_369 = arith.mulf %mul3A_368, %reduce_sum3A_10 : f32
    %mul3A_370 = arith.constant 0.00999999977 : f32
    %mul3A_371 = arith.mulf %mul3A_370, %add3A_190 : f32
    %add3A_372 = arith.addf %mul3A_369, %mul3A_371 : f32
    %mul3A_373 = arith.constant 9.900000e-01 : f32
    %mul3A_374 = arith.mulf %mul3A_373, %reduce_sum3A_21 : f32
    %mul3A_375 = arith.constant 0.00999999977 : f32
    %mul3A_376 = arith.mulf %mul3A_375, %add3A_367 : f32
    %add3A_377 = arith.addf %mul3A_374, %mul3A_376 : f32
    %sub3A_378 = arith.subf %add3A_377, %add3A_372 : f32
    %max3A = arith.constant 1.000000e+00 : f32
    %max3A_379 = arith.maximumf %max3A, %sub3A_378 : f32
    %eq3A_380 = arith.constant 0 : i32
    %eq3A_381 = vector.broadcast %eq3A_380 : i32 to vector<1x128xi32>
    %eq3A_382 = arith.cmpi eq, %iota3A, %eq3A_381 : vector<1x128xi32>
    %eq3A_383 = arith.constant 1 : i32
    %eq3A_384 = vector.broadcast %eq3A_383 : i32 to vector<1x128xi32>
    %eq3A_385 = arith.cmpi eq, %iota3A, %eq3A_384 : vector<1x128xi32>
    %jit3A_386 = arith.constant 0.000000e+00 : f32
    %broadcast_in_dim3A_387 = vector.broadcast %max3A_379 : f32 to vector<1x128xf32>
    %broadcast_in_dim3A_388 = vector.broadcast %jit3A_386 : f32 to vector<1x128xf32>
    %select_n3A_389 = arith.select %eq3A_385, %broadcast_in_dim3A_387, %broadcast_in_dim3A_388 : vector<1x128xi1>, vector<1x128xf32>
    %broadcast_in_dim3A_390 = vector.broadcast %add3A_372 : f32 to vector<1x128xf32>
    %select_n3A_391 = arith.select %eq3A_382, %broadcast_in_dim3A_390, %select_n3A_389 : vector<1x128xi1>, vector<1x128xf32>
    %swap3A = arith.constant 0 : index
    %swap3A_392 = arith.constant 0 : index
    %swap3A_393 = vector.load %arg3[%swap3A, %swap3A_392] : memref<1x128xf32, #tpu.memory_space<vmem>>, vector<1x128xf32>
    tpu.vector_store %arg3[%swap3A, %swap3A_392], %select_n3A_391 {strides = array<i32>} : memref<1x128xf32, #tpu.memory_space<vmem>>, vector<1x128xf32>,
    return
  }
}

</mosaic_0001>

<sc_bundles>
// kernel: sc_hist_pass1.3.cloned.1.call-start
scs
__scs_entry_jumppad:
0x0: {  	(pc) =	sbr.rel $0x88, $3  }
0x1: {  	(tag) =	ssettag $0x0;
	lr =	simm.s32 $0x1  }
0x2: {  	[smem:$0x3F9E] =	sst lr;
	_ =	strace $0xD0000000  }
0x3: {  	_ = 	snop  }
0x4: {  	_ = 	snop  }
0x5: {  	_ = 	snop  }
0x6: {  	_ = 	snop  }
0x7: {  	_ = 	snop  }
__scs_overlays_trampoline_lowered:
0x8: {  	[smem:$0x3FAD] =	sst s0  }
0x9: {  	[smem:$0x3FAE] =	sst s1  }
0xa: {  	[smem:$0x3FAF] =	sst s2  }
0xb: {  	[smem:$0x3FB0] =	sst s3  }
0xc: {  	[smem:$0x3FB1] =	sst s4  }
0xd: {  	[smem:$0x3FB2] =	sst s5  }
0xe: {  	[smem:$0x3FB3] =	sst s6  }
0xf: {  	[smem:$0x3FB4] =	sst s7  }
0x10: {  	[smem:$0x3FB5] =	sst s8  }
0x11: {  	[smem:$0x3FB6] =	sst s9;
	s0 =	simm.s32 @!p0 $0x0  }
0x12: {  	s1 =	sld [smem:$0x3F9C];
	s0 =	simm.s32 @p0 $0x1  }
0x13: {  	[smem:$0x3FB7] =	sst s0;
	s0 =	simm.s32 @!p1 $0x0  }
0x14: {  	s2 =	sld [smem:$0x3F9B];
	s0 =	simm.s32 @p1 $0x1  }
0x15: {  	[smem:$0x3FB8] =	sst s0;
	s0 =	simm.s32 @!p2 $0x0  }
0x16: {  	s3 =	sld [smem:$0x3FDB];
	s0 =	simm.s32 @p2 $0x1  }
0x17: {  	s4 =	simm.s32 $0x1BF5;
	[smem:$0x3FBA] =	sst s0  }
0x18: {  	s0 =	sld [smem:$0x3F9D];
	_ =	swait.ge [sflag:s4], $0x0  }
0x19: {  	s7 =	sld [smem:$0x3F9E]  }
0x1a: {  	s8 =	sadd.s32 $0xFFFFE003, lr  }
0x1b: {  	s9 =	sadd.s32 $0xFFFFFEF7, lr;
	s5 =	simm.s32 $0xFFFFFFFF;
	p2 =	slt.u32 s8, $0xFFFFF086  }
0x1c: {  	p1 =	slt.u32 s9, $0xF7A;
	s5 =	simm.s32 @!p2 $0x0  }
0x1d: {  	s5 =	simm.s32 @p1 $0x1;
	p0 =	seq.s32 s7, s2  }
0x1e: {  	s7 =	smul.u32 @!p0 $0xF7A, s2;
	p2 =	seq.s32 @!p0 s5, $0x0  }
0x1f: {  	s9 =	smul.u32 $0xF7A, s1;
	s8 =	simm.s32 @!p0 $0x1BF5;
	p2 =	por !p2, p0  }
0x20: {  	[sflag:s8] =	ssyncset.s32 @!p0 $0xFFFFF086;
	s6 =	sadd.s32 @!p0 s3, s7;
	s7 =	simm.s32 @!p0 $0x108  }
0x21: {  	s3 =	sadd.s32 s3, s9;
	s6 =	sadd.s32 @!p0 $0x88, s6;
	s7 =	simm.s32 @p2 $0x1082  }
0x22: {  	[simem:s7], [sflag:s8] =	dma.local @!p0 [hbm:s6], $0xF7A  }
0x23: {  	s9 =	sor.u32 $0xD0000000, s2;
	s6 =	simm.s32 $0x108;
	_ =	swait.ge @!p0 [sflag:s8], $0x0  }
0x24: {  	s3 =	sadd.s32 $0x88, s3;
	s6 =	simm.s32 @!p1 $0x1082;
	[sflag:s4] =	ssyncset.s32 $0xFFFFF086  }
0x25: {  	[simem:s6], [sflag:s4] =	dma.local [hbm:s3], $0xF7A  }
0x26: {  	[smem:$0x3F9E] =	sst s1;
	(tag) =	ssettag s2;
	_ =	strace s9  }
0x27: {  	s1 =	sld [smem:$0x3FAE]  }
0x28: {  	s2 =	sld [smem:$0x3FAF]  }
0x29: {  	s4 =	sld [smem:$0x3FB1]  }
0x2a: {  	p0 =	seq.s32 s5, $0x0;
	s5 =	sld [smem:$0x3FB2]  }
0x2b: {  	s6 =	sld [smem:$0x3FB3]  }
0x2c: {  	s7 =	sld [smem:$0x3FB4]  }
0x2d: {  	s3 =	simm.s32 $0x108;
	s8 =	sld [smem:$0x3FB5]  }
0x2e: {  	s3 =	simm.s32 @!p0 $0x1082;
	s9 =	sld [smem:$0x3FB6]  }
0x2f: {  	lr =	sadd.s32 s0, s3;
	s0 =	sld [smem:$0x3FAD]  }
0x30: {  	s3 =	sld [smem:$0x3FB0]  }
0x31: {  	[smem:$0x3FB9] =	sst s10  }
0x32: {  	s10 =	sld [smem:$0x3FB7];
	_ =	sdelay $0x3  }
0x33: {  	p0 =	seq.s32 s10, $0x1;
	s10 =	sld [smem:$0x3FB9];
	_ =	sdelay $0x3  }
0x34: {  	[smem:$0x3FB9] =	sst s10  }
0x35: {  	s10 =	sld [smem:$0x3FB8];
	_ =	sdelay $0x3  }
0x36: {  	p1 =	seq.s32 s10, $0x1;
	s10 =	sld [smem:$0x3FB9];
	_ =	sdelay $0x3  }
0x37: {  	[smem:$0x3FB9] =	sst s10  }
0x38: {  	s10 =	sld [smem:$0x3FBA]  }
0x39: {  	_ = 	snop;
	(pc) =	sbr.ind lr, $3  }
0x3a: {  	_ = 	snop  }
0x3b: {  	_ = 	snop  }
0x3c: {  	p2 =	seq.s32 s10, $0x1;
	s10 =	sld [smem:$0x3FB9]  }
0x3d: {  	_ =	shalt  }
0x3e: {  	_ =	shalt  }
0x3f: {  	_ =	shalt  }
0x40: {  	_ =	shalt  }
0x41: {  	_ =	shalt  }
0x42: {  	_ =	shalt  }
0x43: {  	_ =	shalt  }
0x44: {  	_ =	shalt  }
0x45: {  	_ =	shalt  }
0x46: {  	_ =	shalt  }
0x47: {  	_ =	shalt  }
0x48: {  	_ =	shalt  }
0x49: {  	_ =	shalt  }
0x4a: {  	_ =	shalt  }
0x4b: {  	_ =	shalt  }
0x4c: {  	_ =	shalt  }
0x4d: {  	_ =	shalt  }
0x4e: {  	_ =	shalt  }
0x4f: {  	_ =	shalt  }
0x50: {  	_ =	shalt  }
0x51: {  	_ =	shalt  }
0x52: {  	_ =	shalt  }
0x53: {  	_ =	shalt  }
0x54: {  	_ =	shalt  }
0x55: {  	_ =	shalt  }
0x56: {  	_ =	shalt  }
0x57: {  	_ =	shalt  }
0x58: {  	_ =	shalt  }
0x59: {  	_ =	shalt  }
0x5a: {  	_ =	shalt  }
0x5b: {  	_ =	shalt  }
0x5c: {  	_ =	shalt  }
0x5d: {  	_ =	shalt  }
0x5e: {  	_ =	shalt  }
0x5f: {  	_ =	shalt  }
0x60: {  	_ =	shalt  }
0x61: {  	_ =	shalt  }
0x62: {  	_ =	shalt  }
0x63: {  	_ =	shalt  }
0x64: {  	_ =	shalt  }
0x65: {  	_ =	shalt  }
0x66: {  	_ =	shalt  }
0x67: {  	_ =	shalt  }
0x68: {  	_ =	shalt  }
0x69: {  	_ =	shalt  }
0x6a: {  	_ =	shalt  }
0x6b: {  	_ =	shalt  }
0x6c: {  	_ =	shalt  }
0x6d: {  	_ =	shalt  }
0x6e: {  	_ =	shalt  }
0x6f: {  	_ =	shalt  }
0x70: {  	_ =	shalt  }
0x71: {  	_ =	shalt  }
0x72: {  	_ =	shalt  }
0x73: {  	_ =	shalt  }
0x74: {  	_ =	shalt  }
0x75: {  	_ =	shalt  }
0x76: {  	_ =	shalt  }
0x77: {  	_ =	shalt  }
0x78: {  	_ =	shalt  }
0x79: {  	_ =	shalt  }
0x7a: {  	_ =	shalt  }
0x7b: {  	_ =	shalt  }
0x7c: {  	_ =	shalt  }
0x7d: {  	_ =	shalt  }
0x7e: {  	_ =	shalt  }
0x7f: {  	_ =	shalt  }
0x80: {  	_ =	shalt  }
0x81: {  	_ =	shalt  }
0x82: {  	_ =	shalt  }
0x83: {  	_ =	shalt  }
0x84: {  	_ =	shalt  }
0x85: {  	_ =	shalt  }
0x86: {  	_ =	shalt  }
0x87: {  	_ =	shalt  }
.Lfunc_end0:
.L_simem_size_0:
called_computation_lowered:
.L_overlay_start_0:
0x88: {  	s2 =	sld [smem:$0x3FD9]  }
0x89: {  	s3 =	sld [smem:$0x3FFE];
	_ =	sdelay $0x1  }
0x8a: {  	s1 =	srdreg.scid  }
0x8b: {  	s0 =	sand.u32 $0x1, s1  }
0x8c: {  	s16 =	sshll.u32 s0, $0xA;
	s2 =	sadd.s32 s3, s2  }
0x8d: {  	s2 =	sadd.s32 s2, s16  }
0x8e: {  	[smem:$0x3FC5] =	sst s2  }
0x8f: {  	_ = 	snop  }
0x90: {  	(tm) =	ssettm $0x1  }
0x91: {  	s17 =	sld [smem:$0x3FFB];
	_ =	sdelay $0x3  }
0x92: {  	_ =	strace s17  }
0x93: {  	s2 =	sld [smem:$0x3FFC];
	_ =	sdelay $0x3  }
0x94: {  	_ =	strace s2  }
0x95: {  	s2 =	sld [smem:$0x3FFD];
	_ =	sdelay $0x3  }
0x96: {  	_ =	strace s2  }
0x97: {  	_ =	strace $0x8FFFFFFF  }
0x98: {  	s18 =	sld [smem:$0x3FDB];
	_ =	sdelay $0x1  }
0x99: {  	s19 =	simm.s32 $_scs_section_size  }
0x9a: {  	s4 =	simm.s32 $_size__tile_overlayer_lowered;
	s5 =	simm.s32 $_tile_overlayer_lowered  }
0x9b: {  	s22 =	simm.s32 $0x1BFF;
	s21 =	sshll.u32 s5, $0x1;
	s2 =	sadd.s32 s19, s18  }
0x9c: {  	s6 =	simm.s32 $0x0;
	s20 =	sshll.u32 s4, $0x1;
	s4 =	sadd.s32 s21, s2  }
0x9d: {  	[timem:s6], [sflag:s22] =	dma.local [hbm:s4], s20  }
0x9e: {  	_ =	swait.ge [sflag:s22], s20  }
0x9f: {  	s3 =	ssub.s32 $0x0, s20;
	[sflag:s22] =	ssyncset.done $0x0  }
0xa0: {  	[sflag:s22] =	ssyncadd.s32 s3;
	_ =	sdelay $0x1  }
0xa1: {  	s23 =	simm.s32 $0x1B8B  }
0xa2: {  	_ =	swait.ge [sflag:s23], $0x1  }
0xa3: {  	[sflag:s23] =	ssyncset.done $0x0  }
0xa4: {  	s25 =	simm.s32 $0x1B8E;
	s24 =	sld [smem:$0x3FFE];
	[sflag:s23] =	ssyncadd.s32 $0xFFFFFFFF  }
0xa5: {  	s26 =	simm.s32 $execute0_lowered;
	[smem:$0x3FD2] =	sst s25  }
0xa6: {  	s4 =	sshll.u32 s26, $0x1;
	_ =	strace $0x80000046;
	[dreg:$0x1] =	wrdreg $0xFFFFFFFF  }
0xa7: {  	s28 =	simm.s32 $_size_execute0_lowered;
	s2 =	sadd.s32 s2, s4;
	[dreg:$0x0] =	wrdreg $0x0  }
0xa8: {  	s4 =	sshll.u32 s28, $0x1;
	[dreg:$0x2] =	wrdreg s2  }
0xa9: {  	[dreg:$0x3] =	wrdreg s4  }
0xaa: {  	[dreg:$0x4] =	wrdreg $0xC0  }
0xab: {  	_ =	task [dreg:s6], $0x5FFFF  }
0xac: {  	[dreg:$0x1] =	wrdreg $0xFFFFFFFF  }
0xad: {  	[dreg:$0x0] =	wrdreg $0x60  }
0xae: {  	[dreg:$0x2] =	wrdreg s24  }
0xaf: {  	[dreg:$0x3] =	wrdreg $0x9  }
0xb0: {  	_ =	task.clear_ibuf [dreg:s6], $0x4FFFF;
	_ =	strace $0x90000046  }
0xb1: {  	s29 =	simm.s32 $0x9;
	_ =	strace $0x80000048  }
0xb2: {  	_ =	swait.ge [sflag:s29], $0x1  }
0xb3: {  	[sflag:s29] =	ssyncadd.s32 $0xFFFFFFFF  }
0xb4: {  	_ =	strace $0x90000048  }
0xb5: {  	_ =	sfence  }
0xb6: {  	s30 =	sld [smem:$0x0];
	_ =	sdelay $0x2  }
0xb7: {  	s31 =	sshll.u32 s1, $0xD;
	s1 =	sshrl.u32 s1, $0x2  }
0xb8: {  	s3 =	sand.u32 $0x4000, s31;
	s1 =	sadd.s32 s1, s30  }
0xb9: {  	s0 =	sor.u32 s3, s0;
	s1 =	sshll.u32 s1, $0x11  }
0xba: {  	s0 =	sor.u32 s1, s0  }
0xbb: {  	s0 =	sadd.s32 $0x8F2B, s0  }
0xbc: {  	[sflag:s0] =	ssyncadd.remote.s32 $0x1  }
0xbd: {  	_ =	sfence.sel $0xFFFF  }
0xbe: {  	[dreg:$0x0] =	wrdreg $0xFFFFFFFF;
	(pc) =	sbr.abs _section_cstart, $3  }
0xbf: {  	[dreg:$0x1] =	wrdreg $0xFFFFFFFF  }
0xc0: {  	_ =	task.clear_ibuf [dreg:s6], $0x2FFFF;
	_ =	strace $0x9FFFFFFF  }
0xc1: {  	(tm) =	ssettm $0x7FFFFFFF  }
tec
execute0_lowered:
.L_overlay_start_1:
0x0: {  	(tag) =	ssettag $0x1  }
0x1: {  	s1 =	srdreg.scid;
	s0 =	stileid.u32  }
0x2: {  	s5 =	rddreg [dreg:$0x0];
	s3 =	simm.s32 $0x0;
	s10 =	simm.s32 $0x400  }
0x3: {  	s11 =	simm.s32 $0x4000;
	s12 =	simm.s32 $0x1;
	s13 =	simm.s32 $0x8000  }
0x4: {  	s14 =	simm.s32 $0x2;
	s4 =	sand.u32 $0x1, s1;
	s31 =	sshll.u32 s0, $0x1  }
0x5: {  	s15 =	simm.s32 $0x80;
	s16 =	simm.s32 $0x3;
	s1 =	sor.u32 s4, s31  }
0x6: {  	[smem:$0x7FF] =	sst s3;
	s2 =	sshll.u32 s1, $0x10;
	s6 =	sshll.u32 s1, $0x7  }
0x7: {  	s4 =	ssub.s32 $0x2, s4;
	s1 =	rddreg [dreg:$0x1];
	s6 =	sor.u32 s6, s2  }
0x8: {  	_ =	strace $0x80000047;
	s7 =	sshrl.u32 s4, $0x1;
	s6 =	sand.u32 $0x180380, s6  }
0x9: {  	s9 =	ssub.s32 s4, s7;
	s4 =	sadd.s32 s5, s2;
	s6 =	sshrl.u32 s6, $0x3  }
0xa: {  	s8 =	sadd.s32 s6, s5;
	s5 =	sadd.s32 $0x40, s5;
	s6 =	sadd.s32 $0x1000, s4  }
0xb: {  	v0 =	vimm.s32 $0x0;
	v1 =	vimm.s32 $0x1;
	s7 =	sadd.s32 $0x200000, s8;
	s8 =	smax.u32 s9, $0x1;
	s9 =	simm.s32 $0x200  }
.LBB2_1:
0xc: {  	s17 =	simm.s32 $0x8040  }
0xd: {  	[tilespmem:s17+$0xFFFFFFC0] =	vst v0  }
0xe: {  	[tilespmem:s17+$0x30] =	vst v0  }
0xf: {  	[tilespmem:s17+$0x20] =	vst v0  }
0x10: {  	[tilespmem:s17+$0x10] =	vst v0  }
0x11: {  	[tilespmem:s17+$0x0] =	vst v0  }
0x12: {  	[tilespmem:s17+$0xFFFFFFF0] =	vst v0  }
0x13: {  	s18 =	simm.s32 $0x0;
	[tilespmem:s17+$0xFFFFFFE0] =	vst v0  }
.LBB2_2:
0x14: {  	s18 =	sadd.s32 $0x8, s18;
	[tilespmem:s17+$0xFFFFFFD0] =	vst v0;
	s17 =	sadd.s32 $0x80, s17  }
0x15: {  	[tilespmem:s17+$0xFFFFFFC0] =	vst v0;
	p0 =	slt.u32 s18, $0xFF8  }
0x16: {  	[tilespmem:s17+$0x30] =	vst v0  }
.Ltmp0:
0x17: {  	[tilespmem:s17+$0x20] =	vst v0;
	(pc) =	sbr.rel @p0 .LBB2_2-.Ltmp0, $4  }
0x18: {  	[tilespmem:s17+$0x10] =	vst v0  }
0x19: {  	[tilespmem:s17+$0x0] =	vst v0  }
0x1a: {  	[tilespmem:s17+$0xFFFFFFF0] =	vst v0  }
0x1b: {  	[tilespmem:s17+$0xFFFFFFE0] =	vst v0  }
0x1c: {  	[tilespmem:s17+$0xFFFFFFD0] =	vst v0;
	s17 =	simm.s32 $0x0  }
0x1d: {  	[tilespmem:s17], [sflag:$0x1] =	stream.strided.gather [hbm4b:s4+s9], $0x4000, s10, s9, $0x38;
	[tilespmem:$0x18000] =	vst v63  }
.LBB2_4:
0x1e: {  	s18 =	sshll.u32 s17, $0xC  }
0x1f: {  	s19 =	sor.u32 s18, s2  }
0x20: {  	s19 =	sadd.s32 s19, s5  }
0x21: {  	[tilespmem:s11], [sflag:$0x2] =	stream.strided.gather [hbm4b:s19+s9], $0x4000, s10, s9, $0x38;
	[tilespmem:$0x18000] =	vst v63  }
0x22: {  	_ =	swait.ge [sflag:s12], $0x4000  }
0x23: {  	s20 =	simm.s32 $0xFFFFFFF8;
	[sflag:s12] =	ssyncset.done $0x0  }
0x24: {  	s22 =	simm.s32 $0xFFFFFFF8;
	s19 =	simm.s32 $0x40;
	[sflag:s12] =	ssyncadd.s32 $0xFFFFC000  }
.LBB2_5:
0x25: {  	v2 =	vld [tilespmem:s19+$0xFFFFFFC0];
	_ =	sdelay $0x4  }
0x26: {  	v3 =	vshra.s32 v2, $0x1F  }
0x27: {  	v3 =	vor.u32 $0x80000000, v3  }
0x28: {  	v2 =	vxor.u32 v2, v3  }
0x29: {  	v2 =	vshrl.u32 v2, $0x10;
	_ =	sdelay $0x4  }
0x2a: {  	[tilespmem:v2+s13+$0x0] =	vst.idx.add.s32.msk $0xffff, v1  }
0x2b: {  	v2 =	vld [tilespmem:s19+$0xFFFFFFD0];
	_ =	sdelay $0x4  }
0x2c: {  	v3 =	vshra.s32 v2, $0x1F  }
0x2d: {  	v3 =	vor.u32 $0x80000000, v3  }
0x2e: {  	v2 =	vxor.u32 v2, v3  }
0x2f: {  	v2 =	vshrl.u32 v2, $0x10;
	_ =	sdelay $0x4  }
0x30: {  	[tilespmem:v2+s13+$0x0] =	vst.idx.add.s32.msk $0xffff, v1  }
0x31: {  	v2 =	vld [tilespmem:s19+$0xFFFFFFE0];
	_ =	sdelay $0x4  }
0x32: {  	v3 =	vshra.s32 v2, $0x1F  }
0x33: {  	v3 =	vor.u32 $0x80000000, v3  }
0x34: {  	v2 =	vxor.u32 v2, v3  }
0x35: {  	v2 =	vshrl.u32 v2, $0x10;
	_ =	sdelay $0x4  }
0x36: {  	[tilespmem:v2+s13+$0x0] =	vst.idx.add.s32.msk $0xffff, v1  }
0x37: {  	v2 =	vld [tilespmem:s19+$0xFFFFFFF0];
	_ =	sdelay $0x4  }
0x38: {  	v3 =	vshra.s32 v2, $0x1F  }
0x39: {  	v3 =	vor.u32 $0x80000000, v3  }
0x3a: {  	v2 =	vxor.u32 v2, v3  }
0x3b: {  	v2 =	vshrl.u32 v2, $0x10;
	_ =	sdelay $0x4  }
0x3c: {  	[tilespmem:v2+s13+$0x0] =	vst.idx.add.s32.msk $0xffff, v1  }
0x3d: {  	v2 =	vld [tilespmem:s19+$0x0];
	_ =	sdelay $0x4  }
0x3e: {  	v3 =	vshra.s32 v2, $0x1F  }
0x3f: {  	v3 =	vor.u32 $0x80000000, v3  }
0x40: {  	v2 =	vxor.u32 v2, v3  }
0x41: {  	v2 =	vshrl.u32 v2, $0x10;
	_ =	sdelay $0x4  }
0x42: {  	[tilespmem:v2+s13+$0x0] =	vst.idx.add.s32.msk $0xffff, v1  }
0x43: {  	v2 =	vld [tilespmem:s19+$0x10];
	_ =	sdelay $0x4  }
0x44: {  	v3 =	vshra.s32 v2, $0x1F  }
0x45: {  	v3 =	vor.u32 $0x80000000, v3  }
0x46: {  	v2 =	vxor.u32 v2, v3  }
0x47: {  	v2 =	vshrl.u32 v2, $0x10;
	_ =	sdelay $0x4  }
0x48: {  	[tilespmem:v2+s13+$0x0] =	vst.idx.add.s32.msk $0xffff, v1  }
0x49: {  	v2 =	vld [tilespmem:s19+$0x20];
	_ =	sdelay $0x4  }
0x4a: {  	v3 =	vshra.s32 v2, $0x1F  }
0x4b: {  	v3 =	vor.u32 $0x80000000, v3  }
0x4c: {  	v2 =	vxor.u32 v2, v3  }
0x4d: {  	v2 =	vshrl.u32 v2, $0x10;
	_ =	sdelay $0x4  }
0x4e: {  	[tilespmem:v2+s13+$0x0] =	vst.idx.add.s32.msk $0xffff, v1  }
0x4f: {  	v2 =	vld [tilespmem:s19+$0x30];
	_ =	sdelay $0x4  }
0x50: {  	v3 =	vshra.s32 v2, $0x1F  }
0x51: {  	v3 =	vor.u32 $0x80000000, v3  }
0x52: {  	s22 =	sadd.s32 $0x8, s22;
	v2 =	vxor.u32 v2, v3  }
0x53: {  	p0 =	slt.u32 s22, $0xF8;
	v2 =	vshrl.u32 v2, $0x10  }
.Ltmp1:
0x54: {  	_ = 	snop;
	(pc) =	sbr.rel @p0 .LBB2_5-.Ltmp1, $2  }
0x55: {  	_ =	sdelay $0x2  }
0x56: {  	s21 =	simm.s32 $0xF0;
	s19 =	sadd.s32 $0x200, s19;
	[tilespmem:v2+s13+$0x0] =	vst.idx.add.s32.msk $0xffff, v1  }
.LBB2_6:
0x57: {  	v2 =	vld [tilespmem:s21+$0xFFFFFF90];
	_ =	sdelay $0x4  }
0x58: {  	v3 =	vshra.s32 v2, $0x1F  }
0x59: {  	v3 =	vor.u32 $0x80000000, v3  }
0x5a: {  	v2 =	vxor.u32 v2, v3  }
0x5b: {  	v2 =	vshrl.u32 v2, $0x10;
	_ =	sdelay $0x4  }
0x5c: {  	[tilespmem:v2+s13+$0x0] =	vst.idx.add.s32.msk $0xffff, v1  }
0x5d: {  	v2 =	vld [tilespmem:s21+$0xFFFFFFA0];
	_ =	sdelay $0x4  }
0x5e: {  	v3 =	vshra.s32 v2, $0x1F  }
0x5f: {  	v3 =	vor.u32 $0x80000000, v3  }
0x60: {  	v2 =	vxor.u32 v2, v3  }
0x61: {  	v2 =	vshrl.u32 v2, $0x10;
	_ =	sdelay $0x4  }
0x62: {  	[tilespmem:v2+s13+$0x0] =	vst.idx.add.s32.msk $0xffff, v1  }
0x63: {  	v2 =	vld [tilespmem:s21+$0xFFFFFFB0];
	_ =	sdelay $0x4  }
0x64: {  	v3 =	vshra.s32 v2, $0x1F  }
0x65: {  	v3 =	vor.u32 $0x80000000, v3  }
0x66: {  	v2 =	vxor.u32 v2, v3  }
0x67: {  	v2 =	vshrl.u32 v2, $0x10;
	_ =	sdelay $0x4  }
0x68: {  	[tilespmem:v2+s13+$0x0] =	vst.idx.add.s32.msk $0xffff, v1  }
0x69: {  	v2 =	vld [tilespmem:s21+$0xFFFFFFC0];
	_ =	sdelay $0x4  }
0x6a: {  	v3 =	vshra.s32 v2, $0x1F  }
0x6b: {  	v3 =	vor.u32 $0x80000000, v3  }
0x6c: {  	v2 =	vxor.u32 v2, v3  }
0x6d: {  	v2 =	vshrl.u32 v2, $0x10;
	_ =	sdelay $0x4  }
0x6e: {  	[tilespmem:v2+s13+$0x0] =	vst.idx.add.s32.msk $0xffff, v1  }
0x6f: {  	v2 =	vld [tilespmem:s21+$0xFFFFFFD0];
	_ =	sdelay $0x4  }
0x70: {  	v3 =	vshra.s32 v2, $0x1F  }
0x71: {  	v3 =	vor.u32 $0x80000000, v3  }
0x72: {  	v2 =	vxor.u32 v2, v3  }
0x73: {  	v2 =	vshrl.u32 v2, $0x10;
	_ =	sdelay $0x4  }
0x74: {  	[tilespmem:v2+s13+$0x0] =	vst.idx.add.s32.msk $0xffff, v1  }
0x75: {  	v2 =	vld [tilespmem:s21+$0xFFFFFFE0];
	_ =	sdelay $0x4  }
0x76: {  	v3 =	vshra.s32 v2, $0x1F  }
0x77: {  	v3 =	vor.u32 $0x80000000, v3  }
0x78: {  	v2 =	vxor.u32 v2, v3  }
0x79: {  	v2 =	vshrl.u32 v2, $0x10;
	_ =	sdelay $0x4  }
0x7a: {  	[tilespmem:v2+s13+$0x0] =	vst.idx.add.s32.msk $0xffff, v1  }
0x7b: {  	v2 =	vld [tilespmem:s21+$0xFFFFFFF0];
	_ =	sdelay $0x4  }
0x7c: {  	v3 =	vshra.s32 v2, $0x1F  }
0x7d: {  	v3 =	vor.u32 $0x80000000, v3  }
0x7e: {  	v2 =	vxor.u32 v2, v3  }
0x7f: {  	v2 =	vshrl.u32 v2, $0x10;
	_ =	sdelay $0x4  }
0x80: {  	[tilespmem:v2+s13+$0x0] =	vst.idx.add.s32.msk $0xffff, v1  }
0x81: {  	v2 =	vld [tilespmem:s21+$0x0];
	_ =	sdelay $0x4  }
0x82: {  	v3 =	vshra.s32 v2, $0x1F  }
0x83: {  	v3 =	vor.u32 $0x80000000, v3  }
0x84: {  	s20 =	sadd.s32 $0x8, s20;
	v2 =	vxor.u32 v2, v3  }
0x85: {  	p0 =	slt.u32 s20, $0xF8;
	v2 =	vshrl.u32 v2, $0x10  }
.Ltmp2:
0x86: {  	_ = 	snop;
	(pc) =	sbr.rel @p0 .LBB2_6-.Ltmp2, $2  }
0x87: {  	_ =	sdelay $0x2  }
0x88: {  	s19 =	simm.s32 $0xFFFFFFF8;
	s22 =	simm.s32 $0x170;
	s21 =	sadd.s32 $0x200, s21;
	[tilespmem:v2+s13+$0x0] =	vst.idx.add.s32.msk $0xffff, v1  }
0x89: {  	s21 =	simm.s32 $0xFFFFFFF8  }
.LBB2_8:
0x8a: {  	v2 =	vld [tilespmem:s22+$0xFFFFFF90];
	_ =	sdelay $0x4  }
0x8b: {  	v3 =	vshra.s32 v2, $0x1F  }
0x8c: {  	v3 =	vor.u32 $0x80000000, v3  }
0x8d: {  	v2 =	vxor.u32 v2, v3  }
0x8e: {  	v2 =	vshrl.u32 v2, $0x10;
	_ =	sdelay $0x4  }
0x8f: {  	[tilespmem:v2+s13+$0x0] =	vst.idx.add.s32.msk $0xffff, v1  }
0x90: {  	v2 =	vld [tilespmem:s22+$0xFFFFFFA0];
	_ =	sdelay $0x4  }
0x91: {  	v3 =	vshra.s32 v2, $0x1F  }
0x92: {  	v3 =	vor.u32 $0x80000000, v3  }
0x93: {  	v2 =	vxor.u32 v2, v3  }
0x94: {  	v2 =	vshrl.u32 v2, $0x10;
	_ =	sdelay $0x4  }
0x95: {  	[tilespmem:v2+s13+$0x0] =	vst.idx.add.s32.msk $0xffff, v1  }
0x96: {  	v2 =	vld [tilespmem:s22+$0xFFFFFFB0];
	_ =	sdelay $0x4  }
0x97: {  	v3 =	vshra.s32 v2, $0x1F  }
0x98: {  	v3 =	vor.u32 $0x80000000, v3  }
0x99: {  	v2 =	vxor.u32 v2, v3  }
0x9a: {  	v2 =	vshrl.u32 v2, $0x10;
	_ =	sdelay $0x4  }
0x9b: {  	[tilespmem:v2+s13+$0x0] =	vst.idx.add.s32.msk $0xffff, v1  }
0x9c: {  	v2 =	vld [tilespmem:s22+$0xFFFFFFC0];
	_ =	sdelay $0x4  }
0x9d: {  	v3 =	vshra.s32 v2, $0x1F  }
0x9e: {  	v3 =	vor.u32 $0x80000000, v3  }
0x9f: {  	v2 =	vxor.u32 v2, v3  }
0xa0: {  	v2 =	vshrl.u32 v2, $0x10;
	_ =	sdelay $0x4  }
0xa1: {  	[tilespmem:v2+s13+$0x0] =	vst.idx.add.s32.msk $0xffff, v1  }
0xa2: {  	v2 =	vld [tilespmem:s22+$0xFFFFFFD0];
	_ =	sdelay $0x4  }
0xa3: {  	v3 =	vshra.s32 v2, $0x1F  }
0xa4: {  	v3 =	vor.u32 $0x80000000, v3  }
0xa5: {  	v2 =	vxor.u32 v2, v3  }
0xa6: {  	v2 =	vshrl.u32 v2, $0x10;
	_ =	sdelay $0x4  }
0xa7: {  	[tilespmem:v2+s13+$0x0] =	vst.idx.add.s32.msk $0xffff, v1  }
0xa8: {  	v2 =	vld [tilespmem:s22+$0xFFFFFFE0];
	_ =	sdelay $0x4  }
0xa9: {  	v3 =	vshra.s32 v2, $0x1F  }
0xaa: {  	v3 =	vor.u32 $0x80000000, v3  }
0xab: {  	v2 =	vxor.u32 v2, v3  }
0xac: {  	v2 =	vshrl.u32 v2, $0x10;
	_ =	sdelay $0x4  }
0xad: {  	[tilespmem:v2+s13+$0x0] =	vst.idx.add.s32.msk $0xffff, v1  }
0xae: {  	v2 =	vld [tilespmem:s22+$0xFFFFFFF0];
	_ =	sdelay $0x4  }
0xaf: {  	v3 =	vshra.s32 v2, $0x1F  }
0xb0: {  	v3 =	vor.u32 $0x80000000, v3  }
0xb1: {  	v2 =	vxor.u32 v2, v3  }
0xb2: {  	v2 =	vshrl.u32 v2, $0x10;
	_ =	sdelay $0x4  }
0xb3: {  	[tilespmem:v2+s13+$0x0] =	vst.idx.add.s32.msk $0xffff, v1  }
0xb4: {  	v2 =	vld [tilespmem:s22+$0x0];
	_ =	sdelay $0x4  }
0xb5: {  	v3 =	vshra.s32 v2, $0x1F  }
0xb6: {  	v3 =	vor.u32 $0x80000000, v3  }
0xb7: {  	s21 =	sadd.s32 $0x8, s21;
	v2 =	vxor.u32 v2, v3  }
0xb8: {  	p0 =	slt.u32 s21, $0xF8;
	v2 =	vshrl.u32 v2, $0x10  }
.Ltmp3:
0xb9: {  	_ = 	snop;
	(pc) =	sbr.rel @p0 .LBB2_8-.Ltmp3, $2  }
0xba: {  	_ =	sdelay $0x2  }
0xbb: {  	s20 =	simm.s32 $0x1F0;
	s22 =	sadd.s32 $0x200, s22;
	[tilespmem:v2+s13+$0x0] =	vst.idx.add.s32.msk $0xffff, v1  }
.LBB2_9:
0xbc: {  	v2 =	vld [tilespmem:s20+$0xFFFFFF90];
	_ =	sdelay $0x4  }
0xbd: {  	v3 =	vshra.s32 v2, $0x1F  }
0xbe: {  	v3 =	vor.u32 $0x80000000, v3  }
0xbf: {  	v2 =	vxor.u32 v2, v3  }
0xc0: {  	v2 =	vshrl.u32 v2, $0x10;
	_ =	sdelay $0x4  }
0xc1: {  	[tilespmem:v2+s13+$0x0] =	vst.idx.add.s32.msk $0xffff, v1  }
0xc2: {  	v2 =	vld [tilespmem:s20+$0xFFFFFFA0];
	_ =	sdelay $0x4  }
0xc3: {  	v3 =	vshra.s32 v2, $0x1F  }
0xc4: {  	v3 =	vor.u32 $0x80000000, v3  }
0xc5: {  	v2 =	vxor.u32 v2, v3  }
0xc6: {  	v2 =	vshrl.u32 v2, $0x10;
	_ =	sdelay $0x4  }
0xc7: {  	[tilespmem:v2+s13+$0x0] =	vst.idx.add.s32.msk $0xffff, v1  }
0xc8: {  	v2 =	vld [tilespmem:s20+$0xFFFFFFB0];
	_ =	sdelay $0x4  }
0xc9: {  	v3 =	vshra.s32 v2, $0x1F  }
0xca: {  	v3 =	vor.u32 $0x80000000, v3  }
0xcb: {  	v2 =	vxor.u32 v2, v3  }
0xcc: {  	v2 =	vshrl.u32 v2, $0x10;
	_ =	sdelay $0x4  }
0xcd: {  	[tilespmem:v2+s13+$0x0] =	vst.idx.add.s32.msk $0xffff, v1  }
0xce: {  	v2 =	vld [tilespmem:s20+$0xFFFFFFC0];
	_ =	sdelay $0x4  }
0xcf: {  	v3 =	vshra.s32 v2, $0x1F  }
0xd0: {  	v3 =	vor.u32 $0x80000000, v3  }
0xd1: {  	v2 =	vxor.u32 v2, v3  }
0xd2: {  	v2 =	vshrl.u32 v2, $0x10;
	_ =	sdelay $0x4  }
0xd3: {  	[tilespmem:v2+s13+$0x0] =	vst.idx.add.s32.msk $0xffff, v1  }
0xd4: {  	v2 =	vld [tilespmem:s20+$0xFFFFFFD0];
	_ =	sdelay $0x4  }
0xd5: {  	v3 =	vshra.s32 v2, $0x1F  }
0xd6: {  	v3 =	vor.u32 $0x80000000, v3  }
0xd7: {  	v2 =	vxor.u32 v2, v3  }
0xd8: {  	v2 =	vshrl.u32 v2, $0x10;
	_ =	sdelay $0x4  }
0xd9: {  	[tilespmem:v2+s13+$0x0] =	vst.idx.add.s32.msk $0xffff, v1  }
0xda: {  	v2 =	vld [tilespmem:s20+$0xFFFFFFE0];
	_ =	sdelay $0x4  }
0xdb: {  	v3 =	vshra.s32 v2, $0x1F  }
0xdc: {  	v3 =	vor.u32 $0x80000000, v3  }
0xdd: {  	v2 =	vxor.u32 v2, v3  }
0xde: {  	v2 =	vshrl.u32 v2, $0x10;
	_ =	sdelay $0x4  }
0xdf: {  	[tilespmem:v2+s13+$0x0] =	vst.idx.add.s32.msk $0xffff, v1  }
0xe0: {  	v2 =	vld [tilespmem:s20+$0xFFFFFFF0];
	_ =	sdelay $0x4  }
0xe1: {  	v3 =	vshra.s32 v2, $0x1F  }
0xe2: {  	v3 =	vor.u32 $0x80000000, v3  }
0xe3: {  	v2 =	vxor.u32 v2, v3  }
0xe4: {  	v2 =	vshrl.u32 v2, $0x10;
	_ =	sdelay $0x4  }
0xe5: {  	[tilespmem:v2+s13+$0x0] =	vst.idx.add.s32.msk $0xffff, v1  }
0xe6: {  	v2 =	vld [tilespmem:s20+$0x0];
	_ =	sdelay $0x4  }
0xe7: {  	v3 =	vshra.s32 v2, $0x1F  }
0xe8: {  	v3 =	vor.u32 $0x80000000, v3  }
0xe9: {  	s19 =	sadd.s32 $0x8, s19;
	v2 =	vxor.u32 v2, v3  }
0xea: {  	p0 =	slt.u32 s19, $0xF8;
	v2 =	vshrl.u32 v2, $0x10  }
.Ltmp4:
0xeb: {  	_ = 	snop;
	(pc) =	sbr.rel @p0 .LBB2_9-.Ltmp4, $2  }
0xec: {  	_ =	sdelay $0x2  }
0xed: {  	s20 =	sadd.s32 $0x200, s20;
	[tilespmem:v2+s13+$0x0] =	vst.idx.add.s32.msk $0xffff, v1  }
0xee: {  	p0 =	seq.s32 s17, $0xF  }
0xef: {  	s18 =	sadd.s32 @!p0 s18, s6  }
0xf0: {  	s19 =	simm.s32 @!p0 $0x200;
	s20 =	simm.s32 @!p0 $0x400;
	s21 =	simm.s32 @!p0 $0x0  }
0xf1: {  	[tilespmem:s21], [sflag:$0x1] =	stream.strided.gather @!p0 [hbm4b:s18+s19], $0x4000, s20, s19, $0x38;
	[tilespmem:$0x18000] =	vst v63  }
0xf2: {  	_ =	swait.ge [sflag:s14], $0x4000  }
0xf3: {  	s19 =	simm.s32 $0xFFFFFFF8;
	[sflag:s14] =	ssyncset.done $0x0  }
0xf4: {  	s18 =	simm.s32 $0x4040;
	s21 =	simm.s32 $0xFFFFFFF8;
	[sflag:s14] =	ssyncadd.s32 $0xFFFFC000  }
.LBB2_11:
0xf5: {  	v2 =	vld [tilespmem:s18+$0xFFFFFFC0];
	_ =	sdelay $0x4  }
0xf6: {  	v3 =	vshra.s32 v2, $0x1F  }
0xf7: {  	v3 =	vor.u32 $0x80000000, v3  }
0xf8: {  	v2 =	vxor.u32 v2, v3  }
0xf9: {  	v2 =	vshrl.u32 v2, $0x10;
	_ =	sdelay $0x4  }
0xfa: {  	[tilespmem:v2+s13+$0x0] =	vst.idx.add.s32.msk $0xffff, v1  }
0xfb: {  	v2 =	vld [tilespmem:s18+$0xFFFFFFD0];
	_ =	sdelay $0x4  }
0xfc: {  	v3 =	vshra.s32 v2, $0x1F  }
0xfd: {  	v3 =	vor.u32 $0x80000000, v3  }
0xfe: {  	v2 =	vxor.u32 v2, v3  }
0xff: {  	v2 =	vshrl.u32 v2, $0x10;
	_ =	sdelay $0x4  }
0x100: {  	[tilespmem:v2+s13+$0x0] =	vst.idx.add.s32.msk $0xffff, v1  }
0x101: {  	v2 =	vld [tilespmem:s18+$0xFFFFFFE0];
	_ =	sdelay $0x4  }
0x102: {  	v3 =	vshra.s32 v2, $0x1F  }
0x103: {  	v3 =	vor.u32 $0x80000000, v3  }
0x104: {  	v2 =	vxor.u32 v2, v3  }
0x105: {  	v2 =	vshrl.u32 v2, $0x10;
	_ =	sdelay $0x4  }
0x106: {  	[tilespmem:v2+s13+$0x0] =	vst.idx.add.s32.msk $0xffff, v1  }
0x107: {  	v2 =	vld [tilespmem:s18+$0xFFFFFFF0];
	_ =	sdelay $0x4  }
0x108: {  	v3 =	vshra.s32 v2, $0x1F  }
0x109: {  	v3 =	vor.u32 $0x80000000, v3  }
0x10a: {  	v2 =	vxor.u32 v2, v3  }
0x10b: {  	v2 =	vshrl.u32 v2, $0x10;
	_ =	sdelay $0x4  }
0x10c: {  	[tilespmem:v2+s13+$0x0] =	vst.idx.add.s32.msk $0xffff, v1  }
0x10d: {  	v2 =	vld [tilespmem:s18+$0x0];
	_ =	sdelay $0x4  }
0x10e: {  	v3 =	vshra.s32 v2, $0x1F  }
0x10f: {  	v3 =	vor.u32 $0x80000000, v3  }
0x110: {  	v2 =	vxor.u32 v2, v3  }
0x111: {  	v2 =	vshrl.u32 v2, $0x10;
	_ =	sdelay $0x4  }
0x112: {  	[tilespmem:v2+s13+$0x0] =	vst.idx.add.s32.msk $0xffff, v1  }
0x113: {  	v2 =	vld [tilespmem:s18+$0x10];
	_ =	sdelay $0x4  }
0x114: {  	v3 =	vshra.s32 v2, $0x1F  }
0x115: {  	v3 =	vor.u32 $0x80000000, v3  }
0x116: {  	v2 =	vxor.u32 v2, v3  }
0x117: {  	v2 =	vshrl.u32 v2, $0x10;
	_ =	sdelay $0x4  }
0x118: {  	[tilespmem:v2+s13+$0x0] =	vst.idx.add.s32.msk $0xffff, v1  }
0x119: {  	v2 =	vld [tilespmem:s18+$0x20];
	_ =	sdelay $0x4  }
0x11a: {  	v3 =	vshra.s32 v2, $0x1F  }
0x11b: {  	v3 =	vor.u32 $0x80000000, v3  }
0x11c: {  	v2 =	vxor.u32 v2, v3  }
0x11d: {  	v2 =	vshrl.u32 v2, $0x10;
	_ =	sdelay $0x4  }
0x11e: {  	[tilespmem:v2+s13+$0x0] =	vst.idx.add.s32.msk $0xffff, v1  }
0x11f: {  	v2 =	vld [tilespmem:s18+$0x30];
	_ =	sdelay $0x4  }
0x120: {  	v3 =	vshra.s32 v2, $0x1F  }
0x121: {  	v3 =	vor.u32 $0x80000000, v3  }
0x122: {  	s21 =	sadd.s32 $0x8, s21;
	v2 =	vxor.u32 v2, v3  }
0x123: {  	p0 =	slt.u32 s21, $0xF8;
	v2 =	vshrl.u32 v2, $0x10  }
.Ltmp5:
0x124: {  	_ = 	snop;
	(pc) =	sbr.rel @p0 .LBB2_11-.Ltmp5, $2  }
0x125: {  	_ =	sdelay $0x2  }
0x126: {  	s20 =	simm.s32 $0x40F0;
	s18 =	sadd.s32 $0x200, s18;
	[tilespmem:v2+s13+$0x0] =	vst.idx.add.s32.msk $0xffff, v1  }
.LBB2_12:
0x127: {  	v2 =	vld [tilespmem:s20+$0xFFFFFF90];
	_ =	sdelay $0x4  }
0x128: {  	v3 =	vshra.s32 v2, $0x1F  }
0x129: {  	v3 =	vor.u32 $0x80000000, v3  }
0x12a: {  	v2 =	vxor.u32 v2, v3  }
0x12b: {  	v2 =	vshrl.u32 v2, $0x10;
	_ =	sdelay $0x4  }
0x12c: {  	[tilespmem:v2+s13+$0x0] =	vst.idx.add.s32.msk $0xffff, v1  }
0x12d: {  	v2 =	vld [tilespmem:s20+$0xFFFFFFA0];
	_ =	sdelay $0x4  }
0x12e: {  	v3 =	vshra.s32 v2, $0x1F  }
0x12f: {  	v3 =	vor.u32 $0x80000000, v3  }
0x130: {  	v2 =	vxor.u32 v2, v3  }
0x131: {  	v2 =	vshrl.u32 v2, $0x10;
	_ =	sdelay $0x4  }
0x132: {  	[tilespmem:v2+s13+$0x0] =	vst.idx.add.s32.msk $0xffff, v1  }
0x133: {  	v2 =	vld [tilespmem:s20+$0xFFFFFFB0];
	_ =	sdelay $0x4  }
0x134: {  	v3 =	vshra.s32 v2, $0x1F  }
0x135: {  	v3 =	vor.u32 $0x80000000, v3  }
0x136: {  	v2 =	vxor.u32 v2, v3  }
0x137: {  	v2 =	vshrl.u32 v2, $0x10;
	_ =	sdelay $0x4  }
0x138: {  	[tilespmem:v2+s13+$0x0] =	vst.idx.add.s32.msk $0xffff, v1  }
0x139: {  	v2 =	vld [tilespmem:s20+$0xFFFFFFC0];
	_ =	sdelay $0x4  }
0x13a: {  	v3 =	vshra.s32 v2, $0x1F  }
0x13b: {  	v3 =	vor.u32 $0x80000000, v3  }
0x13c: {  	v2 =	vxor.u32 v2, v3  }
0x13d: {  	v2 =	vshrl.u32 v2, $0x10;
	_ =	sdelay $0x4  }
0x13e: {  	[tilespmem:v2+s13+$0x0] =	vst.idx.add.s32.msk $0xffff, v1  }
0x13f: {  	v2 =	vld [tilespmem:s20+$0xFFFFFFD0];
	_ =	sdelay $0x4  }
0x140: {  	v3 =	vshra.s32 v2, $0x1F  }
0x141: {  	v3 =	vor.u32 $0x80000000, v3  }
0x142: {  	v2 =	vxor.u32 v2, v3  }
0x143: {  	v2 =	vshrl.u32 v2, $0x10;
	_ =	sdelay $0x4  }
0x144: {  	[tilespmem:v2+s13+$0x0] =	vst.idx.add.s32.msk $0xffff, v1  }
0x145: {  	v2 =	vld [tilespmem:s20+$0xFFFFFFE0];
	_ =	sdelay $0x4  }
0x146: {  	v3 =	vshra.s32 v2, $0x1F  }
0x147: {  	v3 =	vor.u32 $0x80000000, v3  }
0x148: {  	v2 =	vxor.u32 v2, v3  }
0x149: {  	v2 =	vshrl.u32 v2, $0x10;
	_ =	sdelay $0x4  }
0x14a: {  	[tilespmem:v2+s13+$0x0] =	vst.idx.add.s32.msk $0xffff, v1  }
0x14b: {  	v2 =	vld [tilespmem:s20+$0xFFFFFFF0];
	_ =	sdelay $0x4  }
0x14c: {  	v3 =	vshra.s32 v2, $0x1F  }
0x14d: {  	v3 =	vor.u32 $0x80000000, v3  }
0x14e: {  	v2 =	vxor.u32 v2, v3  }
0x14f: {  	v2 =	vshrl.u32 v2, $0x10;
	_ =	sdelay $0x4  }
0x150: {  	[tilespmem:v2+s13+$0x0] =	vst.idx.add.s32.msk $0xffff, v1  }
0x151: {  	v2 =	vld [tilespmem:s20+$0x0];
	_ =	sdelay $0x4  }
0x152: {  	v3 =	vshra.s32 v2, $0x1F  }
0x153: {  	v3 =	vor.u32 $0x80000000, v3  }
0x154: {  	s19 =	sadd.s32 $0x8, s19;
	v2 =	vxor.u32 v2, v3  }
0x155: {  	p0 =	slt.u32 s19, $0xF8;
	v2 =	vshrl.u32 v2, $0x10  }
.Ltmp6:
0x156: {  	_ = 	snop;
	(pc) =	sbr.rel @p0 .LBB2_12-.Ltmp6, $2  }
0x157: {  	_ =	sdelay $0x2  }
0x158: {  	s18 =	simm.s32 $0xFFFFFFF8;
	s21 =	simm.s32 $0x4170;
	s20 =	sadd.s32 $0x200, s20;
	[tilespmem:v2+s13+$0x0] =	vst.idx.add.s32.msk $0xffff, v1  }
0x159: {  	s20 =	simm.s32 $0xFFFFFFF8  }
.LBB2_14:
0x15a: {  	v2 =	vld [tilespmem:s21+$0xFFFFFF90];
	_ =	sdelay $0x4  }
0x15b: {  	v3 =	vshra.s32 v2, $0x1F  }
0x15c: {  	v3 =	vor.u32 $0x80000000, v3  }
0x15d: {  	v2 =	vxor.u32 v2, v3  }
0x15e: {  	v2 =	vshrl.u32 v2, $0x10;
	_ =	sdelay $0x4  }
0x15f: {  	[tilespmem:v2+s13+$0x0] =	vst.idx.add.s32.msk $0xffff, v1  }
0x160: {  	v2 =	vld [tilespmem:s21+$0xFFFFFFA0];
	_ =	sdelay $0x4  }
0x161: {  	v3 =	vshra.s32 v2, $0x1F  }
0x162: {  	v3 =	vor.u32 $0x80000000, v3  }
0x163: {  	v2 =	vxor.u32 v2, v3  }
0x164: {  	v2 =	vshrl.u32 v2, $0x10;
	_ =	sdelay $0x4  }
0x165: {  	[tilespmem:v2+s13+$0x0] =	vst.idx.add.s32.msk $0xffff, v1  }
0x166: {  	v2 =	vld [tilespmem:s21+$0xFFFFFFB0];
	_ =	sdelay $0x4  }
0x167: {  	v3 =	vshra.s32 v2, $0x1F  }
0x168: {  	v3 =	vor.u32 $0x80000000, v3  }
0x169: {  	v2 =	vxor.u32 v2, v3  }
0x16a: {  	v2 =	vshrl.u32 v2, $0x10;
	_ =	sdelay $0x4  }
0x16b: {  	[tilespmem:v2+s13+$0x0] =	vst.idx.add.s32.msk $0xffff, v1  }
0x16c: {  	v2 =	vld [tilespmem:s21+$0xFFFFFFC0];
	_ =	sdelay $0x4  }
0x16d: {  	v3 =	vshra.s32 v2, $0x1F  }
0x16e: {  	v3 =	vor.u32 $0x80000000, v3  }
0x16f: {  	v2 =	vxor.u32 v2, v3  }
0x170: {  	v2 =	vshrl.u32 v2, $0x10;
	_ =	sdelay $0x4  }
0x171: {  	[tilespmem:v2+s13+$0x0] =	vst.idx.add.s32.msk $0xffff, v1  }
0x172: {  	v2 =	vld [tilespmem:s21+$0xFFFFFFD0];
	_ =	sdelay $0x4  }
0x173: {  	v3 =	vshra.s32 v2, $0x1F  }
0x174: {  	v3 =	vor.u32 $0x80000000, v3  }
0x175: {  	v2 =	vxor.u32 v2, v3  }
0x176: {  	v2 =	vshrl.u32 v2, $0x10;
	_ =	sdelay $0x4  }
0x177: {  	[tilespmem:v2+s13+$0x0] =	vst.idx.add.s32.msk $0xffff, v1  }
0x178: {  	v2 =	vld [tilespmem:s21+$0xFFFFFFE0];
	_ =	sdelay $0x4  }
0x179: {  	v3 =	vshra.s32 v2, $0x1F  }
0x17a: {  	v3 =	vor.u32 $0x80000000, v3  }
0x17b: {  	v2 =	vxor.u32 v2, v3  }
0x17c: {  	v2 =	vshrl.u32 v2, $0x10;
	_ =	sdelay $0x4  }
0x17d: {  	[tilespmem:v2+s13+$0x0] =	vst.idx.add.s32.msk $0xffff, v1  }
0x17e: {  	v2 =	vld [tilespmem:s21+$0xFFFFFFF0];
	_ =	sdelay $0x4  }
0x17f: {  	v3 =	vshra.s32 v2, $0x1F  }
0x180: {  	v3 =	vor.u32 $0x80000000, v3  }
0x181: {  	v2 =	vxor.u32 v2, v3  }
0x182: {  	v2 =	vshrl.u32 v2, $0x10;
	_ =	sdelay $0x4  }
0x183: {  	[tilespmem:v2+s13+$0x0] =	vst.idx.add.s32.msk $0xffff, v1  }
0x184: {  	v2 =	vld [tilespmem:s21+$0x0];
	_ =	sdelay $0x4  }
0x185: {  	v3 =	vshra.s32 v2, $0x1F  }
0x186: {  	v3 =	vor.u32 $0x80000000, v3  }
0x187: {  	s20 =	sadd.s32 $0x8, s20;
	v2 =	vxor.u32 v2, v3  }
0x188: {  	p0 =	slt.u32 s20, $0xF8;
	v2 =	vshrl.u32 v2, $0x10  }
.Ltmp7:
0x189: {  	_ = 	snop;
	(pc) =	sbr.rel @p0 .LBB2_14-.Ltmp7, $2  }
0x18a: {  	_ =	sdelay $0x2  }
0x18b: {  	s19 =	simm.s32 $0x41F0;
	s21 =	sadd.s32 $0x200, s21;
	[tilespmem:v2+s13+$0x0] =	vst.idx.add.s32.msk $0xffff, v1  }
.LBB2_15:
0x18c: {  	v2 =	vld [tilespmem:s19+$0xFFFFFF90];
	_ =	sdelay $0x4  }
0x18d: {  	v3 =	vshra.s32 v2, $0x1F  }
0x18e: {  	v3 =	vor.u32 $0x80000000, v3  }
0x18f: {  	v2 =	vxor.u32 v2, v3  }
0x190: {  	v2 =	vshrl.u32 v2, $0x10;
	_ =	sdelay $0x4  }
0x191: {  	[tilespmem:v2+s13+$0x0] =	vst.idx.add.s32.msk $0xffff, v1  }
0x192: {  	v2 =	vld [tilespmem:s19+$0xFFFFFFA0];
	_ =	sdelay $0x4  }
0x193: {  	v3 =	vshra.s32 v2, $0x1F  }
0x194: {  	v3 =	vor.u32 $0x80000000, v3  }
0x195: {  	v2 =	vxor.u32 v2, v3  }
0x196: {  	v2 =	vshrl.u32 v2, $0x10;
	_ =	sdelay $0x4  }
0x197: {  	[tilespmem:v2+s13+$0x0] =	vst.idx.add.s32.msk $0xffff, v1  }
0x198: {  	v2 =	vld [tilespmem:s19+$0xFFFFFFB0];
	_ =	sdelay $0x4  }
0x199: {  	v3 =	vshra.s32 v2, $0x1F  }
0x19a: {  	v3 =	vor.u32 $0x80000000, v3  }
0x19b: {  	v2 =	vxor.u32 v2, v3  }
0x19c: {  	v2 =	vshrl.u32 v2, $0x10;
	_ =	sdelay $0x4  }
0x19d: {  	[tilespmem:v2+s13+$0x0] =	vst.idx.add.s32.msk $0xffff, v1  }
0x19e: {  	v2 =	vld [tilespmem:s19+$0xFFFFFFC0];
	_ =	sdelay $0x4  }
0x19f: {  	v3 =	vshra.s32 v2, $0x1F  }
0x1a0: {  	v3 =	vor.u32 $0x80000000, v3  }
0x1a1: {  	v2 =	vxor.u32 v2, v3  }
0x1a2: {  	v2 =	vshrl.u32 v2, $0x10;
	_ =	sdelay $0x4  }
0x1a3: {  	[tilespmem:v2+s13+$0x0] =	vst.idx.add.s32.msk $0xffff, v1  }
0x1a4: {  	v2 =	vld [tilespmem:s19+$0xFFFFFFD0];
	_ =	sdelay $0x4  }
0x1a5: {  	v3 =	vshra.s32 v2, $0x1F  }
0x1a6: {  	v3 =	vor.u32 $0x80000000, v3  }
0x1a7: {  	v2 =	vxor.u32 v2, v3  }
0x1a8: {  	v2 =	vshrl.u32 v2, $0x10;
	_ =	sdelay $0x4  }
0x1a9: {  	[tilespmem:v2+s13+$0x0] =	vst.idx.add.s32.msk $0xffff, v1  }
0x1aa: {  	v2 =	vld [tilespmem:s19+$0xFFFFFFE0];
	_ =	sdelay $0x4  }
0x1ab: {  	v3 =	vshra.s32 v2, $0x1F  }
0x1ac: {  	v3 =	vor.u32 $0x80000000, v3  }
0x1ad: {  	v2 =	vxor.u32 v2, v3  }
0x1ae: {  	v2 =	vshrl.u32 v2, $0x10;
	_ =	sdelay $0x4  }
0x1af: {  	[tilespmem:v2+s13+$0x0] =	vst.idx.add.s32.msk $0xffff, v1  }
0x1b0: {  	v2 =	vld [tilespmem:s19+$0xFFFFFFF0];
	_ =	sdelay $0x4  }
0x1b1: {  	v3 =	vshra.s32 v2, $0x1F  }
0x1b2: {  	v3 =	vor.u32 $0x80000000, v3  }
0x1b3: {  	v2 =	vxor.u32 v2, v3  }
0x1b4: {  	v2 =	vshrl.u32 v2, $0x10;
	_ =	sdelay $0x4  }
0x1b5: {  	[tilespmem:v2+s13+$0x0] =	vst.idx.add.s32.msk $0xffff, v1  }
0x1b6: {  	v2 =	vld [tilespmem:s19+$0x0];
	_ =	sdelay $0x4  }
0x1b7: {  	v3 =	vshra.s32 v2, $0x1F  }
0x1b8: {  	v3 =	vor.u32 $0x80000000, v3  }
0x1b9: {  	s18 =	sadd.s32 $0x8, s18;
	v2 =	vxor.u32 v2, v3  }
0x1ba: {  	p0 =	slt.u32 s18, $0xF8;
	v2 =	vshrl.u32 v2, $0x10  }
.Ltmp8:
0x1bb: {  	_ = 	snop;
	(pc) =	sbr.rel @p0 .LBB2_15-.Ltmp8, $2  }
0x1bc: {  	_ =	sdelay $0x2  }
0x1bd: {  	s19 =	sadd.s32 $0x200, s19;
	[tilespmem:v2+s13+$0x0] =	vst.idx.add.s32.msk $0xffff, v1  }
0x1be: {  	s17 =	sadd.s32 $0x1, s17  }
0x1bf: {  	p0 =	sne.s32 s17, $0x10  }
.Ltmp9:
0x1c0: {  	_ = 	snop;
	(pc) =	sbr.rel @p0 .LBB2_4-.Ltmp9, $1  }
0x1c1: {  	_ =	sdelay $0x3  }
0x1c2: {  	s3 =	sadd.s32 $0x1, s3  }
0x1c3: {  	p0 =	sne.s32 s3, s8  }
.Ltmp10:
0x1c4: {  	_ = 	snop;
	(pc) =	sbr.rel @p0 .LBB2_1-.Ltmp10, $4  }
0x1c5: {  	[hbm4b:s7+s15] =	stream.strided.scatter [tilespmem:s13], [sflag:$0x3], $0x10000, s10, s15, $0x38;
	[tilespmem:$0x18000] =	vst v63  }
0x1c6: {  	_ =	swait.ge [sflag:s16], $0x10000  }
0x1c7: {  	[sflag:s16] =	ssyncset.done $0x0  }
0x1c8: {  	[sflag:s16] =	ssyncadd.s32 $0xFFFF0000  }
0x1c9: {  	_ =	sfence.sel $0x180000  }
0x1ca: {  	[bflag:$0x0] =	sbarrier.arrive $0xFFFF  }
0x1cb: {  	p0 =	sne.s32 s0, $0x0;
	_ =	strace $0x90000047  }
0x1cc: {  	s0 =	sadd.s32 @!p0 $0x100000, s1;
	[bflag:$0x2] =	sbarrier.arrive $0xFFFF  }
0x1cd: {  	[sflag:s0] =	ssyncadd.tile.s32 @!p0 $0x1;
	_ =	shalt  }
.Lfunc_end2:
_tile_overlayer_lowered:
.L_overlay_start_2:
0x1ce: {  	(tag) =	ssettag $0x2  }
0x1cf: {  	s0 =	rddreg [dreg:$0x0];
	s2 =	stileid.u32  }
0x1d0: {  	s1 =	rddreg [dreg:$0x1];
	p0 =	sne.s32 s2, $0x0  }
0x1d1: {  	s3 =	rddreg [dreg:$0x2];
	[bflag:$0x3] =	sbarrier.arrive $0xFFFF;
	s2 =	simm.s32 @!p0 $0x1C03  }
0x1d2: {  	[timem:s3], [sflag:s2] =	dma.local @!p0 [hbm:s0], s1  }
0x1d3: {  	s0 =	simm.s32 @!p0 $0x3  }
0x1d4: {  	_ =	swait.ge @!p0 [sflag:s0], s1  }
0x1d5: {  	s1 =	ssub.s32 @!p0 $0x0, s1;
	[sflag:s0] =	ssyncset.done @!p0 $0x0  }
0x1d6: {  	[sflag:s0] =	ssyncadd.s32 @!p0 s1  }
0x1d7: {  	[bflag:$0x3] =	sbarrier.arrive $0xFFFF  }
0x1d8: {  	_ =	shalt  }

// kernel: sc_hist_pass2.3.cloned.1.call-start
scs
__scs_entry_jumppad:
0x0: {  	(pc) =	sbr.rel $0x88, $3  }
0x1: {  	(tag) =	ssettag $0x0;
	lr =	simm.s32 $0x1  }
0x2: {  	[smem:$0x3F9E] =	sst lr;
	_ =	strace $0xD0000000  }
0x3: {  	_ = 	snop  }
0x4: {  	_ = 	snop  }
0x5: {  	_ = 	snop  }
0x6: {  	_ = 	snop  }
0x7: {  	_ = 	snop  }
__scs_overlays_trampoline_lowered:
0x8: {  	[smem:$0x3FAD] =	sst s0  }
0x9: {  	[smem:$0x3FAE] =	sst s1  }
0xa: {  	[smem:$0x3FAF] =	sst s2  }
0xb: {  	[smem:$0x3FB0] =	sst s3  }
0xc: {  	[smem:$0x3FB1] =	sst s4  }
0xd: {  	[smem:$0x3FB2] =	sst s5  }
0xe: {  	[smem:$0x3FB3] =	sst s6  }
0xf: {  	[smem:$0x3FB4] =	sst s7  }
0x10: {  	[smem:$0x3FB5] =	sst s8  }
0x11: {  	[smem:$0x3FB6] =	sst s9;
	s0 =	simm.s32 @!p0 $0x0  }
0x12: {  	s1 =	sld [smem:$0x3F9C];
	s0 =	simm.s32 @p0 $0x1  }
0x13: {  	[smem:$0x3FB7] =	sst s0;
	s0 =	simm.s32 @!p1 $0x0  }
0x14: {  	s2 =	sld [smem:$0x3F9B];
	s0 =	simm.s32 @p1 $0x1  }
0x15: {  	[smem:$0x3FB8] =	sst s0;
	s0 =	simm.s32 @!p2 $0x0  }
0x16: {  	s3 =	sld [smem:$0x3FDB];
	s0 =	simm.s32 @p2 $0x1  }
0x17: {  	s4 =	simm.s32 $0x1BF5;
	[smem:$0x3FBA] =	sst s0  }
0x18: {  	s0 =	sld [smem:$0x3F9D];
	_ =	swait.ge [sflag:s4], $0x0  }
0x19: {  	s7 =	sld [smem:$0x3F9E]  }
0x1a: {  	s8 =	sadd.s32 $0xFFFFE003, lr  }
0x1b: {  	s9 =	sadd.s32 $0xFFFFFEF7, lr;
	s5 =	simm.s32 $0xFFFFFFFF;
	p2 =	slt.u32 s8, $0xFFFFF086  }
0x1c: {  	p1 =	slt.u32 s9, $0xF7A;
	s5 =	simm.s32 @!p2 $0x0  }
0x1d: {  	s5 =	simm.s32 @p1 $0x1;
	p0 =	seq.s32 s7, s2  }
0x1e: {  	s7 =	smul.u32 @!p0 $0xF7A, s2;
	p2 =	seq.s32 @!p0 s5, $0x0  }
0x1f: {  	s9 =	smul.u32 $0xF7A, s1;
	s8 =	simm.s32 @!p0 $0x1BF5;
	p2 =	por !p2, p0  }
0x20: {  	[sflag:s8] =	ssyncset.s32 @!p0 $0xFFFFF086;
	s6 =	sadd.s32 @!p0 s3, s7;
	s7 =	simm.s32 @!p0 $0x108  }
0x21: {  	s3 =	sadd.s32 s3, s9;
	s6 =	sadd.s32 @!p0 $0x88, s6;
	s7 =	simm.s32 @p2 $0x1082  }
0x22: {  	[simem:s7], [sflag:s8] =	dma.local @!p0 [hbm:s6], $0xF7A  }
0x23: {  	s9 =	sor.u32 $0xD0000000, s2;
	s6 =	simm.s32 $0x108;
	_ =	swait.ge @!p0 [sflag:s8], $0x0  }
0x24: {  	s3 =	sadd.s32 $0x88, s3;
	s6 =	simm.s32 @!p1 $0x1082;
	[sflag:s4] =	ssyncset.s32 $0xFFFFF086  }
0x25: {  	[simem:s6], [sflag:s4] =	dma.local [hbm:s3], $0xF7A  }
0x26: {  	[smem:$0x3F9E] =	sst s1;
	(tag) =	ssettag s2;
	_ =	strace s9  }
0x27: {  	s1 =	sld [smem:$0x3FAE]  }
0x28: {  	s2 =	sld [smem:$0x3FAF]  }
0x29: {  	s4 =	sld [smem:$0x3FB1]  }
0x2a: {  	p0 =	seq.s32 s5, $0x0;
	s5 =	sld [smem:$0x3FB2]  }
0x2b: {  	s6 =	sld [smem:$0x3FB3]  }
0x2c: {  	s7 =	sld [smem:$0x3FB4]  }
0x2d: {  	s3 =	simm.s32 $0x108;
	s8 =	sld [smem:$0x3FB5]  }
0x2e: {  	s3 =	simm.s32 @!p0 $0x1082;
	s9 =	sld [smem:$0x3FB6]  }
0x2f: {  	lr =	sadd.s32 s0, s3;
	s0 =	sld [smem:$0x3FAD]  }
0x30: {  	s3 =	sld [smem:$0x3FB0]  }
0x31: {  	[smem:$0x3FB9] =	sst s10  }
0x32: {  	s10 =	sld [smem:$0x3FB7];
	_ =	sdelay $0x3  }
0x33: {  	p0 =	seq.s32 s10, $0x1;
	s10 =	sld [smem:$0x3FB9];
	_ =	sdelay $0x3  }
0x34: {  	[smem:$0x3FB9] =	sst s10  }
0x35: {  	s10 =	sld [smem:$0x3FB8];
	_ =	sdelay $0x3  }
0x36: {  	p1 =	seq.s32 s10, $0x1;
	s10 =	sld [smem:$0x3FB9];
	_ =	sdelay $0x3  }
0x37: {  	[smem:$0x3FB9] =	sst s10  }
0x38: {  	s10 =	sld [smem:$0x3FBA]  }
0x39: {  	_ = 	snop;
	(pc) =	sbr.ind lr, $3  }
0x3a: {  	_ = 	snop  }
0x3b: {  	_ = 	snop  }
0x3c: {  	p2 =	seq.s32 s10, $0x1;
	s10 =	sld [smem:$0x3FB9]  }
0x3d: {  	_ =	shalt  }
0x3e: {  	_ =	shalt  }
0x3f: {  	_ =	shalt  }
0x40: {  	_ =	shalt  }
0x41: {  	_ =	shalt  }
0x42: {  	_ =	shalt  }
0x43: {  	_ =	shalt  }
0x44: {  	_ =	shalt  }
0x45: {  	_ =	shalt  }
0x46: {  	_ =	shalt  }
0x47: {  	_ =	shalt  }
0x48: {  	_ =	shalt  }
0x49: {  	_ =	shalt  }
0x4a: {  	_ =	shalt  }
0x4b: {  	_ =	shalt  }
0x4c: {  	_ =	shalt  }
0x4d: {  	_ =	shalt  }
0x4e: {  	_ =	shalt  }
0x4f: {  	_ =	shalt  }
0x50: {  	_ =	shalt  }
0x51: {  	_ =	shalt  }
0x52: {  	_ =	shalt  }
0x53: {  	_ =	shalt  }
0x54: {  	_ =	shalt  }
0x55: {  	_ =	shalt  }
0x56: {  	_ =	shalt  }
0x57: {  	_ =	shalt  }
0x58: {  	_ =	shalt  }
0x59: {  	_ =	shalt  }
0x5a: {  	_ =	shalt  }
0x5b: {  	_ =	shalt  }
0x5c: {  	_ =	shalt  }
0x5d: {  	_ =	shalt  }
0x5e: {  	_ =	shalt  }
0x5f: {  	_ =	shalt  }
0x60: {  	_ =	shalt  }
0x61: {  	_ =	shalt  }
0x62: {  	_ =	shalt  }
0x63: {  	_ =	shalt  }
0x64: {  	_ =	shalt  }
0x65: {  	_ =	shalt  }
0x66: {  	_ =	shalt  }
0x67: {  	_ =	shalt  }
0x68: {  	_ =	shalt  }
0x69: {  	_ =	shalt  }
0x6a: {  	_ =	shalt  }
0x6b: {  	_ =	shalt  }
0x6c: {  	_ =	shalt  }
0x6d: {  	_ =	shalt  }
0x6e: {  	_ =	shalt  }
0x6f: {  	_ =	shalt  }
0x70: {  	_ =	shalt  }
0x71: {  	_ =	shalt  }
0x72: {  	_ =	shalt  }
0x73: {  	_ =	shalt  }
0x74: {  	_ =	shalt  }
0x75: {  	_ =	shalt  }
0x76: {  	_ =	shalt  }
0x77: {  	_ =	shalt  }
0x78: {  	_ =	shalt  }
0x79: {  	_ =	shalt  }
0x7a: {  	_ =	shalt  }
0x7b: {  	_ =	shalt  }
0x7c: {  	_ =	shalt  }
0x7d: {  	_ =	shalt  }
0x7e: {  	_ =	shalt  }
0x7f: {  	_ =	shalt  }
0x80: {  	_ =	shalt  }
0x81: {  	_ =	shalt  }
0x82: {  	_ =	shalt  }
0x83: {  	_ =	shalt  }
0x84: {  	_ =	shalt  }
0x85: {  	_ =	shalt  }
0x86: {  	_ =	shalt  }
0x87: {  	_ =	shalt  }
.Lfunc_end0:
.L_simem_size_0:
called_computation.1_lowered:
.L_overlay_start_0:
0x88: {  	s2 =	sld [smem:$0x3FD9]  }
0x89: {  	s3 =	sld [smem:$0x3FFE];
	_ =	sdelay $0x1  }
0x8a: {  	s1 =	srdreg.scid  }
0x8b: {  	s0 =	sand.u32 $0x1, s1  }
0x8c: {  	s14 =	sshll.u32 s0, $0xA;
	s2 =	sadd.s32 s3, s2  }
0x8d: {  	s2 =	sadd.s32 s2, s14  }
0x8e: {  	[smem:$0x3FC5] =	sst s2  }
0x8f: {  	_ = 	snop  }
0x90: {  	s2 =	sld [smem:$0x3FD0];
	_ =	sdelay $0x2  }
0x91: {  	s15 =	simm.s32 $0xA;
	s4 =	simm.s32 $0x10  }
0x92: {  	[smem:s4], [sflag:s15] =	dma.local [hbm:s2], $0x1  }
0x93: {  	_ =	swait.eq [sflag:s15], $0x1  }
0x94: {  	[sflag:s15] =	ssyncset.done $0x0  }
0x95: {  	[sflag:s15] =	ssyncadd.s32 $0xFFFFFFFF  }
0x96: {  	s16 =	sld [smem:$0x10];
	(tm) =	ssettm $0x1  }
0x97: {  	s17 =	sld [smem:$0x3FFB];
	_ =	sdelay $0x3  }
0x98: {  	_ =	strace s17  }
0x99: {  	s3 =	sld [smem:$0x3FFC];
	_ =	sdelay $0x3  }
0x9a: {  	_ =	strace s3  }
0x9b: {  	s3 =	sld [smem:$0x3FFD];
	_ =	sdelay $0x3  }
0x9c: {  	_ =	strace s3  }
0x9d: {  	_ =	strace $0x8FFFFFFF  }
0x9e: {  	s18 =	sld [smem:$0x3FDB];
	_ =	sdelay $0x1  }
0x9f: {  	s19 =	simm.s32 $_scs_section_size  }
0xa0: {  	s5 =	simm.s32 $_size__tile_overlayer_lowered;
	s6 =	simm.s32 $_tile_overlayer_lowered  }
0xa1: {  	s22 =	simm.s32 $0x1BFF;
	s21 =	sshll.u32 s6, $0x1;
	s3 =	sadd.s32 s19, s18  }
0xa2: {  	s7 =	simm.s32 $0x0;
	s20 =	sshll.u32 s5, $0x1;
	s5 =	sadd.s32 s21, s3  }
0xa3: {  	[timem:s7], [sflag:s22] =	dma.local [hbm:s5], s20  }
0xa4: {  	_ =	swait.ge [sflag:s22], s20  }
0xa5: {  	s4 =	ssub.s32 $0x0, s20;
	[sflag:s22] =	ssyncset.done $0x0  }
0xa6: {  	[sflag:s22] =	ssyncadd.s32 s4;
	_ =	sdelay $0x1  }
0xa7: {  	s23 =	simm.s32 $0x1B8B  }
0xa8: {  	_ =	swait.ge [sflag:s23], $0x1  }
0xa9: {  	[sflag:s23] =	ssyncset.done $0x0  }
0xaa: {  	s25 =	simm.s32 $0x1B8E;
	s24 =	sld [smem:$0x3FFE];
	[sflag:s23] =	ssyncadd.s32 $0xFFFFFFFF  }
0xab: {  	s26 =	simm.s32 $execute0_lowered;
	[smem:$0x3FD2] =	sst s25  }
0xac: {  	s5 =	sshll.u32 s26, $0x1;
	_ =	strace $0x80000049;
	[dreg:$0x1] =	wrdreg $0xFFFFFFFF  }
0xad: {  	s28 =	simm.s32 $_size_execute0_lowered;
	s3 =	sadd.s32 s3, s5;
	[dreg:$0x0] =	wrdreg $0x0  }
0xae: {  	s5 =	sshll.u32 s28, $0x1;
	[dreg:$0x2] =	wrdreg s3  }
0xaf: {  	[dreg:$0x3] =	wrdreg s5  }
0xb0: {  	[dreg:$0x4] =	wrdreg $0xC0  }
0xb1: {  	_ =	task [dreg:s7], $0x5FFFF  }
0xb2: {  	[dreg:$0x1] =	wrdreg $0xFFFFFFFF  }
0xb3: {  	[dreg:$0x0] =	wrdreg $0x60  }
0xb4: {  	[dreg:$0x2] =	wrdreg s24  }
0xb5: {  	[dreg:$0x3] =	wrdreg s16  }
0xb6: {  	[dreg:$0x4] =	wrdreg $0x9  }
0xb7: {  	_ =	task.clear_ibuf [dreg:s7], $0x5FFFF;
	_ =	strace $0x90000049  }
0xb8: {  	s29 =	simm.s32 $0x9;
	_ =	strace $0x8000004B  }
0xb9: {  	_ =	swait.ge [sflag:s29], $0x1  }
0xba: {  	[sflag:s29] =	ssyncadd.s32 $0xFFFFFFFF  }
0xbb: {  	_ =	strace $0x9000004B  }
0xbc: {  	_ =	sfence  }
0xbd: {  	s30 =	sld [smem:$0x0];
	_ =	sdelay $0x2  }
0xbe: {  	s31 =	sshll.u32 s1, $0xD;
	s1 =	sshrl.u32 s1, $0x2  }
0xbf: {  	s3 =	sand.u32 $0x4000, s31;
	s1 =	sadd.s32 s1, s30  }
0xc0: {  	s0 =	sor.u32 s3, s0;
	s1 =	sshll.u32 s1, $0x11  }
0xc1: {  	s0 =	sor.u32 s1, s0  }
0xc2: {  	s0 =	sadd.s32 $0x8F2B, s0  }
0xc3: {  	[sflag:s0] =	ssyncadd.remote.s32 $0x1  }
0xc4: {  	_ =	sfence.sel $0xFFFF  }
0xc5: {  	[dreg:$0x0] =	wrdreg $0xFFFFFFFF;
	(pc) =	sbr.abs _section_cstart, $3  }
0xc6: {  	[dreg:$0x1] =	wrdreg $0xFFFFFFFF  }
0xc7: {  	_ =	task.clear_ibuf [dreg:s7], $0x2FFFF;
	_ =	strace $0x9FFFFFFF  }
0xc8: {  	(tm) =	ssettm $0x7FFFFFFF  }
0xc9: {  	_ =	shalt  }
tec
execute0_lowered:
.L_overlay_start_1:
0x0: {  	(tag) =	ssettag $0x1  }
0x1: {  	s6 =	rddreg [dreg:$0x0]  }
0x2: {  	s2 =	rddreg [dreg:$0x1]  }
0x3: {  	s0 =	rddreg [dreg:$0x2];
	s3 =	simm.s32 $0x0;
	s4 =	srdreg.scid  }
0x4: {  	s1 =	stileid.u32;
	s11 =	simm.s32 $0x18000;
	s12 =	simm.s32 $0x3  }
0x5: {  	s13 =	simm.s32 $0x200;
	s14 =	simm.s32 $0x400;
	s15 =	simm.s32 $0x4000  }
0x6: {  	s16 =	simm.s32 $0x1;
	s17 =	simm.s32 $0x8000;
	s18 =	simm.s32 $0x10000  }
0x7: {  	s19 =	simm.s32 $0x2;
	s20 =	simm.s32 $0x80;
	s21 =	simm.s32 $0x100  }
0x8: {  	[smem:$0x7FF] =	sst s3;
	s4 =	sand.u32 $0x1, s4;
	s5 =	sshll.u32 s1, $0x1  }
0x9: {  	s22 =	simm.s32 $0x0;
	_ =	strace $0x8000004A;
	s5 =	sor.u32 s4, s5  }
0xa: {  	s8 =	ssub.s32 $0x2, s4;
	s7 =	sshll.u32 s5, $0xD;
	s4 =	sshll.u32 s5, $0x10  }
0xb: {  	s31 =	sshrl.u32 s8, $0x1;
	s9 =	sadd.s32 s7, s6;
	s5 =	sadd.s32 s6, s4  }
0xc: {  	s10 =	ssub.s32 s8, s31;
	s6 =	sadd.s32 $0x40, s6;
	s7 =	sadd.s32 $0x1000, s5  }
0xd: {  	v0 =	vimm.s32 $0x0;
	v1 =	vimm.s32 $0x1;
	s8 =	sadd.s32 $0x200000, s9;
	s9 =	sadd.s32 $0x200010, s9;
	s10 =	smax.u32 s10, $0x1  }
.LBB2_1:
0xe: {  	[tilespmem:s11], [sflag:$0x3] =	stream.linear.gather [hbm4b:s2+s3], $0x80, $0x38;
	[tilespmem:$0x18080] =	vst v63  }
0xf: {  	_ =	swait.ge [sflag:s12], $0x80  }
0x10: {  	[sflag:s12] =	ssyncset.done $0x0  }
0x11: {  	[sflag:s12] =	ssyncadd.s32 $0xFFFFFF80  }
0x12: {  	v2 =	vld [tilespmem:$0x18000]  }
0x13: {  	v3 =	vld [tilespmem:$0x18010]  }
0x14: {  	s24 =	simm.s32 $0x8040;
	v4 =	vld [tilespmem:$0x18020]  }
0x15: {  	s23 =	simm.s32 $0x10040;
	v5 =	vld [tilespmem:$0x18030];
	[tilespmem:s24+$0xFFFFFFC0] =	vst v0  }
0x16: {  	[tilespmem:s23+$0xFFFFFFC0] =	vst v0  }
0x17: {  	[tilespmem:s24+$0xFFFFFFD0] =	vst v0  }
0x18: {  	[tilespmem:s23+$0xFFFFFFD0] =	vst v0  }
0x19: {  	[tilespmem:s24+$0xFFFFFFE0] =	vst v0  }
0x1a: {  	[tilespmem:s23+$0xFFFFFFE0] =	vst v0  }
0x1b: {  	[tilespmem:s24+$0xFFFFFFF0] =	vst v0  }
0x1c: {  	[tilespmem:s23+$0xFFFFFFF0] =	vst v0  }
0x1d: {  	[tilespmem:s24+$0x0] =	vst v0  }
0x1e: {  	[tilespmem:s23+$0x0] =	vst v0  }
0x1f: {  	[tilespmem:s24+$0x10] =	vst v0  }
0x20: {  	[tilespmem:s23+$0x10] =	vst v0  }
0x21: {  	[tilespmem:s24+$0x20] =	vst v0  }
0x22: {  	[tilespmem:s23+$0x20] =	vst v0  }
0x23: {  	[tilespmem:s24+$0x30] =	vst v0  }
0x24: {  	s25 =	simm.s32 $0x80C0;
	s24 =	simm.s32 $0x0;
	[tilespmem:s23+$0x30] =	vst v0  }
.LBB2_2:
0x25: {  	[tilespmem:s25+$0xFFFFFFC0] =	vst v0;
	s23 =	sadd.s32 $0x80, s23  }
0x26: {  	[tilespmem:s23+$0xFFFFFFC0] =	vst v0  }
0x27: {  	[tilespmem:s25+$0xFFFFFFD0] =	vst v0  }
0x28: {  	[tilespmem:s23+$0xFFFFFFD0] =	vst v0  }
0x29: {  	[tilespmem:s25+$0xFFFFFFE0] =	vst v0  }
0x2a: {  	[tilespmem:s23+$0xFFFFFFE0] =	vst v0  }
0x2b: {  	[tilespmem:s25+$0xFFFFFFF0] =	vst v0  }
0x2c: {  	[tilespmem:s23+$0xFFFFFFF0] =	vst v0  }
0x2d: {  	[tilespmem:s25+$0x0] =	vst v0  }
0x2e: {  	s24 =	sadd.s32 $0x8, s24;
	[tilespmem:s23+$0x0] =	vst v0  }
0x2f: {  	p0 =	slt.u32 s24, $0x7F8;
	[tilespmem:s25+$0x10] =	vst v0  }
.Ltmp0:
0x30: {  	[tilespmem:s23+$0x10] =	vst v0;
	(pc) =	sbr.rel @p0 .LBB2_2-.Ltmp0, $4  }
0x31: {  	[tilespmem:s25+$0x20] =	vst v0  }
0x32: {  	[tilespmem:s23+$0x20] =	vst v0  }
0x33: {  	[tilespmem:s25+$0x30] =	vst v0  }
0x34: {  	s25 =	sadd.s32 $0x80, s25;
	[tilespmem:s23+$0x30] =	vst v0  }
0x35: {  	s23 =	simm.s32 $0x0  }
0x36: {  	[tilespmem:s23], [sflag:$0x1] =	stream.strided.gather [hbm4b:s5+s13], $0x4000, s14, s13, $0x38;
	[tilespmem:$0x18080] =	vst v63  }
.LBB2_4:
0x37: {  	s24 =	sshll.u32 s23, $0xC  }
0x38: {  	s25 =	sor.u32 s24, s4  }
0x39: {  	s25 =	sadd.s32 s25, s6  }
0x3a: {  	[tilespmem:s15], [sflag:$0x2] =	stream.strided.gather [hbm4b:s25+s13], $0x4000, s14, s13, $0x38;
	[tilespmem:$0x18080] =	vst v63  }
0x3b: {  	_ =	swait.ge [sflag:s16], $0x4000  }
0x3c: {  	s26 =	simm.s32 $0xFFFFFFF8;
	[sflag:s16] =	ssyncset.done $0x0  }
0x3d: {  	s29 =	simm.s32 $0xFFFFFFF8;
	s25 =	simm.s32 $0x40;
	[sflag:s16] =	ssyncadd.s32 $0xFFFFC000  }
.LBB2_5:
0x3e: {  	v6 =	vld [tilespmem:s25+$0xFFFFFFC0];
	_ =	sdelay $0x4  }
0x3f: {  	v7 =	vshra.s32 v6, $0x1F  }
0x40: {  	v7 =	vor.u32 $0x80000000, v7  }
0x41: {  	v6 =	vxor.u32 v6, v7  }
0x42: {  	v7 =	vshrl.u32 v6, $0x2  }
0x43: {  	v6 =	vshrl.u32 v6, $0x10;
	v7 =	vand.u32 $0x3FFF, v7  }
0x44: {  	vm0 =	veq.s32 v6, v2;
	vm1 =	veq.s32 v6, v3;
	vm2 =	veq.s32 v6, v4  }
0x45: {  	vm3 =	veq.s32 v6, v5;
	v8 =	vor.u32 $0x4000, v7;
	vm0 =	vmor vm0, vm1  }
0x46: {  	vm11 =	vmor vm2, vm3;
	v6 =	vsel vm1, v8, v7  }
0x47: {  	v7 =	vsel vm3, v8, v7;
	_ =	sdelay $0x3  }
0x48: {  	[tilespmem:v6+s17+$0x0] =	vst.idx.add.s32.msk vm0, v1  }
0x49: {  	[tilespmem:v7+s18+$0x0] =	vst.idx.add.s32.msk vm11, v1  }
0x4a: {  	v6 =	vld [tilespmem:s25+$0xFFFFFFD0];
	_ =	sdelay $0x4  }
0x4b: {  	v7 =	vshra.s32 v6, $0x1F  }
0x4c: {  	v7 =	vor.u32 $0x80000000, v7  }
0x4d: {  	v6 =	vxor.u32 v6, v7  }
0x4e: {  	v7 =	vshrl.u32 v6, $0x2  }
0x4f: {  	v6 =	vshrl.u32 v6, $0x10;
	v7 =	vand.u32 $0x3FFF, v7  }
0x50: {  	vm12 =	veq.s32 v6, v2;
	vm13 =	veq.s32 v6, v3;
	vm14 =	veq.s32 v6, v4  }
0x51: {  	vm15 =	veq.s32 v6, v5;
	v57 =	vor.u32 $0x4000, v7;
	vm0 =	vmor vm12, vm13  }
0x52: {  	vm6 =	vmor vm14, vm15;
	v6 =	vsel vm13, v57, v7  }
0x53: {  	v7 =	vsel vm15, v57, v7;
	_ =	sdelay $0x3  }
0x54: {  	[tilespmem:v6+s17+$0x0] =	vst.idx.add.s32.msk vm0, v1  }
0x55: {  	[tilespmem:v7+s18+$0x0] =	vst.idx.add.s32.msk vm6, v1  }
0x56: {  	v6 =	vld [tilespmem:s25+$0xFFFFFFE0];
	_ =	sdelay $0x4  }
0x57: {  	v7 =	vshra.s32 v6, $0x1F  }
0x58: {  	v7 =	vor.u32 $0x80000000, v7  }
0x59: {  	v6 =	vxor.u32 v6, v7  }
0x5a: {  	v7 =	vshrl.u32 v6, $0x2  }
0x5b: {  	v6 =	vshrl.u32 v6, $0x10;
	v7 =	vand.u32 $0x3FFF, v7  }
0x5c: {  	vm7 =	veq.s32 v6, v2;
	vm8 =	veq.s32 v6, v3;
	vm9 =	veq.s32 v6, v4  }
0x5d: {  	vm10 =	veq.s32 v6, v5;
	v58 =	vor.u32 $0x4000, v7;
	vm0 =	vmor vm7, vm8  }
0x5e: {  	vm11 =	vmor vm9, vm10;
	v6 =	vsel vm8, v58, v7  }
0x5f: {  	v7 =	vsel vm10, v58, v7;
	_ =	sdelay $0x3  }
0x60: {  	[tilespmem:v6+s17+$0x0] =	vst.idx.add.s32.msk vm0, v1  }
0x61: {  	[tilespmem:v7+s18+$0x0] =	vst.idx.add.s32.msk vm11, v1  }
0x62: {  	v6 =	vld [tilespmem:s25+$0xFFFFFFF0];
	_ =	sdelay $0x4  }
0x63: {  	v7 =	vshra.s32 v6, $0x1F  }
0x64: {  	v7 =	vor.u32 $0x80000000, v7  }
0x65: {  	v6 =	vxor.u32 v6, v7  }
0x66: {  	v7 =	vshrl.u32 v6, $0x2  }
0x67: {  	v6 =	vshrl.u32 v6, $0x10;
	v7 =	vand.u32 $0x3FFF, v7  }
0x68: {  	vm12 =	veq.s32 v6, v2;
	vm13 =	veq.s32 v6, v3;
	vm14 =	veq.s32 v6, v4  }
0x69: {  	vm15 =	veq.s32 v6, v5;
	v59 =	vor.u32 $0x4000, v7;
	vm0 =	vmor vm12, vm13  }
0x6a: {  	vm6 =	vmor vm14, vm15;
	v6 =	vsel vm13, v59, v7  }
0x6b: {  	v7 =	vsel vm15, v59, v7;
	_ =	sdelay $0x3  }
0x6c: {  	[tilespmem:v6+s17+$0x0] =	vst.idx.add.s32.msk vm0, v1  }
0x6d: {  	[tilespmem:v7+s18+$0x0] =	vst.idx.add.s32.msk vm6, v1  }
0x6e: {  	v6 =	vld [tilespmem:s25+$0x0];
	_ =	sdelay $0x4  }
0x6f: {  	v7 =	vshra.s32 v6, $0x1F  }
0x70: {  	v7 =	vor.u32 $0x80000000, v7  }
0x71: {  	v6 =	vxor.u32 v6, v7  }
0x72: {  	v7 =	vshrl.u32 v6, $0x2  }
0x73: {  	v6 =	vshrl.u32 v6, $0x10;
	v7 =	vand.u32 $0x3FFF, v7  }
0x74: {  	vm7 =	veq.s32 v6, v2;
	vm8 =	veq.s32 v6, v3;
	vm9 =	veq.s32 v6, v4  }
0x75: {  	vm10 =	veq.s32 v6, v5;
	v60 =	vor.u32 $0x4000, v7;
	vm0 =	vmor vm7, vm8  }
0x76: {  	vm11 =	vmor vm9, vm10;
	v6 =	vsel vm8, v60, v7  }
0x77: {  	v7 =	vsel vm10, v60, v7;
	_ =	sdelay $0x3  }
0x78: {  	[tilespmem:v6+s17+$0x0] =	vst.idx.add.s32.msk vm0, v1  }
0x79: {  	[tilespmem:v7+s18+$0x0] =	vst.idx.add.s32.msk vm11, v1  }
0x7a: {  	v6 =	vld [tilespmem:s25+$0x10];
	_ =	sdelay $0x4  }
0x7b: {  	v7 =	vshra.s32 v6, $0x1F  }
0x7c: {  	v7 =	vor.u32 $0x80000000, v7  }
0x7d: {  	v6 =	vxor.u32 v6, v7  }
0x7e: {  	v7 =	vshrl.u32 v6, $0x2  }
0x7f: {  	v6 =	vshrl.u32 v6, $0x10;
	v7 =	vand.u32 $0x3FFF, v7  }
0x80: {  	vm12 =	veq.s32 v6, v2;
	vm13 =	veq.s32 v6, v3;
	vm14 =	veq.s32 v6, v4  }
0x81: {  	vm15 =	veq.s32 v6, v5;
	v61 =	vor.u32 $0x4000, v7;
	vm0 =	vmor vm12, vm13  }
0x82: {  	vm5 =	vmor vm14, vm15;
	v6 =	vsel vm13, v61, v7  }
0x83: {  	v7 =	vsel vm15, v61, v7;
	_ =	sdelay $0x3  }
0x84: {  	[tilespmem:v6+s17+$0x0] =	vst.idx.add.s32.msk vm0, v1  }
0x85: {  	[tilespmem:v7+s18+$0x0] =	vst.idx.add.s32.msk vm5, v1  }
0x86: {  	v6 =	vld [tilespmem:s25+$0x20];
	_ =	sdelay $0x4  }
0x87: {  	v7 =	vshra.s32 v6, $0x1F  }
0x88: {  	v7 =	vor.u32 $0x80000000, v7  }
0x89: {  	v6 =	vxor.u32 v6, v7  }
0x8a: {  	v7 =	vshrl.u32 v6, $0x2  }
0x8b: {  	v6 =	vshrl.u32 v6, $0x10;
	v7 =	vand.u32 $0x3FFF, v7  }
0x8c: {  	vm6 =	veq.s32 v6, v2;
	vm7 =	veq.s32 v6, v3;
	vm8 =	veq.s32 v6, v4  }
0x8d: {  	vm9 =	veq.s32 v6, v5;
	v62 =	vor.u32 $0x4000, v7;
	vm0 =	vmor vm6, vm7  }
0x8e: {  	vm10 =	vmor vm8, vm9;
	v6 =	vsel vm7, v62, v7  }
0x8f: {  	v7 =	vsel vm9, v62, v7;
	_ =	sdelay $0x3  }
0x90: {  	[tilespmem:v6+s17+$0x0] =	vst.idx.add.s32.msk vm0, v1  }
0x91: {  	[tilespmem:v7+s18+$0x0] =	vst.idx.add.s32.msk vm10, v1  }
0x92: {  	v6 =	vld [tilespmem:s25+$0x30];
	_ =	sdelay $0x4  }
0x93: {  	v7 =	vshra.s32 v6, $0x1F  }
0x94: {  	v7 =	vor.u32 $0x80000000, v7  }
0x95: {  	v6 =	vxor.u32 v6, v7  }
0x96: {  	v7 =	vshrl.u32 v6, $0x2  }
0x97: {  	v6 =	vshrl.u32 v6, $0x10;
	v7 =	vand.u32 $0x3FFF, v7  }
0x98: {  	vm11 =	veq.s32 v6, v2;
	vm12 =	veq.s32 v6, v3;
	vm13 =	veq.s32 v6, v4  }
0x99: {  	vm14 =	veq.s32 v6, v5;
	v63 =	vor.u32 $0x4000, v7;
	vm0 =	vmor vm11, vm12  }
0x9a: {  	s29 =	sadd.s32 $0x8, s29;
	vm15 =	vmor vm13, vm14;
	v6 =	vsel vm12, v63, v7  }
0x9b: {  	p0 =	slt.u32 s29, $0xF8;
	v7 =	vsel vm14, v63, v7  }
.Ltmp1:
0x9c: {  	_ = 	snop;
	(pc) =	sbr.rel @p0 .LBB2_5-.Ltmp1, $3  }
0x9d: {  	_ =	sdelay $0x1  }
0x9e: {  	[tilespmem:v6+s17+$0x0] =	vst.idx.add.s32.msk vm0, v1  }
0x9f: {  	s28 =	simm.s32 $0xF0;
	s25 =	sadd.s32 $0x200, s25;
	[tilespmem:v7+s18+$0x0] =	vst.idx.add.s32.msk vm15, v1  }
.LBB2_6:
0xa0: {  	v6 =	vld [tilespmem:s28+$0xFFFFFF90];
	_ =	sdelay $0x4  }
0xa1: {  	v7 =	vshra.s32 v6, $0x1F  }
0xa2: {  	v7 =	vor.u32 $0x80000000, v7  }
0xa3: {  	v6 =	vxor.u32 v6, v7  }
0xa4: {  	v7 =	vshrl.u32 v6, $0x2  }
0xa5: {  	v6 =	vshrl.u32 v6, $0x10;
	v7 =	vand.u32 $0x3FFF, v7  }
0xa6: {  	vm0 =	veq.s32 v6, v2;
	vm1 =	veq.s32 v6, v3;
	vm2 =	veq.s32 v6, v4  }
0xa7: {  	vm3 =	veq.s32 v6, v5;
	v8 =	vor.u32 $0x4000, v7;
	vm0 =	vmor vm0, vm1  }
0xa8: {  	vm11 =	vmor vm2, vm3;
	v6 =	vsel vm1, v8, v7  }
0xa9: {  	v7 =	vsel vm3, v8, v7;
	_ =	sdelay $0x3  }
0xaa: {  	[tilespmem:v6+s17+$0x0] =	vst.idx.add.s32.msk vm0, v1  }
0xab: {  	[tilespmem:v7+s18+$0x0] =	vst.idx.add.s32.msk vm11, v1  }
0xac: {  	v6 =	vld [tilespmem:s28+$0xFFFFFFA0];
	_ =	sdelay $0x4  }
0xad: {  	v7 =	vshra.s32 v6, $0x1F  }
0xae: {  	v7 =	vor.u32 $0x80000000, v7  }
0xaf: {  	v6 =	vxor.u32 v6, v7  }
0xb0: {  	v7 =	vshrl.u32 v6, $0x2  }
0xb1: {  	v6 =	vshrl.u32 v6, $0x10;
	v7 =	vand.u32 $0x3FFF, v7  }
0xb2: {  	vm12 =	veq.s32 v6, v2;
	vm13 =	veq.s32 v6, v3;
	vm14 =	veq.s32 v6, v4  }
0xb3: {  	vm15 =	veq.s32 v6, v5;
	v57 =	vor.u32 $0x4000, v7;
	vm0 =	vmor vm12, vm13  }
0xb4: {  	vm6 =	vmor vm14, vm15;
	v6 =	vsel vm13, v57, v7  }
0xb5: {  	v7 =	vsel vm15, v57, v7;
	_ =	sdelay $0x3  }
0xb6: {  	[tilespmem:v6+s17+$0x0] =	vst.idx.add.s32.msk vm0, v1  }
0xb7: {  	[tilespmem:v7+s18+$0x0] =	vst.idx.add.s32.msk vm6, v1  }
0xb8: {  	v6 =	vld [tilespmem:s28+$0xFFFFFFB0];
	_ =	sdelay $0x4  }
0xb9: {  	v7 =	vshra.s32 v6, $0x1F  }
0xba: {  	v7 =	vor.u32 $0x80000000, v7  }
0xbb: {  	v6 =	vxor.u32 v6, v7  }
0xbc: {  	v7 =	vshrl.u32 v6, $0x2  }
0xbd: {  	v6 =	vshrl.u32 v6, $0x10;
	v7 =	vand.u32 $0x3FFF, v7  }
0xbe: {  	vm7 =	veq.s32 v6, v2;
	vm8 =	veq.s32 v6, v3;
	vm9 =	veq.s32 v6, v4  }
0xbf: {  	vm10 =	veq.s32 v6, v5;
	v58 =	vor.u32 $0x4000, v7;
	vm0 =	vmor vm7, vm8  }
0xc0: {  	vm11 =	vmor vm9, vm10;
	v6 =	vsel vm8, v58, v7  }
0xc1: {  	v7 =	vsel vm10, v58, v7;
	_ =	sdelay $0x3  }
0xc2: {  	[tilespmem:v6+s17+$0x0] =	vst.idx.add.s32.msk vm0, v1  }
0xc3: {  	[tilespmem:v7+s18+$0x0] =	vst.idx.add.s32.msk vm11, v1  }
0xc4: {  	v6 =	vld [tilespmem:s28+$0xFFFFFFC0];
	_ =	sdelay $0x4  }
0xc5: {  	v7 =	vshra.s32 v6, $0x1F  }
0xc6: {  	v7 =	vor.u32 $0x80000000, v7  }
0xc7: {  	v6 =	vxor.u32 v6, v7  }
0xc8: {  	v7 =	vshrl.u32 v6, $0x2  }
0xc9: {  	v6 =	vshrl.u32 v6, $0x10;
	v7 =	vand.u32 $0x3FFF, v7  }
0xca: {  	vm12 =	veq.s32 v6, v2;
	vm13 =	veq.s32 v6, v3;
	vm14 =	veq.s32 v6, v4  }
0xcb: {  	vm15 =	veq.s32 v6, v5;
	v59 =	vor.u32 $0x4000, v7;
	vm0 =	vmor vm12, vm13  }
0xcc: {  	vm6 =	vmor vm14, vm15;
	v6 =	vsel vm13, v59, v7  }
0xcd: {  	v7 =	vsel vm15, v59, v7;
	_ =	sdelay $0x3  }
0xce: {  	[tilespmem:v6+s17+$0x0] =	vst.idx.add.s32.msk vm0, v1  }
0xcf: {  	[tilespmem:v7+s18+$0x0] =	vst.idx.add.s32.msk vm6, v1  }
0xd0: {  	v6 =	vld [tilespmem:s28+$0xFFFFFFD0];
	_ =	sdelay $0x4  }
0xd1: {  	v7 =	vshra.s32 v6, $0x1F  }
0xd2: {  	v7 =	vor.u32 $0x80000000, v7  }
0xd3: {  	v6 =	vxor.u32 v6, v7  }
0xd4: {  	v7 =	vshrl.u32 v6, $0x2  }
0xd5: {  	v6 =	vshrl.u32 v6, $0x10;
	v7 =	vand.u32 $0x3FFF, v7  }
0xd6: {  	vm7 =	veq.s32 v6, v2;
	vm8 =	veq.s32 v6, v3;
	vm9 =	veq.s32 v6, v4  }
0xd7: {  	vm10 =	veq.s32 v6, v5;
	v60 =	vor.u32 $0x4000, v7;
	vm0 =	vmor vm7, vm8  }
0xd8: {  	vm11 =	vmor vm9, vm10;
	v6 =	vsel vm8, v60, v7  }
0xd9: {  	v7 =	vsel vm10, v60, v7;
	_ =	sdelay $0x3  }
0xda: {  	[tilespmem:v6+s17+$0x0] =	vst.idx.add.s32.msk vm0, v1  }
0xdb: {  	[tilespmem:v7+s18+$0x0] =	vst.idx.add.s32.msk vm11, v1  }
0xdc: {  	v6 =	vld [tilespmem:s28+$0xFFFFFFE0];
	_ =	sdelay $0x4  }
0xdd: {  	v7 =	vshra.s32 v6, $0x1F  }
0xde: {  	v7 =	vor.u32 $0x80000000, v7  }
0xdf: {  	v6 =	vxor.u32 v6, v7  }
0xe0: {  	v7 =	vshrl.u32 v6, $0x2  }
0xe1: {  	v6 =	vshrl.u32 v6, $0x10;
	v7 =	vand.u32 $0x3FFF, v7  }
0xe2: {  	vm12 =	veq.s32 v6, v2;
	vm13 =	veq.s32 v6, v3;
	vm14 =	veq.s32 v6, v4  }
0xe3: {  	vm15 =	veq.s32 v6, v5;
	v61 =	vor.u32 $0x4000, v7;
	vm0 =	vmor vm12, vm13  }
0xe4: {  	vm5 =	vmor vm14, vm15;
	v6 =	vsel vm13, v61, v7  }
0xe5: {  	v7 =	vsel vm15, v61, v7;
	_ =	sdelay $0x3  }
0xe6: {  	[tilespmem:v6+s17+$0x0] =	vst.idx.add.s32.msk vm0, v1  }
0xe7: {  	[tilespmem:v7+s18+$0x0] =	vst.idx.add.s32.msk vm5, v1  }
0xe8: {  	v6 =	vld [tilespmem:s28+$0xFFFFFFF0];
	_ =	sdelay $0x4  }
0xe9: {  	v7 =	vshra.s32 v6, $0x1F  }
0xea: {  	v7 =	vor.u32 $0x80000000, v7  }
0xeb: {  	v6 =	vxor.u32 v6, v7  }
0xec: {  	v7 =	vshrl.u32 v6, $0x2  }
0xed: {  	v6 =	vshrl.u32 v6, $0x10;
	v7 =	vand.u32 $0x3FFF, v7  }
0xee: {  	vm6 =	veq.s32 v6, v2;
	vm7 =	veq.s32 v6, v3;
	vm8 =	veq.s32 v6, v4  }
0xef: {  	vm9 =	veq.s32 v6, v5;
	v62 =	vor.u32 $0x4000, v7;
	vm0 =	vmor vm6, vm7  }
0xf0: {  	vm10 =	vmor vm8, vm9;
	v6 =	vsel vm7, v62, v7  }
0xf1: {  	v7 =	vsel vm9, v62, v7;
	_ =	sdelay $0x3  }
0xf2: {  	[tilespmem:v6+s17+$0x0] =	vst.idx.add.s32.msk vm0, v1  }
0xf3: {  	[tilespmem:v7+s18+$0x0] =	vst.idx.add.s32.msk vm10, v1  }
0xf4: {  	v6 =	vld [tilespmem:s28+$0x0];
	_ =	sdelay $0x4  }
0xf5: {  	v7 =	vshra.s32 v6, $0x1F  }
0xf6: {  	v7 =	vor.u32 $0x80000000, v7  }
0xf7: {  	v6 =	vxor.u32 v6, v7  }
0xf8: {  	v7 =	vshrl.u32 v6, $0x2  }
0xf9: {  	v6 =	vshrl.u32 v6, $0x10;
	v7 =	vand.u32 $0x3FFF, v7  }
0xfa: {  	vm11 =	veq.s32 v6, v2;
	vm12 =	veq.s32 v6, v3;
	vm13 =	veq.s32 v6, v4  }
0xfb: {  	vm14 =	veq.s32 v6, v5;
	v63 =	vor.u32 $0x4000, v7;
	vm0 =	vmor vm11, vm12  }
0xfc: {  	s26 =	sadd.s32 $0x8, s26;
	vm15 =	vmor vm13, vm14;
	v6 =	vsel vm12, v63, v7  }
0xfd: {  	p0 =	slt.u32 s26, $0xF8;
	v7 =	vsel vm14, v63, v7  }
.Ltmp2:
0xfe: {  	_ = 	snop;
	(pc) =	sbr.rel @p0 .LBB2_6-.Ltmp2, $3  }
0xff: {  	_ =	sdelay $0x1  }
0x100: {  	[tilespmem:v6+s17+$0x0] =	vst.idx.add.s32.msk vm0, v1  }
0x101: {  	s25 =	simm.s32 $0xFFFFFFF8;
	s29 =	simm.s32 $0x170;
	s28 =	sadd.s32 $0x200, s28;
	[tilespmem:v7+s18+$0x0] =	vst.idx.add.s32.msk vm15, v1  }
0x102: {  	s28 =	simm.s32 $0xFFFFFFF8  }
.LBB2_8:
0x103: {  	v6 =	vld [tilespmem:s29+$0xFFFFFF90];
	_ =	sdelay $0x4  }
0x104: {  	v7 =	vshra.s32 v6, $0x1F  }
0x105: {  	v7 =	vor.u32 $0x80000000, v7  }
0x106: {  	v6 =	vxor.u32 v6, v7  }
0x107: {  	v7 =	vshrl.u32 v6, $0x2  }
0x108: {  	v6 =	vshrl.u32 v6, $0x10;
	v7 =	vand.u32 $0x3FFF, v7  }
0x109: {  	vm0 =	veq.s32 v6, v2;
	vm1 =	veq.s32 v6, v3;
	vm2 =	veq.s32 v6, v4  }
0x10a: {  	vm3 =	veq.s32 v6, v5;
	v8 =	vor.u32 $0x4000, v7;
	vm0 =	vmor vm0, vm1  }
0x10b: {  	vm11 =	vmor vm2, vm3;
	v6 =	vsel vm1, v8, v7  }
0x10c: {  	v7 =	vsel vm3, v8, v7;
	_ =	sdelay $0x3  }
0x10d: {  	[tilespmem:v6+s17+$0x0] =	vst.idx.add.s32.msk vm0, v1  }
0x10e: {  	[tilespmem:v7+s18+$0x0] =	vst.idx.add.s32.msk vm11, v1  }
0x10f: {  	v6 =	vld [tilespmem:s29+$0xFFFFFFA0];
	_ =	sdelay $0x4  }
0x110: {  	v7 =	vshra.s32 v6, $0x1F  }
0x111: {  	v7 =	vor.u32 $0x80000000, v7  }
0x112: {  	v6 =	vxor.u32 v6, v7  }
0x113: {  	v7 =	vshrl.u32 v6, $0x2  }
0x114: {  	v6 =	vshrl.u32 v6, $0x10;
	v7 =	vand.u32 $0x3FFF, v7  }
0x115: {  	vm12 =	veq.s32 v6, v2;
	vm13 =	veq.s32 v6, v3;
	vm14 =	veq.s32 v6, v4  }
0x116: {  	vm15 =	veq.s32 v6, v5;
	v57 =	vor.u32 $0x4000, v7;
	vm0 =	vmor vm12, vm13  }
0x117: {  	vm6 =	vmor vm14, vm15;
	v6 =	vsel vm13, v57, v7  }
0x118: {  	v7 =	vsel vm15, v57, v7;
	_ =	sdelay $0x3  }
0x119: {  	[tilespmem:v6+s17+$0x0] =	vst.idx.add.s32.msk vm0, v1  }
0x11a: {  	[tilespmem:v7+s18+$0x0] =	vst.idx.add.s32.msk vm6, v1  }
0x11b: {  	v6 =	vld [tilespmem:s29+$0xFFFFFFB0];
	_ =	sdelay $0x4  }
0x11c: {  	v7 =	vshra.s32 v6, $0x1F  }
0x11d: {  	v7 =	vor.u32 $0x80000000, v7  }
0x11e: {  	v6 =	vxor.u32 v6, v7  }
0x11f: {  	v7 =	vshrl.u32 v6, $0x2  }
0x120: {  	v6 =	vshrl.u32 v6, $0x10;
	v7 =	vand.u32 $0x3FFF, v7  }
0x121: {  	vm7 =	veq.s32 v6, v2;
	vm8 =	veq.s32 v6, v3;
	vm9 =	veq.s32 v6, v4  }
0x122: {  	vm10 =	veq.s32 v6, v5;
	v58 =	vor.u32 $0x4000, v7;
	vm0 =	vmor vm7, vm8  }
0x123: {  	vm11 =	vmor vm9, vm10;
	v6 =	vsel vm8, v58, v7  }
0x124: {  	v7 =	vsel vm10, v58, v7;
	_ =	sdelay $0x3  }
0x125: {  	[tilespmem:v6+s17+$0x0] =	vst.idx.add.s32.msk vm0, v1  }
0x126: {  	[tilespmem:v7+s18+$0x0] =	vst.idx.add.s32.msk vm11, v1  }
0x127: {  	v6 =	vld [tilespmem:s29+$0xFFFFFFC0];
	_ =	sdelay $0x4  }
0x128: {  	v7 =	vshra.s32 v6, $0x1F  }
0x129: {  	v7 =	vor.u32 $0x80000000, v7  }
0x12a: {  	v6 =	vxor.u32 v6, v7  }
0x12b: {  	v7 =	vshrl.u32 v6, $0x2  }
0x12c: {  	v6 =	vshrl.u32 v6, $0x10;
	v7 =	vand.u32 $0x3FFF, v7  }
0x12d: {  	vm12 =	veq.s32 v6, v2;
	vm13 =	veq.s32 v6, v3;
	vm14 =	veq.s32 v6, v4  }
0x12e: {  	vm15 =	veq.s32 v6, v5;
	v59 =	vor.u32 $0x4000, v7;
	vm0 =	vmor vm12, vm13  }
0x12f: {  	vm6 =	vmor vm14, vm15;
	v6 =	vsel vm13, v59, v7  }
0x130: {  	v7 =	vsel vm15, v59, v7;
	_ =	sdelay $0x3  }
0x131: {  	[tilespmem:v6+s17+$0x0] =	vst.idx.add.s32.msk vm0, v1  }
0x132: {  	[tilespmem:v7+s18+$0x0] =	vst.idx.add.s32.msk vm6, v1  }
0x133: {  	v6 =	vld [tilespmem:s29+$0xFFFFFFD0];
	_ =	sdelay $0x4  }
0x134: {  	v7 =	vshra.s32 v6, $0x1F  }
0x135: {  	v7 =	vor.u32 $0x80000000, v7  }
0x136: {  	v6 =	vxor.u32 v6, v7  }
0x137: {  	v7 =	vshrl.u32 v6, $0x2  }
0x138: {  	v6 =	vshrl.u32 v6, $0x10;
	v7 =	vand.u32 $0x3FFF, v7  }
0x139: {  	vm7 =	veq.s32 v6, v2;
	vm8 =	veq.s32 v6, v3;
	vm9 =	veq.s32 v6, v4  }
0x13a: {  	vm10 =	veq.s32 v6, v5;
	v60 =	vor.u32 $0x4000, v7;
	vm0 =	vmor vm7, vm8  }
0x13b: {  	vm11 =	vmor vm9, vm10;
	v6 =	vsel vm8, v60, v7  }
0x13c: {  	v7 =	vsel vm10, v60, v7;
	_ =	sdelay $0x3  }
0x13d: {  	[tilespmem:v6+s17+$0x0] =	vst.idx.add.s32.msk vm0, v1  }
0x13e: {  	[tilespmem:v7+s18+$0x0] =	vst.idx.add.s32.msk vm11, v1  }
0x13f: {  	v6 =	vld [tilespmem:s29+$0xFFFFFFE0];
	_ =	sdelay $0x4  }
0x140: {  	v7 =	vshra.s32 v6, $0x1F  }
0x141: {  	v7 =	vor.u32 $0x80000000, v7  }
0x142: {  	v6 =	vxor.u32 v6, v7  }
0x143: {  	v7 =	vshrl.u32 v6, $0x2  }
0x144: {  	v6 =	vshrl.u32 v6, $0x10;
	v7 =	vand.u32 $0x3FFF, v7  }
0x145: {  	vm12 =	veq.s32 v6, v2;
	vm13 =	veq.s32 v6, v3;
	vm14 =	veq.s32 v6, v4  }
0x146: {  	vm15 =	veq.s32 v6, v5;
	v61 =	vor.u32 $0x4000, v7;
	vm0 =	vmor vm12, vm13  }
0x147: {  	vm5 =	vmor vm14, vm15;
	v6 =	vsel vm13, v61, v7  }
0x148: {  	v7 =	vsel vm15, v61, v7;
	_ =	sdelay $0x3  }
0x149: {  	[tilespmem:v6+s17+$0x0] =	vst.idx.add.s32.msk vm0, v1  }
0x14a: {  	[tilespmem:v7+s18+$0x0] =	vst.idx.add.s32.msk vm5, v1  }
0x14b: {  	v6 =	vld [tilespmem:s29+$0xFFFFFFF0];
	_ =	sdelay $0x4  }
0x14c: {  	v7 =	vshra.s32 v6, $0x1F  }
0x14d: {  	v7 =	vor.u32 $0x80000000, v7  }
0x14e: {  	v6 =	vxor.u32 v6, v7  }
0x14f: {  	v7 =	vshrl.u32 v6, $0x2  }
0x150: {  	v6 =	vshrl.u32 v6, $0x10;
	v7 =	vand.u32 $0x3FFF, v7  }
0x151: {  	vm6 =	veq.s32 v6, v2;
	vm7 =	veq.s32 v6, v3;
	vm8 =	veq.s32 v6, v4  }
0x152: {  	vm9 =	veq.s32 v6, v5;
	v62 =	vor.u32 $0x4000, v7;
	vm0 =	vmor vm6, vm7  }
0x153: {  	vm10 =	vmor vm8, vm9;
	v6 =	vsel vm7, v62, v7  }
0x154: {  	v7 =	vsel vm9, v62, v7;
	_ =	sdelay $0x3  }
0x155: {  	[tilespmem:v6+s17+$0x0] =	vst.idx.add.s32.msk vm0, v1  }
0x156: {  	[tilespmem:v7+s18+$0x0] =	vst.idx.add.s32.msk vm10, v1  }
0x157: {  	v6 =	vld [tilespmem:s29+$0x0];
	_ =	sdelay $0x4  }
0x158: {  	v7 =	vshra.s32 v6, $0x1F  }
0x159: {  	v7 =	vor.u32 $0x80000000, v7  }
0x15a: {  	v6 =	vxor.u32 v6, v7  }
0x15b: {  	v7 =	vshrl.u32 v6, $0x2  }
0x15c: {  	v6 =	vshrl.u32 v6, $0x10;
	v7 =	vand.u32 $0x3FFF, v7  }
0x15d: {  	vm11 =	veq.s32 v6, v2;
	vm12 =	veq.s32 v6, v3;
	vm13 =	veq.s32 v6, v4  }
0x15e: {  	vm14 =	veq.s32 v6, v5;
	v63 =	vor.u32 $0x4000, v7;
	vm0 =	vmor vm11, vm12  }
0x15f: {  	s28 =	sadd.s32 $0x8, s28;
	vm15 =	vmor vm13, vm14;
	v6 =	vsel vm12, v63, v7  }
0x160: {  	p0 =	slt.u32 s28, $0xF8;
	v7 =	vsel vm14, v63, v7  }
.Ltmp3:
0x161: {  	_ = 	snop;
	(pc) =	sbr.rel @p0 .LBB2_8-.Ltmp3, $3  }
0x162: {  	_ =	sdelay $0x1  }
0x163: {  	[tilespmem:v6+s17+$0x0] =	vst.idx.add.s32.msk vm0, v1  }
0x164: {  	s26 =	simm.s32 $0x1F0;
	s29 =	sadd.s32 $0x200, s29;
	[tilespmem:v7+s18+$0x0] =	vst.idx.add.s32.msk vm15, v1  }
.LBB2_9:
0x165: {  	v6 =	vld [tilespmem:s26+$0xFFFFFF90];
	_ =	sdelay $0x4  }
0x166: {  	v7 =	vshra.s32 v6, $0x1F  }
0x167: {  	v7 =	vor.u32 $0x80000000, v7  }
0x168: {  	v6 =	vxor.u32 v6, v7  }
0x169: {  	v7 =	vshrl.u32 v6, $0x2  }
0x16a: {  	v6 =	vshrl.u32 v6, $0x10;
	v7 =	vand.u32 $0x3FFF, v7  }
0x16b: {  	vm0 =	veq.s32 v6, v2;
	vm1 =	veq.s32 v6, v3;
	vm2 =	veq.s32 v6, v4  }
0x16c: {  	vm3 =	veq.s32 v6, v5;
	v8 =	vor.u32 $0x4000, v7;
	vm0 =	vmor vm0, vm1  }
0x16d: {  	vm11 =	vmor vm2, vm3;
	v6 =	vsel vm1, v8, v7  }
0x16e: {  	v7 =	vsel vm3, v8, v7;
	_ =	sdelay $0x3  }
0x16f: {  	[tilespmem:v6+s17+$0x0] =	vst.idx.add.s32.msk vm0, v1  }
0x170: {  	[tilespmem:v7+s18+$0x0] =	vst.idx.add.s32.msk vm11, v1  }
0x171: {  	v6 =	vld [tilespmem:s26+$0xFFFFFFA0];
	_ =	sdelay $0x4  }
0x172: {  	v7 =	vshra.s32 v6, $0x1F  }
0x173: {  	v7 =	vor.u32 $0x80000000, v7  }
0x174: {  	v6 =	vxor.u32 v6, v7  }
0x175: {  	v7 =	vshrl.u32 v6, $0x2  }
0x176: {  	v6 =	vshrl.u32 v6, $0x10;
	v7 =	vand.u32 $0x3FFF, v7  }
0x177: {  	vm12 =	veq.s32 v6, v2;
	vm13 =	veq.s32 v6, v3;
	vm14 =	veq.s32 v6, v4  }
0x178: {  	vm15 =	veq.s32 v6, v5;
	v57 =	vor.u32 $0x4000, v7;
	vm0 =	vmor vm12, vm13  }
0x179: {  	vm6 =	vmor vm14, vm15;
	v6 =	vsel vm13, v57, v7  }
0x17a: {  	v7 =	vsel vm15, v57, v7;
	_ =	sdelay $0x3  }
0x17b: {  	[tilespmem:v6+s17+$0x0] =	vst.idx.add.s32.msk vm0, v1  }
0x17c: {  	[tilespmem:v7+s18+$0x0] =	vst.idx.add.s32.msk vm6, v1  }
0x17d: {  	v6 =	vld [tilespmem:s26+$0xFFFFFFB0];
	_ =	sdelay $0x4  }
0x17e: {  	v7 =	vshra.s32 v6, $0x1F  }
0x17f: {  	v7 =	vor.u32 $0x80000000, v7  }
0x180: {  	v6 =	vxor.u32 v6, v7  }
0x181: {  	v7 =	vshrl.u32 v6, $0x2  }
0x182: {  	v6 =	vshrl.u32 v6, $0x10;
	v7 =	vand.u32 $0x3FFF, v7  }
0x183: {  	vm7 =	veq.s32 v6, v2;
	vm8 =	veq.s32 v6, v3;
	vm9 =	veq.s32 v6, v4  }
0x184: {  	vm10 =	veq.s32 v6, v5;
	v58 =	vor.u32 $0x4000, v7;
	vm0 =	vmor vm7, vm8  }
0x185: {  	vm11 =	vmor vm9, vm10;
	v6 =	vsel vm8, v58, v7  }
0x186: {  	v7 =	vsel vm10, v58, v7;
	_ =	sdelay $0x3  }
0x187: {  	[tilespmem:v6+s17+$0x0] =	vst.idx.add.s32.msk vm0, v1  }
0x188: {  	[tilespmem:v7+s18+$0x0] =	vst.idx.add.s32.msk vm11, v1  }
0x189: {  	v6 =	vld [tilespmem:s26+$0xFFFFFFC0];
	_ =	sdelay $0x4  }
0x18a: {  	v7 =	vshra.s32 v6, $0x1F  }
0x18b: {  	v7 =	vor.u32 $0x80000000, v7  }
0x18c: {  	v6 =	vxor.u32 v6, v7  }
0x18d: {  	v7 =	vshrl.u32 v6, $0x2  }
0x18e: {  	v6 =	vshrl.u32 v6, $0x10;
	v7 =	vand.u32 $0x3FFF, v7  }
0x18f: {  	vm12 =	veq.s32 v6, v2;
	vm13 =	veq.s32 v6, v3;
	vm14 =	veq.s32 v6, v4  }
0x190: {  	vm15 =	veq.s32 v6, v5;
	v59 =	vor.u32 $0x4000, v7;
	vm0 =	vmor vm12, vm13  }
0x191: {  	vm6 =	vmor vm14, vm15;
	v6 =	vsel vm13, v59, v7  }
0x192: {  	v7 =	vsel vm15, v59, v7;
	_ =	sdelay $0x3  }
0x193: {  	[tilespmem:v6+s17+$0x0] =	vst.idx.add.s32.msk vm0, v1  }
0x194: {  	[tilespmem:v7+s18+$0x0] =	vst.idx.add.s32.msk vm6, v1  }
0x195: {  	v6 =	vld [tilespmem:s26+$0xFFFFFFD0];
	_ =	sdelay $0x4  }
0x196: {  	v7 =	vshra.s32 v6, $0x1F  }
0x197: {  	v7 =	vor.u32 $0x80000000, v7  }
0x198: {  	v6 =	vxor.u32 v6, v7  }
0x199: {  	v7 =	vshrl.u32 v6, $0x2  }
0x19a: {  	v6 =	vshrl.u32 v6, $0x10;
	v7 =	vand.u32 $0x3FFF, v7  }
0x19b: {  	vm7 =	veq.s32 v6, v2;
	vm8 =	veq.s32 v6, v3;
	vm9 =	veq.s32 v6, v4  }
0x19c: {  	vm10 =	veq.s32 v6, v5;
	v60 =	vor.u32 $0x4000, v7;
	vm0 =	vmor vm7, vm8  }
0x19d: {  	vm11 =	vmor vm9, vm10;
	v6 =	vsel vm8, v60, v7  }
0x19e: {  	v7 =	vsel vm10, v60, v7;
	_ =	sdelay $0x3  }
0x19f: {  	[tilespmem:v6+s17+$0x0] =	vst.idx.add.s32.msk vm0, v1  }
0x1a0: {  	[tilespmem:v7+s18+$0x0] =	vst.idx.add.s32.msk vm11, v1  }
0x1a1: {  	v6 =	vld [tilespmem:s26+$0xFFFFFFE0];
	_ =	sdelay $0x4  }
0x1a2: {  	v7 =	vshra.s32 v6, $0x1F  }
0x1a3: {  	v7 =	vor.u32 $0x80000000, v7  }
0x1a4: {  	v6 =	vxor.u32 v6, v7  }
0x1a5: {  	v7 =	vshrl.u32 v6, $0x2  }
0x1a6: {  	v6 =	vshrl.u32 v6, $0x10;
	v7 =	vand.u32 $0x3FFF, v7  }
0x1a7: {  	vm12 =	veq.s32 v6, v2;
	vm13 =	veq.s32 v6, v3;
	vm14 =	veq.s32 v6, v4  }
0x1a8: {  	vm15 =	veq.s32 v6, v5;
	v61 =	vor.u32 $0x4000, v7;
	vm0 =	vmor vm12, vm13  }
0x1a9: {  	vm5 =	vmor vm14, vm15;
	v6 =	vsel vm13, v61, v7  }
0x1aa: {  	v7 =	vsel vm15, v61, v7;
	_ =	sdelay $0x3  }
0x1ab: {  	[tilespmem:v6+s17+$0x0] =	vst.idx.add.s32.msk vm0, v1  }
0x1ac: {  	[tilespmem:v7+s18+$0x0] =	vst.idx.add.s32.msk vm5, v1  }
0x1ad: {  	v6 =	vld [tilespmem:s26+$0xFFFFFFF0];
	_ =	sdelay $0x4  }
0x1ae: {  	v7 =	vshra.s32 v6, $0x1F  }
0x1af: {  	v7 =	vor.u32 $0x80000000, v7  }
0x1b0: {  	v6 =	vxor.u32 v6, v7  }
0x1b1: {  	v7 =	vshrl.u32 v6, $0x2  }
0x1b2: {  	v6 =	vshrl.u32 v6, $0x10;
	v7 =	vand.u32 $0x3FFF, v7  }
0x1b3: {  	vm6 =	veq.s32 v6, v2;
	vm7 =	veq.s32 v6, v3;
	vm8 =	veq.s32 v6, v4  }
0x1b4: {  	vm9 =	veq.s32 v6, v5;
	v62 =	vor.u32 $0x4000, v7;
	vm0 =	vmor vm6, vm7  }
0x1b5: {  	vm10 =	vmor vm8, vm9;
	v6 =	vsel vm7, v62, v7  }
0x1b6: {  	v7 =	vsel vm9, v62, v7;
	_ =	sdelay $0x3  }
0x1b7: {  	[tilespmem:v6+s17+$0x0] =	vst.idx.add.s32.msk vm0, v1  }
0x1b8: {  	[tilespmem:v7+s18+$0x0] =	vst.idx.add.s32.msk vm10, v1  }
0x1b9: {  	v6 =	vld [tilespmem:s26+$0x0];
	_ =	sdelay $0x4  }
0x1ba: {  	v7 =	vshra.s32 v6, $0x1F  }
0x1bb: {  	v7 =	vor.u32 $0x80000000, v7  }
0x1bc: {  	v6 =	vxor.u32 v6, v7  }
0x1bd: {  	v7 =	vshrl.u32 v6, $0x2  }
0x1be: {  	v6 =	vshrl.u32 v6, $0x10;
	v7 =	vand.u32 $0x3FFF, v7  }
0x1bf: {  	vm11 =	veq.s32 v6, v2;
	vm12 =	veq.s32 v6, v3;
	vm13 =	veq.s32 v6, v4  }
0x1c0: {  	vm14 =	veq.s32 v6, v5;
	v63 =	vor.u32 $0x4000, v7;
	vm0 =	vmor vm11, vm12  }
0x1c1: {  	s25 =	sadd.s32 $0x8, s25;
	vm15 =	vmor vm13, vm14;
	v6 =	vsel vm12, v63, v7  }
0x1c2: {  	p0 =	slt.u32 s25, $0xF8;
	v7 =	vsel vm14, v63, v7  }
.Ltmp4:
0x1c3: {  	_ = 	snop;
	(pc) =	sbr.rel @p0 .LBB2_9-.Ltmp4, $3  }
0x1c4: {  	_ =	sdelay $0x1  }
0x1c5: {  	[tilespmem:v6+s17+$0x0] =	vst.idx.add.s32.msk vm0, v1  }
0x1c6: {  	s26 =	sadd.s32 $0x200, s26;
	[tilespmem:v7+s18+$0x0] =	vst.idx.add.s32.msk vm15, v1  }
0x1c7: {  	p0 =	seq.s32 s23, $0xF  }
0x1c8: {  	s24 =	sadd.s32 @!p0 s24, s7  }
0x1c9: {  	s25 =	simm.s32 @!p0 $0x200;
	s26 =	simm.s32 @!p0 $0x400;
	s28 =	simm.s32 @!p0 $0x0  }
0x1ca: {  	[tilespmem:s28], [sflag:$0x1] =	stream.strided.gather @!p0 [hbm4b:s24+s25], $0x4000, s26, s25, $0x38;
	[tilespmem:$0x18080] =	vst v63  }
0x1cb: {  	_ =	swait.ge [sflag:s19], $0x4000  }
0x1cc: {  	s25 =	simm.s32 $0xFFFFFFF8;
	[sflag:s19] =	ssyncset.done $0x0  }
0x1cd: {  	s24 =	simm.s32 $0x4040;
	s28 =	simm.s32 $0xFFFFFFF8;
	[sflag:s19] =	ssyncadd.s32 $0xFFFFC000  }
.LBB2_11:
0x1ce: {  	v6 =	vld [tilespmem:s24+$0xFFFFFFC0];
	_ =	sdelay $0x4  }
0x1cf: {  	v7 =	vshra.s32 v6, $0x1F  }
0x1d0: {  	v7 =	vor.u32 $0x80000000, v7  }
0x1d1: {  	v6 =	vxor.u32 v6, v7  }
0x1d2: {  	v7 =	vshrl.u32 v6, $0x2  }
0x1d3: {  	v6 =	vshrl.u32 v6, $0x10;
	v7 =	vand.u32 $0x3FFF, v7  }
0x1d4: {  	vm0 =	veq.s32 v6, v2;
	vm1 =	veq.s32 v6, v3;
	vm2 =	veq.s32 v6, v4  }
0x1d5: {  	vm3 =	veq.s32 v6, v5;
	v8 =	vor.u32 $0x4000, v7;
	vm0 =	vmor vm0, vm1  }
0x1d6: {  	vm11 =	vmor vm2, vm3;
	v6 =	vsel vm1, v8, v7  }
0x1d7: {  	v7 =	vsel vm3, v8, v7;
	_ =	sdelay $0x3  }
0x1d8: {  	[tilespmem:v6+s17+$0x0] =	vst.idx.add.s32.msk vm0, v1  }
0x1d9: {  	[tilespmem:v7+s18+$0x0] =	vst.idx.add.s32.msk vm11, v1  }
0x1da: {  	v6 =	vld [tilespmem:s24+$0xFFFFFFD0];
	_ =	sdelay $0x4  }
0x1db: {  	v7 =	vshra.s32 v6, $0x1F  }
0x1dc: {  	v7 =	vor.u32 $0x80000000, v7  }
0x1dd: {  	v6 =	vxor.u32 v6, v7  }
0x1de: {  	v7 =	vshrl.u32 v6, $0x2  }
0x1df: {  	v6 =	vshrl.u32 v6, $0x10;
	v7 =	vand.u32 $0x3FFF, v7  }
0x1e0: {  	vm12 =	veq.s32 v6, v2;
	vm13 =	veq.s32 v6, v3;
	vm14 =	veq.s32 v6, v4  }
0x1e1: {  	vm15 =	veq.s32 v6, v5;
	v57 =	vor.u32 $0x4000, v7;
	vm0 =	vmor vm12, vm13  }
0x1e2: {  	vm6 =	vmor vm14, vm15;
	v6 =	vsel vm13, v57, v7  }
0x1e3: {  	v7 =	vsel vm15, v57, v7;
	_ =	sdelay $0x3  }
0x1e4: {  	[tilespmem:v6+s17+$0x0] =	vst.idx.add.s32.msk vm0, v1  }
0x1e5: {  	[tilespmem:v7+s18+$0x0] =	vst.idx.add.s32.msk vm6, v1  }
0x1e6: {  	v6 =	vld [tilespmem:s24+$0xFFFFFFE0];
	_ =	sdelay $0x4  }
0x1e7: {  	v7 =	vshra.s32 v6, $0x1F  }
0x1e8: {  	v7 =	vor.u32 $0x80000000, v7  }
0x1e9: {  	v6 =	vxor.u32 v6, v7  }
0x1ea: {  	v7 =	vshrl.u32 v6, $0x2  }
0x1eb: {  	v6 =	vshrl.u32 v6, $0x10;
	v7 =	vand.u32 $0x3FFF, v7  }
0x1ec: {  	vm7 =	veq.s32 v6, v2;
	vm8 =	veq.s32 v6, v3;
	vm9 =	veq.s32 v6, v4  }
0x1ed: {  	vm10 =	veq.s32 v6, v5;
	v58 =	vor.u32 $0x4000, v7;
	vm0 =	vmor vm7, vm8  }
0x1ee: {  	vm11 =	vmor vm9, vm10;
	v6 =	vsel vm8, v58, v7  }
0x1ef: {  	v7 =	vsel vm10, v58, v7;
	_ =	sdelay $0x3  }
0x1f0: {  	[tilespmem:v6+s17+$0x0] =	vst.idx.add.s32.msk vm0, v1  }
0x1f1: {  	[tilespmem:v7+s18+$0x0] =	vst.idx.add.s32.msk vm11, v1  }
0x1f2: {  	v6 =	vld [tilespmem:s24+$0xFFFFFFF0];
	_ =	sdelay $0x4  }
0x1f3: {  	v7 =	vshra.s32 v6, $0x1F  }
0x1f4: {  	v7 =	vor.u32 $0x80000000, v7  }
0x1f5: {  	v6 =	vxor.u32 v6, v7  }
0x1f6: {  	v7 =	vshrl.u32 v6, $0x2  }
0x1f7: {  	v6 =	vshrl.u32 v6, $0x10;
	v7 =	vand.u32 $0x3FFF, v7  }
0x1f8: {  	vm12 =	veq.s32 v6, v2;
	vm13 =	veq.s32 v6, v3;
	vm14 =	veq.s32 v6, v4  }
0x1f9: {  	vm15 =	veq.s32 v6, v5;
	v59 =	vor.u32 $0x4000, v7;
	vm0 =	vmor vm12, vm13  }
0x1fa: {  	vm6 =	vmor vm14, vm15;
	v6 =	vsel vm13, v59, v7  }
0x1fb: {  	v7 =	vsel vm15, v59, v7;
	_ =	sdelay $0x3  }
0x1fc: {  	[tilespmem:v6+s17+$0x0] =	vst.idx.add.s32.msk vm0, v1  }
0x1fd: {  	[tilespmem:v7+s18+$0x0] =	vst.idx.add.s32.msk vm6, v1  }
0x1fe: {  	v6 =	vld [tilespmem:s24+$0x0];
	_ =	sdelay $0x4  }
0x1ff: {  	v7 =	vshra.s32 v6, $0x1F  }
0x200: {  	v7 =	vor.u32 $0x80000000, v7  }
0x201: {  	v6 =	vxor.u32 v6, v7  }
0x202: {  	v7 =	vshrl.u32 v6, $0x2  }
0x203: {  	v6 =	vshrl.u32 v6, $0x10;
	v7 =	vand.u32 $0x3FFF, v7  }
0x204: {  	vm7 =	veq.s32 v6, v2;
	vm8 =	veq.s32 v6, v3;
	vm9 =	veq.s32 v6, v4  }
0x205: {  	vm10 =	veq.s32 v6, v5;
	v60 =	vor.u32 $0x4000, v7;
	vm0 =	vmor vm7, vm8  }
0x206: {  	vm11 =	vmor vm9, vm10;
	v6 =	vsel vm8, v60, v7  }
0x207: {  	v7 =	vsel vm10, v60, v7;
	_ =	sdelay $0x3  }
0x208: {  	[tilespmem:v6+s17+$0x0] =	vst.idx.add.s32.msk vm0, v1  }
0x209: {  	[tilespmem:v7+s18+$0x0] =	vst.idx.add.s32.msk vm11, v1  }
0x20a: {  	v6 =	vld [tilespmem:s24+$0x10];
	_ =	sdelay $0x4  }
0x20b: {  	v7 =	vshra.s32 v6, $0x1F  }
0x20c: {  	v7 =	vor.u32 $0x80000000, v7  }
0x20d: {  	v6 =	vxor.u32 v6, v7  }
0x20e: {  	v7 =	vshrl.u32 v6, $0x2  }
0x20f: {  	v6 =	vshrl.u32 v6, $0x10;
	v7 =	vand.u32 $0x3FFF, v7  }
0x210: {  	vm12 =	veq.s32 v6, v2;
	vm13 =	veq.s32 v6, v3;
	vm14 =	veq.s32 v6, v4  }
0x211: {  	vm15 =	veq.s32 v6, v5;
	v61 =	vor.u32 $0x4000, v7;
	vm0 =	vmor vm12, vm13  }
0x212: {  	vm5 =	vmor vm14, vm15;
	v6 =	vsel vm13, v61, v7  }
0x213: {  	v7 =	vsel vm15, v61, v7;
	_ =	sdelay $0x3  }
0x214: {  	[tilespmem:v6+s17+$0x0] =	vst.idx.add.s32.msk vm0, v1  }
0x215: {  	[tilespmem:v7+s18+$0x0] =	vst.idx.add.s32.msk vm5, v1  }
0x216: {  	v6 =	vld [tilespmem:s24+$0x20];
	_ =	sdelay $0x4  }
0x217: {  	v7 =	vshra.s32 v6, $0x1F  }
0x218: {  	v7 =	vor.u32 $0x80000000, v7  }
0x219: {  	v6 =	vxor.u32 v6, v7  }
0x21a: {  	v7 =	vshrl.u32 v6, $0x2  }
0x21b: {  	v6 =	vshrl.u32 v6, $0x10;
	v7 =	vand.u32 $0x3FFF, v7  }
0x21c: {  	vm6 =	veq.s32 v6, v2;
	vm7 =	veq.s32 v6, v3;
	vm8 =	veq.s32 v6, v4  }
0x21d: {  	vm9 =	veq.s32 v6, v5;
	v62 =	vor.u32 $0x4000, v7;
	vm0 =	vmor vm6, vm7  }
0x21e: {  	vm10 =	vmor vm8, vm9;
	v6 =	vsel vm7, v62, v7  }
0x21f: {  	v7 =	vsel vm9, v62, v7;
	_ =	sdelay $0x3  }
0x220: {  	[tilespmem:v6+s17+$0x0] =	vst.idx.add.s32.msk vm0, v1  }
0x221: {  	[tilespmem:v7+s18+$0x0] =	vst.idx.add.s32.msk vm10, v1  }
0x222: {  	v6 =	vld [tilespmem:s24+$0x30];
	_ =	sdelay $0x4  }
0x223: {  	v7 =	vshra.s32 v6, $0x1F  }
0x224: {  	v7 =	vor.u32 $0x80000000, v7  }
0x225: {  	v6 =	vxor.u32 v6, v7  }
0x226: {  	v7 =	vshrl.u32 v6, $0x2  }
0x227: {  	v6 =	vshrl.u32 v6, $0x10;
	v7 =	vand.u32 $0x3FFF, v7  }
0x228: {  	vm11 =	veq.s32 v6, v2;
	vm12 =	veq.s32 v6, v3;
	vm13 =	veq.s32 v6, v4  }
0x229: {  	vm14 =	veq.s32 v6, v5;
	v63 =	vor.u32 $0x4000, v7;
	vm0 =	vmor vm11, vm12  }
0x22a: {  	s28 =	sadd.s32 $0x8, s28;
	vm15 =	vmor vm13, vm14;
	v6 =	vsel vm12, v63, v7  }
0x22b: {  	p0 =	slt.u32 s28, $0xF8;
	v7 =	vsel vm14, v63, v7  }
.Ltmp5:
0x22c: {  	_ = 	snop;
	(pc) =	sbr.rel @p0 .LBB2_11-.Ltmp5, $3  }
0x22d: {  	_ =	sdelay $0x1  }
0x22e: {  	[tilespmem:v6+s17+$0x0] =	vst.idx.add.s32.msk vm0, v1  }
0x22f: {  	s26 =	simm.s32 $0x40F0;
	s24 =	sadd.s32 $0x200, s24;
	[tilespmem:v7+s18+$0x0] =	vst.idx.add.s32.msk vm15, v1  }
.LBB2_12:
0x230: {  	v6 =	vld [tilespmem:s26+$0xFFFFFF90];
	_ =	sdelay $0x4  }
0x231: {  	v7 =	vshra.s32 v6, $0x1F  }
0x232: {  	v7 =	vor.u32 $0x80000000, v7  }
0x233: {  	v6 =	vxor.u32 v6, v7  }
0x234: {  	v7 =	vshrl.u32 v6, $0x2  }
0x235: {  	v6 =	vshrl.u32 v6, $0x10;
	v7 =	vand.u32 $0x3FFF, v7  }
0x236: {  	vm0 =	veq.s32 v6, v2;
	vm1 =	veq.s32 v6, v3;
	vm2 =	veq.s32 v6, v4  }
0x237: {  	vm3 =	veq.s32 v6, v5;
	v8 =	vor.u32 $0x4000, v7;
	vm0 =	vmor vm0, vm1  }
0x238: {  	vm11 =	vmor vm2, vm3;
	v6 =	vsel vm1, v8, v7  }
0x239: {  	v7 =	vsel vm3, v8, v7;
	_ =	sdelay $0x3  }
0x23a: {  	[tilespmem:v6+s17+$0x0] =	vst.idx.add.s32.msk vm0, v1  }
0x23b: {  	[tilespmem:v7+s18+$0x0] =	vst.idx.add.s32.msk vm11, v1  }
0x23c: {  	v6 =	vld [tilespmem:s26+$0xFFFFFFA0];
	_ =	sdelay $0x4  }
0x23d: {  	v7 =	vshra.s32 v6, $0x1F  }
0x23e: {  	v7 =	vor.u32 $0x80000000, v7  }
0x23f: {  	v6 =	vxor.u32 v6, v7  }
0x240: {  	v7 =	vshrl.u32 v6, $0x2  }
0x241: {  	v6 =	vshrl.u32 v6, $0x10;
	v7 =	vand.u32 $0x3FFF, v7  }
0x242: {  	vm12 =	veq.s32 v6, v2;
	vm13 =	veq.s32 v6, v3;
	vm14 =	veq.s32 v6, v4  }
0x243: {  	vm15 =	veq.s32 v6, v5;
	v57 =	vor.u32 $0x4000, v7;
	vm0 =	vmor vm12, vm13  }
0x244: {  	vm6 =	vmor vm14, vm15;
	v6 =	vsel vm13, v57, v7  }
0x245: {  	v7 =	vsel vm15, v57, v7;
	_ =	sdelay $0x3  }
0x246: {  	[tilespmem:v6+s17+$0x0] =	vst.idx.add.s32.msk vm0, v1  }
0x247: {  	[tilespmem:v7+s18+$0x0] =	vst.idx.add.s32.msk vm6, v1  }
0x248: {  	v6 =	vld [tilespmem:s26+$0xFFFFFFB0];
	_ =	sdelay $0x4  }
0x249: {  	v7 =	vshra.s32 v6, $0x1F  }
0x24a: {  	v7 =	vor.u32 $0x80000000, v7  }
0x24b: {  	v6 =	vxor.u32 v6, v7  }
0x24c: {  	v7 =	vshrl.u32 v6, $0x2  }
0x24d: {  	v6 =	vshrl.u32 v6, $0x10;
	v7 =	vand.u32 $0x3FFF, v7  }
0x24e: {  	vm7 =	veq.s32 v6, v2;
	vm8 =	veq.s32 v6, v3;
	vm9 =	veq.s32 v6, v4  }
0x24f: {  	vm10 =	veq.s32 v6, v5;
	v58 =	vor.u32 $0x4000, v7;
	vm0 =	vmor vm7, vm8  }
0x250: {  	vm11 =	vmor vm9, vm10;
	v6 =	vsel vm8, v58, v7  }
0x251: {  	v7 =	vsel vm10, v58, v7;
	_ =	sdelay $0x3  }
0x252: {  	[tilespmem:v6+s17+$0x0] =	vst.idx.add.s32.msk vm0, v1  }
0x253: {  	[tilespmem:v7+s18+$0x0] =	vst.idx.add.s32.msk vm11, v1  }
0x254: {  	v6 =	vld [tilespmem:s26+$0xFFFFFFC0];
	_ =	sdelay $0x4  }
0x255: {  	v7 =	vshra.s32 v6, $0x1F  }
0x256: {  	v7 =	vor.u32 $0x80000000, v7  }
0x257: {  	v6 =	vxor.u32 v6, v7  }
0x258: {  	v7 =	vshrl.u32 v6, $0x2  }
0x259: {  	v6 =	vshrl.u32 v6, $0x10;
	v7 =	vand.u32 $0x3FFF, v7  }
0x25a: {  	vm12 =	veq.s32 v6, v2;
	vm13 =	veq.s32 v6, v3;
	vm14 =	veq.s32 v6, v4  }
0x25b: {  	vm15 =	veq.s32 v6, v5;
	v59 =	vor.u32 $0x4000, v7;
	vm0 =	vmor vm12, vm13  }
0x25c: {  	vm6 =	vmor vm14, vm15;
	v6 =	vsel vm13, v59, v7  }
0x25d: {  	v7 =	vsel vm15, v59, v7;
	_ =	sdelay $0x3  }
0x25e: {  	[tilespmem:v6+s17+$0x0] =	vst.idx.add.s32.msk vm0, v1  }
0x25f: {  	[tilespmem:v7+s18+$0x0] =	vst.idx.add.s32.msk vm6, v1  }
0x260: {  	v6 =	vld [tilespmem:s26+$0xFFFFFFD0];
	_ =	sdelay $0x4  }
0x261: {  	v7 =	vshra.s32 v6, $0x1F  }
0x262: {  	v7 =	vor.u32 $0x80000000, v7  }
0x263: {  	v6 =	vxor.u32 v6, v7  }
0x264: {  	v7 =	vshrl.u32 v6, $0x2  }
0x265: {  	v6 =	vshrl.u32 v6, $0x10;
	v7 =	vand.u32 $0x3FFF, v7  }
0x266: {  	vm7 =	veq.s32 v6, v2;
	vm8 =	veq.s32 v6, v3;
	vm9 =	veq.s32 v6, v4  }
0x267: {  	vm10 =	veq.s32 v6, v5;
	v60 =	vor.u32 $0x4000, v7;
	vm0 =	vmor vm7, vm8  }
0x268: {  	vm11 =	vmor vm9, vm10;
	v6 =	vsel vm8, v60, v7  }
0x269: {  	v7 =	vsel vm10, v60, v7;
	_ =	sdelay $0x3  }
0x26a: {  	[tilespmem:v6+s17+$0x0] =	vst.idx.add.s32.msk vm0, v1  }
0x26b: {  	[tilespmem:v7+s18+$0x0] =	vst.idx.add.s32.msk vm11, v1  }
0x26c: {  	v6 =	vld [tilespmem:s26+$0xFFFFFFE0];
	_ =	sdelay $0x4  }
0x26d: {  	v7 =	vshra.s32 v6, $0x1F  }
0x26e: {  	v7 =	vor.u32 $0x80000000, v7  }
0x26f: {  	v6 =	vxor.u32 v6, v7  }
0x270: {  	v7 =	vshrl.u32 v6, $0x2  }
0x271: {  	v6 =	vshrl.u32 v6, $0x10;
	v7 =	vand.u32 $0x3FFF, v7  }
0x272: {  	vm12 =	veq.s32 v6, v2;
	vm13 =	veq.s32 v6, v3;
	vm14 =	veq.s32 v6, v4  }
0x273: {  	vm15 =	veq.s32 v6, v5;
	v61 =	vor.u32 $0x4000, v7;
	vm0 =	vmor vm12, vm13  }
0x274: {  	vm5 =	vmor vm14, vm15;
	v6 =	vsel vm13, v61, v7  }
0x275: {  	v7 =	vsel vm15, v61, v7;
	_ =	sdelay $0x3  }
0x276: {  	[tilespmem:v6+s17+$0x0] =	vst.idx.add.s32.msk vm0, v1  }
0x277: {  	[tilespmem:v7+s18+$0x0] =	vst.idx.add.s32.msk vm5, v1  }
0x278: {  	v6 =	vld [tilespmem:s26+$0xFFFFFFF0];
	_ =	sdelay $0x4  }
0x279: {  	v7 =	vshra.s32 v6, $0x1F  }
0x27a: {  	v7 =	vor.u32 $0x80000000, v7  }
0x27b: {  	v6 =	vxor.u32 v6, v7  }
0x27c: {  	v7 =	vshrl.u32 v6, $0x2  }
0x27d: {  	v6 =	vshrl.u32 v6, $0x10;
	v7 =	vand.u32 $0x3FFF, v7  }
0x27e: {  	vm6 =	veq.s32 v6, v2;
	vm7 =	veq.s32 v6, v3;
	vm8 =	veq.s32 v6, v4  }
0x27f: {  	vm9 =	veq.s32 v6, v5;
	v62 =	vor.u32 $0x4000, v7;
	vm0 =	vmor vm6, vm7  }
0x280: {  	vm10 =	vmor vm8, vm9;
	v6 =	vsel vm7, v62, v7  }
0x281: {  	v7 =	vsel vm9, v62, v7;
	_ =	sdelay $0x3  }
0x282: {  	[tilespmem:v6+s17+$0x0] =	vst.idx.add.s32.msk vm0, v1  }
0x283: {  	[tilespmem:v7+s18+$0x0] =	vst.idx.add.s32.msk vm10, v1  }
0x284: {  	v6 =	vld [tilespmem:s26+$0x0];
	_ =	sdelay $0x4  }
0x285: {  	v7 =	vshra.s32 v6, $0x1F  }
0x286: {  	v7 =	vor.u32 $0x80000000, v7  }
0x287: {  	v6 =	vxor.u32 v6, v7  }
0x288: {  	v7 =	vshrl.u32 v6, $0x2  }
0x289: {  	v6 =	vshrl.u32 v6, $0x10;
	v7 =	vand.u32 $0x3FFF, v7  }
0x28a: {  	vm11 =	veq.s32 v6, v2;
	vm12 =	veq.s32 v6, v3;
	vm13 =	veq.s32 v6, v4  }
0x28b: {  	vm14 =	veq.s32 v6, v5;
	v63 =	vor.u32 $0x4000, v7;
	vm0 =	vmor vm11, vm12  }
0x28c: {  	s25 =	sadd.s32 $0x8, s25;
	vm15 =	vmor vm13, vm14;
	v6 =	vsel vm12, v63, v7  }
0x28d: {  	p0 =	slt.u32 s25, $0xF8;
	v7 =	vsel vm14, v63, v7  }
.Ltmp6:
0x28e: {  	_ = 	snop;
	(pc) =	sbr.rel @p0 .LBB2_12-.Ltmp6, $3  }
0x28f: {  	_ =	sdelay $0x1  }
0x290: {  	[tilespmem:v6+s17+$0x0] =	vst.idx.add.s32.msk vm0, v1  }
0x291: {  	s24 =	simm.s32 $0xFFFFFFF8;
	s28 =	simm.s32 $0x4170;
	s26 =	sadd.s32 $0x200, s26;
	[tilespmem:v7+s18+$0x0] =	vst.idx.add.s32.msk vm15, v1  }
0x292: {  	s26 =	simm.s32 $0xFFFFFFF8  }
.LBB2_14:
0x293: {  	v6 =	vld [tilespmem:s28+$0xFFFFFF90];
	_ =	sdelay $0x4  }
0x294: {  	v7 =	vshra.s32 v6, $0x1F  }
0x295: {  	v7 =	vor.u32 $0x80000000, v7  }
0x296: {  	v6 =	vxor.u32 v6, v7  }
0x297: {  	v7 =	vshrl.u32 v6, $0x2  }
0x298: {  	v6 =	vshrl.u32 v6, $0x10;
	v7 =	vand.u32 $0x3FFF, v7  }
0x299: {  	vm0 =	veq.s32 v6, v2;
	vm1 =	veq.s32 v6, v3;
	vm2 =	veq.s32 v6, v4  }
0x29a: {  	vm3 =	veq.s32 v6, v5;
	v8 =	vor.u32 $0x4000, v7;
	vm0 =	vmor vm0, vm1  }
0x29b: {  	vm11 =	vmor vm2, vm3;
	v6 =	vsel vm1, v8, v7  }
0x29c: {  	v7 =	vsel vm3, v8, v7;
	_ =	sdelay $0x3  }
0x29d: {  	[tilespmem:v6+s17+$0x0] =	vst.idx.add.s32.msk vm0, v1  }
0x29e: {  	[tilespmem:v7+s18+$0x0] =	vst.idx.add.s32.msk vm11, v1  }
0x29f: {  	v6 =	vld [tilespmem:s28+$0xFFFFFFA0];
	_ =	sdelay $0x4  }
0x2a0: {  	v7 =	vshra.s32 v6, $0x1F  }
0x2a1: {  	v7 =	vor.u32 $0x80000000, v7  }
0x2a2: {  	v6 =	vxor.u32 v6, v7  }
0x2a3: {  	v7 =	vshrl.u32 v6, $0x2  }
0x2a4: {  	v6 =	vshrl.u32 v6, $0x10;
	v7 =	vand.u32 $0x3FFF, v7  }
0x2a5: {  	vm12 =	veq.s32 v6, v2;
	vm13 =	veq.s32 v6, v3;
	vm14 =	veq.s32 v6, v4  }
0x2a6: {  	vm15 =	veq.s32 v6, v5;
	v57 =	vor.u32 $0x4000, v7;
	vm0 =	vmor vm12, vm13  }
0x2a7: {  	vm6 =	vmor vm14, vm15;
	v6 =	vsel vm13, v57, v7  }
0x2a8: {  	v7 =	vsel vm15, v57, v7;
	_ =	sdelay $0x3  }
0x2a9: {  	[tilespmem:v6+s17+$0x0] =	vst.idx.add.s32.msk vm0, v1  }
0x2aa: {  	[tilespmem:v7+s18+$0x0] =	vst.idx.add.s32.msk vm6, v1  }
0x2ab: {  	v6 =	vld [tilespmem:s28+$0xFFFFFFB0];
	_ =	sdelay $0x4  }
0x2ac: {  	v7 =	vshra.s32 v6, $0x1F  }
0x2ad: {  	v7 =	vor.u32 $0x80000000, v7  }
0x2ae: {  	v6 =	vxor.u32 v6, v7  }
0x2af: {  	v7 =	vshrl.u32 v6, $0x2  }
0x2b0: {  	v6 =	vshrl.u32 v6, $0x10;
	v7 =	vand.u32 $0x3FFF, v7  }
0x2b1: {  	vm7 =	veq.s32 v6, v2;
	vm8 =	veq.s32 v6, v3;
	vm9 =	veq.s32 v6, v4  }
0x2b2: {  	vm10 =	veq.s32 v6, v5;
	v58 =	vor.u32 $0x4000, v7;
	vm0 =	vmor vm7, vm8  }
0x2b3: {  	vm11 =	vmor vm9, vm10;
	v6 =	vsel vm8, v58, v7  }
0x2b4: {  	v7 =	vsel vm10, v58, v7;
	_ =	sdelay $0x3  }
0x2b5: {  	[tilespmem:v6+s17+$0x0] =	vst.idx.add.s32.msk vm0, v1  }
0x2b6: {  	[tilespmem:v7+s18+$0x0] =	vst.idx.add.s32.msk vm11, v1  }
0x2b7: {  	v6 =	vld [tilespmem:s28+$0xFFFFFFC0];
	_ =	sdelay $0x4  }
0x2b8: {  	v7 =	vshra.s32 v6, $0x1F  }
0x2b9: {  	v7 =	vor.u32 $0x80000000, v7  }
0x2ba: {  	v6 =	vxor.u32 v6, v7  }
0x2bb: {  	v7 =	vshrl.u32 v6, $0x2  }
0x2bc: {  	v6 =	vshrl.u32 v6, $0x10;
	v7 =	vand.u32 $0x3FFF, v7  }
0x2bd: {  	vm12 =	veq.s32 v6, v2;
	vm13 =	veq.s32 v6, v3;
	vm14 =	veq.s32 v6, v4  }
0x2be: {  	vm15 =	veq.s32 v6, v5;
	v59 =	vor.u32 $0x4000, v7;
	vm0 =	vmor vm12, vm13  }
0x2bf: {  	vm6 =	vmor vm14, vm15;
	v6 =	vsel vm13, v59, v7  }
0x2c0: {  	v7 =	vsel vm15, v59, v7;
	_ =	sdelay $0x3  }
0x2c1: {  	[tilespmem:v6+s17+$0x0] =	vst.idx.add.s32.msk vm0, v1  }
0x2c2: {  	[tilespmem:v7+s18+$0x0] =	vst.idx.add.s32.msk vm6, v1  }
0x2c3: {  	v6 =	vld [tilespmem:s28+$0xFFFFFFD0];
	_ =	sdelay $0x4  }
0x2c4: {  	v7 =	vshra.s32 v6, $0x1F  }
0x2c5: {  	v7 =	vor.u32 $0x80000000, v7  }
0x2c6: {  	v6 =	vxor.u32 v6, v7  }
0x2c7: {  	v7 =	vshrl.u32 v6, $0x2  }
0x2c8: {  	v6 =	vshrl.u32 v6, $0x10;
	v7 =	vand.u32 $0x3FFF, v7  }
0x2c9: {  	vm7 =	veq.s32 v6, v2;
	vm8 =	veq.s32 v6, v3;
	vm9 =	veq.s32 v6, v4  }
0x2ca: {  	vm10 =	veq.s32 v6, v5;
	v60 =	vor.u32 $0x4000, v7;
	vm0 =	vmor vm7, vm8  }
0x2cb: {  	vm11 =	vmor vm9, vm10;
	v6 =	vsel vm8, v60, v7  }
0x2cc: {  	v7 =	vsel vm10, v60, v7;
	_ =	sdelay $0x3  }
0x2cd: {  	[tilespmem:v6+s17+$0x0] =	vst.idx.add.s32.msk vm0, v1  }
0x2ce: {  	[tilespmem:v7+s18+$0x0] =	vst.idx.add.s32.msk vm11, v1  }
0x2cf: {  	v6 =	vld [tilespmem:s28+$0xFFFFFFE0];
	_ =	sdelay $0x4  }
0x2d0: {  	v7 =	vshra.s32 v6, $0x1F  }
0x2d1: {  	v7 =	vor.u32 $0x80000000, v7  }
0x2d2: {  	v6 =	vxor.u32 v6, v7  }
0x2d3: {  	v7 =	vshrl.u32 v6, $0x2  }
0x2d4: {  	v6 =	vshrl.u32 v6, $0x10;
	v7 =	vand.u32 $0x3FFF, v7  }
0x2d5: {  	vm12 =	veq.s32 v6, v2;
	vm13 =	veq.s32 v6, v3;
	vm14 =	veq.s32 v6, v4  }
0x2d6: {  	vm15 =	veq.s32 v6, v5;
	v61 =	vor.u32 $0x4000, v7;
	vm0 =	vmor vm12, vm13  }
0x2d7: {  	vm5 =	vmor vm14, vm15;
	v6 =	vsel vm13, v61, v7  }
0x2d8: {  	v7 =	vsel vm15, v61, v7;
	_ =	sdelay $0x3  }
0x2d9: {  	[tilespmem:v6+s17+$0x0] =	vst.idx.add.s32.msk vm0, v1  }
0x2da: {  	[tilespmem:v7+s18+$0x0] =	vst.idx.add.s32.msk vm5, v1  }
0x2db: {  	v6 =	vld [tilespmem:s28+$0xFFFFFFF0];
	_ =	sdelay $0x4  }
0x2dc: {  	v7 =	vshra.s32 v6, $0x1F  }
0x2dd: {  	v7 =	vor.u32 $0x80000000, v7  }
0x2de: {  	v6 =	vxor.u32 v6, v7  }
0x2df: {  	v7 =	vshrl.u32 v6, $0x2  }
0x2e0: {  	v6 =	vshrl.u32 v6, $0x10;
	v7 =	vand.u32 $0x3FFF, v7  }
0x2e1: {  	vm6 =	veq.s32 v6, v2;
	vm7 =	veq.s32 v6, v3;
	vm8 =	veq.s32 v6, v4  }
0x2e2: {  	vm9 =	veq.s32 v6, v5;
	v62 =	vor.u32 $0x4000, v7;
	vm0 =	vmor vm6, vm7  }
0x2e3: {  	vm10 =	vmor vm8, vm9;
	v6 =	vsel vm7, v62, v7  }
0x2e4: {  	v7 =	vsel vm9, v62, v7;
	_ =	sdelay $0x3  }
0x2e5: {  	[tilespmem:v6+s17+$0x0] =	vst.idx.add.s32.msk vm0, v1  }
0x2e6: {  	[tilespmem:v7+s18+$0x0] =	vst.idx.add.s32.msk vm10, v1  }
0x2e7: {  	v6 =	vld [tilespmem:s28+$0x0];
	_ =	sdelay $0x4  }
0x2e8: {  	v7 =	vshra.s32 v6, $0x1F  }
0x2e9: {  	v7 =	vor.u32 $0x80000000, v7  }
0x2ea: {  	v6 =	vxor.u32 v6, v7  }
0x2eb: {  	v7 =	vshrl.u32 v6, $0x2  }
0x2ec: {  	v6 =	vshrl.u32 v6, $0x10;
	v7 =	vand.u32 $0x3FFF, v7  }
0x2ed: {  	vm11 =	veq.s32 v6, v2;
	vm12 =	veq.s32 v6, v3;
	vm13 =	veq.s32 v6, v4  }
0x2ee: {  	vm14 =	veq.s32 v6, v5;
	v63 =	vor.u32 $0x4000, v7;
	vm0 =	vmor vm11, vm12  }
0x2ef: {  	s26 =	sadd.s32 $0x8, s26;
	vm15 =	vmor vm13, vm14;
	v6 =	vsel vm12, v63, v7  }
0x2f0: {  	p0 =	slt.u32 s26, $0xF8;
	v7 =	vsel vm14, v63, v7  }
.Ltmp7:
0x2f1: {  	_ = 	snop;
	(pc) =	sbr.rel @p0 .LBB2_14-.Ltmp7, $3  }
0x2f2: {  	_ =	sdelay $0x1  }
0x2f3: {  	[tilespmem:v6+s17+$0x0] =	vst.idx.add.s32.msk vm0, v1  }
0x2f4: {  	s25 =	simm.s32 $0x41F0;
	s28 =	sadd.s32 $0x200, s28;
	[tilespmem:v7+s18+$0x0] =	vst.idx.add.s32.msk vm15, v1  }
.LBB2_15:
0x2f5: {  	v6 =	vld [tilespmem:s25+$0xFFFFFF90];
	_ =	sdelay $0x4  }
0x2f6: {  	v7 =	vshra.s32 v6, $0x1F  }
0x2f7: {  	v7 =	vor.u32 $0x80000000, v7  }
0x2f8: {  	v6 =	vxor.u32 v6, v7  }
0x2f9: {  	v7 =	vshrl.u32 v6, $0x2  }
0x2fa: {  	v6 =	vshrl.u32 v6, $0x10;
	v7 =	vand.u32 $0x3FFF, v7  }
0x2fb: {  	vm0 =	veq.s32 v6, v2;
	vm1 =	veq.s32 v6, v3;
	vm2 =	veq.s32 v6, v4  }
0x2fc: {  	vm3 =	veq.s32 v6, v5;
	v8 =	vor.u32 $0x4000, v7;
	vm0 =	vmor vm0, vm1  }
0x2fd: {  	vm11 =	vmor vm2, vm3;
	v6 =	vsel vm1, v8, v7  }
0x2fe: {  	v7 =	vsel vm3, v8, v7;
	_ =	sdelay $0x3  }
0x2ff: {  	[tilespmem:v6+s17+$0x0] =	vst.idx.add.s32.msk vm0, v1  }
0x300: {  	[tilespmem:v7+s18+$0x0] =	vst.idx.add.s32.msk vm11, v1  }
0x301: {  	v6 =	vld [tilespmem:s25+$0xFFFFFFA0];
	_ =	sdelay $0x4  }
0x302: {  	v7 =	vshra.s32 v6, $0x1F  }
0x303: {  	v7 =	vor.u32 $0x80000000, v7  }
0x304: {  	v6 =	vxor.u32 v6, v7  }
0x305: {  	v7 =	vshrl.u32 v6, $0x2  }
0x306: {  	v6 =	vshrl.u32 v6, $0x10;
	v7 =	vand.u32 $0x3FFF, v7  }
0x307: {  	vm12 =	veq.s32 v6, v2;
	vm13 =	veq.s32 v6, v3;
	vm14 =	veq.s32 v6, v4  }
0x308: {  	vm15 =	veq.s32 v6, v5;
	v57 =	vor.u32 $0x4000, v7;
	vm0 =	vmor vm12, vm13  }
0x309: {  	vm6 =	vmor vm14, vm15;
	v6 =	vsel vm13, v57, v7  }
0x30a: {  	v7 =	vsel vm15, v57, v7;
	_ =	sdelay $0x3  }
0x30b: {  	[tilespmem:v6+s17+$0x0] =	vst.idx.add.s32.msk vm0, v1  }
0x30c: {  	[tilespmem:v7+s18+$0x0] =	vst.idx.add.s32.msk vm6, v1  }
0x30d: {  	v6 =	vld [tilespmem:s25+$0xFFFFFFB0];
	_ =	sdelay $0x4  }
0x30e: {  	v7 =	vshra.s32 v6, $0x1F  }
0x30f: {  	v7 =	vor.u32 $0x80000000, v7  }
0x310: {  	v6 =	vxor.u32 v6, v7  }
0x311: {  	v7 =	vshrl.u32 v6, $0x2  }
0x312: {  	v6 =	vshrl.u32 v6, $0x10;
	v7 =	vand.u32 $0x3FFF, v7  }
0x313: {  	vm7 =	veq.s32 v6, v2;
	vm8 =	veq.s32 v6, v3;
	vm9 =	veq.s32 v6, v4  }
0x314: {  	vm10 =	veq.s32 v6, v5;
	v58 =	vor.u32 $0x4000, v7;
	vm0 =	vmor vm7, vm8  }
0x315: {  	vm11 =	vmor vm9, vm10;
	v6 =	vsel vm8, v58, v7  }
0x316: {  	v7 =	vsel vm10, v58, v7;
	_ =	sdelay $0x3  }
0x317: {  	[tilespmem:v6+s17+$0x0] =	vst.idx.add.s32.msk vm0, v1  }
0x318: {  	[tilespmem:v7+s18+$0x0] =	vst.idx.add.s32.msk vm11, v1  }
0x319: {  	v6 =	vld [tilespmem:s25+$0xFFFFFFC0];
	_ =	sdelay $0x4  }
0x31a: {  	v7 =	vshra.s32 v6, $0x1F  }
0x31b: {  	v7 =	vor.u32 $0x80000000, v7  }
0x31c: {  	v6 =	vxor.u32 v6, v7  }
0x31d: {  	v7 =	vshrl.u32 v6, $0x2  }
0x31e: {  	v6 =	vshrl.u32 v6, $0x10;
	v7 =	vand.u32 $0x3FFF, v7  }
0x31f: {  	vm12 =	veq.s32 v6, v2;
	vm13 =	veq.s32 v6, v3;
	vm14 =	veq.s32 v6, v4  }
0x320: {  	vm15 =	veq.s32 v6, v5;
	v59 =	vor.u32 $0x4000, v7;
	vm0 =	vmor vm12, vm13  }
0x321: {  	vm6 =	vmor vm14, vm15;
	v6 =	vsel vm13, v59, v7  }
0x322: {  	v7 =	vsel vm15, v59, v7;
	_ =	sdelay $0x3  }
0x323: {  	[tilespmem:v6+s17+$0x0] =	vst.idx.add.s32.msk vm0, v1  }
0x324: {  	[tilespmem:v7+s18+$0x0] =	vst.idx.add.s32.msk vm6, v1  }
0x325: {  	v6 =	vld [tilespmem:s25+$0xFFFFFFD0];
	_ =	sdelay $0x4  }
0x326: {  	v7 =	vshra.s32 v6, $0x1F  }
0x327: {  	v7 =	vor.u32 $0x80000000, v7  }
0x328: {  	v6 =	vxor.u32 v6, v7  }
0x329: {  	v7 =	vshrl.u32 v6, $0x2  }
0x32a: {  	v6 =	vshrl.u32 v6, $0x10;
	v7 =	vand.u32 $0x3FFF, v7  }
0x32b: {  	vm7 =	veq.s32 v6, v2;
	vm8 =	veq.s32 v6, v3;
	vm9 =	veq.s32 v6, v4  }
0x32c: {  	vm10 =	veq.s32 v6, v5;
	v60 =	vor.u32 $0x4000, v7;
	vm0 =	vmor vm7, vm8  }
0x32d: {  	vm11 =	vmor vm9, vm10;
	v6 =	vsel vm8, v60, v7  }
0x32e: {  	v7 =	vsel vm10, v60, v7;
	_ =	sdelay $0x3  }
0x32f: {  	[tilespmem:v6+s17+$0x0] =	vst.idx.add.s32.msk vm0, v1  }
0x330: {  	[tilespmem:v7+s18+$0x0] =	vst.idx.add.s32.msk vm11, v1  }
0x331: {  	v6 =	vld [tilespmem:s25+$0xFFFFFFE0];
	_ =	sdelay $0x4  }
0x332: {  	v7 =	vshra.s32 v6, $0x1F  }
0x333: {  	v7 =	vor.u32 $0x80000000, v7  }
0x334: {  	v6 =	vxor.u32 v6, v7  }
0x335: {  	v7 =	vshrl.u32 v6, $0x2  }
0x336: {  	v6 =	vshrl.u32 v6, $0x10;
	v7 =	vand.u32 $0x3FFF, v7  }
0x337: {  	vm12 =	veq.s32 v6, v2;
	vm13 =	veq.s32 v6, v3;
	vm14 =	veq.s32 v6, v4  }
0x338: {  	vm15 =	veq.s32 v6, v5;
	v61 =	vor.u32 $0x4000, v7;
	vm0 =	vmor vm12, vm13  }
0x339: {  	vm5 =	vmor vm14, vm15;
	v6 =	vsel vm13, v61, v7  }
0x33a: {  	v7 =	vsel vm15, v61, v7;
	_ =	sdelay $0x3  }
0x33b: {  	[tilespmem:v6+s17+$0x0] =	vst.idx.add.s32.msk vm0, v1  }
0x33c: {  	[tilespmem:v7+s18+$0x0] =	vst.idx.add.s32.msk vm5, v1  }
0x33d: {  	v6 =	vld [tilespmem:s25+$0xFFFFFFF0];
	_ =	sdelay $0x4  }
0x33e: {  	v7 =	vshra.s32 v6, $0x1F  }
0x33f: {  	v7 =	vor.u32 $0x80000000, v7  }
0x340: {  	v6 =	vxor.u32 v6, v7  }
0x341: {  	v7 =	vshrl.u32 v6, $0x2  }
0x342: {  	v6 =	vshrl.u32 v6, $0x10;
	v7 =	vand.u32 $0x3FFF, v7  }
0x343: {  	vm6 =	veq.s32 v6, v2;
	vm7 =	veq.s32 v6, v3;
	vm8 =	veq.s32 v6, v4  }
0x344: {  	vm9 =	veq.s32 v6, v5;
	v62 =	vor.u32 $0x4000, v7;
	vm0 =	vmor vm6, vm7  }
0x345: {  	vm10 =	vmor vm8, vm9;
	v6 =	vsel vm7, v62, v7  }
0x346: {  	v7 =	vsel vm9, v62, v7;
	_ =	sdelay $0x3  }
0x347: {  	[tilespmem:v6+s17+$0x0] =	vst.idx.add.s32.msk vm0, v1  }
0x348: {  	[tilespmem:v7+s18+$0x0] =	vst.idx.add.s32.msk vm10, v1  }
0x349: {  	v6 =	vld [tilespmem:s25+$0x0];
	_ =	sdelay $0x4  }
0x34a: {  	v7 =	vshra.s32 v6, $0x1F  }
0x34b: {  	v7 =	vor.u32 $0x80000000, v7  }
0x34c: {  	v6 =	vxor.u32 v6, v7  }
0x34d: {  	v7 =	vshrl.u32 v6, $0x2  }
0x34e: {  	v6 =	vshrl.u32 v6, $0x10;
	v7 =	vand.u32 $0x3FFF, v7  }
0x34f: {  	vm11 =	veq.s32 v6, v2;
	vm12 =	veq.s32 v6, v3;
	vm13 =	veq.s32 v6, v4  }
0x350: {  	vm14 =	veq.s32 v6, v5;
	v63 =	vor.u32 $0x4000, v7;
	vm0 =	vmor vm11, vm12  }
0x351: {  	s24 =	sadd.s32 $0x8, s24;
	vm15 =	vmor vm13, vm14;
	v6 =	vsel vm12, v63, v7  }
0x352: {  	p0 =	slt.u32 s24, $0xF8;
	v7 =	vsel vm14, v63, v7  }
.Ltmp8:
0x353: {  	_ = 	snop;
	(pc) =	sbr.rel @p0 .LBB2_15-.Ltmp8, $3  }
0x354: {  	_ =	sdelay $0x1  }
0x355: {  	[tilespmem:v6+s17+$0x0] =	vst.idx.add.s32.msk vm0, v1  }
0x356: {  	s25 =	sadd.s32 $0x200, s25;
	[tilespmem:v7+s18+$0x0] =	vst.idx.add.s32.msk vm15, v1  }
0x357: {  	s23 =	sadd.s32 $0x1, s23  }
0x358: {  	p0 =	sne.s32 s23, $0x10  }
.Ltmp9:
0x359: {  	_ = 	snop;
	(pc) =	sbr.rel @p0 .LBB2_4-.Ltmp9, $1  }
0x35a: {  	_ =	sdelay $0x3  }
0x35b: {  	[hbm4b:s8+s20] =	stream.strided.scatter [tilespmem:s17], [sflag:$0x3], $0x8000, s21, s20, $0x38;
	[tilespmem:$0x18080] =	vst v63  }
0x35c: {  	s22 =	sadd.s32 $0x1, s22;
	_ =	swait.ge [sflag:s12], $0x8000  }
0x35d: {  	p0 =	sne.s32 s22, s10;
	[sflag:s12] =	ssyncset.done $0x0  }
.Ltmp10:
0x35e: {  	[sflag:s12] =	ssyncadd.s32 $0xFFFF8000;
	(pc) =	sbr.rel @p0 .LBB2_1-.Ltmp10, $4  }
0x35f: {  	[hbm4b:s9+s20] =	stream.strided.scatter [tilespmem:s18], [sflag:$0x3], $0x8000, s21, s20, $0x38;
	[tilespmem:$0x18080] =	vst v63  }
0x360: {  	_ =	swait.ge [sflag:s12], $0x8000  }
0x361: {  	[sflag:s12] =	ssyncset.done $0x0  }
0x362: {  	[sflag:s12] =	ssyncadd.s32 $0xFFFF8000  }
0x363: {  	_ =	sfence.sel $0x180000  }
0x364: {  	[bflag:$0x0] =	sbarrier.arrive $0xFFFF  }
0x365: {  	p0 =	sne.s32 s1, $0x0;
	_ =	strace $0x9000004A  }
0x366: {  	s0 =	sadd.s32 @!p0 $0x100000, s0;
	[bflag:$0x2] =	sbarrier.arrive $0xFFFF  }
0x367: {  	[sflag:s0] =	ssyncadd.tile.s32 @!p0 $0x1;
	_ =	shalt  }
.Lfunc_end2:
_tile_overlayer_lowered:
.L_overlay_start_2:
0x368: {  	(tag) =	ssettag $0x2  }
0x369: {  	s0 =	rddreg [dreg:$0x0];
	s2 =	stileid.u32  }
0x36a: {  	s1 =	rddreg [dreg:$0x1];
	p0 =	sne.s32 s2, $0x0  }
0x36b: {  	s3 =	rddreg [dreg:$0x2];
	[bflag:$0x3] =	sbarrier.arrive $0xFFFF;
	s2 =	simm.s32 @!p0 $0x1C03  }
0x36c: {  	[timem:s3], [sflag:s2] =	dma.local @!p0 [hbm:s0], s1  }
0x36d: {  	s0 =	simm.s32 @!p0 $0x3  }
0x36e: {  	_ =	swait.ge @!p0 [sflag:s0], s1  }
0x36f: {  	s1 =	ssub.s32 @!p0 $0x0, s1;
	[sflag:s0] =	ssyncset.done @!p0 $0x0  }
0x370: {  	[sflag:s0] =	ssyncadd.s32 @!p0 s1  }
0x371: {  	[bflag:$0x3] =	sbarrier.arrive $0xFFFF  }
0x372: {  	_ =	shalt  }

</sc_bundles>
